<compile_context>
chip_gen: v7x
topology: tpu7x:2x2x1
jax: 0.10.2.dev20260603
libtpu: 0.0.44.dev20260713+nightly
codegen_flags: <defaults>
</compile_context>

<pallas_src>
import functools
import math

import jax
import jax.numpy as jnp
from jax.experimental import pallas as pl
from jax.experimental.pallas import tpu as pltpu
from jax.experimental.pallas import tpu_sc as plsc

_B, _S, _D, _V, _H, _DFF, _L = 4, 512, 512, 32000, 8, 2048, 6
_E, _RK = 8, 2 * 8
_KC, _CD = 256, 64
_BR, _ALPHA = 16, 32.0
_DH = _D // _H
_N = _B * _S
_GW = 128
_VB = 1280


def _bf(x):
    return x.astype(jnp.bfloat16)


def _dot(a, b):
    return jnp.dot(_bf(a), _bf(b), preferred_element_type=jnp.float32)


def _dot_nt(a, b):
    return jax.lax.dot_general(
        _bf(a), _bf(b), (((1,), (1,)), ((), ())),
        preferred_element_type=jnp.float32)



_GC = 256


def _sc_gather(emb, ids_flat):
    mesh = plsc.VectorSubcoreMesh(core_axis_name="c", subcore_axis_name="s")
    nsplit = _D // _GC
    nids = _N * nsplit
    emb2 = emb.reshape(_V * nsplit, _GC)
    ids2 = (nsplit * ids_flat[:, None]
            + jnp.arange(nsplit, dtype=jnp.int32)[None, :]).reshape(1, nids)

    @pl.kernel(out_type=jax.ShapeDtypeStruct((nids, _GC), emb.dtype),
               mesh=mesh)
    def k(emb_hbm, ids_hbm, out_hbm):
        def body(i_vmem, o_vmem):
            pltpu.sync_copy(emb_hbm.at[i_vmem.at[0]], o_vmem)

        pltpu.emit_pipeline(
            body,
            grid=(nids // _GW,),
            in_specs=[pl.BlockSpec((1, _GW), index_map=lambda i: (0, i))],
            out_specs=[pl.BlockSpec((_GW, _GC), index_map=lambda i: (i, 0))],
            core_axis_name=("c", "s"),
            dimension_semantics=(pltpu.PARALLEL,),
        )(ids_hbm, out_hbm)

    return k(emb2, ids2).reshape(_N, _D)



def _frontend_kernel(xg, pos, gvec, bA, bB, pw, pb, cb, cbt, uw, ub,
                     router, eU, eV, xo, idxo, l1o, l2o):
    x = xg[...] + pos[...]
    gate = jax.nn.sigmoid(_dot(x, gvec[...]))
    delta = _dot(_dot(x, bA[...]), bB[...]) * (_ALPHA / _BR)
    x = x + gate * delta
    z = _dot(x, pw[...]) + pb[...]
    zn = jnp.sum(z * z, axis=1, keepdims=True)
    zc = _dot(z, cbt[...])
    cn = jnp.sum(cbt[...] ** 2, axis=0, keepdims=True)
    d2 = zn - 2.0 * zc + cn
    lane = jax.lax.broadcasted_iota(jnp.int32, d2.shape, 1)
    dmin = jnp.min(d2, axis=1, keepdims=True)
    idx = jnp.min(jnp.where(d2 <= dmin, lane, _KC), axis=1)
    idxo[...] = idx[:, None]
    oneh = (lane == idx[:, None]).astype(jnp.float32)
    q = jnp.dot(oneh, cb[...], preferred_element_type=jnp.float32,
                precision=jax.lax.Precision.HIGHEST)
    diff = z - q
    lmean = (jnp.sum(diff * diff) / (_N * _CD)).reshape(1, 1)
    l1o[...] = lmean
    l2o[...] = lmean
    x = x + 0.1 * (_dot(q, uw[...]) + ub[...])
    rl = _dot(x, router[...])
    lane8 = jax.lax.broadcasted_iota(jnp.int32, rl.shape, 1)
    m1 = jnp.max(rl, axis=1, keepdims=True)
    i1 = jnp.min(jnp.where(rl >= m1, lane8, _E), axis=1, keepdims=True)
    oh1 = lane8 == i1
    rl2 = jnp.where(oh1, -jnp.inf, rl)
    m2 = jnp.max(rl2, axis=1, keepdims=True)
    i2 = jnp.min(jnp.where(rl2 >= m2, lane8, _E), axis=1, keepdims=True)
    oh2 = lane8 == i2
    e2 = jnp.exp(m2 - m1)
    den = 1.0 + e2
    w1, w2 = 1.0 / den, e2 / den
    el = jax.lax.broadcasted_iota(jnp.int32, (_N, _E * _RK), 1) // _RK
    w_exp = (jnp.where(el == i1, w1, 0.0) + jnp.where(el == i2, w2, 0.0))
    h_all = _dot(x, eU[...])
    xo[...] = x + _dot(h_all * w_exp, eV[...])


def _frontend(xg, pos_t, p):
    gvec = p['bem_g']
    pb = p['vq_pb'].reshape(1, _CD)
    ub = p['vq_ub'].reshape(1, _D)
    cbt = p['codebook'].T
    out_types = (
        jax.ShapeDtypeStruct((_N, _D), jnp.float32),
        jax.ShapeDtypeStruct((_N, 1), jnp.int32),
        jax.ShapeDtypeStruct((1, 1), jnp.float32),
        jax.ShapeDtypeStruct((1, 1), jnp.float32),
    )
    u_flat = jnp.transpose(p['exp_U'], (1, 0, 2)).reshape(_D, _E * _RK)
    v_stack = p['exp_V'].reshape(_E * _RK, _D)
    return pl.pallas_call(
        _frontend_kernel,
        out_shape=out_types,
    )(xg, pos_t, gvec, p['bem_A'], p['bem_B'], p['vq_pw'], pb,
      p['codebook'], cbt, p['vq_uw'], ub, p['router'], u_flat, v_stack)



def _ln(x, g, b):
    m = jnp.mean(x, axis=-1, keepdims=True)
    v = jnp.mean((x - m) ** 2, axis=-1, keepdims=True)
    return (x - m) / jnp.sqrt(v + 1e-5) * g + b


_QB = 128


def _attn_head(qh, kh, vh16, causal):
    if not causal:
        s = _dot_nt(qh, kh)
        e16 = _bf(jnp.exp(s - 20.0))
        r = 1.0 / jnp.sum(e16.astype(jnp.float32), axis=1, keepdims=True)
        return jnp.dot(e16, vh16, preferred_element_type=jnp.float32) * r
    o_blocks = []
    for b in range(_S // _QB):
        kl = (b + 1) * _QB
        qb = qh[b * _QB:(b + 1) * _QB, :]
        s = _dot_nt(qb, kh[:kl, :])
        r_io = jax.lax.broadcasted_iota(jnp.int32, (_QB, kl), 0) + b * _QB
        c_io = jax.lax.broadcasted_iota(jnp.int32, (_QB, kl), 1)
        e16 = _bf(jnp.where(r_io >= c_io, jnp.exp(s - 20.0), 0.0))
        r = 1.0 / jnp.sum(e16.astype(jnp.float32), axis=1, keepdims=True)
        o_blocks.append(
            jnp.dot(e16, vh16[:kl, :], preferred_element_type=jnp.float32) * r)
    return jnp.concatenate(o_blocks, axis=0)


def _mha_body(x, Wq, bq, Wk, bk, Wv, bv, Wo, bo, causal):
    q = (_dot(x, Wq) + bq) * (1.0 / math.sqrt(_DH))
    k = _dot(x, Wk) + bk
    v16 = _bf(_dot(x, Wv) + bv)
    outs = []
    for h in range(_H):
        sl = slice(h * _DH, (h + 1) * _DH)
        outs.append(_bf(_attn_head(q[:, sl], k[:, sl], v16[:, sl], causal)))
    o = jnp.concatenate(outs, axis=1)
    return jnp.dot(o, _bf(Wo), preferred_element_type=jnp.float32) + bo


_NARG = 26


def _layer_body(x, a):
    (sWq, sbq, sWk, sbk, sWv, sbv, sWo, sbo,
     cWq, cbq, cWk, cbk, cWv, cbv, cWo, cbo,
     W1, b1, W2, b2,
     l1g, l1b, l2g, l2b, l3g, l3b) = (r[...] for r in a)
    h1 = _mha_body(x, sWq, sbq, sWk, sbk, sWv, sbv, sWo, sbo, causal=True)
    x1 = _ln(x + h1, l1g, l1b)
    h2 = _mha_body(x1, cWq, cbq, cWk, cbk, cWv, cbv, cWo, cbo, causal=False)
    x2 = _ln(x1 + h2, l2g, l2b)
    ff = _dot(jax.nn.relu(_dot(x2, W1) + b1), W2) + b2
    return _ln(x2 + ff, l3g, l3b)


def _one_layer_kernel(*refs):
    x_ref, o_ref = refs[0], refs[-1]
    y = _layer_body(x_ref[0], refs[1:1 + _NARG])
    o_ref[0] = y.astype(o_ref.dtype)


def _layer_args(lp):
    def row(v):
        return v.reshape(1, -1)

    args = []
    for nm in ('sa', 'ca'):
        for wn, bn in (('Wq', 'bq'), ('Wk', 'bk'), ('Wv', 'bv'), ('Wo', 'bo')):
            args.append(lp[nm][wn])
            args.append(row(lp[nm][bn]))
    args += [lp['W1'], row(lp['b1']), lp['W2'], row(lp['b2']),
             row(lp['ln1g']), row(lp['ln1b']), row(lp['ln2g']),
             row(lp['ln2b']), row(lp['ln3g']), row(lp['ln3b'])]
    return args


def _layer(x, lp, out_dtype=jnp.float32):
    full = lambda a: pl.BlockSpec(a.shape, lambda i: (0,) * a.ndim)
    args = _layer_args(lp)
    specs = [full(a) for a in args]
    return pl.pallas_call(
        _one_layer_kernel,
        grid=(_B,),
        in_specs=[pl.BlockSpec((1, _S, _D), lambda i: (i, 0, 0))] + specs,
        out_specs=pl.BlockSpec((1, _S, _D), lambda i: (i, 0, 0)),
        out_shape=jax.ShapeDtypeStruct((_B, _S, _D), out_dtype),
    )(x, *args)



def _lmhead_kernel(x16, w, b, o_ref):
    o_ref[...] = jnp.dot(x16[...], _bf(w[...]),
                         preferred_element_type=jnp.float32) + b[...]


def _lmhead(x16, lm_w, lm_b):
    b = lm_b.reshape(1, _V)
    return pl.pallas_call(
        _lmhead_kernel,
        grid=(_V // _VB,),
        in_specs=[
            pl.BlockSpec((_N, _D), lambda j: (0, 0)),
            pl.BlockSpec((_D, _VB), lambda j: (0, j)),
            pl.BlockSpec((1, _VB), lambda j: (0, j)),
        ],
        out_specs=pl.BlockSpec((_N, _VB), lambda j: (0, j)),
        out_shape=jax.ShapeDtypeStruct((_N, _V), jnp.float32),
    )(x16, lm_w, b)



def kernel(params, input_ids):
    ids_flat = input_ids.reshape(_N)
    xg = _sc_gather(params['embedding'], ids_flat)
    pos_t = jnp.tile(params['pos'][0, :_S, :], (_B, 1))
    x, idxc, l1, l2 = _frontend(xg, pos_t, params)
    x = x.reshape(_B, _S, _D)
    layers = params['layers']
    for li, lp in enumerate(layers):
        last = li == len(layers) - 1
        x = _layer(x, lp, jnp.bfloat16 if last else jnp.float32)
    logits = _lmhead(x.reshape(_N, _D), params['lm_W'], params['lm_b'])
    return (logits.reshape(_B, _S, _V), idxc.reshape(_B, _S),
            l1.reshape(()), l2.reshape(()))

# --- scband reference (transcript-rebuilt; emitter-appended) ---
"""Pipeline reference for scband-advanced-bemsystem-57226144252175 (READ-ONLY COPY).

The authoritative reference and input builder live on the scoring server;
editing this copy changes nothing except your own understanding.
"""

import jax, jax.numpy as jnp
import numpy as np

B, S, D, V, H, DFF, L = 4, 512, 512, 32000, 8, 2048, 6
E, RK, TOPK = 8, 16, 2
KCODE, CDIM = 256, 64
BEM_R, ALPHA = 16, 32.0
DH = D // H


def _layernorm(x, g, b):
    m = jnp.mean(x, axis=-1, keepdims=True)
    v = jnp.mean((x - m) ** 2, axis=-1, keepdims=True)
    return (x - m) / jnp.sqrt(v + 1e-5) * g + b


def _mha(xq, xkv, p, mask=None):
    b, sq, d = xq.shape
    skv = xkv.shape[1]
    q = (xq @ p['Wq'] + p['bq']).reshape(b, sq, H, DH).transpose(0, 2, 1, 3)
    k = (xkv @ p['Wk'] + p['bk']).reshape(b, skv, H, DH).transpose(0, 2, 1, 3)
    v = (xkv @ p['Wv'] + p['bv']).reshape(b, skv, H, DH).transpose(0, 2, 1, 3)
    scores = jnp.einsum('bhqd,bhkd->bhqk', q, k) / jnp.sqrt(DH)
    if mask is not None:
        scores = scores + mask
    a = jax.nn.softmax(scores, axis=-1)
    o = jnp.einsum('bhqk,bhkd->bhqd', a, v).transpose(0, 2, 1, 3).reshape(b, sq, d)
    return o @ p['Wo'] + p['bo']


def _forward(params, input_ids):
    x = params['embedding'][input_ids]
    x = x + params['pos'][:, :S, :]
    # hierarchical BEM: LoRA-style low-rank update with token-level gating
    gate = jax.nn.sigmoid(x @ params['bem_g'])
    delta = (x @ params['bem_A']) @ params['bem_B'] * (ALPHA / BEM_R)
    x = x + gate * delta
    # vector quantizer with straight-through estimator
    z = x @ params['vq_pw'] + params['vq_pb']
    cb = params['codebook']
    d2 = jnp.sum(z ** 2, axis=-1, keepdims=True) - 2.0 * (z @ cb.T) + jnp.sum(cb ** 2, axis=-1)
    idx = jnp.argmin(d2, axis=-1)
    q = cb[idx]
    commitment_loss = jnp.mean((z - jax.lax.stop_gradient(q)) ** 2)
    codebook_loss = jnp.mean((jax.lax.stop_gradient(z) - q) ** 2)
    q_st = z + jax.lax.stop_gradient(q - z)
    vq_out = q_st @ params['vq_uw'] + params['vq_ub']
    x = x + 0.1 * vq_out
    # banked low-rank experts with top-k routing
    rl = x @ params['router']
    topv, topi = jax.lax.top_k(rl, TOPK)
    wts = jax.nn.softmax(topv, axis=-1)
    wfull = jnp.sum(jax.nn.one_hot(topi, E, dtype=jnp.float32) * wts[..., None], axis=-2)
    hexp = jnp.einsum('bsd,edr->bser', x, params['exp_U'])
    oexp = jnp.einsum('bser,erd->bsed', hexp, params['exp_V'])
    x = x + jnp.einsum('bsed,bse->bsd', oexp, wfull)
    # transformer decoder stack (post-LN, tgt == memory), causal self-attn mask
    mask = jnp.where(jnp.tril(jnp.ones((S, S), dtype=bool)), 0.0, -1e9)[None, None]
    for lp in params['layers']:
        x = _layernorm(x + _mha(x, x, lp['sa'], mask), lp['ln1g'], lp['ln1b'])
        x = _layernorm(x + _mha(x, x, lp['ca'], None), lp['ln2g'], lp['ln2b'])
        ff = jax.nn.relu(x @ lp['W1'] + lp['b1']) @ lp['W2'] + lp['b2']
        x = _layernorm(x + ff, lp['ln3g'], lp['ln3b'])
    logits = x @ params['lm_W'] + params['lm_b']
    return logits, idx, commitment_loss, codebook_loss


def setup_inputs():
    base = jax.random.key(0)
    cnt = [0]
    def nk():
        cnt[0] += 1
        return jax.random.fold_in(base, cnt[0])
    def w(shape, s=0.02):
        return jax.random.normal(nk(), shape, dtype=jnp.float32) * s
    params = {
        'embedding': w((V, D)),
        'pos': w((1, 1000, D), 1.0),
        'bem_A': w((D, BEM_R)), 'bem_B': w((BEM_R, D)), 'bem_g': w((D, 1)),
        'vq_pw': w((D, CDIM)), 'vq_pb': jnp.zeros((CDIM,), jnp.float32),
        'codebook': w((KCODE, CDIM), 1.0),
        'vq_uw': w((CDIM, D)), 'vq_ub': jnp.zeros((D,), jnp.float32),
        'router': w((D, E)),
        'exp_U': w((E, D, RK)), 'exp_V': w((E, RK, D)),
        'lm_W': w((D, V)), 'lm_b': jnp.zeros((V,), jnp.float32),
    }
    layers = []
    for _ in range(L):
        lp = {}
        for nm in ('sa', 'ca'):
            lp[nm] = {'Wq': w((D, D)), 'bq': jnp.zeros((D,), jnp.float32),
                      'Wk': w((D, D)), 'bk': jnp.zeros((D,), jnp.float32),
                      'Wv': w((D, D)), 'bv': jnp.zeros((D,), jnp.float32),
                      'Wo': w((D, D)), 'bo': jnp.zeros((D,), jnp.float32)}
        lp.update({'W1': w((D, DFF)), 'b1': jnp.zeros((DFF,), jnp.float32),
                   'W2': w((DFF, D)), 'b2': jnp.zeros((D,), jnp.float32),
                   'ln1g': jnp.ones((D,), jnp.float32), 'ln1b': jnp.zeros((D,), jnp.float32),
                   'ln2g': jnp.ones((D,), jnp.float32), 'ln2b': jnp.zeros((D,), jnp.float32),
                   'ln3g': jnp.ones((D,), jnp.float32), 'ln3b': jnp.zeros((D,), jnp.float32)})
        layers.append(lp)
    params['layers'] = layers
    input_ids = jax.random.randint(nk(), (B, S), 0, V, dtype=jnp.int32)
    return {'params': params, 'input_ids': input_ids}


def reference(params, input_ids):
    return _forward(params, input_ids)

if __name__ == "__main__":
    import jax
    _d = setup_inputs()
    print(jax.jit(kernel)(*tuple(_d.values())))

</pallas_src>

<mosaic_0001>
#map = affine_map<(d0, d1) -> (0, 0)>
module attributes {stable_mosaic.version = 14 : i64} {
  func.func @k(%arg0: i32, %arg1: i32, %arg2: memref<64000x256xf32, #tpu.memory_space<hbm>>, %arg3: memref<1x4096xi32, #tpu.memory_space<hbm>>, %arg4: memref<4096x256xf32, #tpu.memory_space<hbm>>) attributes {dimension_semantics = [#tpu.dimension_semantics<core_parallel>, #tpu.dimension_semantics<subcore_parallel>], iteration_bounds = array<i64: 2, 16>, scalar_prefetch = 0 : i64, scratch_operands = 0 : i64, tpu.core_type = #tpu.core_type<sc_vector_subcore>, window_params = [{transform_indices = #map}, {transform_indices = #map}, {transform_indices = #map}]} {
    %mul3A = arith.constant 1 : i32
    %mul3A_0 = arith.muli %arg1, %mul3A : i32
    %add3A = arith.constant 0 : i32
    %add3A_1 = arith.addi %add3A, %mul3A_0 : i32
    %mul3A_2 = arith.constant 16 : i32
    %mul3A_3 = arith.muli %arg0, %mul3A_2 : i32
    %add3A_4 = arith.addi %add3A_1, %mul3A_3 : i32
    %mul3A_5 = arith.constant 1 : i32
    %mul3A_6 = arith.muli %add3A_4, %mul3A_5 : i32
    "tpu.region"() ({
      %run_scoped3A = memref.alloca() : memref<2x1x128xi32, #tpu.memory_space<vmem>>
      %run_scoped3A_7 = tpu.sem_alloc : memref<2x!tpu.dma_semaphore, #tpu.memory_space<semaphore_mem>>
      %run_scoped3A_8 = memref.alloca() : memref<2x128x256xf32, #tpu.memory_space<vmem>>
      %run_scoped3A_9 = tpu.sem_alloc : memref<2x!tpu.dma_semaphore, #tpu.memory_space<semaphore_mem>>
      %add3A_10 = arith.constant 0 : i32
      %add3A_11 = arith.addi %add3A_10, %mul3A_6 : i32
      %select_n3A = arith.constant true
      %select_n3A_12 = arith.constant 0 : i32
      %select_n3A_13 = arith.constant -1 : i32
      %select_n3A_14 = arith.select %select_n3A, %select_n3A_13, %select_n3A_12 : i32
      %eq3A = arith.constant -1 : i32
      %eq3A_15 = arith.cmpi eq, %select_n3A_14, %eq3A : i32
      %select_n3A_16 = arith.constant 0 : i32
      %select_n3A_17 = arith.select %eq3A_15, %select_n3A_16, %select_n3A_14 : i32
      %add3A_18 = arith.constant 0 : i32
      %add3A_19 = arith.addi %add3A_18, %mul3A_6 : i32
      %select_n3A_20 = arith.constant true
      %select_n3A_21 = arith.constant 0 : i32
      %select_n3A_22 = arith.constant 1 : i32
      %select_n3A_23 = arith.select %select_n3A_20, %select_n3A_22, %select_n3A_21 : i32
      %eq3A_24 = arith.constant 1 : i32
      %eq3A_25 = arith.cmpi eq, %select_n3A_23, %eq3A_24 : i32
      %select_n3A_26 = arith.constant 0 : i32
      %select_n3A_27 = arith.select %eq3A_25, %select_n3A_26, %select_n3A_23 : i32
      %add3A_28 = arith.constant 0 : i32
      %add3A_29 = arith.addi %add3A_28, %mul3A_6 : i32
      %select_n3A_30 = arith.constant true
      %select_n3A_31 = arith.constant 0 : i32
      %select_n3A_32 = arith.constant 1 : i32
      %select_n3A_33 = arith.select %select_n3A_30, %select_n3A_32, %select_n3A_31 : i32
      %eq3A_34 = arith.constant 1 : i32
      %eq3A_35 = arith.cmpi eq, %select_n3A_33, %eq3A_34 : i32
      %select_n3A_36 = arith.constant 0 : i32
      %select_n3A_37 = arith.select %eq3A_35, %select_n3A_36, %select_n3A_33 : i32
      %add3A_38 = arith.constant 0 : i32
      %add3A_39 = arith.addi %add3A_38, %mul3A_6 : i32
      "tpu.trace_start"() <{level = 10 : i32, message = "ep_initialize_0"}> : () -> ()
      %rem3A = arith.constant 0 : i32
      %rem3A_40 = arith.constant 2 : i32
      %rem3A_41 = arith.remui %rem3A, %rem3A_40 : i32
      %mul3A_42 = arith.constant 128 : i32
      %mul3A_43 = arith.muli %mul3A_42, %add3A_11 : i32
      %dma_start3A = arith.constant 0 : i32
      %dma_start3A_44 = arith.constant 0 : i32
      %dma_start3A_45 = tpu.memref_slice %run_scoped3A[%rem3A_41, %dma_start3A, %dma_start3A_44] : memref<2x1x128xi32, #tpu.memory_space<vmem>> -> memref<1x1x128xi32, #tpu.memory_space<vmem>>
      %dma_start3A_46 = tpu.memref_squeeze %dma_start3A_45 : memref<1x1x128xi32, #tpu.memory_space<vmem>> -> memref<1x128xi32, #tpu.memory_space<vmem>>
      %dma_start3A_47 = arith.constant 0 : i32
      %dma_start3A_48 = tpu.memref_slice %arg3[%dma_start3A_47, %mul3A_43] : memref<1x4096xi32, #tpu.memory_space<hbm>> -> memref<1x128xi32, #tpu.memory_space<hbm>>
      %dma_start3A_49 = tpu.memref_slice %run_scoped3A_7[%rem3A_41] : memref<2x!tpu.dma_semaphore, #tpu.memory_space<semaphore_mem>> -> memref<1x!tpu.dma_semaphore, #tpu.memory_space<semaphore_mem>>
      %dma_start3A_50 = tpu.memref_squeeze %dma_start3A_49 : memref<1x!tpu.dma_semaphore, #tpu.memory_space<semaphore_mem>> -> memref<!tpu.dma_semaphore, #tpu.memory_space<semaphore_mem>>
      %dma_start3A_51 = arith.constant 0 : i32
      %dma_start3A_52 = arith.constant 0 : i32
      %dma_start3A_53 = tpu.memref_slice %run_scoped3A[%rem3A_41, %dma_start3A_51, %dma_start3A_52] : memref<2x1x128xi32, #tpu.memory_space<vmem>> -> memref<1x1x128xi32, #tpu.memory_space<vmem>>
      %dma_start3A_54 = tpu.memref_squeeze %dma_start3A_53 : memref<1x1x128xi32, #tpu.memory_space<vmem>> -> memref<1x128xi32, #tpu.memory_space<vmem>>
      %dma_start3A_55 = arith.constant 0 : i32
      %dma_start3A_56 = tpu.memref_slice %arg3[%dma_start3A_55, %mul3A_43] : memref<1x4096xi32, #tpu.memory_space<hbm>> -> memref<1x128xi32, #tpu.memory_space<hbm>>
      tpu.enqueue_dma source(%dma_start3A_56 : memref<1x128xi32, #tpu.memory_space<hbm>>) target(%dma_start3A_54 : memref<1x128xi32, #tpu.memory_space<vmem>>) target_semaphore(%dma_start3A_50 : memref<!tpu.dma_semaphore, #tpu.memory_space<semaphore_mem>>)
      %add3A_57 = arith.constant 0 : i32
      %add3A_58 = arith.constant 1 : i32
      %add3A_59 = arith.addi %add3A_57, %add3A_58 : i32
      %select_n3A_60 = arith.constant true
      %select_n3A_61 = arith.constant 0 : i32
      %select_n3A_62 = arith.select %select_n3A_60, %add3A_59, %select_n3A_61 : i32
      "tpu.trace_stop"() : () -> ()
      %scan3A = arith.constant 0 : i32
      %scan3A_63 = arith.constant 0 : i32
      %scan3A_64 = arith.constant 0 : i32
      %scan3A_65 = arith.constant 0 : i32
      %scan3A_66 = arith.constant 0 : i32
      %eq3A_67 = arith.constant 0 : i32
      %eq3A_68 = arith.cmpi eq, %scan3A_66, %eq3A_67 : i32
      %eq3A_69 = arith.constant 0 : i32
      %eq3A_70 = arith.cmpi eq, %scan3A_66, %eq3A_69 : i32
      %add3A_71 = arith.constant 0 : i32
      %add3A_72 = arith.addi %add3A_71, %mul3A_6 : i32
      %select_n3A_73 = arith.constant true
      %select_n3A_74 = arith.constant 0 : i32
      %select_n3A_75 = arith.constant -1 : i32
      %select_n3A_76 = arith.select %select_n3A_73, %select_n3A_75, %select_n3A_74 : i32
      %eq3A_77 = arith.constant -1 : i32
      %eq3A_78 = arith.cmpi eq, %select_n3A_76, %eq3A_77 : i32
      %select_n3A_79 = arith.constant 0 : i32
      %select_n3A_80 = arith.select %eq3A_78, %select_n3A_79, %select_n3A_76 : i32
      %add3A_81 = arith.constant 0 : i32
      %add3A_82 = arith.addi %add3A_81, %mul3A_6 : i32
      %select_n3A_83 = arith.constant true
      %select_n3A_84 = arith.constant 0 : i32
      %select_n3A_85 = arith.constant 1 : i32
      %select_n3A_86 = arith.select %select_n3A_83, %select_n3A_85, %select_n3A_84 : i32
      %eq3A_87 = arith.constant 1 : i32
      %eq3A_88 = arith.cmpi eq, %select_n3A_86, %eq3A_87 : i32
      %select_n3A_89 = arith.constant 0 : i32
      %select_n3A_90 = arith.select %eq3A_88, %select_n3A_89, %select_n3A_86 : i32
      %add3A_91 = arith.constant 0 : i32
      %add3A_92 = arith.addi %add3A_91, %mul3A_6 : i32
      %select_n3A_93 = arith.constant true
      %select_n3A_94 = arith.constant 0 : i32
      %select_n3A_95 = arith.constant 1 : i32
      %select_n3A_96 = arith.select %select_n3A_93, %select_n3A_95, %select_n3A_94 : i32
      %eq3A_97 = arith.constant 1 : i32
      %eq3A_98 = arith.cmpi eq, %select_n3A_96, %eq3A_97 : i32
      %select_n3A_99 = arith.constant 0 : i32
      %select_n3A_100 = arith.select %eq3A_98, %select_n3A_99, %select_n3A_96 : i32
      %add3A_101 = arith.constant 0 : i32
      %add3A_102 = arith.addi %add3A_101, %mul3A_6 : i32
      %ne3A = arith.cmpi ne, %add3A_72, %add3A_92 : i32
      %or3A = arith.constant false
      %or3A_103 = arith.ori %or3A, %ne3A : i1
      %ge3A = arith.constant 0 : i32
      %ge3A_104 = arith.cmpi sge, %scan3A_66, %ge3A : i32
      %not3A = arith.constant true
      %not3A_105 = arith.xori %ge3A_104, %not3A : i1
      %and3A = arith.andi %or3A_103, %not3A_105 : i1
      %convert_element_type3A = arith.extui %and3A : i1 to i32
      %cond3A = arith.constant 0 : i32
      %cond3A_106 = arith.cmpi ne, %convert_element_type3A, %cond3A : i32
      scf.if %cond3A_106 {
        "tpu.trace_start"() <{level = 10 : i32, message = "ep_copy_in"}> : () -> ()
        %rem3A_266 = arith.constant 2 : i32
        %rem3A_267 = arith.remui %select_n3A_62, %rem3A_266 : i32
        %mul3A_268 = arith.constant 128 : i32
        %mul3A_269 = arith.muli %mul3A_268, %add3A_92 : i32
        %dma_start3A_270 = arith.constant 0 : i32
        %dma_start3A_271 = arith.constant 0 : i32
        %dma_start3A_272 = tpu.memref_slice %run_scoped3A[%rem3A_267, %dma_start3A_270, %dma_start3A_271] : memref<2x1x128xi32, #tpu.memory_space<vmem>> -> memref<1x1x128xi32, #tpu.memory_space<vmem>>
        %dma_start3A_273 = tpu.memref_squeeze %dma_start3A_272 : memref<1x1x128xi32, #tpu.memory_space<vmem>> -> memref<1x128xi32, #tpu.memory_space<vmem>>
        %dma_start3A_274 = arith.constant 0 : i32
        %dma_start3A_275 = tpu.memref_slice %arg3[%dma_start3A_274, %mul3A_269] : memref<1x4096xi32, #tpu.memory_space<hbm>> -> memref<1x128xi32, #tpu.memory_space<hbm>>
        %dma_start3A_276 = tpu.memref_slice %run_scoped3A_7[%rem3A_267] : memref<2x!tpu.dma_semaphore, #tpu.memory_space<semaphore_mem>> -> memref<1x!tpu.dma_semaphore, #tpu.memory_space<semaphore_mem>>
        %dma_start3A_277 = tpu.memref_squeeze %dma_start3A_276 : memref<1x!tpu.dma_semaphore, #tpu.memory_space<semaphore_mem>> -> memref<!tpu.dma_semaphore, #tpu.memory_space<semaphore_mem>>
        %dma_start3A_278 = arith.constant 0 : i32
        %dma_start3A_279 = arith.constant 0 : i32
        %dma_start3A_280 = tpu.memref_slice %run_scoped3A[%rem3A_267, %dma_start3A_278, %dma_start3A_279] : memref<2x1x128xi32, #tpu.memory_space<vmem>> -> memref<1x1x128xi32, #tpu.memory_space<vmem>>
        %dma_start3A_281 = tpu.memref_squeeze %dma_start3A_280 : memref<1x1x128xi32, #tpu.memory_space<vmem>> -> memref<1x128xi32, #tpu.memory_space<vmem>>
        %dma_start3A_282 = arith.constant 0 : i32
        %dma_start3A_283 = tpu.memref_slice %arg3[%dma_start3A_282, %mul3A_269] : memref<1x4096xi32, #tpu.memory_space<hbm>> -> memref<1x128xi32, #tpu.memory_space<hbm>>
        tpu.enqueue_dma source(%dma_start3A_283 : memref<1x128xi32, #tpu.memory_space<hbm>>) target(%dma_start3A_281 : memref<1x128xi32, #tpu.memory_space<vmem>>) target_semaphore(%dma_start3A_277 : memref<!tpu.dma_semaphore, #tpu.memory_space<semaphore_mem>>)
        "tpu.trace_stop"() : () -> ()
      } else {
      }
      %and3A_107 = arith.constant true
      %and3A_108 = arith.andi %and3A, %and3A_107 : i1
      %add3A_109 = arith.constant 1 : i32
      %add3A_110 = arith.addi %select_n3A_62, %add3A_109 : i32
      %select_n3A_111 = arith.select %and3A_108, %add3A_110, %select_n3A_62 : i32
      %ne3A_112 = arith.cmpi ne, %add3A_72, %add3A_92 : i32
      %or3A_113 = arith.constant false
      %or3A_114 = arith.ori %or3A_113, %ne3A_112 : i1
      %or3A_115 = arith.constant false
      %or3A_116 = arith.ori %or3A_114, %or3A_115 : i1
      %ge3A_117 = arith.constant 0 : i32
      %ge3A_118 = arith.cmpi sge, %scan3A_66, %ge3A_117 : i32
      %not3A_119 = arith.constant true
      %not3A_120 = arith.xori %ge3A_118, %not3A_119 : i1
      %and3A_121 = arith.andi %or3A_116, %not3A_120 : i1
      %ne3A_122 = arith.cmpi ne, %add3A_72, %add3A_82 : i32
      %or3A_123 = arith.constant false
      %or3A_124 = arith.ori %or3A_123, %ne3A_122 : i1
      %or3A_125 = arith.ori %or3A_124, %eq3A_68 : i1
      %convert_element_type3A_126 = arith.extui %or3A_125 : i1 to i32
      %cond3A_127 = arith.constant 0 : i32
      %cond3A_128 = arith.cmpi ne, %convert_element_type3A_126, %cond3A_127 : i32
      scf.if %cond3A_128 {
        "tpu.trace_start"() <{level = 10 : i32, message = "ep_wait_in"}> : () -> ()
        %mul3A_266 = arith.constant 128 : i32
        %mul3A_267 = arith.muli %mul3A_266, %add3A_72 : i32
        %rem3A_268 = arith.constant 2 : i32
        %rem3A_269 = arith.remui %scan3A, %rem3A_268 : i32
        %dma_wait3A_270 = arith.constant 0 : i32
        %dma_wait3A_271 = arith.constant 0 : i32
        %dma_wait3A_272 = tpu.memref_slice %run_scoped3A[%rem3A_269, %dma_wait3A_270, %dma_wait3A_271] : memref<2x1x128xi32, #tpu.memory_space<vmem>> -> memref<1x1x128xi32, #tpu.memory_space<vmem>>
        %dma_wait3A_273 = tpu.memref_squeeze %dma_wait3A_272 : memref<1x1x128xi32, #tpu.memory_space<vmem>> -> memref<1x128xi32, #tpu.memory_space<vmem>>
        %dma_wait3A_274 = arith.constant 0 : i32
        %dma_wait3A_275 = tpu.memref_slice %arg3[%dma_wait3A_274, %mul3A_267] : memref<1x4096xi32, #tpu.memory_space<hbm>> -> memref<1x128xi32, #tpu.memory_space<hbm>>
        %dma_wait3A_276 = tpu.memref_slice %run_scoped3A_7[%rem3A_269] : memref<2x!tpu.dma_semaphore, #tpu.memory_space<semaphore_mem>> -> memref<1x!tpu.dma_semaphore, #tpu.memory_space<semaphore_mem>>
        %dma_wait3A_277 = tpu.memref_squeeze %dma_wait3A_276 : memref<1x!tpu.dma_semaphore, #tpu.memory_space<semaphore_mem>> -> memref<!tpu.dma_semaphore, #tpu.memory_space<semaphore_mem>>
        %dma_wait3A_278 = arith.constant 0 : i32
        %dma_wait3A_279 = arith.constant 0 : i32
        %dma_wait3A_280 = tpu.memref_slice %run_scoped3A[%rem3A_269, %dma_wait3A_278, %dma_wait3A_279] : memref<2x1x128xi32, #tpu.memory_space<vmem>> -> memref<1x1x128xi32, #tpu.memory_space<vmem>>
        %dma_wait3A_281 = tpu.memref_squeeze %dma_wait3A_280 : memref<1x1x128xi32, #tpu.memory_space<vmem>> -> memref<1x128xi32, #tpu.memory_space<vmem>>
        %dma_wait3A_282 = arith.constant 0 : i32
        %dma_wait3A_283 = tpu.memref_slice %arg3[%dma_wait3A_282, %mul3A_267] : memref<1x4096xi32, #tpu.memory_space<hbm>> -> memref<1x128xi32, #tpu.memory_space<hbm>>
        tpu.wait_dma2 semaphore(%dma_wait3A_277 : memref<!tpu.dma_semaphore, #tpu.memory_space<semaphore_mem>>) src(%dma_wait3A_283 : memref<1x128xi32, #tpu.memory_space<hbm>>) dst(%dma_wait3A_281 : memref<1x128xi32, #tpu.memory_space<vmem>>)
        "tpu.trace_stop"() : () -> ()
      } else {
      }
      %ne3A_129 = arith.cmpi ne, %add3A_72, %add3A_82 : i32
      %or3A_130 = arith.constant false
      %or3A_131 = arith.ori %or3A_130, %ne3A_129 : i1
      %or3A_132 = arith.constant false
      %or3A_133 = arith.ori %or3A_131, %or3A_132 : i1
      %or3A_134 = arith.ori %or3A_133, %eq3A_68 : i1
      %convert_element_type3A_135 = arith.extui %or3A_134 : i1 to i32
      %cond3A_136 = arith.constant 0 : i32
      %cond3A_137 = arith.cmpi ne, %convert_element_type3A_135, %cond3A_136 : i32
      scf.if %cond3A_137 {
      } else {
      }
      %rem3A_138 = arith.constant 2 : i32
      %rem3A_139 = arith.remui %scan3A, %rem3A_138 : i32
      %rem3A_140 = arith.constant 2 : i32
      %rem3A_141 = arith.remui %scan3A_63, %rem3A_140 : i32
      %run_scoped3A_142 = arith.constant 0 : i32
      "tpu.trace_start"() <{level = 10 : i32, message = "ep_run_kernel"}> : () -> ()
      "tpu.region"() ({
        %run_scoped3A_266 = tpu.sem_alloc : memref<!tpu.dma_semaphore, #tpu.memory_space<semaphore_mem>>
        %dma_start3A_267 = arith.constant 0 : i32
        %dma_start3A_268 = arith.constant 0 : i32
        %dma_start3A_269 = tpu.memref_slice %run_scoped3A_8[%rem3A_141, %dma_start3A_267, %dma_start3A_268] : memref<2x128x256xf32, #tpu.memory_space<vmem>> -> memref<1x128x256xf32, #tpu.memory_space<vmem>>
        %dma_start3A_270 = tpu.memref_squeeze %dma_start3A_269 : memref<1x128x256xf32, #tpu.memory_space<vmem>> -> memref<128x256xf32, #tpu.memory_space<vmem>>
        %dma_start3A_271 = arith.constant 0 : i32
        %dma_start3A_272 = arith.constant 0 : i32
        %dma_start3A_273 = tpu.memref_slice %run_scoped3A[%rem3A_139, %dma_start3A_271, %dma_start3A_272] : memref<2x1x128xi32, #tpu.memory_space<vmem>> -> memref<1x1x128xi32, #tpu.memory_space<vmem>>
        %dma_start3A_274 = tpu.memref_squeeze %dma_start3A_273 : memref<1x1x128xi32, #tpu.memory_space<vmem>> -> memref<1x128xi32, #tpu.memory_space<vmem>>
        %dma_start3A_275 = arith.constant 0 : i32
        %dma_start3A_276 = tpu.memref_slice %dma_start3A_274[%run_scoped3A_142, %dma_start3A_275] : memref<1x128xi32, #tpu.memory_space<vmem>> -> memref<1x128xi32, #tpu.memory_space<vmem>>
        %dma_start3A_277 = tpu.memref_squeeze %dma_start3A_276 : memref<1x128xi32, #tpu.memory_space<vmem>> -> memref<128xi32, #tpu.memory_space<vmem>>
        %dma_start3A_278 = arith.constant 0 : i32
        %dma_start3A_279 = arith.constant 0 : i32
        %dma_start3A_280 = tpu.memref_slice %arg2[%dma_start3A_278, %dma_start3A_279] : memref<64000x256xf32, #tpu.memory_space<hbm>> -> memref<64000x256xf32, #tpu.memory_space<hbm>>
        tpu.enqueue_indirect_dma source(%dma_start3A_280 : memref<64000x256xf32, #tpu.memory_space<hbm>>) target(%dma_start3A_270 : memref<128x256xf32, #tpu.memory_space<vmem>>) offsets(%dma_start3A_277 : memref<128xi32, #tpu.memory_space<vmem>>) semaphore(%run_scoped3A_266 : memref<!tpu.dma_semaphore, #tpu.memory_space<semaphore_mem>>)
        %dma_wait3A_281 = arith.constant 0 : i32
        %dma_wait3A_282 = arith.constant 0 : i32
        %dma_wait3A_283 = tpu.memref_slice %run_scoped3A_8[%rem3A_141, %dma_wait3A_281, %dma_wait3A_282] : memref<2x128x256xf32, #tpu.memory_space<vmem>> -> memref<1x128x256xf32, #tpu.memory_space<vmem>>
        %dma_wait3A_284 = tpu.memref_squeeze %dma_wait3A_283 : memref<1x128x256xf32, #tpu.memory_space<vmem>> -> memref<128x256xf32, #tpu.memory_space<vmem>>
        %dma_wait3A_285 = arith.constant 0 : i32
        %dma_wait3A_286 = arith.constant 0 : i32
        %dma_wait3A_287 = tpu.memref_slice %run_scoped3A[%rem3A_139, %dma_wait3A_285, %dma_wait3A_286] : memref<2x1x128xi32, #tpu.memory_space<vmem>> -> memref<1x1x128xi32, #tpu.memory_space<vmem>>
        %dma_wait3A_288 = tpu.memref_squeeze %dma_wait3A_287 : memref<1x1x128xi32, #tpu.memory_space<vmem>> -> memref<1x128xi32, #tpu.memory_space<vmem>>
        %dma_wait3A_289 = arith.constant 0 : i32
        %dma_wait3A_290 = tpu.memref_slice %dma_wait3A_288[%run_scoped3A_142, %dma_wait3A_289] : memref<1x128xi32, #tpu.memory_space<vmem>> -> memref<1x128xi32, #tpu.memory_space<vmem>>
        %dma_wait3A_291 = tpu.memref_squeeze %dma_wait3A_290 : memref<1x128xi32, #tpu.memory_space<vmem>> -> memref<128xi32, #tpu.memory_space<vmem>>
        %dma_wait3A_292 = arith.constant 0 : i32
        %dma_wait3A_293 = arith.constant 0 : i32
        %dma_wait3A_294 = tpu.memref_slice %arg2[%dma_wait3A_292, %dma_wait3A_293] : memref<64000x256xf32, #tpu.memory_space<hbm>> -> memref<64000x256xf32, #tpu.memory_space<hbm>>
        tpu.wait_indirect_dma semaphore(%run_scoped3A_266 : memref<!tpu.dma_semaphore, #tpu.memory_space<semaphore_mem>>) src(%dma_wait3A_294 : memref<64000x256xf32, #tpu.memory_space<hbm>>) dst(%dma_wait3A_284 : memref<128x256xf32, #tpu.memory_space<vmem>>)
        tpu.yield
      }) : () -> ()
      "tpu.trace_stop"() : () -> ()
      %ne3A_143 = arith.cmpi ne, %add3A_72, %add3A_92 : i32
      %or3A_144 = arith.constant false
      %or3A_145 = arith.ori %or3A_144, %ne3A_143 : i1
      %or3A_146 = arith.ori %or3A_145, %eq3A_70 : i1
      %convert_element_type3A_147 = arith.extui %or3A_146 : i1 to i32
      %cond3A_148 = arith.constant 0 : i32
      %cond3A_149 = arith.cmpi ne, %convert_element_type3A_147, %cond3A_148 : i32
      scf.if %cond3A_149 {
      } else {
      }
      %and3A_150 = arith.constant false
      %and3A_151 = arith.andi %or3A_146, %and3A_150 : i1
      %ne3A_152 = arith.cmpi ne, %add3A_72, %add3A_92 : i32
      %or3A_153 = arith.constant false
      %or3A_154 = arith.ori %or3A_153, %ne3A_152 : i1
      %or3A_155 = arith.constant false
      %or3A_156 = arith.ori %or3A_154, %or3A_155 : i1
      %or3A_157 = arith.ori %or3A_156, %eq3A_70 : i1
      %convert_element_type3A_158 = arith.extui %or3A_157 : i1 to i32
      %cond3A_159 = arith.constant 0 : i32
      %cond3A_160 = arith.cmpi ne, %convert_element_type3A_158, %cond3A_159 : i32
      scf.if %cond3A_160 {
        "tpu.trace_start"() <{level = 10 : i32, message = "ep_copy_out"}> : () -> ()
        %rem3A_266 = arith.constant 2 : i32
        %rem3A_267 = arith.remui %scan3A_63, %rem3A_266 : i32
        %mul3A_268 = arith.constant 128 : i32
        %mul3A_269 = arith.muli %mul3A_268, %add3A_72 : i32
        %dma_start3A_270 = arith.constant 0 : i32
        %dma_start3A_271 = arith.constant 0 : i32
        %dma_start3A_272 = tpu.memref_slice %run_scoped3A_8[%rem3A_267, %dma_start3A_270, %dma_start3A_271] : memref<2x128x256xf32, #tpu.memory_space<vmem>> -> memref<1x128x256xf32, #tpu.memory_space<vmem>>
        %dma_start3A_273 = tpu.memref_squeeze %dma_start3A_272 : memref<1x128x256xf32, #tpu.memory_space<vmem>> -> memref<128x256xf32, #tpu.memory_space<vmem>>
        %dma_start3A_274 = arith.constant 0 : i32
        %dma_start3A_275 = tpu.memref_slice %arg4[%mul3A_269, %dma_start3A_274] : memref<4096x256xf32, #tpu.memory_space<hbm>> -> memref<128x256xf32, #tpu.memory_space<hbm>>
        %dma_start3A_276 = tpu.memref_slice %run_scoped3A_9[%rem3A_267] : memref<2x!tpu.dma_semaphore, #tpu.memory_space<semaphore_mem>> -> memref<1x!tpu.dma_semaphore, #tpu.memory_space<semaphore_mem>>
        %dma_start3A_277 = tpu.memref_squeeze %dma_start3A_276 : memref<1x!tpu.dma_semaphore, #tpu.memory_space<semaphore_mem>> -> memref<!tpu.dma_semaphore, #tpu.memory_space<semaphore_mem>>
        %dma_start3A_278 = arith.constant 0 : i32
        %dma_start3A_279 = tpu.memref_slice %arg4[%mul3A_269, %dma_start3A_278] : memref<4096x256xf32, #tpu.memory_space<hbm>> -> memref<128x256xf32, #tpu.memory_space<hbm>>
        %dma_start3A_280 = arith.constant 0 : i32
        %dma_start3A_281 = arith.constant 0 : i32
        %dma_start3A_282 = tpu.memref_slice %run_scoped3A_8[%rem3A_267, %dma_start3A_280, %dma_start3A_281] : memref<2x128x256xf32, #tpu.memory_space<vmem>> -> memref<1x128x256xf32, #tpu.memory_space<vmem>>
        %dma_start3A_283 = tpu.memref_squeeze %dma_start3A_282 : memref<1x128x256xf32, #tpu.memory_space<vmem>> -> memref<128x256xf32, #tpu.memory_space<vmem>>
        tpu.enqueue_dma source(%dma_start3A_283 : memref<128x256xf32, #tpu.memory_space<vmem>>) target(%dma_start3A_279 : memref<128x256xf32, #tpu.memory_space<hbm>>) target_semaphore(%dma_start3A_277 : memref<!tpu.dma_semaphore, #tpu.memory_space<semaphore_mem>>)
        "tpu.trace_stop"() : () -> ()
      } else {
      }
      %and3A_161 = arith.constant true
      %and3A_162 = arith.andi %or3A_157, %and3A_161 : i1
      %add3A_163 = arith.constant 1 : i32
      %add3A_164 = arith.addi %scan3A_63, %add3A_163 : i32
      %select_n3A_165 = arith.select %and3A_162, %add3A_164, %scan3A_63 : i32
      %ne3A_166 = arith.cmpi ne, %add3A_72, %add3A_82 : i32
      %or3A_167 = arith.constant false
      %or3A_168 = arith.ori %or3A_167, %ne3A_166 : i1
      %not3A_169 = arith.constant true
      %not3A_170 = arith.xori %eq3A_68, %not3A_169 : i1
      %and3A_171 = arith.andi %or3A_168, %not3A_170 : i1
      %convert_element_type3A_172 = arith.extui %and3A_171 : i1 to i32
      %cond3A_173 = arith.constant 0 : i32
      %cond3A_174 = arith.cmpi ne, %convert_element_type3A_172, %cond3A_173 : i32
      scf.if %cond3A_174 {
      } else {
      }
      %and3A_175 = arith.constant false
      %and3A_176 = arith.andi %and3A_171, %and3A_175 : i1
      %ne3A_177 = arith.cmpi ne, %add3A_72, %add3A_82 : i32
      %or3A_178 = arith.constant false
      %or3A_179 = arith.ori %or3A_178, %ne3A_177 : i1
      %or3A_180 = arith.constant false
      %or3A_181 = arith.ori %or3A_179, %or3A_180 : i1
      %not3A_182 = arith.constant true
      %not3A_183 = arith.xori %eq3A_68, %not3A_182 : i1
      %and3A_184 = arith.andi %or3A_181, %not3A_183 : i1
      %convert_element_type3A_185 = arith.extui %and3A_184 : i1 to i32
      %cond3A_186 = arith.constant 0 : i32
      %cond3A_187 = arith.cmpi ne, %convert_element_type3A_185, %cond3A_186 : i32
      scf.if %cond3A_187 {
        "tpu.trace_start"() <{level = 10 : i32, message = "ep_wait_out"}> : () -> ()
        %rem3A_266 = arith.constant 2 : i32
        %rem3A_267 = arith.remui %scan3A_64, %rem3A_266 : i32
        %mul3A_268 = arith.constant 128 : i32
        %mul3A_269 = arith.muli %mul3A_268, %add3A_82 : i32
        %dma_wait3A_270 = arith.constant 0 : i32
        %dma_wait3A_271 = arith.constant 0 : i32
        %dma_wait3A_272 = tpu.memref_slice %run_scoped3A_8[%rem3A_267, %dma_wait3A_270, %dma_wait3A_271] : memref<2x128x256xf32, #tpu.memory_space<vmem>> -> memref<1x128x256xf32, #tpu.memory_space<vmem>>
        %dma_wait3A_273 = tpu.memref_squeeze %dma_wait3A_272 : memref<1x128x256xf32, #tpu.memory_space<vmem>> -> memref<128x256xf32, #tpu.memory_space<vmem>>
        %dma_wait3A_274 = arith.constant 0 : i32
        %dma_wait3A_275 = tpu.memref_slice %arg4[%mul3A_269, %dma_wait3A_274] : memref<4096x256xf32, #tpu.memory_space<hbm>> -> memref<128x256xf32, #tpu.memory_space<hbm>>
        %dma_wait3A_276 = tpu.memref_slice %run_scoped3A_9[%rem3A_267] : memref<2x!tpu.dma_semaphore, #tpu.memory_space<semaphore_mem>> -> memref<1x!tpu.dma_semaphore, #tpu.memory_space<semaphore_mem>>
        %dma_wait3A_277 = tpu.memref_squeeze %dma_wait3A_276 : memref<1x!tpu.dma_semaphore, #tpu.memory_space<semaphore_mem>> -> memref<!tpu.dma_semaphore, #tpu.memory_space<semaphore_mem>>
        %dma_wait3A_278 = arith.constant 0 : i32
        %dma_wait3A_279 = tpu.memref_slice %arg4[%mul3A_269, %dma_wait3A_278] : memref<4096x256xf32, #tpu.memory_space<hbm>> -> memref<128x256xf32, #tpu.memory_space<hbm>>
        %dma_wait3A_280 = arith.constant 0 : i32
        %dma_wait3A_281 = arith.constant 0 : i32
        %dma_wait3A_282 = tpu.memref_slice %run_scoped3A_8[%rem3A_267, %dma_wait3A_280, %dma_wait3A_281] : memref<2x128x256xf32, #tpu.memory_space<vmem>> -> memref<1x128x256xf32, #tpu.memory_space<vmem>>
        %dma_wait3A_283 = tpu.memref_squeeze %dma_wait3A_282 : memref<1x128x256xf32, #tpu.memory_space<vmem>> -> memref<128x256xf32, #tpu.memory_space<vmem>>
        tpu.wait_dma2 semaphore(%dma_wait3A_277 : memref<!tpu.dma_semaphore, #tpu.memory_space<semaphore_mem>>) src(%dma_wait3A_283 : memref<128x256xf32, #tpu.memory_space<vmem>>) dst(%dma_wait3A_279 : memref<128x256xf32, #tpu.memory_space<hbm>>)
        "tpu.trace_stop"() : () -> ()
      } else {
      }
      %and3A_188 = arith.constant true
      %and3A_189 = arith.andi %and3A_184, %and3A_188 : i1
      %add3A_190 = arith.constant 1 : i32
      %add3A_191 = arith.addi %scan3A_64, %add3A_190 : i32
      %select_n3A_192 = arith.select %and3A_189, %add3A_191, %scan3A_64 : i32
      %ne3A_193 = arith.cmpi ne, %add3A_72, %add3A_92 : i32
      %or3A_194 = arith.constant false
      %or3A_195 = arith.ori %or3A_194, %ne3A_193 : i1
      %or3A_196 = arith.ori %or3A_195, %eq3A_70 : i1
      %add3A_197 = arith.constant 1 : i32
      %add3A_198 = arith.addi %scan3A, %add3A_197 : i32
      %select_n3A_199 = arith.select %or3A_196, %add3A_198, %scan3A : i32
      %select_n3A_200 = arith.constant true
      %select_n3A_201 = arith.constant 0 : i32
      %select_n3A_202 = arith.constant 1 : i32
      %select_n3A_203 = arith.select %select_n3A_200, %select_n3A_202, %select_n3A_201 : i32
      %eq3A_204 = arith.constant 1 : i32
      %eq3A_205 = arith.cmpi eq, %select_n3A_203, %eq3A_204 : i32
      %select_n3A_206 = arith.constant 0 : i32
      %select_n3A_207 = arith.select %eq3A_205, %select_n3A_206, %select_n3A_203 : i32
      %scan3A_208 = arith.constant 0 : i32
      %scan3A_209 = arith.constant 1 : i32
      %sub3A = arith.constant 1 : i32
      %sub3A_210 = arith.subi %scan3A_208, %sub3A : i32
      %select_n3A_211 = arith.constant true
      %select_n3A_212 = arith.select %select_n3A_211, %sub3A_210, %scan3A_208 : i32
      %eq3A_213 = arith.constant -1 : i32
      %eq3A_214 = arith.cmpi eq, %select_n3A_212, %eq3A_213 : i32
      %select_n3A_215 = arith.constant 0 : i32
      %select_n3A_216 = arith.select %eq3A_214, %select_n3A_215, %select_n3A_212 : i32
      %add3A_217 = arith.constant 0 : i32
      %add3A_218 = arith.addi %add3A_217, %mul3A_6 : i32
      %select_n3A_219 = arith.constant true
      %select_n3A_220 = arith.constant 0 : i32
      %select_n3A_221 = arith.constant -1 : i32
      %select_n3A_222 = arith.select %select_n3A_219, %select_n3A_221, %select_n3A_220 : i32
      %eq3A_223 = arith.constant -1 : i32
      %eq3A_224 = arith.cmpi eq, %select_n3A_222, %eq3A_223 : i32
      %select_n3A_225 = arith.constant 0 : i32
      %select_n3A_226 = arith.select %eq3A_224, %select_n3A_225, %select_n3A_222 : i32
      %add3A_227 = arith.constant 0 : i32
      %add3A_228 = arith.addi %add3A_227, %mul3A_6 : i32
      %select_n3A_229 = arith.constant true
      %select_n3A_230 = arith.constant 0 : i32
      %select_n3A_231 = arith.constant 1 : i32
      %select_n3A_232 = arith.select %select_n3A_229, %select_n3A_231, %select_n3A_230 : i32
      %eq3A_233 = arith.constant 1 : i32
      %eq3A_234 = arith.cmpi eq, %select_n3A_232, %eq3A_233 : i32
      %select_n3A_235 = arith.constant 0 : i32
      %select_n3A_236 = arith.select %eq3A_234, %select_n3A_235, %select_n3A_232 : i32
      %add3A_237 = arith.constant 0 : i32
      %add3A_238 = arith.addi %add3A_237, %mul3A_6 : i32
      %select_n3A_239 = arith.constant true
      %select_n3A_240 = arith.constant 0 : i32
      %select_n3A_241 = arith.constant 1 : i32
      %select_n3A_242 = arith.select %select_n3A_239, %select_n3A_241, %select_n3A_240 : i32
      %eq3A_243 = arith.constant 1 : i32
      %eq3A_244 = arith.cmpi eq, %select_n3A_242, %eq3A_243 : i32
      %select_n3A_245 = arith.constant 0 : i32
      %select_n3A_246 = arith.select %eq3A_244, %select_n3A_245, %select_n3A_242 : i32
      %add3A_247 = arith.constant 0 : i32
      %add3A_248 = arith.addi %add3A_247, %mul3A_6 : i32
      "tpu.trace_start"() <{level = 10 : i32, message = "ep_finalize"}> : () -> ()
      %rem3A_249 = arith.constant 2 : i32
      %rem3A_250 = arith.remui %select_n3A_192, %rem3A_249 : i32
      %mul3A_251 = arith.constant 128 : i32
      %mul3A_252 = arith.muli %mul3A_251, %add3A_218 : i32
      %dma_wait3A = arith.constant 0 : i32
      %dma_wait3A_253 = arith.constant 0 : i32
      %dma_wait3A_254 = tpu.memref_slice %run_scoped3A_8[%rem3A_250, %dma_wait3A, %dma_wait3A_253] : memref<2x128x256xf32, #tpu.memory_space<vmem>> -> memref<1x128x256xf32, #tpu.memory_space<vmem>>
      %dma_wait3A_255 = tpu.memref_squeeze %dma_wait3A_254 : memref<1x128x256xf32, #tpu.memory_space<vmem>> -> memref<128x256xf32, #tpu.memory_space<vmem>>
      %dma_wait3A_256 = arith.constant 0 : i32
      %dma_wait3A_257 = tpu.memref_slice %arg4[%mul3A_252, %dma_wait3A_256] : memref<4096x256xf32, #tpu.memory_space<hbm>> -> memref<128x256xf32, #tpu.memory_space<hbm>>
      %dma_wait3A_258 = tpu.memref_slice %run_scoped3A_9[%rem3A_250] : memref<2x!tpu.dma_semaphore, #tpu.memory_space<semaphore_mem>> -> memref<1x!tpu.dma_semaphore, #tpu.memory_space<semaphore_mem>>
      %dma_wait3A_259 = tpu.memref_squeeze %dma_wait3A_258 : memref<1x!tpu.dma_semaphore, #tpu.memory_space<semaphore_mem>> -> memref<!tpu.dma_semaphore, #tpu.memory_space<semaphore_mem>>
      %dma_wait3A_260 = arith.constant 0 : i32
      %dma_wait3A_261 = tpu.memref_slice %arg4[%mul3A_252, %dma_wait3A_260] : memref<4096x256xf32, #tpu.memory_space<hbm>> -> memref<128x256xf32, #tpu.memory_space<hbm>>
      %dma_wait3A_262 = arith.constant 0 : i32
      %dma_wait3A_263 = arith.constant 0 : i32
      %dma_wait3A_264 = tpu.memref_slice %run_scoped3A_8[%rem3A_250, %dma_wait3A_262, %dma_wait3A_263] : memref<2x128x256xf32, #tpu.memory_space<vmem>> -> memref<1x128x256xf32, #tpu.memory_space<vmem>>
      %dma_wait3A_265 = tpu.memref_squeeze %dma_wait3A_264 : memref<1x128x256xf32, #tpu.memory_space<vmem>> -> memref<128x256xf32, #tpu.memory_space<vmem>>
      tpu.wait_dma2 semaphore(%dma_wait3A_259 : memref<!tpu.dma_semaphore, #tpu.memory_space<semaphore_mem>>) src(%dma_wait3A_265 : memref<128x256xf32, #tpu.memory_space<vmem>>) dst(%dma_wait3A_261 : memref<128x256xf32, #tpu.memory_space<hbm>>)
      "tpu.trace_stop"() : () -> ()
      tpu.yield
    }) : () -> ()
    return
  }
}

module attributes {stable_mosaic.version = 14 : i64} {
  func.func @_frontend_kernel(%arg0: memref<2048x512xf32, #tpu.memory_space<vmem>>, %arg1: memref<2048x512xf32, #tpu.memory_space<vmem>>, %arg2: memref<512x1xf32, #tpu.memory_space<vmem>>, %arg3: memref<512x16xf32, #tpu.memory_space<vmem>>, %arg4: memref<16x512xf32, #tpu.memory_space<vmem>>, %arg5: memref<512x64xf32, #tpu.memory_space<vmem>>, %arg6: memref<1x64xf32, #tpu.memory_space<vmem>>, %arg7: memref<256x64xf32, #tpu.memory_space<vmem>>, %arg8: memref<64x256xf32, #tpu.memory_space<vmem>>, %arg9: memref<64x512xf32, #tpu.memory_space<vmem>>, %arg10: memref<1x512xf32, #tpu.memory_space<vmem>>, %arg11: memref<512x8xf32, #tpu.memory_space<vmem>>, %arg12: memref<512x128xf32, #tpu.memory_space<vmem>>, %arg13: memref<128x512xf32, #tpu.memory_space<vmem>>, %arg14: memref<2048x512xf32, #tpu.memory_space<vmem>>, %arg15: memref<2048x1xi32, #tpu.memory_space<vmem>>, %arg16: memref<1x1xf32, #tpu.memory_space<vmem>>, %arg17: memref<1x1xf32, #tpu.memory_space<vmem>>) attributes {dimension_semantics = [], scalar_prefetch = 0 : i64, scratch_operands = 0 : i64, tpu.core_type = #tpu.core_type<tc>} {
    %get3A = arith.constant 0 : index
    %get3A_0 = arith.constant 0 : index
    %get3A_1 = vector.load %arg0[%get3A, %get3A_0] : memref<2048x512xf32, #tpu.memory_space<vmem>>, vector<2048x512xf32>
    %get3A_2 = arith.constant 0 : index
    %get3A_3 = arith.constant 0 : index
    %get3A_4 = vector.load %arg1[%get3A_2, %get3A_3] : memref<2048x512xf32, #tpu.memory_space<vmem>>, vector<2048x512xf32>
    %add3A = arith.addf %get3A_1, %get3A_4 : vector<2048x512xf32>
    %get3A_5 = arith.constant 0 : index
    %get3A_6 = arith.constant 0 : index
    %get3A_7 = vector.load %arg2[%get3A_5, %get3A_6] : memref<512x1xf32, #tpu.memory_space<vmem>>, vector<512x1xf32>
    %convert_element_type3A = arith.truncf %add3A : vector<2048x512xf32> to vector<2048x512xbf16>
    %convert_element_type3A_8 = arith.truncf %get3A_7 : vector<512x1xf32> to vector<512x1xbf16>
    %dot_general3A = arith.constant dense<0.000000e+00> : vector<2048x1xf32>
    %dot_general3A_9 = tpu.matmul %convert_element_type3A, %convert_element_type3A_8, %dot_general3A {dimension_numbers = #tpu.dot_dimension_numbers<[1], [0], [0], [1], [0, 0, 1, 1], [], []>, transpose_lhs_hint = false} : vector<2048x512xbf16>, vector<512x1xbf16>, vector<2048x1xf32> -> vector<2048x1xf32>
    %logistic3A = arith.negf %dot_general3A_9 : vector<2048x1xf32>
    %logistic3A_10 = math.exp %logistic3A : vector<2048x1xf32>
    %logistic3A_11 = arith.constant 1.000000e+00 : f32
    %logistic3A_12 = vector.broadcast %logistic3A_11 : f32 to vector<2048x1xf32>
    %logistic3A_13 = arith.addf %logistic3A_12, %logistic3A_10 : vector<2048x1xf32>
    %logistic3A_14 = arith.divf %logistic3A_12, %logistic3A_13 : vector<2048x1xf32>
    %get3A_15 = arith.constant 0 : index
    %get3A_16 = arith.constant 0 : index
    %get3A_17 = vector.load %arg3[%get3A_15, %get3A_16] : memref<512x16xf32, #tpu.memory_space<vmem>>, vector<512x16xf32>
    %convert_element_type3A_18 = arith.truncf %add3A : vector<2048x512xf32> to vector<2048x512xbf16>
    %convert_element_type3A_19 = arith.truncf %get3A_17 : vector<512x16xf32> to vector<512x16xbf16>
    %dot_general3A_20 = arith.constant dense<0.000000e+00> : vector<2048x16xf32>
    %dot_general3A_21 = tpu.matmul %convert_element_type3A_18, %convert_element_type3A_19, %dot_general3A_20 {dimension_numbers = #tpu.dot_dimension_numbers<[1], [0], [0], [1], [0, 0, 1, 1], [], []>, transpose_lhs_hint = false} : vector<2048x512xbf16>, vector<512x16xbf16>, vector<2048x16xf32> -> vector<2048x16xf32>
    %get3A_22 = arith.constant 0 : index
    %get3A_23 = arith.constant 0 : index
    %get3A_24 = vector.load %arg4[%get3A_22, %get3A_23] : memref<16x512xf32, #tpu.memory_space<vmem>>, vector<16x512xf32>
    %convert_element_type3A_25 = arith.truncf %dot_general3A_21 : vector<2048x16xf32> to vector<2048x16xbf16>
    %convert_element_type3A_26 = arith.truncf %get3A_24 : vector<16x512xf32> to vector<16x512xbf16>
    %dot_general3A_27 = arith.constant dense<0.000000e+00> : vector<2048x512xf32>
    %dot_general3A_28 = tpu.matmul %convert_element_type3A_25, %convert_element_type3A_26, %dot_general3A_27 {dimension_numbers = #tpu.dot_dimension_numbers<[1], [0], [0], [1], [0, 0, 1, 1], [], []>, transpose_lhs_hint = false} : vector<2048x16xbf16>, vector<16x512xbf16>, vector<2048x512xf32> -> vector<2048x512xf32>
    %mul3A = arith.constant 2.000000e+00 : f32
    %mul3A_29 = vector.broadcast %mul3A : f32 to vector<2048x512xf32>
    %mul3A_30 = arith.mulf %dot_general3A_28, %mul3A_29 : vector<2048x512xf32>
    %mul3A_31 = vector.broadcast %logistic3A_14 : vector<2048x1xf32> to vector<2048x512xf32>
    %mul3A_32 = arith.mulf %mul3A_31, %mul3A_30 : vector<2048x512xf32>
    %add3A_33 = arith.addf %add3A, %mul3A_32 : vector<2048x512xf32>
    %get3A_34 = arith.constant 0 : index
    %get3A_35 = arith.constant 0 : index
    %get3A_36 = vector.load %arg5[%get3A_34, %get3A_35] : memref<512x64xf32, #tpu.memory_space<vmem>>, vector<512x64xf32>
    %convert_element_type3A_37 = arith.truncf %add3A_33 : vector<2048x512xf32> to vector<2048x512xbf16>
    %convert_element_type3A_38 = arith.truncf %get3A_36 : vector<512x64xf32> to vector<512x64xbf16>
    %dot_general3A_39 = arith.constant dense<0.000000e+00> : vector<2048x64xf32>
    %dot_general3A_40 = tpu.matmul %convert_element_type3A_37, %convert_element_type3A_38, %dot_general3A_39 {dimension_numbers = #tpu.dot_dimension_numbers<[1], [0], [0], [1], [0, 0, 1, 1], [], []>, transpose_lhs_hint = false} : vector<2048x512xbf16>, vector<512x64xbf16>, vector<2048x64xf32> -> vector<2048x64xf32>
    %get3A_41 = arith.constant 0 : index
    %get3A_42 = arith.constant 0 : index
    %get3A_43 = vector.load %arg6[%get3A_41, %get3A_42] : memref<1x64xf32, #tpu.memory_space<vmem>>, vector<1x64xf32>
    %add3A_44 = vector.broadcast %get3A_43 : vector<1x64xf32> to vector<2048x64xf32>
    %add3A_45 = arith.addf %dot_general3A_40, %add3A_44 : vector<2048x64xf32>
    %mul3A_46 = arith.mulf %add3A_45, %add3A_45 : vector<2048x64xf32>
    %reduce_sum3A = arith.constant dense<0.000000e+00> : vector<2048xf32>
    %reduce_sum3A_47 = vector.multi_reduction <add>, %mul3A_46, %reduce_sum3A [1] : vector<2048x64xf32> to vector<2048xf32>
    %broadcast_in_dim3A = vector.shape_cast %reduce_sum3A_47 : vector<2048xf32> to vector<2048x1xf32>
    %get3A_48 = arith.constant 0 : index
    %get3A_49 = arith.constant 0 : index
    %get3A_50 = vector.load %arg8[%get3A_48, %get3A_49] : memref<64x256xf32, #tpu.memory_space<vmem>>, vector<64x256xf32>
    %convert_element_type3A_51 = arith.truncf %add3A_45 : vector<2048x64xf32> to vector<2048x64xbf16>
    %convert_element_type3A_52 = arith.truncf %get3A_50 : vector<64x256xf32> to vector<64x256xbf16>
    %dot_general3A_53 = arith.constant dense<0.000000e+00> : vector<2048x256xf32>
    %dot_general3A_54 = tpu.matmul %convert_element_type3A_51, %convert_element_type3A_52, %dot_general3A_53 {dimension_numbers = #tpu.dot_dimension_numbers<[1], [0], [0], [1], [0, 0, 1, 1], [], []>, transpose_lhs_hint = false} : vector<2048x64xbf16>, vector<64x256xbf16>, vector<2048x256xf32> -> vector<2048x256xf32>
    %get3A_55 = arith.constant 0 : index
    %get3A_56 = arith.constant 0 : index
    %get3A_57 = vector.load %arg8[%get3A_55, %get3A_56] : memref<64x256xf32, #tpu.memory_space<vmem>>, vector<64x256xf32>
    %integer_pow3A = arith.mulf %get3A_57, %get3A_57 : vector<64x256xf32>
    %reduce_sum3A_58 = arith.constant dense<0.000000e+00> : vector<256xf32>
    %reduce_sum3A_59 = vector.multi_reduction <add>, %integer_pow3A, %reduce_sum3A_58 [0] : vector<64x256xf32> to vector<256xf32>
    %broadcast_in_dim3A_60 = vector.shape_cast %reduce_sum3A_59 : vector<256xf32> to vector<1x256xf32>
    %mul3A_61 = arith.constant 2.000000e+00 : f32
    %mul3A_62 = vector.broadcast %mul3A_61 : f32 to vector<2048x256xf32>
    %mul3A_63 = arith.mulf %mul3A_62, %dot_general3A_54 : vector<2048x256xf32>
    %sub3A = vector.broadcast %broadcast_in_dim3A : vector<2048x1xf32> to vector<2048x256xf32>
    %sub3A_64 = arith.subf %sub3A, %mul3A_63 : vector<2048x256xf32>
    %add3A_65 = vector.broadcast %broadcast_in_dim3A_60 : vector<1x256xf32> to vector<2048x256xf32>
    %add3A_66 = arith.addf %sub3A_64, %add3A_65 : vector<2048x256xf32>
    %iota3A = tpu.iota {dimensions = array<i32: 1>} : vector<2048x256xi32>
    %reduce_min3A = arith.constant dense<0x7F800000> : vector<2048xf32>
    %reduce_min3A_67 = vector.multi_reduction <minimumf>, %add3A_66, %reduce_min3A [1] : vector<2048x256xf32> to vector<2048xf32>
    %broadcast_in_dim3A_68 = vector.shape_cast %reduce_min3A_67 : vector<2048xf32> to vector<2048x1xf32>
    %le3A = vector.broadcast %broadcast_in_dim3A_68 : vector<2048x1xf32> to vector<2048x256xf32>
    %le3A_69 = arith.cmpf ole, %add3A_66, %le3A : vector<2048x256xf32>
    %jit3A = arith.constant 256 : i32
    %broadcast_in_dim3A_70 = vector.broadcast %jit3A : i32 to vector<2048x256xi32>
    %select_n3A = arith.select %le3A_69, %iota3A, %broadcast_in_dim3A_70 : vector<2048x256xi1>, vector<2048x256xi32>
    %reduce_min3A_71 = arith.constant dense<2147483647> : vector<2048xi32>
    %reduce_min3A_72 = vector.multi_reduction <minsi>, %select_n3A, %reduce_min3A_71 [1] : vector<2048x256xi32> to vector<2048xi32>
    %broadcast_in_dim3A_73 = vector.shape_cast %reduce_min3A_72 : vector<2048xi32> to vector<2048x1xi32>
    %swap3A = arith.constant 0 : index
    %swap3A_74 = arith.constant 0 : index
    %swap3A_75 = vector.load %arg15[%swap3A, %swap3A_74] : memref<2048x1xi32, #tpu.memory_space<vmem>>, vector<2048x1xi32>
    tpu.vector_store %arg15[%swap3A, %swap3A_74], %broadcast_in_dim3A_73 {strides = array<i32>} : memref<2048x1xi32, #tpu.memory_space<vmem>>, vector<2048x1xi32>,
    %broadcast_in_dim3A_76 = vector.shape_cast %reduce_min3A_72 : vector<2048xi32> to vector<2048x1xi32>
    %eq3A = vector.broadcast %broadcast_in_dim3A_76 : vector<2048x1xi32> to vector<2048x256xi32>
    %eq3A_77 = arith.cmpi eq, %iota3A, %eq3A : vector<2048x256xi32>
    %convert_element_type3A_78 = arith.extui %eq3A_77 : vector<2048x256xi1> to vector<2048x256xi32>
    %convert_element_type3A_79 = arith.sitofp %convert_element_type3A_78 : vector<2048x256xi32> to vector<2048x256xf32>
    %get3A_80 = arith.constant 0 : index
    %get3A_81 = arith.constant 0 : index
    %get3A_82 = vector.load %arg7[%get3A_80, %get3A_81] : memref<256x64xf32, #tpu.memory_space<vmem>>, vector<256x64xf32>
    %dot_general3A_83 = arith.constant dense<0.000000e+00> : vector<2048x64xf32>
    %dot_general3A_84 = tpu.matmul %convert_element_type3A_79, %get3A_82, %dot_general3A_83 {dimension_numbers = #tpu.dot_dimension_numbers<[1], [0], [0], [1], [0, 0, 1, 1], [], []>, precision = #tpu.contract_precision<fp32>, transpose_lhs_hint = false} : vector<2048x256xf32>, vector<256x64xf32>, vector<2048x64xf32> -> vector<2048x64xf32>
    %sub3A_85 = arith.subf %add3A_45, %dot_general3A_84 : vector<2048x64xf32>
    %mul3A_86 = arith.mulf %sub3A_85, %sub3A_85 : vector<2048x64xf32>
    %reduce_sum3A_87 = vector.shape_cast %mul3A_86 : vector<2048x64xf32> to vector<1x2048x64xf32>
    %reduce_sum3A_88 = arith.constant dense<0.000000e+00> : vector<1xf32>
    %reduce_sum3A_89 = vector.multi_reduction <add>, %reduce_sum3A_87, %reduce_sum3A_88 [1, 2] : vector<1x2048x64xf32> to vector<1xf32>
    %reduce_sum3A_90 = vector.shape_cast %reduce_sum3A_89 : vector<1xf32> to vector<1x1x1xf32>
    %reduce_sum3A_91 = vector.extract %reduce_sum3A_90[0, 0, 0] : f32 from vector<1x1x1xf32>
    %div3A = arith.constant 1.310720e+05 : f32
    %div3A_92 = arith.divf %reduce_sum3A_91, %div3A : f32
    %reshape3A = vector.broadcast %div3A_92 : f32 to vector<1x1xf32>
    %swap3A_93 = arith.constant 0 : index
    %swap3A_94 = arith.constant 0 : index
    %swap3A_95 = vector.load %arg16[%swap3A_93, %swap3A_94] : memref<1x1xf32, #tpu.memory_space<vmem>>, vector<1x1xf32>
    tpu.vector_store %arg16[%swap3A_93, %swap3A_94], %reshape3A {strides = array<i32>} : memref<1x1xf32, #tpu.memory_space<vmem>>, vector<1x1xf32>,
    %swap3A_96 = arith.constant 0 : index
    %swap3A_97 = arith.constant 0 : index
    %swap3A_98 = vector.load %arg17[%swap3A_96, %swap3A_97] : memref<1x1xf32, #tpu.memory_space<vmem>>, vector<1x1xf32>
    tpu.vector_store %arg17[%swap3A_96, %swap3A_97], %reshape3A {strides = array<i32>} : memref<1x1xf32, #tpu.memory_space<vmem>>, vector<1x1xf32>,
    %get3A_99 = arith.constant 0 : index
    %get3A_100 = arith.constant 0 : index
    %get3A_101 = vector.load %arg9[%get3A_99, %get3A_100] : memref<64x512xf32, #tpu.memory_space<vmem>>, vector<64x512xf32>
    %convert_element_type3A_102 = arith.truncf %dot_general3A_84 : vector<2048x64xf32> to vector<2048x64xbf16>
    %convert_element_type3A_103 = arith.truncf %get3A_101 : vector<64x512xf32> to vector<64x512xbf16>
    %dot_general3A_104 = arith.constant dense<0.000000e+00> : vector<2048x512xf32>
    %dot_general3A_105 = tpu.matmul %convert_element_type3A_102, %convert_element_type3A_103, %dot_general3A_104 {dimension_numbers = #tpu.dot_dimension_numbers<[1], [0], [0], [1], [0, 0, 1, 1], [], []>, transpose_lhs_hint = false} : vector<2048x64xbf16>, vector<64x512xbf16>, vector<2048x512xf32> -> vector<2048x512xf32>
    %get3A_106 = arith.constant 0 : index
    %get3A_107 = arith.constant 0 : index
    %get3A_108 = vector.load %arg10[%get3A_106, %get3A_107] : memref<1x512xf32, #tpu.memory_space<vmem>>, vector<1x512xf32>
    %add3A_109 = vector.broadcast %get3A_108 : vector<1x512xf32> to vector<2048x512xf32>
    %add3A_110 = arith.addf %dot_general3A_105, %add3A_109 : vector<2048x512xf32>
    %mul3A_111 = arith.constant 1.000000e-01 : f32
    %mul3A_112 = vector.broadcast %mul3A_111 : f32 to vector<2048x512xf32>
    %mul3A_113 = arith.mulf %mul3A_112, %add3A_110 : vector<2048x512xf32>
    %add3A_114 = arith.addf %add3A_33, %mul3A_113 : vector<2048x512xf32>
    %get3A_115 = arith.constant 0 : index
    %get3A_116 = arith.constant 0 : index
    %get3A_117 = vector.load %arg11[%get3A_115, %get3A_116] : memref<512x8xf32, #tpu.memory_space<vmem>>, vector<512x8xf32>
    %convert_element_type3A_118 = arith.truncf %add3A_114 : vector<2048x512xf32> to vector<2048x512xbf16>
    %convert_element_type3A_119 = arith.truncf %get3A_117 : vector<512x8xf32> to vector<512x8xbf16>
    %dot_general3A_120 = arith.constant dense<0.000000e+00> : vector<2048x8xf32>
    %dot_general3A_121 = tpu.matmul %convert_element_type3A_118, %convert_element_type3A_119, %dot_general3A_120 {dimension_numbers = #tpu.dot_dimension_numbers<[1], [0], [0], [1], [0, 0, 1, 1], [], []>, transpose_lhs_hint = false} : vector<2048x512xbf16>, vector<512x8xbf16>, vector<2048x8xf32> -> vector<2048x8xf32>
    %iota3A_122 = tpu.iota {dimensions = array<i32: 1>} : vector<2048x8xi32>
    %reduce_max3A = arith.constant dense<0xFF800000> : vector<2048xf32>
    %reduce_max3A_123 = vector.multi_reduction <maximumf>, %dot_general3A_121, %reduce_max3A [1] : vector<2048x8xf32> to vector<2048xf32>
    %broadcast_in_dim3A_124 = vector.shape_cast %reduce_max3A_123 : vector<2048xf32> to vector<2048x1xf32>
    %ge3A = vector.broadcast %broadcast_in_dim3A_124 : vector<2048x1xf32> to vector<2048x8xf32>
    %ge3A_125 = arith.cmpf oge, %dot_general3A_121, %ge3A : vector<2048x8xf32>
    %jit3A_126 = arith.constant 8 : i32
    %broadcast_in_dim3A_127 = vector.broadcast %jit3A_126 : i32 to vector<2048x8xi32>
    %select_n3A_128 = arith.select %ge3A_125, %iota3A_122, %broadcast_in_dim3A_127 : vector<2048x8xi1>, vector<2048x8xi32>
    %reduce_min3A_129 = arith.constant dense<2147483647> : vector<2048xi32>
    %reduce_min3A_130 = vector.multi_reduction <minsi>, %select_n3A_128, %reduce_min3A_129 [1] : vector<2048x8xi32> to vector<2048xi32>
    %broadcast_in_dim3A_131 = vector.shape_cast %reduce_min3A_130 : vector<2048xi32> to vector<2048x1xi32>
    %eq3A_132 = vector.broadcast %broadcast_in_dim3A_131 : vector<2048x1xi32> to vector<2048x8xi32>
    %eq3A_133 = arith.cmpi eq, %iota3A_122, %eq3A_132 : vector<2048x8xi32>
    %jit3A_134 = arith.constant 0xFF800000 : f32
    %broadcast_in_dim3A_135 = vector.broadcast %jit3A_134 : f32 to vector<2048x8xf32>
    %select_n3A_136 = arith.select %eq3A_133, %broadcast_in_dim3A_135, %dot_general3A_121 : vector<2048x8xi1>, vector<2048x8xf32>
    %reduce_max3A_137 = arith.constant dense<0xFF800000> : vector<2048xf32>
    %reduce_max3A_138 = vector.multi_reduction <maximumf>, %select_n3A_136, %reduce_max3A_137 [1] : vector<2048x8xf32> to vector<2048xf32>
    %broadcast_in_dim3A_139 = vector.shape_cast %reduce_max3A_138 : vector<2048xf32> to vector<2048x1xf32>
    %ge3A_140 = vector.broadcast %broadcast_in_dim3A_139 : vector<2048x1xf32> to vector<2048x8xf32>
    %ge3A_141 = arith.cmpf oge, %select_n3A_136, %ge3A_140 : vector<2048x8xf32>
    %jit3A_142 = arith.constant 8 : i32
    %broadcast_in_dim3A_143 = vector.broadcast %jit3A_142 : i32 to vector<2048x8xi32>
    %select_n3A_144 = arith.select %ge3A_141, %iota3A_122, %broadcast_in_dim3A_143 : vector<2048x8xi1>, vector<2048x8xi32>
    %reduce_min3A_145 = arith.constant dense<2147483647> : vector<2048xi32>
    %reduce_min3A_146 = vector.multi_reduction <minsi>, %select_n3A_144, %reduce_min3A_145 [1] : vector<2048x8xi32> to vector<2048xi32>
    %broadcast_in_dim3A_147 = vector.shape_cast %reduce_min3A_146 : vector<2048xi32> to vector<2048x1xi32>
    %sub3A_148 = arith.subf %broadcast_in_dim3A_139, %broadcast_in_dim3A_124 : vector<2048x1xf32>
    %exp3A = math.exp %sub3A_148 : vector<2048x1xf32>
    %add3A_149 = arith.constant 1.000000e+00 : f32
    %add3A_150 = vector.broadcast %add3A_149 : f32 to vector<2048x1xf32>
    %add3A_151 = arith.addf %add3A_150, %exp3A : vector<2048x1xf32>
    %div3A_152 = arith.constant 1.000000e+00 : f32
    %div3A_153 = vector.broadcast %div3A_152 : f32 to vector<2048x1xf32>
    %div3A_154 = arith.divf %div3A_153, %add3A_151 : vector<2048x1xf32>
    %div3A_155 = arith.divf %exp3A, %add3A_151 : vector<2048x1xf32>
    %iota3A_156 = tpu.iota {dimensions = array<i32: 1>} : vector<2048x128xi32>
    %jit3A_157 = arith.constant 16 : i32
    %div3A_158 = vector.broadcast %jit3A_157 : i32 to vector<2048x128xi32>
    %div3A_159 = arith.divsi %iota3A_156, %div3A_158 : vector<2048x128xi32>
    %sign3A = arith.constant 0 : i32
    %sign3A_160 = vector.broadcast %sign3A : i32 to vector<2048x128xi32>
    %sign3A_161 = arith.cmpi sgt, %iota3A_156, %sign3A_160 : vector<2048x128xi32>
    %sign3A_162 = arith.extui %sign3A_161 : vector<2048x128xi1> to vector<2048x128xi32>
    %sign3A_163 = arith.constant 0 : i32
    %sign3A_164 = vector.broadcast %sign3A_163 : i32 to vector<2048x128xi32>
    %sign3A_165 = arith.cmpi slt, %iota3A_156, %sign3A_164 : vector<2048x128xi32>
    %sign3A_166 = arith.extui %sign3A_165 : vector<2048x128xi1> to vector<2048x128xi32>
    %sign3A_167 = arith.subi %sign3A_162, %sign3A_166 : vector<2048x128xi32>
    %sign3A_168 = arith.constant 0 : i32
    %sign3A_169 = arith.cmpi sgt, %jit3A_157, %sign3A_168 : i32
    %sign3A_170 = arith.extui %sign3A_169 : i1 to i32
    %sign3A_171 = arith.constant 0 : i32
    %sign3A_172 = arith.cmpi slt, %jit3A_157, %sign3A_171 : i32
    %sign3A_173 = arith.extui %sign3A_172 : i1 to i32
    %sign3A_174 = arith.subi %sign3A_170, %sign3A_173 : i32
    %ne3A = vector.broadcast %sign3A_174 : i32 to vector<2048x128xi32>
    %ne3A_175 = arith.cmpi ne, %sign3A_167, %ne3A : vector<2048x128xi32>
    %rem3A = vector.broadcast %jit3A_157 : i32 to vector<2048x128xi32>
    %rem3A_176 = arith.remsi %iota3A_156, %rem3A : vector<2048x128xi32>
    %ne3A_177 = arith.constant 0 : i32
    %ne3A_178 = vector.broadcast %ne3A_177 : i32 to vector<2048x128xi32>
    %ne3A_179 = arith.cmpi ne, %rem3A_176, %ne3A_178 : vector<2048x128xi32>
    %and3A = arith.andi %ne3A_175, %ne3A_179 : vector<2048x128xi1>
    %sub3A_180 = arith.constant 1 : i32
    %sub3A_181 = vector.broadcast %sub3A_180 : i32 to vector<2048x128xi32>
    %sub3A_182 = arith.subi %div3A_159, %sub3A_181 : vector<2048x128xi32>
    %select_n3A_183 = arith.select %and3A, %sub3A_182, %div3A_159 : vector<2048x128xi1>, vector<2048x128xi32>
    %eq3A_184 = vector.broadcast %broadcast_in_dim3A_131 : vector<2048x1xi32> to vector<2048x128xi32>
    %eq3A_185 = arith.cmpi eq, %select_n3A_183, %eq3A_184 : vector<2048x128xi32>
    %jit3A_186 = arith.constant 0.000000e+00 : f32
    %broadcast_in_dim3A_187 = vector.shape_cast %div3A_154 : vector<2048x1xf32> to vector<2048x1xf32>
    %broadcast_in_dim3A_188 = vector.broadcast %broadcast_in_dim3A_187 : vector<2048x1xf32> to vector<2048x128xf32>
    %broadcast_in_dim3A_189 = vector.broadcast %jit3A_186 : f32 to vector<2048x128xf32>
    %select_n3A_190 = arith.select %eq3A_185, %broadcast_in_dim3A_188, %broadcast_in_dim3A_189 : vector<2048x128xi1>, vector<2048x128xf32>
    %eq3A_191 = vector.broadcast %broadcast_in_dim3A_147 : vector<2048x1xi32> to vector<2048x128xi32>
    %eq3A_192 = arith.cmpi eq, %select_n3A_183, %eq3A_191 : vector<2048x128xi32>
    %jit3A_193 = arith.constant 0.000000e+00 : f32
    %broadcast_in_dim3A_194 = vector.shape_cast %div3A_155 : vector<2048x1xf32> to vector<2048x1xf32>
    %broadcast_in_dim3A_195 = vector.broadcast %broadcast_in_dim3A_194 : vector<2048x1xf32> to vector<2048x128xf32>
    %broadcast_in_dim3A_196 = vector.broadcast %jit3A_193 : f32 to vector<2048x128xf32>
    %select_n3A_197 = arith.select %eq3A_192, %broadcast_in_dim3A_195, %broadcast_in_dim3A_196 : vector<2048x128xi1>, vector<2048x128xf32>
    %add3A_198 = arith.addf %select_n3A_190, %select_n3A_197 : vector<2048x128xf32>
    %get3A_199 = arith.constant 0 : index
    %get3A_200 = arith.constant 0 : index
    %get3A_201 = vector.load %arg12[%get3A_199, %get3A_200] : memref<512x128xf32, #tpu.memory_space<vmem>>, vector<512x128xf32>
    %convert_element_type3A_202 = arith.truncf %add3A_114 : vector<2048x512xf32> to vector<2048x512xbf16>
    %convert_element_type3A_203 = arith.truncf %get3A_201 : vector<512x128xf32> to vector<512x128xbf16>
    %dot_general3A_204 = arith.constant dense<0.000000e+00> : vector<2048x128xf32>
    %dot_general3A_205 = tpu.matmul %convert_element_type3A_202, %convert_element_type3A_203, %dot_general3A_204 {dimension_numbers = #tpu.dot_dimension_numbers<[1], [0], [0], [1], [0, 0, 1, 1], [], []>, transpose_lhs_hint = false} : vector<2048x512xbf16>, vector<512x128xbf16>, vector<2048x128xf32> -> vector<2048x128xf32>
    %mul3A_206 = arith.mulf %dot_general3A_205, %add3A_198 : vector<2048x128xf32>
    %get3A_207 = arith.constant 0 : index
    %get3A_208 = arith.constant 0 : index
    %get3A_209 = vector.load %arg13[%get3A_207, %get3A_208] : memref<128x512xf32, #tpu.memory_space<vmem>>, vector<128x512xf32>
    %convert_element_type3A_210 = arith.truncf %mul3A_206 : vector<2048x128xf32> to vector<2048x128xbf16>
    %convert_element_type3A_211 = arith.truncf %get3A_209 : vector<128x512xf32> to vector<128x512xbf16>
    %dot_general3A_212 = arith.constant dense<0.000000e+00> : vector<2048x512xf32>
    %dot_general3A_213 = tpu.matmul %convert_element_type3A_210, %convert_element_type3A_211, %dot_general3A_212 {dimension_numbers = #tpu.dot_dimension_numbers<[1], [0], [0], [1], [0, 0, 1, 1], [], []>, transpose_lhs_hint = false} : vector<2048x128xbf16>, vector<128x512xbf16>, vector<2048x512xf32> -> vector<2048x512xf32>
    %add3A_214 = arith.addf %add3A_114, %dot_general3A_213 : vector<2048x512xf32>
    %swap3A_215 = arith.constant 0 : index
    %swap3A_216 = arith.constant 0 : index
    %swap3A_217 = vector.load %arg14[%swap3A_215, %swap3A_216] : memref<2048x512xf32, #tpu.memory_space<vmem>>, vector<2048x512xf32>
    tpu.vector_store %arg14[%swap3A_215, %swap3A_216], %add3A_214 {strides = array<i32>} : memref<2048x512xf32, #tpu.memory_space<vmem>>, vector<2048x512xf32>,
    return
  }
}

module attributes {stable_mosaic.version = 14 : i64} {
  func.func @_one_layer_kernel(%arg0: i32, %arg1: memref<1x512x512xf32, #tpu.memory_space<vmem>>, %arg2: memref<512x512xf32, #tpu.memory_space<vmem>>, %arg3: memref<1x512xf32, #tpu.memory_space<vmem>>, %arg4: memref<512x512xf32, #tpu.memory_space<vmem>>, %arg5: memref<1x512xf32, #tpu.memory_space<vmem>>, %arg6: memref<512x512xf32, #tpu.memory_space<vmem>>, %arg7: memref<1x512xf32, #tpu.memory_space<vmem>>, %arg8: memref<512x512xf32, #tpu.memory_space<vmem>>, %arg9: memref<1x512xf32, #tpu.memory_space<vmem>>, %arg10: memref<512x512xf32, #tpu.memory_space<vmem>>, %arg11: memref<1x512xf32, #tpu.memory_space<vmem>>, %arg12: memref<512x512xf32, #tpu.memory_space<vmem>>, %arg13: memref<1x512xf32, #tpu.memory_space<vmem>>, %arg14: memref<512x512xf32, #tpu.memory_space<vmem>>, %arg15: memref<1x512xf32, #tpu.memory_space<vmem>>, %arg16: memref<512x512xf32, #tpu.memory_space<vmem>>, %arg17: memref<1x512xf32, #tpu.memory_space<vmem>>, %arg18: memref<512x2048xf32, #tpu.memory_space<vmem>>, %arg19: memref<1x2048xf32, #tpu.memory_space<vmem>>, %arg20: memref<2048x512xf32, #tpu.memory_space<vmem>>, %arg21: memref<1x512xf32, #tpu.memory_space<vmem>>, %arg22: memref<1x512xf32, #tpu.memory_space<vmem>>, %arg23: memref<1x512xf32, #tpu.memory_space<vmem>>, %arg24: memref<1x512xf32, #tpu.memory_space<vmem>>, %arg25: memref<1x512xf32, #tpu.memory_space<vmem>>, %arg26: memref<1x512xf32, #tpu.memory_space<vmem>>, %arg27: memref<1x512xf32, #tpu.memory_space<vmem>>, %arg28: memref<1x512x512xf32, #tpu.memory_space<vmem>>) attributes {dimension_semantics = [#tpu.dimension_semantics<arbitrary>], iteration_bounds = array<i64: 4>, scalar_prefetch = 0 : i64, scratch_operands = 0 : i64, tpu.core_type = #tpu.core_type<tc>, window_params = [{transform_indices = @transform_0, window_bounds = array<i64: 1, 512, 512>}, {pipeline_mode = #tpu.pipeline_mode<synchronous>, transform_indices = @transform_1, window_bounds = array<i64: 512, 512>}, {pipeline_mode = #tpu.pipeline_mode<synchronous>, transform_indices = @transform_2, window_bounds = array<i64: 1, 512>}, {pipeline_mode = #tpu.pipeline_mode<synchronous>, transform_indices = @transform_3, window_bounds = array<i64: 512, 512>}, {pipeline_mode = #tpu.pipeline_mode<synchronous>, transform_indices = @transform_4, window_bounds = array<i64: 1, 512>}, {pipeline_mode = #tpu.pipeline_mode<synchronous>, transform_indices = @transform_5, window_bounds = array<i64: 512, 512>}, {pipeline_mode = #tpu.pipeline_mode<synchronous>, transform_indices = @transform_6, window_bounds = array<i64: 1, 512>}, {pipeline_mode = #tpu.pipeline_mode<synchronous>, transform_indices = @transform_7, window_bounds = array<i64: 512, 512>}, {pipeline_mode = #tpu.pipeline_mode<synchronous>, transform_indices = @transform_8, window_bounds = array<i64: 1, 512>}, {pipeline_mode = #tpu.pipeline_mode<synchronous>, transform_indices = @transform_9, window_bounds = array<i64: 512, 512>}, {pipeline_mode = #tpu.pipeline_mode<synchronous>, transform_indices = @transform_10, window_bounds = array<i64: 1, 512>}, {pipeline_mode = #tpu.pipeline_mode<synchronous>, transform_indices = @transform_11, window_bounds = array<i64: 512, 512>}, {pipeline_mode = #tpu.pipeline_mode<synchronous>, transform_indices = @transform_12, window_bounds = array<i64: 1, 512>}, {pipeline_mode = #tpu.pipeline_mode<synchronous>, transform_indices = @transform_13, window_bounds = array<i64: 512, 512>}, {pipeline_mode = #tpu.pipeline_mode<synchronous>, transform_indices = @transform_14, window_bounds = array<i64: 1, 512>}, {pipeline_mode = #tpu.pipeline_mode<synchronous>, transform_indices = @transform_15, window_bounds = array<i64: 512, 512>}, {pipeline_mode = #tpu.pipeline_mode<synchronous>, transform_indices = @transform_16, window_bounds = array<i64: 1, 512>}, {pipeline_mode = #tpu.pipeline_mode<synchronous>, transform_indices = @transform_17, window_bounds = array<i64: 512, 2048>}, {pipeline_mode = #tpu.pipeline_mode<synchronous>, transform_indices = @transform_18, window_bounds = array<i64: 1, 2048>}, {pipeline_mode = #tpu.pipeline_mode<synchronous>, transform_indices = @transform_19, window_bounds = array<i64: 2048, 512>}, {pipeline_mode = #tpu.pipeline_mode<synchronous>, transform_indices = @transform_20, window_bounds = array<i64: 1, 512>}, {pipeline_mode = #tpu.pipeline_mode<synchronous>, transform_indices = @transform_21, window_bounds = array<i64: 1, 512>}, {pipeline_mode = #tpu.pipeline_mode<synchronous>, transform_indices = @transform_22, window_bounds = array<i64: 1, 512>}, {pipeline_mode = #tpu.pipeline_mode<synchronous>, transform_indices = @transform_23, window_bounds = array<i64: 1, 512>}, {pipeline_mode = #tpu.pipeline_mode<synchronous>, transform_indices = @transform_24, window_bounds = array<i64: 1, 512>}, {pipeline_mode = #tpu.pipeline_mode<synchronous>, transform_indices = @transform_25, window_bounds = array<i64: 1, 512>}, {pipeline_mode = #tpu.pipeline_mode<synchronous>, transform_indices = @transform_26, window_bounds = array<i64: 1, 512>}, {transform_indices = @transform_27, window_bounds = array<i64: 1, 512, 512>}]} {
    %get3A = arith.constant 0 : index
    %get3A_0 = arith.constant 0 : index
    %get3A_1 = arith.constant 0 : index
    %get3A_2 = vector.load %arg1[%get3A, %get3A_0, %get3A_1] : memref<1x512x512xf32, #tpu.memory_space<vmem>>, vector<1x512x512xf32>
    %get3A_3 = vector.shape_cast %get3A_2 : vector<1x512x512xf32> to vector<512x512xf32>
    %get3A_4 = arith.constant 0 : index
    %get3A_5 = arith.constant 0 : index
    %get3A_6 = vector.load %arg2[%get3A_4, %get3A_5] : memref<512x512xf32, #tpu.memory_space<vmem>>, vector<512x512xf32>
    %get3A_7 = arith.constant 0 : index
    %get3A_8 = arith.constant 0 : index
    %get3A_9 = vector.load %arg3[%get3A_7, %get3A_8] : memref<1x512xf32, #tpu.memory_space<vmem>>, vector<1x512xf32>
    %get3A_10 = arith.constant 0 : index
    %get3A_11 = arith.constant 0 : index
    %get3A_12 = vector.load %arg4[%get3A_10, %get3A_11] : memref<512x512xf32, #tpu.memory_space<vmem>>, vector<512x512xf32>
    %get3A_13 = arith.constant 0 : index
    %get3A_14 = arith.constant 0 : index
    %get3A_15 = vector.load %arg5[%get3A_13, %get3A_14] : memref<1x512xf32, #tpu.memory_space<vmem>>, vector<1x512xf32>
    %get3A_16 = arith.constant 0 : index
    %get3A_17 = arith.constant 0 : index
    %get3A_18 = vector.load %arg6[%get3A_16, %get3A_17] : memref<512x512xf32, #tpu.memory_space<vmem>>, vector<512x512xf32>
    %get3A_19 = arith.constant 0 : index
    %get3A_20 = arith.constant 0 : index
    %get3A_21 = vector.load %arg7[%get3A_19, %get3A_20] : memref<1x512xf32, #tpu.memory_space<vmem>>, vector<1x512xf32>
    %get3A_22 = arith.constant 0 : index
    %get3A_23 = arith.constant 0 : index
    %get3A_24 = vector.load %arg8[%get3A_22, %get3A_23] : memref<512x512xf32, #tpu.memory_space<vmem>>, vector<512x512xf32>
    %get3A_25 = arith.constant 0 : index
    %get3A_26 = arith.constant 0 : index
    %get3A_27 = vector.load %arg9[%get3A_25, %get3A_26] : memref<1x512xf32, #tpu.memory_space<vmem>>, vector<1x512xf32>
    %get3A_28 = arith.constant 0 : index
    %get3A_29 = arith.constant 0 : index
    %get3A_30 = vector.load %arg10[%get3A_28, %get3A_29] : memref<512x512xf32, #tpu.memory_space<vmem>>, vector<512x512xf32>
    %get3A_31 = arith.constant 0 : index
    %get3A_32 = arith.constant 0 : index
    %get3A_33 = vector.load %arg11[%get3A_31, %get3A_32] : memref<1x512xf32, #tpu.memory_space<vmem>>, vector<1x512xf32>
    %get3A_34 = arith.constant 0 : index
    %get3A_35 = arith.constant 0 : index
    %get3A_36 = vector.load %arg12[%get3A_34, %get3A_35] : memref<512x512xf32, #tpu.memory_space<vmem>>, vector<512x512xf32>
    %get3A_37 = arith.constant 0 : index
    %get3A_38 = arith.constant 0 : index
    %get3A_39 = vector.load %arg13[%get3A_37, %get3A_38] : memref<1x512xf32, #tpu.memory_space<vmem>>, vector<1x512xf32>
    %get3A_40 = arith.constant 0 : index
    %get3A_41 = arith.constant 0 : index
    %get3A_42 = vector.load %arg14[%get3A_40, %get3A_41] : memref<512x512xf32, #tpu.memory_space<vmem>>, vector<512x512xf32>
    %get3A_43 = arith.constant 0 : index
    %get3A_44 = arith.constant 0 : index
    %get3A_45 = vector.load %arg15[%get3A_43, %get3A_44] : memref<1x512xf32, #tpu.memory_space<vmem>>, vector<1x512xf32>
    %get3A_46 = arith.constant 0 : index
    %get3A_47 = arith.constant 0 : index
    %get3A_48 = vector.load %arg16[%get3A_46, %get3A_47] : memref<512x512xf32, #tpu.memory_space<vmem>>, vector<512x512xf32>
    %get3A_49 = arith.constant 0 : index
    %get3A_50 = arith.constant 0 : index
    %get3A_51 = vector.load %arg17[%get3A_49, %get3A_50] : memref<1x512xf32, #tpu.memory_space<vmem>>, vector<1x512xf32>
    %get3A_52 = arith.constant 0 : index
    %get3A_53 = arith.constant 0 : index
    %get3A_54 = vector.load %arg18[%get3A_52, %get3A_53] : memref<512x2048xf32, #tpu.memory_space<vmem>>, vector<512x2048xf32>
    %get3A_55 = arith.constant 0 : index
    %get3A_56 = arith.constant 0 : index
    %get3A_57 = vector.load %arg19[%get3A_55, %get3A_56] : memref<1x2048xf32, #tpu.memory_space<vmem>>, vector<1x2048xf32>
    %get3A_58 = arith.constant 0 : index
    %get3A_59 = arith.constant 0 : index
    %get3A_60 = vector.load %arg20[%get3A_58, %get3A_59] : memref<2048x512xf32, #tpu.memory_space<vmem>>, vector<2048x512xf32>
    %get3A_61 = arith.constant 0 : index
    %get3A_62 = arith.constant 0 : index
    %get3A_63 = vector.load %arg21[%get3A_61, %get3A_62] : memref<1x512xf32, #tpu.memory_space<vmem>>, vector<1x512xf32>
    %get3A_64 = arith.constant 0 : index
    %get3A_65 = arith.constant 0 : index
    %get3A_66 = vector.load %arg22[%get3A_64, %get3A_65] : memref<1x512xf32, #tpu.memory_space<vmem>>, vector<1x512xf32>
    %get3A_67 = arith.constant 0 : index
    %get3A_68 = arith.constant 0 : index
    %get3A_69 = vector.load %arg23[%get3A_67, %get3A_68] : memref<1x512xf32, #tpu.memory_space<vmem>>, vector<1x512xf32>
    %get3A_70 = arith.constant 0 : index
    %get3A_71 = arith.constant 0 : index
    %get3A_72 = vector.load %arg24[%get3A_70, %get3A_71] : memref<1x512xf32, #tpu.memory_space<vmem>>, vector<1x512xf32>
    %get3A_73 = arith.constant 0 : index
    %get3A_74 = arith.constant 0 : index
    %get3A_75 = vector.load %arg25[%get3A_73, %get3A_74] : memref<1x512xf32, #tpu.memory_space<vmem>>, vector<1x512xf32>
    %get3A_76 = arith.constant 0 : index
    %get3A_77 = arith.constant 0 : index
    %get3A_78 = vector.load %arg26[%get3A_76, %get3A_77] : memref<1x512xf32, #tpu.memory_space<vmem>>, vector<1x512xf32>
    %get3A_79 = arith.constant 0 : index
    %get3A_80 = arith.constant 0 : index
    %get3A_81 = vector.load %arg27[%get3A_79, %get3A_80] : memref<1x512xf32, #tpu.memory_space<vmem>>, vector<1x512xf32>
    %convert_element_type3A = arith.truncf %get3A_3 : vector<512x512xf32> to vector<512x512xbf16>
    %convert_element_type3A_82 = arith.truncf %get3A_6 : vector<512x512xf32> to vector<512x512xbf16>
    %dot_general3A = arith.constant dense<0.000000e+00> : vector<512x512xf32>
    %dot_general3A_83 = tpu.matmul %convert_element_type3A, %convert_element_type3A_82, %dot_general3A {dimension_numbers = #tpu.dot_dimension_numbers<[1], [0], [0], [1], [0, 0, 1, 1], [], []>, transpose_lhs_hint = false} : vector<512x512xbf16>, vector<512x512xbf16>, vector<512x512xf32> -> vector<512x512xf32>
    %add3A = vector.broadcast %get3A_9 : vector<1x512xf32> to vector<512x512xf32>
    %add3A_84 = arith.addf %dot_general3A_83, %add3A : vector<512x512xf32>
    %mul3A = arith.constant 1.250000e-01 : f32
    %mul3A_85 = vector.broadcast %mul3A : f32 to vector<512x512xf32>
    %mul3A_86 = arith.mulf %add3A_84, %mul3A_85 : vector<512x512xf32>
    %convert_element_type3A_87 = arith.truncf %get3A_3 : vector<512x512xf32> to vector<512x512xbf16>
    %convert_element_type3A_88 = arith.truncf %get3A_12 : vector<512x512xf32> to vector<512x512xbf16>
    %dot_general3A_89 = arith.constant dense<0.000000e+00> : vector<512x512xf32>
    %dot_general3A_90 = tpu.matmul %convert_element_type3A_87, %convert_element_type3A_88, %dot_general3A_89 {dimension_numbers = #tpu.dot_dimension_numbers<[1], [0], [0], [1], [0, 0, 1, 1], [], []>, transpose_lhs_hint = false} : vector<512x512xbf16>, vector<512x512xbf16>, vector<512x512xf32> -> vector<512x512xf32>
    %add3A_91 = vector.broadcast %get3A_15 : vector<1x512xf32> to vector<512x512xf32>
    %add3A_92 = arith.addf %dot_general3A_90, %add3A_91 : vector<512x512xf32>
    %convert_element_type3A_93 = arith.truncf %get3A_3 : vector<512x512xf32> to vector<512x512xbf16>
    %convert_element_type3A_94 = arith.truncf %get3A_18 : vector<512x512xf32> to vector<512x512xbf16>
    %dot_general3A_95 = arith.constant dense<0.000000e+00> : vector<512x512xf32>
    %dot_general3A_96 = tpu.matmul %convert_element_type3A_93, %convert_element_type3A_94, %dot_general3A_95 {dimension_numbers = #tpu.dot_dimension_numbers<[1], [0], [0], [1], [0, 0, 1, 1], [], []>, transpose_lhs_hint = false} : vector<512x512xbf16>, vector<512x512xbf16>, vector<512x512xf32> -> vector<512x512xf32>
    %add3A_97 = vector.broadcast %get3A_21 : vector<1x512xf32> to vector<512x512xf32>
    %add3A_98 = arith.addf %dot_general3A_96, %add3A_97 : vector<512x512xf32>
    %convert_element_type3A_99 = arith.truncf %add3A_98 : vector<512x512xf32> to vector<512x512xbf16>
    %slice3A = vector.extract_strided_slice %mul3A_86 {offsets = [0, 0], sizes = [512, 64], strides = [1, 1]} : vector<512x512xf32> to vector<512x64xf32>
    %slice3A_100 = vector.extract_strided_slice %add3A_92 {offsets = [0, 0], sizes = [512, 64], strides = [1, 1]} : vector<512x512xf32> to vector<512x64xf32>
    %slice3A_101 = vector.extract_strided_slice %convert_element_type3A_99 {offsets = [0, 0], sizes = [512, 64], strides = [1, 1]} : vector<512x512xbf16> to vector<512x64xbf16>
    %slice3A_102 = vector.extract_strided_slice %slice3A {offsets = [0, 0], sizes = [128, 64], strides = [1, 1]} : vector<512x64xf32> to vector<128x64xf32>
    %slice3A_103 = vector.extract_strided_slice %slice3A_100 {offsets = [0, 0], sizes = [128, 64], strides = [1, 1]} : vector<512x64xf32> to vector<128x64xf32>
    %convert_element_type3A_104 = arith.truncf %slice3A_102 : vector<128x64xf32> to vector<128x64xbf16>
    %convert_element_type3A_105 = arith.truncf %slice3A_103 : vector<128x64xf32> to vector<128x64xbf16>
    %dot_general3A_106 = arith.constant dense<0.000000e+00> : vector<128x128xf32>
    %dot_general3A_107 = tpu.matmul %convert_element_type3A_104, %convert_element_type3A_105, %dot_general3A_106 {dimension_numbers = #tpu.dot_dimension_numbers<[1], [1], [0], [0], [0, 0, 1, 0], [], []>, transpose_lhs_hint = false} : vector<128x64xbf16>, vector<128x64xbf16>, vector<128x128xf32> -> vector<128x128xf32>
    %iota3A = tpu.iota {dimensions = array<i32: 0>} : vector<128x128xi32>
    %add3A_108 = arith.constant 0 : i32
    %add3A_109 = vector.broadcast %add3A_108 : i32 to vector<128x128xi32>
    %add3A_110 = arith.addi %iota3A, %add3A_109 : vector<128x128xi32>
    %iota3A_111 = tpu.iota {dimensions = array<i32: 1>} : vector<128x128xi32>
    %ge3A = arith.cmpi sge, %add3A_110, %iota3A_111 : vector<128x128xi32>
    %sub3A = arith.constant 2.000000e+01 : f32
    %sub3A_112 = vector.broadcast %sub3A : f32 to vector<128x128xf32>
    %sub3A_113 = arith.subf %dot_general3A_107, %sub3A_112 : vector<128x128xf32>
    %exp3A = math.exp %sub3A_113 : vector<128x128xf32>
    %jit3A = arith.constant 0.000000e+00 : f32
    %broadcast_in_dim3A = vector.broadcast %jit3A : f32 to vector<128x128xf32>
    %select_n3A = arith.select %ge3A, %exp3A, %broadcast_in_dim3A : vector<128x128xi1>, vector<128x128xf32>
    %convert_element_type3A_114 = arith.truncf %select_n3A : vector<128x128xf32> to vector<128x128xbf16>
    %convert_element_type3A_115 = arith.extf %convert_element_type3A_114 : vector<128x128xbf16> to vector<128x128xf32>
    %reduce_sum3A = arith.constant dense<0.000000e+00> : vector<128xf32>
    %reduce_sum3A_116 = vector.multi_reduction <add>, %convert_element_type3A_115, %reduce_sum3A [1] : vector<128x128xf32> to vector<128xf32>
    %broadcast_in_dim3A_117 = vector.shape_cast %reduce_sum3A_116 : vector<128xf32> to vector<128x1xf32>
    %div3A = arith.constant 1.000000e+00 : f32
    %div3A_118 = vector.broadcast %div3A : f32 to vector<128x1xf32>
    %div3A_119 = arith.divf %div3A_118, %broadcast_in_dim3A_117 : vector<128x1xf32>
    %slice3A_120 = vector.extract_strided_slice %slice3A_101 {offsets = [0, 0], sizes = [128, 64], strides = [1, 1]} : vector<512x64xbf16> to vector<128x64xbf16>
    %dot_general3A_121 = arith.constant dense<0.000000e+00> : vector<128x64xf32>
    %dot_general3A_122 = tpu.matmul %convert_element_type3A_114, %slice3A_120, %dot_general3A_121 {dimension_numbers = #tpu.dot_dimension_numbers<[1], [0], [0], [1], [0, 0, 1, 1], [], []>, transpose_lhs_hint = false} : vector<128x128xbf16>, vector<128x64xbf16>, vector<128x64xf32> -> vector<128x64xf32>
    %mul3A_123 = vector.broadcast %div3A_119 : vector<128x1xf32> to vector<128x64xf32>
    %mul3A_124 = arith.mulf %dot_general3A_122, %mul3A_123 : vector<128x64xf32>
    %slice3A_125 = vector.extract_strided_slice %slice3A {offsets = [128, 0], sizes = [128, 64], strides = [1, 1]} : vector<512x64xf32> to vector<128x64xf32>
    %slice3A_126 = vector.extract_strided_slice %slice3A_100 {offsets = [0, 0], sizes = [256, 64], strides = [1, 1]} : vector<512x64xf32> to vector<256x64xf32>
    %convert_element_type3A_127 = arith.truncf %slice3A_125 : vector<128x64xf32> to vector<128x64xbf16>
    %convert_element_type3A_128 = arith.truncf %slice3A_126 : vector<256x64xf32> to vector<256x64xbf16>
    %dot_general3A_129 = arith.constant dense<0.000000e+00> : vector<128x256xf32>
    %dot_general3A_130 = tpu.matmul %convert_element_type3A_127, %convert_element_type3A_128, %dot_general3A_129 {dimension_numbers = #tpu.dot_dimension_numbers<[1], [1], [0], [0], [0, 0, 1, 0], [], []>, transpose_lhs_hint = false} : vector<128x64xbf16>, vector<256x64xbf16>, vector<128x256xf32> -> vector<128x256xf32>
    %iota3A_131 = tpu.iota {dimensions = array<i32: 0>} : vector<128x256xi32>
    %add3A_132 = arith.constant 128 : i32
    %add3A_133 = vector.broadcast %add3A_132 : i32 to vector<128x256xi32>
    %add3A_134 = arith.addi %iota3A_131, %add3A_133 : vector<128x256xi32>
    %iota3A_135 = tpu.iota {dimensions = array<i32: 1>} : vector<128x256xi32>
    %ge3A_136 = arith.cmpi sge, %add3A_134, %iota3A_135 : vector<128x256xi32>
    %sub3A_137 = arith.constant 2.000000e+01 : f32
    %sub3A_138 = vector.broadcast %sub3A_137 : f32 to vector<128x256xf32>
    %sub3A_139 = arith.subf %dot_general3A_130, %sub3A_138 : vector<128x256xf32>
    %exp3A_140 = math.exp %sub3A_139 : vector<128x256xf32>
    %jit3A_141 = arith.constant 0.000000e+00 : f32
    %broadcast_in_dim3A_142 = vector.broadcast %jit3A_141 : f32 to vector<128x256xf32>
    %select_n3A_143 = arith.select %ge3A_136, %exp3A_140, %broadcast_in_dim3A_142 : vector<128x256xi1>, vector<128x256xf32>
    %convert_element_type3A_144 = arith.truncf %select_n3A_143 : vector<128x256xf32> to vector<128x256xbf16>
    %convert_element_type3A_145 = arith.extf %convert_element_type3A_144 : vector<128x256xbf16> to vector<128x256xf32>
    %reduce_sum3A_146 = arith.constant dense<0.000000e+00> : vector<128xf32>
    %reduce_sum3A_147 = vector.multi_reduction <add>, %convert_element_type3A_145, %reduce_sum3A_146 [1] : vector<128x256xf32> to vector<128xf32>
    %broadcast_in_dim3A_148 = vector.shape_cast %reduce_sum3A_147 : vector<128xf32> to vector<128x1xf32>
    %div3A_149 = arith.constant 1.000000e+00 : f32
    %div3A_150 = vector.broadcast %div3A_149 : f32 to vector<128x1xf32>
    %div3A_151 = arith.divf %div3A_150, %broadcast_in_dim3A_148 : vector<128x1xf32>
    %slice3A_152 = vector.extract_strided_slice %slice3A_101 {offsets = [0, 0], sizes = [256, 64], strides = [1, 1]} : vector<512x64xbf16> to vector<256x64xbf16>
    %dot_general3A_153 = arith.constant dense<0.000000e+00> : vector<128x64xf32>
    %dot_general3A_154 = tpu.matmul %convert_element_type3A_144, %slice3A_152, %dot_general3A_153 {dimension_numbers = #tpu.dot_dimension_numbers<[1], [0], [0], [1], [0, 0, 1, 1], [], []>, transpose_lhs_hint = false} : vector<128x256xbf16>, vector<256x64xbf16>, vector<128x64xf32> -> vector<128x64xf32>
    %mul3A_155 = vector.broadcast %div3A_151 : vector<128x1xf32> to vector<128x64xf32>
    %mul3A_156 = arith.mulf %dot_general3A_154, %mul3A_155 : vector<128x64xf32>
    %slice3A_157 = vector.extract_strided_slice %slice3A {offsets = [256, 0], sizes = [128, 64], strides = [1, 1]} : vector<512x64xf32> to vector<128x64xf32>
    %slice3A_158 = vector.extract_strided_slice %slice3A_100 {offsets = [0, 0], sizes = [384, 64], strides = [1, 1]} : vector<512x64xf32> to vector<384x64xf32>
    %convert_element_type3A_159 = arith.truncf %slice3A_157 : vector<128x64xf32> to vector<128x64xbf16>
    %convert_element_type3A_160 = arith.truncf %slice3A_158 : vector<384x64xf32> to vector<384x64xbf16>
    %dot_general3A_161 = arith.constant dense<0.000000e+00> : vector<128x384xf32>
    %dot_general3A_162 = tpu.matmul %convert_element_type3A_159, %convert_element_type3A_160, %dot_general3A_161 {dimension_numbers = #tpu.dot_dimension_numbers<[1], [1], [0], [0], [0, 0, 1, 0], [], []>, transpose_lhs_hint = false} : vector<128x64xbf16>, vector<384x64xbf16>, vector<128x384xf32> -> vector<128x384xf32>
    %iota3A_163 = tpu.iota {dimensions = array<i32: 0>} : vector<128x384xi32>
    %add3A_164 = arith.constant 256 : i32
    %add3A_165 = vector.broadcast %add3A_164 : i32 to vector<128x384xi32>
    %add3A_166 = arith.addi %iota3A_163, %add3A_165 : vector<128x384xi32>
    %iota3A_167 = tpu.iota {dimensions = array<i32: 1>} : vector<128x384xi32>
    %ge3A_168 = arith.cmpi sge, %add3A_166, %iota3A_167 : vector<128x384xi32>
    %sub3A_169 = arith.constant 2.000000e+01 : f32
    %sub3A_170 = vector.broadcast %sub3A_169 : f32 to vector<128x384xf32>
    %sub3A_171 = arith.subf %dot_general3A_162, %sub3A_170 : vector<128x384xf32>
    %exp3A_172 = math.exp %sub3A_171 : vector<128x384xf32>
    %jit3A_173 = arith.constant 0.000000e+00 : f32
    %broadcast_in_dim3A_174 = vector.broadcast %jit3A_173 : f32 to vector<128x384xf32>
    %select_n3A_175 = arith.select %ge3A_168, %exp3A_172, %broadcast_in_dim3A_174 : vector<128x384xi1>, vector<128x384xf32>
    %convert_element_type3A_176 = arith.truncf %select_n3A_175 : vector<128x384xf32> to vector<128x384xbf16>
    %convert_element_type3A_177 = arith.extf %convert_element_type3A_176 : vector<128x384xbf16> to vector<128x384xf32>
    %reduce_sum3A_178 = arith.constant dense<0.000000e+00> : vector<128xf32>
    %reduce_sum3A_179 = vector.multi_reduction <add>, %convert_element_type3A_177, %reduce_sum3A_178 [1] : vector<128x384xf32> to vector<128xf32>
    %broadcast_in_dim3A_180 = vector.shape_cast %reduce_sum3A_179 : vector<128xf32> to vector<128x1xf32>
    %div3A_181 = arith.constant 1.000000e+00 : f32
    %div3A_182 = vector.broadcast %div3A_181 : f32 to vector<128x1xf32>
    %div3A_183 = arith.divf %div3A_182, %broadcast_in_dim3A_180 : vector<128x1xf32>
    %slice3A_184 = vector.extract_strided_slice %slice3A_101 {offsets = [0, 0], sizes = [384, 64], strides = [1, 1]} : vector<512x64xbf16> to vector<384x64xbf16>
    %dot_general3A_185 = arith.constant dense<0.000000e+00> : vector<128x64xf32>
    %dot_general3A_186 = tpu.matmul %convert_element_type3A_176, %slice3A_184, %dot_general3A_185 {dimension_numbers = #tpu.dot_dimension_numbers<[1], [0], [0], [1], [0, 0, 1, 1], [], []>, transpose_lhs_hint = false} : vector<128x384xbf16>, vector<384x64xbf16>, vector<128x64xf32> -> vector<128x64xf32>
    %mul3A_187 = vector.broadcast %div3A_183 : vector<128x1xf32> to vector<128x64xf32>
    %mul3A_188 = arith.mulf %dot_general3A_186, %mul3A_187 : vector<128x64xf32>
    %slice3A_189 = vector.extract_strided_slice %slice3A {offsets = [384, 0], sizes = [128, 64], strides = [1, 1]} : vector<512x64xf32> to vector<128x64xf32>
    %convert_element_type3A_190 = arith.truncf %slice3A_189 : vector<128x64xf32> to vector<128x64xbf16>
    %convert_element_type3A_191 = arith.truncf %slice3A_100 : vector<512x64xf32> to vector<512x64xbf16>
    %dot_general3A_192 = arith.constant dense<0.000000e+00> : vector<128x512xf32>
    %dot_general3A_193 = tpu.matmul %convert_element_type3A_190, %convert_element_type3A_191, %dot_general3A_192 {dimension_numbers = #tpu.dot_dimension_numbers<[1], [1], [0], [0], [0, 0, 1, 0], [], []>, transpose_lhs_hint = false} : vector<128x64xbf16>, vector<512x64xbf16>, vector<128x512xf32> -> vector<128x512xf32>
    %iota3A_194 = tpu.iota {dimensions = array<i32: 0>} : vector<128x512xi32>
    %add3A_195 = arith.constant 384 : i32
    %add3A_196 = vector.broadcast %add3A_195 : i32 to vector<128x512xi32>
    %add3A_197 = arith.addi %iota3A_194, %add3A_196 : vector<128x512xi32>
    %iota3A_198 = tpu.iota {dimensions = array<i32: 1>} : vector<128x512xi32>
    %ge3A_199 = arith.cmpi sge, %add3A_197, %iota3A_198 : vector<128x512xi32>
    %sub3A_200 = arith.constant 2.000000e+01 : f32
    %sub3A_201 = vector.broadcast %sub3A_200 : f32 to vector<128x512xf32>
    %sub3A_202 = arith.subf %dot_general3A_193, %sub3A_201 : vector<128x512xf32>
    %exp3A_203 = math.exp %sub3A_202 : vector<128x512xf32>
    %jit3A_204 = arith.constant 0.000000e+00 : f32
    %broadcast_in_dim3A_205 = vector.broadcast %jit3A_204 : f32 to vector<128x512xf32>
    %select_n3A_206 = arith.select %ge3A_199, %exp3A_203, %broadcast_in_dim3A_205 : vector<128x512xi1>, vector<128x512xf32>
    %convert_element_type3A_207 = arith.truncf %select_n3A_206 : vector<128x512xf32> to vector<128x512xbf16>
    %convert_element_type3A_208 = arith.extf %convert_element_type3A_207 : vector<128x512xbf16> to vector<128x512xf32>
    %reduce_sum3A_209 = arith.constant dense<0.000000e+00> : vector<128xf32>
    %reduce_sum3A_210 = vector.multi_reduction <add>, %convert_element_type3A_208, %reduce_sum3A_209 [1] : vector<128x512xf32> to vector<128xf32>
    %broadcast_in_dim3A_211 = vector.shape_cast %reduce_sum3A_210 : vector<128xf32> to vector<128x1xf32>
    %div3A_212 = arith.constant 1.000000e+00 : f32
    %div3A_213 = vector.broadcast %div3A_212 : f32 to vector<128x1xf32>
    %div3A_214 = arith.divf %div3A_213, %broadcast_in_dim3A_211 : vector<128x1xf32>
    %dot_general3A_215 = arith.constant dense<0.000000e+00> : vector<128x64xf32>
    %dot_general3A_216 = tpu.matmul %convert_element_type3A_207, %slice3A_101, %dot_general3A_215 {dimension_numbers = #tpu.dot_dimension_numbers<[1], [0], [0], [1], [0, 0, 1, 1], [], []>, transpose_lhs_hint = false} : vector<128x512xbf16>, vector<512x64xbf16>, vector<128x64xf32> -> vector<128x64xf32>
    %mul3A_217 = vector.broadcast %div3A_214 : vector<128x1xf32> to vector<128x64xf32>
    %mul3A_218 = arith.mulf %dot_general3A_216, %mul3A_217 : vector<128x64xf32>
    %concatenate3A = tpu.concatenate %mul3A_124, %mul3A_156, %mul3A_188, %mul3A_218 in 0 : vector<128x64xf32>, vector<128x64xf32>, vector<128x64xf32>, vector<128x64xf32> -> vector<512x64xf32>
    %convert_element_type3A_219 = arith.truncf %concatenate3A : vector<512x64xf32> to vector<512x64xbf16>
    %slice3A_220 = vector.extract_strided_slice %mul3A_86 {offsets = [0, 64], sizes = [512, 64], strides = [1, 1]} : vector<512x512xf32> to vector<512x64xf32>
    %slice3A_221 = vector.extract_strided_slice %add3A_92 {offsets = [0, 64], sizes = [512, 64], strides = [1, 1]} : vector<512x512xf32> to vector<512x64xf32>
    %slice3A_222 = vector.extract_strided_slice %convert_element_type3A_99 {offsets = [0, 64], sizes = [512, 64], strides = [1, 1]} : vector<512x512xbf16> to vector<512x64xbf16>
    %slice3A_223 = vector.extract_strided_slice %slice3A_220 {offsets = [0, 0], sizes = [128, 64], strides = [1, 1]} : vector<512x64xf32> to vector<128x64xf32>
    %slice3A_224 = vector.extract_strided_slice %slice3A_221 {offsets = [0, 0], sizes = [128, 64], strides = [1, 1]} : vector<512x64xf32> to vector<128x64xf32>
    %convert_element_type3A_225 = arith.truncf %slice3A_223 : vector<128x64xf32> to vector<128x64xbf16>
    %convert_element_type3A_226 = arith.truncf %slice3A_224 : vector<128x64xf32> to vector<128x64xbf16>
    %dot_general3A_227 = arith.constant dense<0.000000e+00> : vector<128x128xf32>
    %dot_general3A_228 = tpu.matmul %convert_element_type3A_225, %convert_element_type3A_226, %dot_general3A_227 {dimension_numbers = #tpu.dot_dimension_numbers<[1], [1], [0], [0], [0, 0, 1, 0], [], []>, transpose_lhs_hint = false} : vector<128x64xbf16>, vector<128x64xbf16>, vector<128x128xf32> -> vector<128x128xf32>
    %iota3A_229 = tpu.iota {dimensions = array<i32: 0>} : vector<128x128xi32>
    %add3A_230 = arith.constant 0 : i32
    %add3A_231 = vector.broadcast %add3A_230 : i32 to vector<128x128xi32>
    %add3A_232 = arith.addi %iota3A_229, %add3A_231 : vector<128x128xi32>
    %iota3A_233 = tpu.iota {dimensions = array<i32: 1>} : vector<128x128xi32>
    %ge3A_234 = arith.cmpi sge, %add3A_232, %iota3A_233 : vector<128x128xi32>
    %sub3A_235 = arith.constant 2.000000e+01 : f32
    %sub3A_236 = vector.broadcast %sub3A_235 : f32 to vector<128x128xf32>
    %sub3A_237 = arith.subf %dot_general3A_228, %sub3A_236 : vector<128x128xf32>
    %exp3A_238 = math.exp %sub3A_237 : vector<128x128xf32>
    %jit3A_239 = arith.constant 0.000000e+00 : f32
    %broadcast_in_dim3A_240 = vector.broadcast %jit3A_239 : f32 to vector<128x128xf32>
    %select_n3A_241 = arith.select %ge3A_234, %exp3A_238, %broadcast_in_dim3A_240 : vector<128x128xi1>, vector<128x128xf32>
    %convert_element_type3A_242 = arith.truncf %select_n3A_241 : vector<128x128xf32> to vector<128x128xbf16>
    %convert_element_type3A_243 = arith.extf %convert_element_type3A_242 : vector<128x128xbf16> to vector<128x128xf32>
    %reduce_sum3A_244 = arith.constant dense<0.000000e+00> : vector<128xf32>
    %reduce_sum3A_245 = vector.multi_reduction <add>, %convert_element_type3A_243, %reduce_sum3A_244 [1] : vector<128x128xf32> to vector<128xf32>
    %broadcast_in_dim3A_246 = vector.shape_cast %reduce_sum3A_245 : vector<128xf32> to vector<128x1xf32>
    %div3A_247 = arith.constant 1.000000e+00 : f32
    %div3A_248 = vector.broadcast %div3A_247 : f32 to vector<128x1xf32>
    %div3A_249 = arith.divf %div3A_248, %broadcast_in_dim3A_246 : vector<128x1xf32>
    %slice3A_250 = vector.extract_strided_slice %slice3A_222 {offsets = [0, 0], sizes = [128, 64], strides = [1, 1]} : vector<512x64xbf16> to vector<128x64xbf16>
    %dot_general3A_251 = arith.constant dense<0.000000e+00> : vector<128x64xf32>
    %dot_general3A_252 = tpu.matmul %convert_element_type3A_242, %slice3A_250, %dot_general3A_251 {dimension_numbers = #tpu.dot_dimension_numbers<[1], [0], [0], [1], [0, 0, 1, 1], [], []>, transpose_lhs_hint = false} : vector<128x128xbf16>, vector<128x64xbf16>, vector<128x64xf32> -> vector<128x64xf32>
    %mul3A_253 = vector.broadcast %div3A_249 : vector<128x1xf32> to vector<128x64xf32>
    %mul3A_254 = arith.mulf %dot_general3A_252, %mul3A_253 : vector<128x64xf32>
    %slice3A_255 = vector.extract_strided_slice %slice3A_220 {offsets = [128, 0], sizes = [128, 64], strides = [1, 1]} : vector<512x64xf32> to vector<128x64xf32>
    %slice3A_256 = vector.extract_strided_slice %slice3A_221 {offsets = [0, 0], sizes = [256, 64], strides = [1, 1]} : vector<512x64xf32> to vector<256x64xf32>
    %convert_element_type3A_257 = arith.truncf %slice3A_255 : vector<128x64xf32> to vector<128x64xbf16>
    %convert_element_type3A_258 = arith.truncf %slice3A_256 : vector<256x64xf32> to vector<256x64xbf16>
    %dot_general3A_259 = arith.constant dense<0.000000e+00> : vector<128x256xf32>
    %dot_general3A_260 = tpu.matmul %convert_element_type3A_257, %convert_element_type3A_258, %dot_general3A_259 {dimension_numbers = #tpu.dot_dimension_numbers<[1], [1], [0], [0], [0, 0, 1, 0], [], []>, transpose_lhs_hint = false} : vector<128x64xbf16>, vector<256x64xbf16>, vector<128x256xf32> -> vector<128x256xf32>
    %iota3A_261 = tpu.iota {dimensions = array<i32: 0>} : vector<128x256xi32>
    %add3A_262 = arith.constant 128 : i32
    %add3A_263 = vector.broadcast %add3A_262 : i32 to vector<128x256xi32>
    %add3A_264 = arith.addi %iota3A_261, %add3A_263 : vector<128x256xi32>
    %iota3A_265 = tpu.iota {dimensions = array<i32: 1>} : vector<128x256xi32>
    %ge3A_266 = arith.cmpi sge, %add3A_264, %iota3A_265 : vector<128x256xi32>
    %sub3A_267 = arith.constant 2.000000e+01 : f32
    %sub3A_268 = vector.broadcast %sub3A_267 : f32 to vector<128x256xf32>
    %sub3A_269 = arith.subf %dot_general3A_260, %sub3A_268 : vector<128x256xf32>
    %exp3A_270 = math.exp %sub3A_269 : vector<128x256xf32>
    %jit3A_271 = arith.constant 0.000000e+00 : f32
    %broadcast_in_dim3A_272 = vector.broadcast %jit3A_271 : f32 to vector<128x256xf32>
    %select_n3A_273 = arith.select %ge3A_266, %exp3A_270, %broadcast_in_dim3A_272 : vector<128x256xi1>, vector<128x256xf32>
    %convert_element_type3A_274 = arith.truncf %select_n3A_273 : vector<128x256xf32> to vector<128x256xbf16>
    %convert_element_type3A_275 = arith.extf %convert_element_type3A_274 : vector<128x256xbf16> to vector<128x256xf32>
    %reduce_sum3A_276 = arith.constant dense<0.000000e+00> : vector<128xf32>
    %reduce_sum3A_277 = vector.multi_reduction <add>, %convert_element_type3A_275, %reduce_sum3A_276 [1] : vector<128x256xf32> to vector<128xf32>
    %broadcast_in_dim3A_278 = vector.shape_cast %reduce_sum3A_277 : vector<128xf32> to vector<128x1xf32>
    %div3A_279 = arith.constant 1.000000e+00 : f32
    %div3A_280 = vector.broadcast %div3A_279 : f32 to vector<128x1xf32>
    %div3A_281 = arith.divf %div3A_280, %broadcast_in_dim3A_278 : vector<128x1xf32>
    %slice3A_282 = vector.extract_strided_slice %slice3A_222 {offsets = [0, 0], sizes = [256, 64], strides = [1, 1]} : vector<512x64xbf16> to vector<256x64xbf16>
    %dot_general3A_283 = arith.constant dense<0.000000e+00> : vector<128x64xf32>
    %dot_general3A_284 = tpu.matmul %convert_element_type3A_274, %slice3A_282, %dot_general3A_283 {dimension_numbers = #tpu.dot_dimension_numbers<[1], [0], [0], [1], [0, 0, 1, 1], [], []>, transpose_lhs_hint = false} : vector<128x256xbf16>, vector<256x64xbf16>, vector<128x64xf32> -> vector<128x64xf32>
    %mul3A_285 = vector.broadcast %div3A_281 : vector<128x1xf32> to vector<128x64xf32>
    %mul3A_286 = arith.mulf %dot_general3A_284, %mul3A_285 : vector<128x64xf32>
    %slice3A_287 = vector.extract_strided_slice %slice3A_220 {offsets = [256, 0], sizes = [128, 64], strides = [1, 1]} : vector<512x64xf32> to vector<128x64xf32>
    %slice3A_288 = vector.extract_strided_slice %slice3A_221 {offsets = [0, 0], sizes = [384, 64], strides = [1, 1]} : vector<512x64xf32> to vector<384x64xf32>
    %convert_element_type3A_289 = arith.truncf %slice3A_287 : vector<128x64xf32> to vector<128x64xbf16>
    %convert_element_type3A_290 = arith.truncf %slice3A_288 : vector<384x64xf32> to vector<384x64xbf16>
    %dot_general3A_291 = arith.constant dense<0.000000e+00> : vector<128x384xf32>
    %dot_general3A_292 = tpu.matmul %convert_element_type3A_289, %convert_element_type3A_290, %dot_general3A_291 {dimension_numbers = #tpu.dot_dimension_numbers<[1], [1], [0], [0], [0, 0, 1, 0], [], []>, transpose_lhs_hint = false} : vector<128x64xbf16>, vector<384x64xbf16>, vector<128x384xf32> -> vector<128x384xf32>
    %iota3A_293 = tpu.iota {dimensions = array<i32: 0>} : vector<128x384xi32>
    %add3A_294 = arith.constant 256 : i32
    %add3A_295 = vector.broadcast %add3A_294 : i32 to vector<128x384xi32>
    %add3A_296 = arith.addi %iota3A_293, %add3A_295 : vector<128x384xi32>
    %iota3A_297 = tpu.iota {dimensions = array<i32: 1>} : vector<128x384xi32>
    %ge3A_298 = arith.cmpi sge, %add3A_296, %iota3A_297 : vector<128x384xi32>
    %sub3A_299 = arith.constant 2.000000e+01 : f32
    %sub3A_300 = vector.broadcast %sub3A_299 : f32 to vector<128x384xf32>
    %sub3A_301 = arith.subf %dot_general3A_292, %sub3A_300 : vector<128x384xf32>
    %exp3A_302 = math.exp %sub3A_301 : vector<128x384xf32>
    %jit3A_303 = arith.constant 0.000000e+00 : f32
    %broadcast_in_dim3A_304 = vector.broadcast %jit3A_303 : f32 to vector<128x384xf32>
    %select_n3A_305 = arith.select %ge3A_298, %exp3A_302, %broadcast_in_dim3A_304 : vector<128x384xi1>, vector<128x384xf32>
    %convert_element_type3A_306 = arith.truncf %select_n3A_305 : vector<128x384xf32> to vector<128x384xbf16>
    %convert_element_type3A_307 = arith.extf %convert_element_type3A_306 : vector<128x384xbf16> to vector<128x384xf32>
    %reduce_sum3A_308 = arith.constant dense<0.000000e+00> : vector<128xf32>
    %reduce_sum3A_309 = vector.multi_reduction <add>, %convert_element_type3A_307, %reduce_sum3A_308 [1] : vector<128x384xf32> to vector<128xf32>
    %broadcast_in_dim3A_310 = vector.shape_cast %reduce_sum3A_309 : vector<128xf32> to vector<128x1xf32>
    %div3A_311 = arith.constant 1.000000e+00 : f32
    %div3A_312 = vector.broadcast %div3A_311 : f32 to vector<128x1xf32>
    %div3A_313 = arith.divf %div3A_312, %broadcast_in_dim3A_310 : vector<128x1xf32>
    %slice3A_314 = vector.extract_strided_slice %slice3A_222 {offsets = [0, 0], sizes = [384, 64], strides = [1, 1]} : vector<512x64xbf16> to vector<384x64xbf16>
    %dot_general3A_315 = arith.constant dense<0.000000e+00> : vector<128x64xf32>
    %dot_general3A_316 = tpu.matmul %convert_element_type3A_306, %slice3A_314, %dot_general3A_315 {dimension_numbers = #tpu.dot_dimension_numbers<[1], [0], [0], [1], [0, 0, 1, 1], [], []>, transpose_lhs_hint = false} : vector<128x384xbf16>, vector<384x64xbf16>, vector<128x64xf32> -> vector<128x64xf32>
    %mul3A_317 = vector.broadcast %div3A_313 : vector<128x1xf32> to vector<128x64xf32>
    %mul3A_318 = arith.mulf %dot_general3A_316, %mul3A_317 : vector<128x64xf32>
    %slice3A_319 = vector.extract_strided_slice %slice3A_220 {offsets = [384, 0], sizes = [128, 64], strides = [1, 1]} : vector<512x64xf32> to vector<128x64xf32>
    %convert_element_type3A_320 = arith.truncf %slice3A_319 : vector<128x64xf32> to vector<128x64xbf16>
    %convert_element_type3A_321 = arith.truncf %slice3A_221 : vector<512x64xf32> to vector<512x64xbf16>
    %dot_general3A_322 = arith.constant dense<0.000000e+00> : vector<128x512xf32>
    %dot_general3A_323 = tpu.matmul %convert_element_type3A_320, %convert_element_type3A_321, %dot_general3A_322 {dimension_numbers = #tpu.dot_dimension_numbers<[1], [1], [0], [0], [0, 0, 1, 0], [], []>, transpose_lhs_hint = false} : vector<128x64xbf16>, vector<512x64xbf16>, vector<128x512xf32> -> vector<128x512xf32>
    %iota3A_324 = tpu.iota {dimensions = array<i32: 0>} : vector<128x512xi32>
    %add3A_325 = arith.constant 384 : i32
    %add3A_326 = vector.broadcast %add3A_325 : i32 to vector<128x512xi32>
    %add3A_327 = arith.addi %iota3A_324, %add3A_326 : vector<128x512xi32>
    %iota3A_328 = tpu.iota {dimensions = array<i32: 1>} : vector<128x512xi32>
    %ge3A_329 = arith.cmpi sge, %add3A_327, %iota3A_328 : vector<128x512xi32>
    %sub3A_330 = arith.constant 2.000000e+01 : f32
    %sub3A_331 = vector.broadcast %sub3A_330 : f32 to vector<128x512xf32>
    %sub3A_332 = arith.subf %dot_general3A_323, %sub3A_331 : vector<128x512xf32>
    %exp3A_333 = math.exp %sub3A_332 : vector<128x512xf32>
    %jit3A_334 = arith.constant 0.000000e+00 : f32
    %broadcast_in_dim3A_335 = vector.broadcast %jit3A_334 : f32 to vector<128x512xf32>
    %select_n3A_336 = arith.select %ge3A_329, %exp3A_333, %broadcast_in_dim3A_335 : vector<128x512xi1>, vector<128x512xf32>
    %convert_element_type3A_337 = arith.truncf %select_n3A_336 : vector<128x512xf32> to vector<128x512xbf16>
    %convert_element_type3A_338 = arith.extf %convert_element_type3A_337 : vector<128x512xbf16> to vector<128x512xf32>
    %reduce_sum3A_339 = arith.constant dense<0.000000e+00> : vector<128xf32>
    %reduce_sum3A_340 = vector.multi_reduction <add>, %convert_element_type3A_338, %reduce_sum3A_339 [1] : vector<128x512xf32> to vector<128xf32>
    %broadcast_in_dim3A_341 = vector.shape_cast %reduce_sum3A_340 : vector<128xf32> to vector<128x1xf32>
    %div3A_342 = arith.constant 1.000000e+00 : f32
    %div3A_343 = vector.broadcast %div3A_342 : f32 to vector<128x1xf32>
    %div3A_344 = arith.divf %div3A_343, %broadcast_in_dim3A_341 : vector<128x1xf32>
    %dot_general3A_345 = arith.constant dense<0.000000e+00> : vector<128x64xf32>
    %dot_general3A_346 = tpu.matmul %convert_element_type3A_337, %slice3A_222, %dot_general3A_345 {dimension_numbers = #tpu.dot_dimension_numbers<[1], [0], [0], [1], [0, 0, 1, 1], [], []>, transpose_lhs_hint = false} : vector<128x512xbf16>, vector<512x64xbf16>, vector<128x64xf32> -> vector<128x64xf32>
    %mul3A_347 = vector.broadcast %div3A_344 : vector<128x1xf32> to vector<128x64xf32>
    %mul3A_348 = arith.mulf %dot_general3A_346, %mul3A_347 : vector<128x64xf32>
    %concatenate3A_349 = tpu.concatenate %mul3A_254, %mul3A_286, %mul3A_318, %mul3A_348 in 0 : vector<128x64xf32>, vector<128x64xf32>, vector<128x64xf32>, vector<128x64xf32> -> vector<512x64xf32>
    %convert_element_type3A_350 = arith.truncf %concatenate3A_349 : vector<512x64xf32> to vector<512x64xbf16>
    %slice3A_351 = vector.extract_strided_slice %mul3A_86 {offsets = [0, 128], sizes = [512, 64], strides = [1, 1]} : vector<512x512xf32> to vector<512x64xf32>
    %slice3A_352 = vector.extract_strided_slice %add3A_92 {offsets = [0, 128], sizes = [512, 64], strides = [1, 1]} : vector<512x512xf32> to vector<512x64xf32>
    %slice3A_353 = vector.extract_strided_slice %convert_element_type3A_99 {offsets = [0, 128], sizes = [512, 64], strides = [1, 1]} : vector<512x512xbf16> to vector<512x64xbf16>
    %slice3A_354 = vector.extract_strided_slice %slice3A_351 {offsets = [0, 0], sizes = [128, 64], strides = [1, 1]} : vector<512x64xf32> to vector<128x64xf32>
    %slice3A_355 = vector.extract_strided_slice %slice3A_352 {offsets = [0, 0], sizes = [128, 64], strides = [1, 1]} : vector<512x64xf32> to vector<128x64xf32>
    %convert_element_type3A_356 = arith.truncf %slice3A_354 : vector<128x64xf32> to vector<128x64xbf16>
    %convert_element_type3A_357 = arith.truncf %slice3A_355 : vector<128x64xf32> to vector<128x64xbf16>
    %dot_general3A_358 = arith.constant dense<0.000000e+00> : vector<128x128xf32>
    %dot_general3A_359 = tpu.matmul %convert_element_type3A_356, %convert_element_type3A_357, %dot_general3A_358 {dimension_numbers = #tpu.dot_dimension_numbers<[1], [1], [0], [0], [0, 0, 1, 0], [], []>, transpose_lhs_hint = false} : vector<128x64xbf16>, vector<128x64xbf16>, vector<128x128xf32> -> vector<128x128xf32>
    %iota3A_360 = tpu.iota {dimensions = array<i32: 0>} : vector<128x128xi32>
    %add3A_361 = arith.constant 0 : i32
    %add3A_362 = vector.broadcast %add3A_361 : i32 to vector<128x128xi32>
    %add3A_363 = arith.addi %iota3A_360, %add3A_362 : vector<128x128xi32>
    %iota3A_364 = tpu.iota {dimensions = array<i32: 1>} : vector<128x128xi32>
    %ge3A_365 = arith.cmpi sge, %add3A_363, %iota3A_364 : vector<128x128xi32>
    %sub3A_366 = arith.constant 2.000000e+01 : f32
    %sub3A_367 = vector.broadcast %sub3A_366 : f32 to vector<128x128xf32>
    %sub3A_368 = arith.subf %dot_general3A_359, %sub3A_367 : vector<128x128xf32>
    %exp3A_369 = math.exp %sub3A_368 : vector<128x128xf32>
    %jit3A_370 = arith.constant 0.000000e+00 : f32
    %broadcast_in_dim3A_371 = vector.broadcast %jit3A_370 : f32 to vector<128x128xf32>
    %select_n3A_372 = arith.select %ge3A_365, %exp3A_369, %broadcast_in_dim3A_371 : vector<128x128xi1>, vector<128x128xf32>
    %convert_element_type3A_373 = arith.truncf %select_n3A_372 : vector<128x128xf32> to vector<128x128xbf16>
    %convert_element_type3A_374 = arith.extf %convert_element_type3A_373 : vector<128x128xbf16> to vector<128x128xf32>
    %reduce_sum3A_375 = arith.constant dense<0.000000e+00> : vector<128xf32>
    %reduce_sum3A_376 = vector.multi_reduction <add>, %convert_element_type3A_374, %reduce_sum3A_375 [1] : vector<128x128xf32> to vector<128xf32>
    %broadcast_in_dim3A_377 = vector.shape_cast %reduce_sum3A_376 : vector<128xf32> to vector<128x1xf32>
    %div3A_378 = arith.constant 1.000000e+00 : f32
    %div3A_379 = vector.broadcast %div3A_378 : f32 to vector<128x1xf32>
    %div3A_380 = arith.divf %div3A_379, %broadcast_in_dim3A_377 : vector<128x1xf32>
    %slice3A_381 = vector.extract_strided_slice %slice3A_353 {offsets = [0, 0], sizes = [128, 64], strides = [1, 1]} : vector<512x64xbf16> to vector<128x64xbf16>
    %dot_general3A_382 = arith.constant dense<0.000000e+00> : vector<128x64xf32>
    %dot_general3A_383 = tpu.matmul %convert_element_type3A_373, %slice3A_381, %dot_general3A_382 {dimension_numbers = #tpu.dot_dimension_numbers<[1], [0], [0], [1], [0, 0, 1, 1], [], []>, transpose_lhs_hint = false} : vector<128x128xbf16>, vector<128x64xbf16>, vector<128x64xf32> -> vector<128x64xf32>
    %mul3A_384 = vector.broadcast %div3A_380 : vector<128x1xf32> to vector<128x64xf32>
    %mul3A_385 = arith.mulf %dot_general3A_383, %mul3A_384 : vector<128x64xf32>
    %slice3A_386 = vector.extract_strided_slice %slice3A_351 {offsets = [128, 0], sizes = [128, 64], strides = [1, 1]} : vector<512x64xf32> to vector<128x64xf32>
    %slice3A_387 = vector.extract_strided_slice %slice3A_352 {offsets = [0, 0], sizes = [256, 64], strides = [1, 1]} : vector<512x64xf32> to vector<256x64xf32>
    %convert_element_type3A_388 = arith.truncf %slice3A_386 : vector<128x64xf32> to vector<128x64xbf16>
    %convert_element_type3A_389 = arith.truncf %slice3A_387 : vector<256x64xf32> to vector<256x64xbf16>
    %dot_general3A_390 = arith.constant dense<0.000000e+00> : vector<128x256xf32>
    %dot_general3A_391 = tpu.matmul %convert_element_type3A_388, %convert_element_type3A_389, %dot_general3A_390 {dimension_numbers = #tpu.dot_dimension_numbers<[1], [1], [0], [0], [0, 0, 1, 0], [], []>, transpose_lhs_hint = false} : vector<128x64xbf16>, vector<256x64xbf16>, vector<128x256xf32> -> vector<128x256xf32>
    %iota3A_392 = tpu.iota {dimensions = array<i32: 0>} : vector<128x256xi32>
    %add3A_393 = arith.constant 128 : i32
    %add3A_394 = vector.broadcast %add3A_393 : i32 to vector<128x256xi32>
    %add3A_395 = arith.addi %iota3A_392, %add3A_394 : vector<128x256xi32>
    %iota3A_396 = tpu.iota {dimensions = array<i32: 1>} : vector<128x256xi32>
    %ge3A_397 = arith.cmpi sge, %add3A_395, %iota3A_396 : vector<128x256xi32>
    %sub3A_398 = arith.constant 2.000000e+01 : f32
    %sub3A_399 = vector.broadcast %sub3A_398 : f32 to vector<128x256xf32>
    %sub3A_400 = arith.subf %dot_general3A_391, %sub3A_399 : vector<128x256xf32>
    %exp3A_401 = math.exp %sub3A_400 : vector<128x256xf32>
    %jit3A_402 = arith.constant 0.000000e+00 : f32
    %broadcast_in_dim3A_403 = vector.broadcast %jit3A_402 : f32 to vector<128x256xf32>
    %select_n3A_404 = arith.select %ge3A_397, %exp3A_401, %broadcast_in_dim3A_403 : vector<128x256xi1>, vector<128x256xf32>
    %convert_element_type3A_405 = arith.truncf %select_n3A_404 : vector<128x256xf32> to vector<128x256xbf16>
    %convert_element_type3A_406 = arith.extf %convert_element_type3A_405 : vector<128x256xbf16> to vector<128x256xf32>
    %reduce_sum3A_407 = arith.constant dense<0.000000e+00> : vector<128xf32>
    %reduce_sum3A_408 = vector.multi_reduction <add>, %convert_element_type3A_406, %reduce_sum3A_407 [1] : vector<128x256xf32> to vector<128xf32>
    %broadcast_in_dim3A_409 = vector.shape_cast %reduce_sum3A_408 : vector<128xf32> to vector<128x1xf32>
    %div3A_410 = arith.constant 1.000000e+00 : f32
    %div3A_411 = vector.broadcast %div3A_410 : f32 to vector<128x1xf32>
    %div3A_412 = arith.divf %div3A_411, %broadcast_in_dim3A_409 : vector<128x1xf32>
    %slice3A_413 = vector.extract_strided_slice %slice3A_353 {offsets = [0, 0], sizes = [256, 64], strides = [1, 1]} : vector<512x64xbf16> to vector<256x64xbf16>
    %dot_general3A_414 = arith.constant dense<0.000000e+00> : vector<128x64xf32>
    %dot_general3A_415 = tpu.matmul %convert_element_type3A_405, %slice3A_413, %dot_general3A_414 {dimension_numbers = #tpu.dot_dimension_numbers<[1], [0], [0], [1], [0, 0, 1, 1], [], []>, transpose_lhs_hint = false} : vector<128x256xbf16>, vector<256x64xbf16>, vector<128x64xf32> -> vector<128x64xf32>
    %mul3A_416 = vector.broadcast %div3A_412 : vector<128x1xf32> to vector<128x64xf32>
    %mul3A_417 = arith.mulf %dot_general3A_415, %mul3A_416 : vector<128x64xf32>
    %slice3A_418 = vector.extract_strided_slice %slice3A_351 {offsets = [256, 0], sizes = [128, 64], strides = [1, 1]} : vector<512x64xf32> to vector<128x64xf32>
    %slice3A_419 = vector.extract_strided_slice %slice3A_352 {offsets = [0, 0], sizes = [384, 64], strides = [1, 1]} : vector<512x64xf32> to vector<384x64xf32>
    %convert_element_type3A_420 = arith.truncf %slice3A_418 : vector<128x64xf32> to vector<128x64xbf16>
    %convert_element_type3A_421 = arith.truncf %slice3A_419 : vector<384x64xf32> to vector<384x64xbf16>
    %dot_general3A_422 = arith.constant dense<0.000000e+00> : vector<128x384xf32>
    %dot_general3A_423 = tpu.matmul %convert_element_type3A_420, %convert_element_type3A_421, %dot_general3A_422 {dimension_numbers = #tpu.dot_dimension_numbers<[1], [1], [0], [0], [0, 0, 1, 0], [], []>, transpose_lhs_hint = false} : vector<128x64xbf16>, vector<384x64xbf16>, vector<128x384xf32> -> vector<128x384xf32>
    %iota3A_424 = tpu.iota {dimensions = array<i32: 0>} : vector<128x384xi32>
    %add3A_425 = arith.constant 256 : i32
    %add3A_426 = vector.broadcast %add3A_425 : i32 to vector<128x384xi32>
    %add3A_427 = arith.addi %iota3A_424, %add3A_426 : vector<128x384xi32>
    %iota3A_428 = tpu.iota {dimensions = array<i32: 1>} : vector<128x384xi32>
    %ge3A_429 = arith.cmpi sge, %add3A_427, %iota3A_428 : vector<128x384xi32>
    %sub3A_430 = arith.constant 2.000000e+01 : f32
    %sub3A_431 = vector.broadcast %sub3A_430 : f32 to vector<128x384xf32>
    %sub3A_432 = arith.subf %dot_general3A_423, %sub3A_431 : vector<128x384xf32>
    %exp3A_433 = math.exp %sub3A_432 : vector<128x384xf32>
    %jit3A_434 = arith.constant 0.000000e+00 : f32
    %broadcast_in_dim3A_435 = vector.broadcast %jit3A_434 : f32 to vector<128x384xf32>
    %select_n3A_436 = arith.select %ge3A_429, %exp3A_433, %broadcast_in_dim3A_435 : vector<128x384xi1>, vector<128x384xf32>
    %convert_element_type3A_437 = arith.truncf %select_n3A_436 : vector<128x384xf32> to vector<128x384xbf16>
    %convert_element_type3A_438 = arith.extf %convert_element_type3A_437 : vector<128x384xbf16> to vector<128x384xf32>
    %reduce_sum3A_439 = arith.constant dense<0.000000e+00> : vector<128xf32>
    %reduce_sum3A_440 = vector.multi_reduction <add>, %convert_element_type3A_438, %reduce_sum3A_439 [1] : vector<128x384xf32> to vector<128xf32>
    %broadcast_in_dim3A_441 = vector.shape_cast %reduce_sum3A_440 : vector<128xf32> to vector<128x1xf32>
    %div3A_442 = arith.constant 1.000000e+00 : f32
    %div3A_443 = vector.broadcast %div3A_442 : f32 to vector<128x1xf32>
    %div3A_444 = arith.divf %div3A_443, %broadcast_in_dim3A_441 : vector<128x1xf32>
    %slice3A_445 = vector.extract_strided_slice %slice3A_353 {offsets = [0, 0], sizes = [384, 64], strides = [1, 1]} : vector<512x64xbf16> to vector<384x64xbf16>
    %dot_general3A_446 = arith.constant dense<0.000000e+00> : vector<128x64xf32>
    %dot_general3A_447 = tpu.matmul %convert_element_type3A_437, %slice3A_445, %dot_general3A_446 {dimension_numbers = #tpu.dot_dimension_numbers<[1], [0], [0], [1], [0, 0, 1, 1], [], []>, transpose_lhs_hint = false} : vector<128x384xbf16>, vector<384x64xbf16>, vector<128x64xf32> -> vector<128x64xf32>
    %mul3A_448 = vector.broadcast %div3A_444 : vector<128x1xf32> to vector<128x64xf32>
    %mul3A_449 = arith.mulf %dot_general3A_447, %mul3A_448 : vector<128x64xf32>
    %slice3A_450 = vector.extract_strided_slice %slice3A_351 {offsets = [384, 0], sizes = [128, 64], strides = [1, 1]} : vector<512x64xf32> to vector<128x64xf32>
    %convert_element_type3A_451 = arith.truncf %slice3A_450 : vector<128x64xf32> to vector<128x64xbf16>
    %convert_element_type3A_452 = arith.truncf %slice3A_352 : vector<512x64xf32> to vector<512x64xbf16>
    %dot_general3A_453 = arith.constant dense<0.000000e+00> : vector<128x512xf32>
    %dot_general3A_454 = tpu.matmul %convert_element_type3A_451, %convert_element_type3A_452, %dot_general3A_453 {dimension_numbers = #tpu.dot_dimension_numbers<[1], [1], [0], [0], [0, 0, 1, 0], [], []>, transpose_lhs_hint = false} : vector<128x64xbf16>, vector<512x64xbf16>, vector<128x512xf32> -> vector<128x512xf32>
    %iota3A_455 = tpu.iota {dimensions = array<i32: 0>} : vector<128x512xi32>
    %add3A_456 = arith.constant 384 : i32
    %add3A_457 = vector.broadcast %add3A_456 : i32 to vector<128x512xi32>
    %add3A_458 = arith.addi %iota3A_455, %add3A_457 : vector<128x512xi32>
    %iota3A_459 = tpu.iota {dimensions = array<i32: 1>} : vector<128x512xi32>
    %ge3A_460 = arith.cmpi sge, %add3A_458, %iota3A_459 : vector<128x512xi32>
    %sub3A_461 = arith.constant 2.000000e+01 : f32
    %sub3A_462 = vector.broadcast %sub3A_461 : f32 to vector<128x512xf32>
    %sub3A_463 = arith.subf %dot_general3A_454, %sub3A_462 : vector<128x512xf32>
    %exp3A_464 = math.exp %sub3A_463 : vector<128x512xf32>
    %jit3A_465 = arith.constant 0.000000e+00 : f32
    %broadcast_in_dim3A_466 = vector.broadcast %jit3A_465 : f32 to vector<128x512xf32>
    %select_n3A_467 = arith.select %ge3A_460, %exp3A_464, %broadcast_in_dim3A_466 : vector<128x512xi1>, vector<128x512xf32>
    %convert_element_type3A_468 = arith.truncf %select_n3A_467 : vector<128x512xf32> to vector<128x512xbf16>
    %convert_element_type3A_469 = arith.extf %convert_element_type3A_468 : vector<128x512xbf16> to vector<128x512xf32>
    %reduce_sum3A_470 = arith.constant dense<0.000000e+00> : vector<128xf32>
    %reduce_sum3A_471 = vector.multi_reduction <add>, %convert_element_type3A_469, %reduce_sum3A_470 [1] : vector<128x512xf32> to vector<128xf32>
    %broadcast_in_dim3A_472 = vector.shape_cast %reduce_sum3A_471 : vector<128xf32> to vector<128x1xf32>
    %div3A_473 = arith.constant 1.000000e+00 : f32
    %div3A_474 = vector.broadcast %div3A_473 : f32 to vector<128x1xf32>
    %div3A_475 = arith.divf %div3A_474, %broadcast_in_dim3A_472 : vector<128x1xf32>
    %dot_general3A_476 = arith.constant dense<0.000000e+00> : vector<128x64xf32>
    %dot_general3A_477 = tpu.matmul %convert_element_type3A_468, %slice3A_353, %dot_general3A_476 {dimension_numbers = #tpu.dot_dimension_numbers<[1], [0], [0], [1], [0, 0, 1, 1], [], []>, transpose_lhs_hint = false} : vector<128x512xbf16>, vector<512x64xbf16>, vector<128x64xf32> -> vector<128x64xf32>
    %mul3A_478 = vector.broadcast %div3A_475 : vector<128x1xf32> to vector<128x64xf32>
    %mul3A_479 = arith.mulf %dot_general3A_477, %mul3A_478 : vector<128x64xf32>
    %concatenate3A_480 = tpu.concatenate %mul3A_385, %mul3A_417, %mul3A_449, %mul3A_479 in 0 : vector<128x64xf32>, vector<128x64xf32>, vector<128x64xf32>, vector<128x64xf32> -> vector<512x64xf32>
    %convert_element_type3A_481 = arith.truncf %concatenate3A_480 : vector<512x64xf32> to vector<512x64xbf16>
    %slice3A_482 = vector.extract_strided_slice %mul3A_86 {offsets = [0, 192], sizes = [512, 64], strides = [1, 1]} : vector<512x512xf32> to vector<512x64xf32>
    %slice3A_483 = vector.extract_strided_slice %add3A_92 {offsets = [0, 192], sizes = [512, 64], strides = [1, 1]} : vector<512x512xf32> to vector<512x64xf32>
    %slice3A_484 = vector.extract_strided_slice %convert_element_type3A_99 {offsets = [0, 192], sizes = [512, 64], strides = [1, 1]} : vector<512x512xbf16> to vector<512x64xbf16>
    %slice3A_485 = vector.extract_strided_slice %slice3A_482 {offsets = [0, 0], sizes = [128, 64], strides = [1, 1]} : vector<512x64xf32> to vector<128x64xf32>
    %slice3A_486 = vector.extract_strided_slice %slice3A_483 {offsets = [0, 0], sizes = [128, 64], strides = [1, 1]} : vector<512x64xf32> to vector<128x64xf32>
    %convert_element_type3A_487 = arith.truncf %slice3A_485 : vector<128x64xf32> to vector<128x64xbf16>
    %convert_element_type3A_488 = arith.truncf %slice3A_486 : vector<128x64xf32> to vector<128x64xbf16>
    %dot_general3A_489 = arith.constant dense<0.000000e+00> : vector<128x128xf32>
    %dot_general3A_490 = tpu.matmul %convert_element_type3A_487, %convert_element_type3A_488, %dot_general3A_489 {dimension_numbers = #tpu.dot_dimension_numbers<[1], [1], [0], [0], [0, 0, 1, 0], [], []>, transpose_lhs_hint = false} : vector<128x64xbf16>, vector<128x64xbf16>, vector<128x128xf32> -> vector<128x128xf32>
    %iota3A_491 = tpu.iota {dimensions = array<i32: 0>} : vector<128x128xi32>
    %add3A_492 = arith.constant 0 : i32
    %add3A_493 = vector.broadcast %add3A_492 : i32 to vector<128x128xi32>
    %add3A_494 = arith.addi %iota3A_491, %add3A_493 : vector<128x128xi32>
    %iota3A_495 = tpu.iota {dimensions = array<i32: 1>} : vector<128x128xi32>
    %ge3A_496 = arith.cmpi sge, %add3A_494, %iota3A_495 : vector<128x128xi32>
    %sub3A_497 = arith.constant 2.000000e+01 : f32
    %sub3A_498 = vector.broadcast %sub3A_497 : f32 to vector<128x128xf32>
    %sub3A_499 = arith.subf %dot_general3A_490, %sub3A_498 : vector<128x128xf32>
    %exp3A_500 = math.exp %sub3A_499 : vector<128x128xf32>
    %jit3A_501 = arith.constant 0.000000e+00 : f32
    %broadcast_in_dim3A_502 = vector.broadcast %jit3A_501 : f32 to vector<128x128xf32>
    %select_n3A_503 = arith.select %ge3A_496, %exp3A_500, %broadcast_in_dim3A_502 : vector<128x128xi1>, vector<128x128xf32>
    %convert_element_type3A_504 = arith.truncf %select_n3A_503 : vector<128x128xf32> to vector<128x128xbf16>
    %convert_element_type3A_505 = arith.extf %convert_element_type3A_504 : vector<128x128xbf16> to vector<128x128xf32>
    %reduce_sum3A_506 = arith.constant dense<0.000000e+00> : vector<128xf32>
    %reduce_sum3A_507 = vector.multi_reduction <add>, %convert_element_type3A_505, %reduce_sum3A_506 [1] : vector<128x128xf32> to vector<128xf32>
    %broadcast_in_dim3A_508 = vector.shape_cast %reduce_sum3A_507 : vector<128xf32> to vector<128x1xf32>
    %div3A_509 = arith.constant 1.000000e+00 : f32
    %div3A_510 = vector.broadcast %div3A_509 : f32 to vector<128x1xf32>
    %div3A_511 = arith.divf %div3A_510, %broadcast_in_dim3A_508 : vector<128x1xf32>
    %slice3A_512 = vector.extract_strided_slice %slice3A_484 {offsets = [0, 0], sizes = [128, 64], strides = [1, 1]} : vector<512x64xbf16> to vector<128x64xbf16>
    %dot_general3A_513 = arith.constant dense<0.000000e+00> : vector<128x64xf32>
    %dot_general3A_514 = tpu.matmul %convert_element_type3A_504, %slice3A_512, %dot_general3A_513 {dimension_numbers = #tpu.dot_dimension_numbers<[1], [0], [0], [1], [0, 0, 1, 1], [], []>, transpose_lhs_hint = false} : vector<128x128xbf16>, vector<128x64xbf16>, vector<128x64xf32> -> vector<128x64xf32>
    %mul3A_515 = vector.broadcast %div3A_511 : vector<128x1xf32> to vector<128x64xf32>
    %mul3A_516 = arith.mulf %dot_general3A_514, %mul3A_515 : vector<128x64xf32>
    %slice3A_517 = vector.extract_strided_slice %slice3A_482 {offsets = [128, 0], sizes = [128, 64], strides = [1, 1]} : vector<512x64xf32> to vector<128x64xf32>
    %slice3A_518 = vector.extract_strided_slice %slice3A_483 {offsets = [0, 0], sizes = [256, 64], strides = [1, 1]} : vector<512x64xf32> to vector<256x64xf32>
    %convert_element_type3A_519 = arith.truncf %slice3A_517 : vector<128x64xf32> to vector<128x64xbf16>
    %convert_element_type3A_520 = arith.truncf %slice3A_518 : vector<256x64xf32> to vector<256x64xbf16>
    %dot_general3A_521 = arith.constant dense<0.000000e+00> : vector<128x256xf32>
    %dot_general3A_522 = tpu.matmul %convert_element_type3A_519, %convert_element_type3A_520, %dot_general3A_521 {dimension_numbers = #tpu.dot_dimension_numbers<[1], [1], [0], [0], [0, 0, 1, 0], [], []>, transpose_lhs_hint = false} : vector<128x64xbf16>, vector<256x64xbf16>, vector<128x256xf32> -> vector<128x256xf32>
    %iota3A_523 = tpu.iota {dimensions = array<i32: 0>} : vector<128x256xi32>
    %add3A_524 = arith.constant 128 : i32
    %add3A_525 = vector.broadcast %add3A_524 : i32 to vector<128x256xi32>
    %add3A_526 = arith.addi %iota3A_523, %add3A_525 : vector<128x256xi32>
    %iota3A_527 = tpu.iota {dimensions = array<i32: 1>} : vector<128x256xi32>
    %ge3A_528 = arith.cmpi sge, %add3A_526, %iota3A_527 : vector<128x256xi32>
    %sub3A_529 = arith.constant 2.000000e+01 : f32
    %sub3A_530 = vector.broadcast %sub3A_529 : f32 to vector<128x256xf32>
    %sub3A_531 = arith.subf %dot_general3A_522, %sub3A_530 : vector<128x256xf32>
    %exp3A_532 = math.exp %sub3A_531 : vector<128x256xf32>
    %jit3A_533 = arith.constant 0.000000e+00 : f32
    %broadcast_in_dim3A_534 = vector.broadcast %jit3A_533 : f32 to vector<128x256xf32>
    %select_n3A_535 = arith.select %ge3A_528, %exp3A_532, %broadcast_in_dim3A_534 : vector<128x256xi1>, vector<128x256xf32>
    %convert_element_type3A_536 = arith.truncf %select_n3A_535 : vector<128x256xf32> to vector<128x256xbf16>
    %convert_element_type3A_537 = arith.extf %convert_element_type3A_536 : vector<128x256xbf16> to vector<128x256xf32>
    %reduce_sum3A_538 = arith.constant dense<0.000000e+00> : vector<128xf32>
    %reduce_sum3A_539 = vector.multi_reduction <add>, %convert_element_type3A_537, %reduce_sum3A_538 [1] : vector<128x256xf32> to vector<128xf32>
    %broadcast_in_dim3A_540 = vector.shape_cast %reduce_sum3A_539 : vector<128xf32> to vector<128x1xf32>
    %div3A_541 = arith.constant 1.000000e+00 : f32
    %div3A_542 = vector.broadcast %div3A_541 : f32 to vector<128x1xf32>
    %div3A_543 = arith.divf %div3A_542, %broadcast_in_dim3A_540 : vector<128x1xf32>
    %slice3A_544 = vector.extract_strided_slice %slice3A_484 {offsets = [0, 0], sizes = [256, 64], strides = [1, 1]} : vector<512x64xbf16> to vector<256x64xbf16>
    %dot_general3A_545 = arith.constant dense<0.000000e+00> : vector<128x64xf32>
    %dot_general3A_546 = tpu.matmul %convert_element_type3A_536, %slice3A_544, %dot_general3A_545 {dimension_numbers = #tpu.dot_dimension_numbers<[1], [0], [0], [1], [0, 0, 1, 1], [], []>, transpose_lhs_hint = false} : vector<128x256xbf16>, vector<256x64xbf16>, vector<128x64xf32> -> vector<128x64xf32>
    %mul3A_547 = vector.broadcast %div3A_543 : vector<128x1xf32> to vector<128x64xf32>
    %mul3A_548 = arith.mulf %dot_general3A_546, %mul3A_547 : vector<128x64xf32>
    %slice3A_549 = vector.extract_strided_slice %slice3A_482 {offsets = [256, 0], sizes = [128, 64], strides = [1, 1]} : vector<512x64xf32> to vector<128x64xf32>
    %slice3A_550 = vector.extract_strided_slice %slice3A_483 {offsets = [0, 0], sizes = [384, 64], strides = [1, 1]} : vector<512x64xf32> to vector<384x64xf32>
    %convert_element_type3A_551 = arith.truncf %slice3A_549 : vector<128x64xf32> to vector<128x64xbf16>
    %convert_element_type3A_552 = arith.truncf %slice3A_550 : vector<384x64xf32> to vector<384x64xbf16>
    %dot_general3A_553 = arith.constant dense<0.000000e+00> : vector<128x384xf32>
    %dot_general3A_554 = tpu.matmul %convert_element_type3A_551, %convert_element_type3A_552, %dot_general3A_553 {dimension_numbers = #tpu.dot_dimension_numbers<[1], [1], [0], [0], [0, 0, 1, 0], [], []>, transpose_lhs_hint = false} : vector<128x64xbf16>, vector<384x64xbf16>, vector<128x384xf32> -> vector<128x384xf32>
    %iota3A_555 = tpu.iota {dimensions = array<i32: 0>} : vector<128x384xi32>
    %add3A_556 = arith.constant 256 : i32
    %add3A_557 = vector.broadcast %add3A_556 : i32 to vector<128x384xi32>
    %add3A_558 = arith.addi %iota3A_555, %add3A_557 : vector<128x384xi32>
    %iota3A_559 = tpu.iota {dimensions = array<i32: 1>} : vector<128x384xi32>
    %ge3A_560 = arith.cmpi sge, %add3A_558, %iota3A_559 : vector<128x384xi32>
    %sub3A_561 = arith.constant 2.000000e+01 : f32
    %sub3A_562 = vector.broadcast %sub3A_561 : f32 to vector<128x384xf32>
    %sub3A_563 = arith.subf %dot_general3A_554, %sub3A_562 : vector<128x384xf32>
    %exp3A_564 = math.exp %sub3A_563 : vector<128x384xf32>
    %jit3A_565 = arith.constant 0.000000e+00 : f32
    %broadcast_in_dim3A_566 = vector.broadcast %jit3A_565 : f32 to vector<128x384xf32>
    %select_n3A_567 = arith.select %ge3A_560, %exp3A_564, %broadcast_in_dim3A_566 : vector<128x384xi1>, vector<128x384xf32>
    %convert_element_type3A_568 = arith.truncf %select_n3A_567 : vector<128x384xf32> to vector<128x384xbf16>
    %convert_element_type3A_569 = arith.extf %convert_element_type3A_568 : vector<128x384xbf16> to vector<128x384xf32>
    %reduce_sum3A_570 = arith.constant dense<0.000000e+00> : vector<128xf32>
    %reduce_sum3A_571 = vector.multi_reduction <add>, %convert_element_type3A_569, %reduce_sum3A_570 [1] : vector<128x384xf32> to vector<128xf32>
    %broadcast_in_dim3A_572 = vector.shape_cast %reduce_sum3A_571 : vector<128xf32> to vector<128x1xf32>
    %div3A_573 = arith.constant 1.000000e+00 : f32
    %div3A_574 = vector.broadcast %div3A_573 : f32 to vector<128x1xf32>
    %div3A_575 = arith.divf %div3A_574, %broadcast_in_dim3A_572 : vector<128x1xf32>
    %slice3A_576 = vector.extract_strided_slice %slice3A_484 {offsets = [0, 0], sizes = [384, 64], strides = [1, 1]} : vector<512x64xbf16> to vector<384x64xbf16>
    %dot_general3A_577 = arith.constant dense<0.000000e+00> : vector<128x64xf32>
    %dot_general3A_578 = tpu.matmul %convert_element_type3A_568, %slice3A_576, %dot_general3A_577 {dimension_numbers = #tpu.dot_dimension_numbers<[1], [0], [0], [1], [0, 0, 1, 1], [], []>, transpose_lhs_hint = false} : vector<128x384xbf16>, vector<384x64xbf16>, vector<128x64xf32> -> vector<128x64xf32>
    %mul3A_579 = vector.broadcast %div3A_575 : vector<128x1xf32> to vector<128x64xf32>
    %mul3A_580 = arith.mulf %dot_general3A_578, %mul3A_579 : vector<128x64xf32>
    %slice3A_581 = vector.extract_strided_slice %slice3A_482 {offsets = [384, 0], sizes = [128, 64], strides = [1, 1]} : vector<512x64xf32> to vector<128x64xf32>
    %convert_element_type3A_582 = arith.truncf %slice3A_581 : vector<128x64xf32> to vector<128x64xbf16>
    %convert_element_type3A_583 = arith.truncf %slice3A_483 : vector<512x64xf32> to vector<512x64xbf16>
    %dot_general3A_584 = arith.constant dense<0.000000e+00> : vector<128x512xf32>
    %dot_general3A_585 = tpu.matmul %convert_element_type3A_582, %convert_element_type3A_583, %dot_general3A_584 {dimension_numbers = #tpu.dot_dimension_numbers<[1], [1], [0], [0], [0, 0, 1, 0], [], []>, transpose_lhs_hint = false} : vector<128x64xbf16>, vector<512x64xbf16>, vector<128x512xf32> -> vector<128x512xf32>
    %iota3A_586 = tpu.iota {dimensions = array<i32: 0>} : vector<128x512xi32>
    %add3A_587 = arith.constant 384 : i32
    %add3A_588 = vector.broadcast %add3A_587 : i32 to vector<128x512xi32>
    %add3A_589 = arith.addi %iota3A_586, %add3A_588 : vector<128x512xi32>
    %iota3A_590 = tpu.iota {dimensions = array<i32: 1>} : vector<128x512xi32>
    %ge3A_591 = arith.cmpi sge, %add3A_589, %iota3A_590 : vector<128x512xi32>
    %sub3A_592 = arith.constant 2.000000e+01 : f32
    %sub3A_593 = vector.broadcast %sub3A_592 : f32 to vector<128x512xf32>
    %sub3A_594 = arith.subf %dot_general3A_585, %sub3A_593 : vector<128x512xf32>
    %exp3A_595 = math.exp %sub3A_594 : vector<128x512xf32>
    %jit3A_596 = arith.constant 0.000000e+00 : f32
    %broadcast_in_dim3A_597 = vector.broadcast %jit3A_596 : f32 to vector<128x512xf32>
    %select_n3A_598 = arith.select %ge3A_591, %exp3A_595, %broadcast_in_dim3A_597 : vector<128x512xi1>, vector<128x512xf32>
    %convert_element_type3A_599 = arith.truncf %select_n3A_598 : vector<128x512xf32> to vector<128x512xbf16>
    %convert_element_type3A_600 = arith.extf %convert_element_type3A_599 : vector<128x512xbf16> to vector<128x512xf32>
    %reduce_sum3A_601 = arith.constant dense<0.000000e+00> : vector<128xf32>
    %reduce_sum3A_602 = vector.multi_reduction <add>, %convert_element_type3A_600, %reduce_sum3A_601 [1] : vector<128x512xf32> to vector<128xf32>
    %broadcast_in_dim3A_603 = vector.shape_cast %reduce_sum3A_602 : vector<128xf32> to vector<128x1xf32>
    %div3A_604 = arith.constant 1.000000e+00 : f32
    %div3A_605 = vector.broadcast %div3A_604 : f32 to vector<128x1xf32>
    %div3A_606 = arith.divf %div3A_605, %broadcast_in_dim3A_603 : vector<128x1xf32>
    %dot_general3A_607 = arith.constant dense<0.000000e+00> : vector<128x64xf32>
    %dot_general3A_608 = tpu.matmul %convert_element_type3A_599, %slice3A_484, %dot_general3A_607 {dimension_numbers = #tpu.dot_dimension_numbers<[1], [0], [0], [1], [0, 0, 1, 1], [], []>, transpose_lhs_hint = false} : vector<128x512xbf16>, vector<512x64xbf16>, vector<128x64xf32> -> vector<128x64xf32>
    %mul3A_609 = vector.broadcast %div3A_606 : vector<128x1xf32> to vector<128x64xf32>
    %mul3A_610 = arith.mulf %dot_general3A_608, %mul3A_609 : vector<128x64xf32>
    %concatenate3A_611 = tpu.concatenate %mul3A_516, %mul3A_548, %mul3A_580, %mul3A_610 in 0 : vector<128x64xf32>, vector<128x64xf32>, vector<128x64xf32>, vector<128x64xf32> -> vector<512x64xf32>
    %convert_element_type3A_612 = arith.truncf %concatenate3A_611 : vector<512x64xf32> to vector<512x64xbf16>
    %slice3A_613 = vector.extract_strided_slice %mul3A_86 {offsets = [0, 256], sizes = [512, 64], strides = [1, 1]} : vector<512x512xf32> to vector<512x64xf32>
    %slice3A_614 = vector.extract_strided_slice %add3A_92 {offsets = [0, 256], sizes = [512, 64], strides = [1, 1]} : vector<512x512xf32> to vector<512x64xf32>
    %slice3A_615 = vector.extract_strided_slice %convert_element_type3A_99 {offsets = [0, 256], sizes = [512, 64], strides = [1, 1]} : vector<512x512xbf16> to vector<512x64xbf16>
    %slice3A_616 = vector.extract_strided_slice %slice3A_613 {offsets = [0, 0], sizes = [128, 64], strides = [1, 1]} : vector<512x64xf32> to vector<128x64xf32>
    %slice3A_617 = vector.extract_strided_slice %slice3A_614 {offsets = [0, 0], sizes = [128, 64], strides = [1, 1]} : vector<512x64xf32> to vector<128x64xf32>
    %convert_element_type3A_618 = arith.truncf %slice3A_616 : vector<128x64xf32> to vector<128x64xbf16>
    %convert_element_type3A_619 = arith.truncf %slice3A_617 : vector<128x64xf32> to vector<128x64xbf16>
    %dot_general3A_620 = arith.constant dense<0.000000e+00> : vector<128x128xf32>
    %dot_general3A_621 = tpu.matmul %convert_element_type3A_618, %convert_element_type3A_619, %dot_general3A_620 {dimension_numbers = #tpu.dot_dimension_numbers<[1], [1], [0], [0], [0, 0, 1, 0], [], []>, transpose_lhs_hint = false} : vector<128x64xbf16>, vector<128x64xbf16>, vector<128x128xf32> -> vector<128x128xf32>
    %iota3A_622 = tpu.iota {dimensions = array<i32: 0>} : vector<128x128xi32>
    %add3A_623 = arith.constant 0 : i32
    %add3A_624 = vector.broadcast %add3A_623 : i32 to vector<128x128xi32>
    %add3A_625 = arith.addi %iota3A_622, %add3A_624 : vector<128x128xi32>
    %iota3A_626 = tpu.iota {dimensions = array<i32: 1>} : vector<128x128xi32>
    %ge3A_627 = arith.cmpi sge, %add3A_625, %iota3A_626 : vector<128x128xi32>
    %sub3A_628 = arith.constant 2.000000e+01 : f32
    %sub3A_629 = vector.broadcast %sub3A_628 : f32 to vector<128x128xf32>
    %sub3A_630 = arith.subf %dot_general3A_621, %sub3A_629 : vector<128x128xf32>
    %exp3A_631 = math.exp %sub3A_630 : vector<128x128xf32>
    %jit3A_632 = arith.constant 0.000000e+00 : f32
    %broadcast_in_dim3A_633 = vector.broadcast %jit3A_632 : f32 to vector<128x128xf32>
    %select_n3A_634 = arith.select %ge3A_627, %exp3A_631, %broadcast_in_dim3A_633 : vector<128x128xi1>, vector<128x128xf32>
    %convert_element_type3A_635 = arith.truncf %select_n3A_634 : vector<128x128xf32> to vector<128x128xbf16>
    %convert_element_type3A_636 = arith.extf %convert_element_type3A_635 : vector<128x128xbf16> to vector<128x128xf32>
    %reduce_sum3A_637 = arith.constant dense<0.000000e+00> : vector<128xf32>
    %reduce_sum3A_638 = vector.multi_reduction <add>, %convert_element_type3A_636, %reduce_sum3A_637 [1] : vector<128x128xf32> to vector<128xf32>
    %broadcast_in_dim3A_639 = vector.shape_cast %reduce_sum3A_638 : vector<128xf32> to vector<128x1xf32>
    %div3A_640 = arith.constant 1.000000e+00 : f32
    %div3A_641 = vector.broadcast %div3A_640 : f32 to vector<128x1xf32>
    %div3A_642 = arith.divf %div3A_641, %broadcast_in_dim3A_639 : vector<128x1xf32>
    %slice3A_643 = vector.extract_strided_slice %slice3A_615 {offsets = [0, 0], sizes = [128, 64], strides = [1, 1]} : vector<512x64xbf16> to vector<128x64xbf16>
    %dot_general3A_644 = arith.constant dense<0.000000e+00> : vector<128x64xf32>
    %dot_general3A_645 = tpu.matmul %convert_element_type3A_635, %slice3A_643, %dot_general3A_644 {dimension_numbers = #tpu.dot_dimension_numbers<[1], [0], [0], [1], [0, 0, 1, 1], [], []>, transpose_lhs_hint = false} : vector<128x128xbf16>, vector<128x64xbf16>, vector<128x64xf32> -> vector<128x64xf32>
    %mul3A_646 = vector.broadcast %div3A_642 : vector<128x1xf32> to vector<128x64xf32>
    %mul3A_647 = arith.mulf %dot_general3A_645, %mul3A_646 : vector<128x64xf32>
    %slice3A_648 = vector.extract_strided_slice %slice3A_613 {offsets = [128, 0], sizes = [128, 64], strides = [1, 1]} : vector<512x64xf32> to vector<128x64xf32>
    %slice3A_649 = vector.extract_strided_slice %slice3A_614 {offsets = [0, 0], sizes = [256, 64], strides = [1, 1]} : vector<512x64xf32> to vector<256x64xf32>
    %convert_element_type3A_650 = arith.truncf %slice3A_648 : vector<128x64xf32> to vector<128x64xbf16>
    %convert_element_type3A_651 = arith.truncf %slice3A_649 : vector<256x64xf32> to vector<256x64xbf16>
    %dot_general3A_652 = arith.constant dense<0.000000e+00> : vector<128x256xf32>
    %dot_general3A_653 = tpu.matmul %convert_element_type3A_650, %convert_element_type3A_651, %dot_general3A_652 {dimension_numbers = #tpu.dot_dimension_numbers<[1], [1], [0], [0], [0, 0, 1, 0], [], []>, transpose_lhs_hint = false} : vector<128x64xbf16>, vector<256x64xbf16>, vector<128x256xf32> -> vector<128x256xf32>
    %iota3A_654 = tpu.iota {dimensions = array<i32: 0>} : vector<128x256xi32>
    %add3A_655 = arith.constant 128 : i32
    %add3A_656 = vector.broadcast %add3A_655 : i32 to vector<128x256xi32>
    %add3A_657 = arith.addi %iota3A_654, %add3A_656 : vector<128x256xi32>
    %iota3A_658 = tpu.iota {dimensions = array<i32: 1>} : vector<128x256xi32>
    %ge3A_659 = arith.cmpi sge, %add3A_657, %iota3A_658 : vector<128x256xi32>
    %sub3A_660 = arith.constant 2.000000e+01 : f32
    %sub3A_661 = vector.broadcast %sub3A_660 : f32 to vector<128x256xf32>
    %sub3A_662 = arith.subf %dot_general3A_653, %sub3A_661 : vector<128x256xf32>
    %exp3A_663 = math.exp %sub3A_662 : vector<128x256xf32>
    %jit3A_664 = arith.constant 0.000000e+00 : f32
    %broadcast_in_dim3A_665 = vector.broadcast %jit3A_664 : f32 to vector<128x256xf32>
    %select_n3A_666 = arith.select %ge3A_659, %exp3A_663, %broadcast_in_dim3A_665 : vector<128x256xi1>, vector<128x256xf32>
    %convert_element_type3A_667 = arith.truncf %select_n3A_666 : vector<128x256xf32> to vector<128x256xbf16>
    %convert_element_type3A_668 = arith.extf %convert_element_type3A_667 : vector<128x256xbf16> to vector<128x256xf32>
    %reduce_sum3A_669 = arith.constant dense<0.000000e+00> : vector<128xf32>
    %reduce_sum3A_670 = vector.multi_reduction <add>, %convert_element_type3A_668, %reduce_sum3A_669 [1] : vector<128x256xf32> to vector<128xf32>
    %broadcast_in_dim3A_671 = vector.shape_cast %reduce_sum3A_670 : vector<128xf32> to vector<128x1xf32>
    %div3A_672 = arith.constant 1.000000e+00 : f32
    %div3A_673 = vector.broadcast %div3A_672 : f32 to vector<128x1xf32>
    %div3A_674 = arith.divf %div3A_673, %broadcast_in_dim3A_671 : vector<128x1xf32>
    %slice3A_675 = vector.extract_strided_slice %slice3A_615 {offsets = [0, 0], sizes = [256, 64], strides = [1, 1]} : vector<512x64xbf16> to vector<256x64xbf16>
    %dot_general3A_676 = arith.constant dense<0.000000e+00> : vector<128x64xf32>
    %dot_general3A_677 = tpu.matmul %convert_element_type3A_667, %slice3A_675, %dot_general3A_676 {dimension_numbers = #tpu.dot_dimension_numbers<[1], [0], [0], [1], [0, 0, 1, 1], [], []>, transpose_lhs_hint = false} : vector<128x256xbf16>, vector<256x64xbf16>, vector<128x64xf32> -> vector<128x64xf32>
    %mul3A_678 = vector.broadcast %div3A_674 : vector<128x1xf32> to vector<128x64xf32>
    %mul3A_679 = arith.mulf %dot_general3A_677, %mul3A_678 : vector<128x64xf32>
    %slice3A_680 = vector.extract_strided_slice %slice3A_613 {offsets = [256, 0], sizes = [128, 64], strides = [1, 1]} : vector<512x64xf32> to vector<128x64xf32>
    %slice3A_681 = vector.extract_strided_slice %slice3A_614 {offsets = [0, 0], sizes = [384, 64], strides = [1, 1]} : vector<512x64xf32> to vector<384x64xf32>
    %convert_element_type3A_682 = arith.truncf %slice3A_680 : vector<128x64xf32> to vector<128x64xbf16>
    %convert_element_type3A_683 = arith.truncf %slice3A_681 : vector<384x64xf32> to vector<384x64xbf16>
    %dot_general3A_684 = arith.constant dense<0.000000e+00> : vector<128x384xf32>
    %dot_general3A_685 = tpu.matmul %convert_element_type3A_682, %convert_element_type3A_683, %dot_general3A_684 {dimension_numbers = #tpu.dot_dimension_numbers<[1], [1], [0], [0], [0, 0, 1, 0], [], []>, transpose_lhs_hint = false} : vector<128x64xbf16>, vector<384x64xbf16>, vector<128x384xf32> -> vector<128x384xf32>
    %iota3A_686 = tpu.iota {dimensions = array<i32: 0>} : vector<128x384xi32>
    %add3A_687 = arith.constant 256 : i32
    %add3A_688 = vector.broadcast %add3A_687 : i32 to vector<128x384xi32>
    %add3A_689 = arith.addi %iota3A_686, %add3A_688 : vector<128x384xi32>
    %iota3A_690 = tpu.iota {dimensions = array<i32: 1>} : vector<128x384xi32>
    %ge3A_691 = arith.cmpi sge, %add3A_689, %iota3A_690 : vector<128x384xi32>
    %sub3A_692 = arith.constant 2.000000e+01 : f32
    %sub3A_693 = vector.broadcast %sub3A_692 : f32 to vector<128x384xf32>
    %sub3A_694 = arith.subf %dot_general3A_685, %sub3A_693 : vector<128x384xf32>
    %exp3A_695 = math.exp %sub3A_694 : vector<128x384xf32>
    %jit3A_696 = arith.constant 0.000000e+00 : f32
    %broadcast_in_dim3A_697 = vector.broadcast %jit3A_696 : f32 to vector<128x384xf32>
    %select_n3A_698 = arith.select %ge3A_691, %exp3A_695, %broadcast_in_dim3A_697 : vector<128x384xi1>, vector<128x384xf32>
    %convert_element_type3A_699 = arith.truncf %select_n3A_698 : vector<128x384xf32> to vector<128x384xbf16>
    %convert_element_type3A_700 = arith.extf %convert_element_type3A_699 : vector<128x384xbf16> to vector<128x384xf32>
    %reduce_sum3A_701 = arith.constant dense<0.000000e+00> : vector<128xf32>
    %reduce_sum3A_702 = vector.multi_reduction <add>, %convert_element_type3A_700, %reduce_sum3A_701 [1] : vector<128x384xf32> to vector<128xf32>
    %broadcast_in_dim3A_703 = vector.shape_cast %reduce_sum3A_702 : vector<128xf32> to vector<128x1xf32>
    %div3A_704 = arith.constant 1.000000e+00 : f32
    %div3A_705 = vector.broadcast %div3A_704 : f32 to vector<128x1xf32>
    %div3A_706 = arith.divf %div3A_705, %broadcast_in_dim3A_703 : vector<128x1xf32>
    %slice3A_707 = vector.extract_strided_slice %slice3A_615 {offsets = [0, 0], sizes = [384, 64], strides = [1, 1]} : vector<512x64xbf16> to vector<384x64xbf16>
    %dot_general3A_708 = arith.constant dense<0.000000e+00> : vector<128x64xf32>
    %dot_general3A_709 = tpu.matmul %convert_element_type3A_699, %slice3A_707, %dot_general3A_708 {dimension_numbers = #tpu.dot_dimension_numbers<[1], [0], [0], [1], [0, 0, 1, 1], [], []>, transpose_lhs_hint = false} : vector<128x384xbf16>, vector<384x64xbf16>, vector<128x64xf32> -> vector<128x64xf32>
    %mul3A_710 = vector.broadcast %div3A_706 : vector<128x1xf32> to vector<128x64xf32>
    %mul3A_711 = arith.mulf %dot_general3A_709, %mul3A_710 : vector<128x64xf32>
    %slice3A_712 = vector.extract_strided_slice %slice3A_613 {offsets = [384, 0], sizes = [128, 64], strides = [1, 1]} : vector<512x64xf32> to vector<128x64xf32>
    %convert_element_type3A_713 = arith.truncf %slice3A_712 : vector<128x64xf32> to vector<128x64xbf16>
    %convert_element_type3A_714 = arith.truncf %slice3A_614 : vector<512x64xf32> to vector<512x64xbf16>
    %dot_general3A_715 = arith.constant dense<0.000000e+00> : vector<128x512xf32>
    %dot_general3A_716 = tpu.matmul %convert_element_type3A_713, %convert_element_type3A_714, %dot_general3A_715 {dimension_numbers = #tpu.dot_dimension_numbers<[1], [1], [0], [0], [0, 0, 1, 0], [], []>, transpose_lhs_hint = false} : vector<128x64xbf16>, vector<512x64xbf16>, vector<128x512xf32> -> vector<128x512xf32>
    %iota3A_717 = tpu.iota {dimensions = array<i32: 0>} : vector<128x512xi32>
    %add3A_718 = arith.constant 384 : i32
    %add3A_719 = vector.broadcast %add3A_718 : i32 to vector<128x512xi32>
    %add3A_720 = arith.addi %iota3A_717, %add3A_719 : vector<128x512xi32>
    %iota3A_721 = tpu.iota {dimensions = array<i32: 1>} : vector<128x512xi32>
    %ge3A_722 = arith.cmpi sge, %add3A_720, %iota3A_721 : vector<128x512xi32>
    %sub3A_723 = arith.constant 2.000000e+01 : f32
    %sub3A_724 = vector.broadcast %sub3A_723 : f32 to vector<128x512xf32>
    %sub3A_725 = arith.subf %dot_general3A_716, %sub3A_724 : vector<128x512xf32>
    %exp3A_726 = math.exp %sub3A_725 : vector<128x512xf32>
    %jit3A_727 = arith.constant 0.000000e+00 : f32
    %broadcast_in_dim3A_728 = vector.broadcast %jit3A_727 : f32 to vector<128x512xf32>
    %select_n3A_729 = arith.select %ge3A_722, %exp3A_726, %broadcast_in_dim3A_728 : vector<128x512xi1>, vector<128x512xf32>
    %convert_element_type3A_730 = arith.truncf %select_n3A_729 : vector<128x512xf32> to vector<128x512xbf16>
    %convert_element_type3A_731 = arith.extf %convert_element_type3A_730 : vector<128x512xbf16> to vector<128x512xf32>
    %reduce_sum3A_732 = arith.constant dense<0.000000e+00> : vector<128xf32>
    %reduce_sum3A_733 = vector.multi_reduction <add>, %convert_element_type3A_731, %reduce_sum3A_732 [1] : vector<128x512xf32> to vector<128xf32>
    %broadcast_in_dim3A_734 = vector.shape_cast %reduce_sum3A_733 : vector<128xf32> to vector<128x1xf32>
    %div3A_735 = arith.constant 1.000000e+00 : f32
    %div3A_736 = vector.broadcast %div3A_735 : f32 to vector<128x1xf32>
    %div3A_737 = arith.divf %div3A_736, %broadcast_in_dim3A_734 : vector<128x1xf32>
    %dot_general3A_738 = arith.constant dense<0.000000e+00> : vector<128x64xf32>
    %dot_general3A_739 = tpu.matmul %convert_element_type3A_730, %slice3A_615, %dot_general3A_738 {dimension_numbers = #tpu.dot_dimension_numbers<[1], [0], [0], [1], [0, 0, 1, 1], [], []>, transpose_lhs_hint = false} : vector<128x512xbf16>, vector<512x64xbf16>, vector<128x64xf32> -> vector<128x64xf32>
    %mul3A_740 = vector.broadcast %div3A_737 : vector<128x1xf32> to vector<128x64xf32>
    %mul3A_741 = arith.mulf %dot_general3A_739, %mul3A_740 : vector<128x64xf32>
    %concatenate3A_742 = tpu.concatenate %mul3A_647, %mul3A_679, %mul3A_711, %mul3A_741 in 0 : vector<128x64xf32>, vector<128x64xf32>, vector<128x64xf32>, vector<128x64xf32> -> vector<512x64xf32>
    %convert_element_type3A_743 = arith.truncf %concatenate3A_742 : vector<512x64xf32> to vector<512x64xbf16>
    %slice3A_744 = vector.extract_strided_slice %mul3A_86 {offsets = [0, 320], sizes = [512, 64], strides = [1, 1]} : vector<512x512xf32> to vector<512x64xf32>
    %slice3A_745 = vector.extract_strided_slice %add3A_92 {offsets = [0, 320], sizes = [512, 64], strides = [1, 1]} : vector<512x512xf32> to vector<512x64xf32>
    %slice3A_746 = vector.extract_strided_slice %convert_element_type3A_99 {offsets = [0, 320], sizes = [512, 64], strides = [1, 1]} : vector<512x512xbf16> to vector<512x64xbf16>
    %slice3A_747 = vector.extract_strided_slice %slice3A_744 {offsets = [0, 0], sizes = [128, 64], strides = [1, 1]} : vector<512x64xf32> to vector<128x64xf32>
    %slice3A_748 = vector.extract_strided_slice %slice3A_745 {offsets = [0, 0], sizes = [128, 64], strides = [1, 1]} : vector<512x64xf32> to vector<128x64xf32>
    %convert_element_type3A_749 = arith.truncf %slice3A_747 : vector<128x64xf32> to vector<128x64xbf16>
    %convert_element_type3A_750 = arith.truncf %slice3A_748 : vector<128x64xf32> to vector<128x64xbf16>
    %dot_general3A_751 = arith.constant dense<0.000000e+00> : vector<128x128xf32>
    %dot_general3A_752 = tpu.matmul %convert_element_type3A_749, %convert_element_type3A_750, %dot_general3A_751 {dimension_numbers = #tpu.dot_dimension_numbers<[1], [1], [0], [0], [0, 0, 1, 0], [], []>, transpose_lhs_hint = false} : vector<128x64xbf16>, vector<128x64xbf16>, vector<128x128xf32> -> vector<128x128xf32>
    %iota3A_753 = tpu.iota {dimensions = array<i32: 0>} : vector<128x128xi32>
    %add3A_754 = arith.constant 0 : i32
    %add3A_755 = vector.broadcast %add3A_754 : i32 to vector<128x128xi32>
    %add3A_756 = arith.addi %iota3A_753, %add3A_755 : vector<128x128xi32>
    %iota3A_757 = tpu.iota {dimensions = array<i32: 1>} : vector<128x128xi32>
    %ge3A_758 = arith.cmpi sge, %add3A_756, %iota3A_757 : vector<128x128xi32>
    %sub3A_759 = arith.constant 2.000000e+01 : f32
    %sub3A_760 = vector.broadcast %sub3A_759 : f32 to vector<128x128xf32>
    %sub3A_761 = arith.subf %dot_general3A_752, %sub3A_760 : vector<128x128xf32>
    %exp3A_762 = math.exp %sub3A_761 : vector<128x128xf32>
    %jit3A_763 = arith.constant 0.000000e+00 : f32
    %broadcast_in_dim3A_764 = vector.broadcast %jit3A_763 : f32 to vector<128x128xf32>
    %select_n3A_765 = arith.select %ge3A_758, %exp3A_762, %broadcast_in_dim3A_764 : vector<128x128xi1>, vector<128x128xf32>
    %convert_element_type3A_766 = arith.truncf %select_n3A_765 : vector<128x128xf32> to vector<128x128xbf16>
    %convert_element_type3A_767 = arith.extf %convert_element_type3A_766 : vector<128x128xbf16> to vector<128x128xf32>
    %reduce_sum3A_768 = arith.constant dense<0.000000e+00> : vector<128xf32>
    %reduce_sum3A_769 = vector.multi_reduction <add>, %convert_element_type3A_767, %reduce_sum3A_768 [1] : vector<128x128xf32> to vector<128xf32>
    %broadcast_in_dim3A_770 = vector.shape_cast %reduce_sum3A_769 : vector<128xf32> to vector<128x1xf32>
    %div3A_771 = arith.constant 1.000000e+00 : f32
    %div3A_772 = vector.broadcast %div3A_771 : f32 to vector<128x1xf32>
    %div3A_773 = arith.divf %div3A_772, %broadcast_in_dim3A_770 : vector<128x1xf32>
    %slice3A_774 = vector.extract_strided_slice %slice3A_746 {offsets = [0, 0], sizes = [128, 64], strides = [1, 1]} : vector<512x64xbf16> to vector<128x64xbf16>
    %dot_general3A_775 = arith.constant dense<0.000000e+00> : vector<128x64xf32>
    %dot_general3A_776 = tpu.matmul %convert_element_type3A_766, %slice3A_774, %dot_general3A_775 {dimension_numbers = #tpu.dot_dimension_numbers<[1], [0], [0], [1], [0, 0, 1, 1], [], []>, transpose_lhs_hint = false} : vector<128x128xbf16>, vector<128x64xbf16>, vector<128x64xf32> -> vector<128x64xf32>
    %mul3A_777 = vector.broadcast %div3A_773 : vector<128x1xf32> to vector<128x64xf32>
    %mul3A_778 = arith.mulf %dot_general3A_776, %mul3A_777 : vector<128x64xf32>
    %slice3A_779 = vector.extract_strided_slice %slice3A_744 {offsets = [128, 0], sizes = [128, 64], strides = [1, 1]} : vector<512x64xf32> to vector<128x64xf32>
    %slice3A_780 = vector.extract_strided_slice %slice3A_745 {offsets = [0, 0], sizes = [256, 64], strides = [1, 1]} : vector<512x64xf32> to vector<256x64xf32>
    %convert_element_type3A_781 = arith.truncf %slice3A_779 : vector<128x64xf32> to vector<128x64xbf16>
    %convert_element_type3A_782 = arith.truncf %slice3A_780 : vector<256x64xf32> to vector<256x64xbf16>
    %dot_general3A_783 = arith.constant dense<0.000000e+00> : vector<128x256xf32>
    %dot_general3A_784 = tpu.matmul %convert_element_type3A_781, %convert_element_type3A_782, %dot_general3A_783 {dimension_numbers = #tpu.dot_dimension_numbers<[1], [1], [0], [0], [0, 0, 1, 0], [], []>, transpose_lhs_hint = false} : vector<128x64xbf16>, vector<256x64xbf16>, vector<128x256xf32> -> vector<128x256xf32>
    %iota3A_785 = tpu.iota {dimensions = array<i32: 0>} : vector<128x256xi32>
    %add3A_786 = arith.constant 128 : i32
    %add3A_787 = vector.broadcast %add3A_786 : i32 to vector<128x256xi32>
    %add3A_788 = arith.addi %iota3A_785, %add3A_787 : vector<128x256xi32>
    %iota3A_789 = tpu.iota {dimensions = array<i32: 1>} : vector<128x256xi32>
    %ge3A_790 = arith.cmpi sge, %add3A_788, %iota3A_789 : vector<128x256xi32>
    %sub3A_791 = arith.constant 2.000000e+01 : f32
    %sub3A_792 = vector.broadcast %sub3A_791 : f32 to vector<128x256xf32>
    %sub3A_793 = arith.subf %dot_general3A_784, %sub3A_792 : vector<128x256xf32>
    %exp3A_794 = math.exp %sub3A_793 : vector<128x256xf32>
    %jit3A_795 = arith.constant 0.000000e+00 : f32
    %broadcast_in_dim3A_796 = vector.broadcast %jit3A_795 : f32 to vector<128x256xf32>
    %select_n3A_797 = arith.select %ge3A_790, %exp3A_794, %broadcast_in_dim3A_796 : vector<128x256xi1>, vector<128x256xf32>
    %convert_element_type3A_798 = arith.truncf %select_n3A_797 : vector<128x256xf32> to vector<128x256xbf16>
    %convert_element_type3A_799 = arith.extf %convert_element_type3A_798 : vector<128x256xbf16> to vector<128x256xf32>
    %reduce_sum3A_800 = arith.constant dense<0.000000e+00> : vector<128xf32>
    %reduce_sum3A_801 = vector.multi_reduction <add>, %convert_element_type3A_799, %reduce_sum3A_800 [1] : vector<128x256xf32> to vector<128xf32>
    %broadcast_in_dim3A_802 = vector.shape_cast %reduce_sum3A_801 : vector<128xf32> to vector<128x1xf32>
    %div3A_803 = arith.constant 1.000000e+00 : f32
    %div3A_804 = vector.broadcast %div3A_803 : f32 to vector<128x1xf32>
    %div3A_805 = arith.divf %div3A_804, %broadcast_in_dim3A_802 : vector<128x1xf32>
    %slice3A_806 = vector.extract_strided_slice %slice3A_746 {offsets = [0, 0], sizes = [256, 64], strides = [1, 1]} : vector<512x64xbf16> to vector<256x64xbf16>
    %dot_general3A_807 = arith.constant dense<0.000000e+00> : vector<128x64xf32>
    %dot_general3A_808 = tpu.matmul %convert_element_type3A_798, %slice3A_806, %dot_general3A_807 {dimension_numbers = #tpu.dot_dimension_numbers<[1], [0], [0], [1], [0, 0, 1, 1], [], []>, transpose_lhs_hint = false} : vector<128x256xbf16>, vector<256x64xbf16>, vector<128x64xf32> -> vector<128x64xf32>
    %mul3A_809 = vector.broadcast %div3A_805 : vector<128x1xf32> to vector<128x64xf32>
    %mul3A_810 = arith.mulf %dot_general3A_808, %mul3A_809 : vector<128x64xf32>
    %slice3A_811 = vector.extract_strided_slice %slice3A_744 {offsets = [256, 0], sizes = [128, 64], strides = [1, 1]} : vector<512x64xf32> to vector<128x64xf32>
    %slice3A_812 = vector.extract_strided_slice %slice3A_745 {offsets = [0, 0], sizes = [384, 64], strides = [1, 1]} : vector<512x64xf32> to vector<384x64xf32>
    %convert_element_type3A_813 = arith.truncf %slice3A_811 : vector<128x64xf32> to vector<128x64xbf16>
    %convert_element_type3A_814 = arith.truncf %slice3A_812 : vector<384x64xf32> to vector<384x64xbf16>
    %dot_general3A_815 = arith.constant dense<0.000000e+00> : vector<128x384xf32>
    %dot_general3A_816 = tpu.matmul %convert_element_type3A_813, %convert_element_type3A_814, %dot_general3A_815 {dimension_numbers = #tpu.dot_dimension_numbers<[1], [1], [0], [0], [0, 0, 1, 0], [], []>, transpose_lhs_hint = false} : vector<128x64xbf16>, vector<384x64xbf16>, vector<128x384xf32> -> vector<128x384xf32>
    %iota3A_817 = tpu.iota {dimensions = array<i32: 0>} : vector<128x384xi32>
    %add3A_818 = arith.constant 256 : i32
    %add3A_819 = vector.broadcast %add3A_818 : i32 to vector<128x384xi32>
    %add3A_820 = arith.addi %iota3A_817, %add3A_819 : vector<128x384xi32>
    %iota3A_821 = tpu.iota {dimensions = array<i32: 1>} : vector<128x384xi32>
    %ge3A_822 = arith.cmpi sge, %add3A_820, %iota3A_821 : vector<128x384xi32>
    %sub3A_823 = arith.constant 2.000000e+01 : f32
    %sub3A_824 = vector.broadcast %sub3A_823 : f32 to vector<128x384xf32>
    %sub3A_825 = arith.subf %dot_general3A_816, %sub3A_824 : vector<128x384xf32>
    %exp3A_826 = math.exp %sub3A_825 : vector<128x384xf32>
    %jit3A_827 = arith.constant 0.000000e+00 : f32
    %broadcast_in_dim3A_828 = vector.broadcast %jit3A_827 : f32 to vector<128x384xf32>
    %select_n3A_829 = arith.select %ge3A_822, %exp3A_826, %broadcast_in_dim3A_828 : vector<128x384xi1>, vector<128x384xf32>
    %convert_element_type3A_830 = arith.truncf %select_n3A_829 : vector<128x384xf32> to vector<128x384xbf16>
    %convert_element_type3A_831 = arith.extf %convert_element_type3A_830 : vector<128x384xbf16> to vector<128x384xf32>
    %reduce_sum3A_832 = arith.constant dense<0.000000e+00> : vector<128xf32>
    %reduce_sum3A_833 = vector.multi_reduction <add>, %convert_element_type3A_831, %reduce_sum3A_832 [1] : vector<128x384xf32> to vector<128xf32>
    %broadcast_in_dim3A_834 = vector.shape_cast %reduce_sum3A_833 : vector<128xf32> to vector<128x1xf32>
    %div3A_835 = arith.constant 1.000000e+00 : f32
    %div3A_836 = vector.broadcast %div3A_835 : f32 to vector<128x1xf32>
    %div3A_837 = arith.divf %div3A_836, %broadcast_in_dim3A_834 : vector<128x1xf32>
    %slice3A_838 = vector.extract_strided_slice %slice3A_746 {offsets = [0, 0], sizes = [384, 64], strides = [1, 1]} : vector<512x64xbf16> to vector<384x64xbf16>
    %dot_general3A_839 = arith.constant dense<0.000000e+00> : vector<128x64xf32>
    %dot_general3A_840 = tpu.matmul %convert_element_type3A_830, %slice3A_838, %dot_general3A_839 {dimension_numbers = #tpu.dot_dimension_numbers<[1], [0], [0], [1], [0, 0, 1, 1], [], []>, transpose_lhs_hint = false} : vector<128x384xbf16>, vector<384x64xbf16>, vector<128x64xf32> -> vector<128x64xf32>
    %mul3A_841 = vector.broadcast %div3A_837 : vector<128x1xf32> to vector<128x64xf32>
    %mul3A_842 = arith.mulf %dot_general3A_840, %mul3A_841 : vector<128x64xf32>
    %slice3A_843 = vector.extract_strided_slice %slice3A_744 {offsets = [384, 0], sizes = [128, 64], strides = [1, 1]} : vector<512x64xf32> to vector<128x64xf32>
    %convert_element_type3A_844 = arith.truncf %slice3A_843 : vector<128x64xf32> to vector<128x64xbf16>
    %convert_element_type3A_845 = arith.truncf %slice3A_745 : vector<512x64xf32> to vector<512x64xbf16>
    %dot_general3A_846 = arith.constant dense<0.000000e+00> : vector<128x512xf32>
    %dot_general3A_847 = tpu.matmul %convert_element_type3A_844, %convert_element_type3A_845, %dot_general3A_846 {dimension_numbers = #tpu.dot_dimension_numbers<[1], [1], [0], [0], [0, 0, 1, 0], [], []>, transpose_lhs_hint = false} : vector<128x64xbf16>, vector<512x64xbf16>, vector<128x512xf32> -> vector<128x512xf32>
    %iota3A_848 = tpu.iota {dimensions = array<i32: 0>} : vector<128x512xi32>
    %add3A_849 = arith.constant 384 : i32
    %add3A_850 = vector.broadcast %add3A_849 : i32 to vector<128x512xi32>
    %add3A_851 = arith.addi %iota3A_848, %add3A_850 : vector<128x512xi32>
    %iota3A_852 = tpu.iota {dimensions = array<i32: 1>} : vector<128x512xi32>
    %ge3A_853 = arith.cmpi sge, %add3A_851, %iota3A_852 : vector<128x512xi32>
    %sub3A_854 = arith.constant 2.000000e+01 : f32
    %sub3A_855 = vector.broadcast %sub3A_854 : f32 to vector<128x512xf32>
    %sub3A_856 = arith.subf %dot_general3A_847, %sub3A_855 : vector<128x512xf32>
    %exp3A_857 = math.exp %sub3A_856 : vector<128x512xf32>
    %jit3A_858 = arith.constant 0.000000e+00 : f32
    %broadcast_in_dim3A_859 = vector.broadcast %jit3A_858 : f32 to vector<128x512xf32>
    %select_n3A_860 = arith.select %ge3A_853, %exp3A_857, %broadcast_in_dim3A_859 : vector<128x512xi1>, vector<128x512xf32>
    %convert_element_type3A_861 = arith.truncf %select_n3A_860 : vector<128x512xf32> to vector<128x512xbf16>
    %convert_element_type3A_862 = arith.extf %convert_element_type3A_861 : vector<128x512xbf16> to vector<128x512xf32>
    %reduce_sum3A_863 = arith.constant dense<0.000000e+00> : vector<128xf32>
    %reduce_sum3A_864 = vector.multi_reduction <add>, %convert_element_type3A_862, %reduce_sum3A_863 [1] : vector<128x512xf32> to vector<128xf32>
    %broadcast_in_dim3A_865 = vector.shape_cast %reduce_sum3A_864 : vector<128xf32> to vector<128x1xf32>
    %div3A_866 = arith.constant 1.000000e+00 : f32
    %div3A_867 = vector.broadcast %div3A_866 : f32 to vector<128x1xf32>
    %div3A_868 = arith.divf %div3A_867, %broadcast_in_dim3A_865 : vector<128x1xf32>
    %dot_general3A_869 = arith.constant dense<0.000000e+00> : vector<128x64xf32>
    %dot_general3A_870 = tpu.matmul %convert_element_type3A_861, %slice3A_746, %dot_general3A_869 {dimension_numbers = #tpu.dot_dimension_numbers<[1], [0], [0], [1], [0, 0, 1, 1], [], []>, transpose_lhs_hint = false} : vector<128x512xbf16>, vector<512x64xbf16>, vector<128x64xf32> -> vector<128x64xf32>
    %mul3A_871 = vector.broadcast %div3A_868 : vector<128x1xf32> to vector<128x64xf32>
    %mul3A_872 = arith.mulf %dot_general3A_870, %mul3A_871 : vector<128x64xf32>
    %concatenate3A_873 = tpu.concatenate %mul3A_778, %mul3A_810, %mul3A_842, %mul3A_872 in 0 : vector<128x64xf32>, vector<128x64xf32>, vector<128x64xf32>, vector<128x64xf32> -> vector<512x64xf32>
    %convert_element_type3A_874 = arith.truncf %concatenate3A_873 : vector<512x64xf32> to vector<512x64xbf16>
    %slice3A_875 = vector.extract_strided_slice %mul3A_86 {offsets = [0, 384], sizes = [512, 64], strides = [1, 1]} : vector<512x512xf32> to vector<512x64xf32>
    %slice3A_876 = vector.extract_strided_slice %add3A_92 {offsets = [0, 384], sizes = [512, 64], strides = [1, 1]} : vector<512x512xf32> to vector<512x64xf32>
    %slice3A_877 = vector.extract_strided_slice %convert_element_type3A_99 {offsets = [0, 384], sizes = [512, 64], strides = [1, 1]} : vector<512x512xbf16> to vector<512x64xbf16>
    %slice3A_878 = vector.extract_strided_slice %slice3A_875 {offsets = [0, 0], sizes = [128, 64], strides = [1, 1]} : vector<512x64xf32> to vector<128x64xf32>
    %slice3A_879 = vector.extract_strided_slice %slice3A_876 {offsets = [0, 0], sizes = [128, 64], strides = [1, 1]} : vector<512x64xf32> to vector<128x64xf32>
    %convert_element_type3A_880 = arith.truncf %slice3A_878 : vector<128x64xf32> to vector<128x64xbf16>
    %convert_element_type3A_881 = arith.truncf %slice3A_879 : vector<128x64xf32> to vector<128x64xbf16>
    %dot_general3A_882 = arith.constant dense<0.000000e+00> : vector<128x128xf32>
    %dot_general3A_883 = tpu.matmul %convert_element_type3A_880, %convert_element_type3A_881, %dot_general3A_882 {dimension_numbers = #tpu.dot_dimension_numbers<[1], [1], [0], [0], [0, 0, 1, 0], [], []>, transpose_lhs_hint = false} : vector<128x64xbf16>, vector<128x64xbf16>, vector<128x128xf32> -> vector<128x128xf32>
    %iota3A_884 = tpu.iota {dimensions = array<i32: 0>} : vector<128x128xi32>
    %add3A_885 = arith.constant 0 : i32
    %add3A_886 = vector.broadcast %add3A_885 : i32 to vector<128x128xi32>
    %add3A_887 = arith.addi %iota3A_884, %add3A_886 : vector<128x128xi32>
    %iota3A_888 = tpu.iota {dimensions = array<i32: 1>} : vector<128x128xi32>
    %ge3A_889 = arith.cmpi sge, %add3A_887, %iota3A_888 : vector<128x128xi32>
    %sub3A_890 = arith.constant 2.000000e+01 : f32
    %sub3A_891 = vector.broadcast %sub3A_890 : f32 to vector<128x128xf32>
    %sub3A_892 = arith.subf %dot_general3A_883, %sub3A_891 : vector<128x128xf32>
    %exp3A_893 = math.exp %sub3A_892 : vector<128x128xf32>
    %jit3A_894 = arith.constant 0.000000e+00 : f32
    %broadcast_in_dim3A_895 = vector.broadcast %jit3A_894 : f32 to vector<128x128xf32>
    %select_n3A_896 = arith.select %ge3A_889, %exp3A_893, %broadcast_in_dim3A_895 : vector<128x128xi1>, vector<128x128xf32>
    %convert_element_type3A_897 = arith.truncf %select_n3A_896 : vector<128x128xf32> to vector<128x128xbf16>
    %convert_element_type3A_898 = arith.extf %convert_element_type3A_897 : vector<128x128xbf16> to vector<128x128xf32>
    %reduce_sum3A_899 = arith.constant dense<0.000000e+00> : vector<128xf32>
    %reduce_sum3A_900 = vector.multi_reduction <add>, %convert_element_type3A_898, %reduce_sum3A_899 [1] : vector<128x128xf32> to vector<128xf32>
    %broadcast_in_dim3A_901 = vector.shape_cast %reduce_sum3A_900 : vector<128xf32> to vector<128x1xf32>
    %div3A_902 = arith.constant 1.000000e+00 : f32
    %div3A_903 = vector.broadcast %div3A_902 : f32 to vector<128x1xf32>
    %div3A_904 = arith.divf %div3A_903, %broadcast_in_dim3A_901 : vector<128x1xf32>
    %slice3A_905 = vector.extract_strided_slice %slice3A_877 {offsets = [0, 0], sizes = [128, 64], strides = [1, 1]} : vector<512x64xbf16> to vector<128x64xbf16>
    %dot_general3A_906 = arith.constant dense<0.000000e+00> : vector<128x64xf32>
    %dot_general3A_907 = tpu.matmul %convert_element_type3A_897, %slice3A_905, %dot_general3A_906 {dimension_numbers = #tpu.dot_dimension_numbers<[1], [0], [0], [1], [0, 0, 1, 1], [], []>, transpose_lhs_hint = false} : vector<128x128xbf16>, vector<128x64xbf16>, vector<128x64xf32> -> vector<128x64xf32>
    %mul3A_908 = vector.broadcast %div3A_904 : vector<128x1xf32> to vector<128x64xf32>
    %mul3A_909 = arith.mulf %dot_general3A_907, %mul3A_908 : vector<128x64xf32>
    %slice3A_910 = vector.extract_strided_slice %slice3A_875 {offsets = [128, 0], sizes = [128, 64], strides = [1, 1]} : vector<512x64xf32> to vector<128x64xf32>
    %slice3A_911 = vector.extract_strided_slice %slice3A_876 {offsets = [0, 0], sizes = [256, 64], strides = [1, 1]} : vector<512x64xf32> to vector<256x64xf32>
    %convert_element_type3A_912 = arith.truncf %slice3A_910 : vector<128x64xf32> to vector<128x64xbf16>
    %convert_element_type3A_913 = arith.truncf %slice3A_911 : vector<256x64xf32> to vector<256x64xbf16>
    %dot_general3A_914 = arith.constant dense<0.000000e+00> : vector<128x256xf32>
    %dot_general3A_915 = tpu.matmul %convert_element_type3A_912, %convert_element_type3A_913, %dot_general3A_914 {dimension_numbers = #tpu.dot_dimension_numbers<[1], [1], [0], [0], [0, 0, 1, 0], [], []>, transpose_lhs_hint = false} : vector<128x64xbf16>, vector<256x64xbf16>, vector<128x256xf32> -> vector<128x256xf32>
    %iota3A_916 = tpu.iota {dimensions = array<i32: 0>} : vector<128x256xi32>
    %add3A_917 = arith.constant 128 : i32
    %add3A_918 = vector.broadcast %add3A_917 : i32 to vector<128x256xi32>
    %add3A_919 = arith.addi %iota3A_916, %add3A_918 : vector<128x256xi32>
    %iota3A_920 = tpu.iota {dimensions = array<i32: 1>} : vector<128x256xi32>
    %ge3A_921 = arith.cmpi sge, %add3A_919, %iota3A_920 : vector<128x256xi32>
    %sub3A_922 = arith.constant 2.000000e+01 : f32
    %sub3A_923 = vector.broadcast %sub3A_922 : f32 to vector<128x256xf32>
    %sub3A_924 = arith.subf %dot_general3A_915, %sub3A_923 : vector<128x256xf32>
    %exp3A_925 = math.exp %sub3A_924 : vector<128x256xf32>
    %jit3A_926 = arith.constant 0.000000e+00 : f32
    %broadcast_in_dim3A_927 = vector.broadcast %jit3A_926 : f32 to vector<128x256xf32>
    %select_n3A_928 = arith.select %ge3A_921, %exp3A_925, %broadcast_in_dim3A_927 : vector<128x256xi1>, vector<128x256xf32>
    %convert_element_type3A_929 = arith.truncf %select_n3A_928 : vector<128x256xf32> to vector<128x256xbf16>
    %convert_element_type3A_930 = arith.extf %convert_element_type3A_929 : vector<128x256xbf16> to vector<128x256xf32>
    %reduce_sum3A_931 = arith.constant dense<0.000000e+00> : vector<128xf32>
    %reduce_sum3A_932 = vector.multi_reduction <add>, %convert_element_type3A_930, %reduce_sum3A_931 [1] : vector<128x256xf32> to vector<128xf32>
    %broadcast_in_dim3A_933 = vector.shape_cast %reduce_sum3A_932 : vector<128xf32> to vector<128x1xf32>
    %div3A_934 = arith.constant 1.000000e+00 : f32
    %div3A_935 = vector.broadcast %div3A_934 : f32 to vector<128x1xf32>
    %div3A_936 = arith.divf %div3A_935, %broadcast_in_dim3A_933 : vector<128x1xf32>
    %slice3A_937 = vector.extract_strided_slice %slice3A_877 {offsets = [0, 0], sizes = [256, 64], strides = [1, 1]} : vector<512x64xbf16> to vector<256x64xbf16>
    %dot_general3A_938 = arith.constant dense<0.000000e+00> : vector<128x64xf32>
    %dot_general3A_939 = tpu.matmul %convert_element_type3A_929, %slice3A_937, %dot_general3A_938 {dimension_numbers = #tpu.dot_dimension_numbers<[1], [0], [0], [1], [0, 0, 1, 1], [], []>, transpose_lhs_hint = false} : vector<128x256xbf16>, vector<256x64xbf16>, vector<128x64xf32> -> vector<128x64xf32>
    %mul3A_940 = vector.broadcast %div3A_936 : vector<128x1xf32> to vector<128x64xf32>
    %mul3A_941 = arith.mulf %dot_general3A_939, %mul3A_940 : vector<128x64xf32>
    %slice3A_942 = vector.extract_strided_slice %slice3A_875 {offsets = [256, 0], sizes = [128, 64], strides = [1, 1]} : vector<512x64xf32> to vector<128x64xf32>
    %slice3A_943 = vector.extract_strided_slice %slice3A_876 {offsets = [0, 0], sizes = [384, 64], strides = [1, 1]} : vector<512x64xf32> to vector<384x64xf32>
    %convert_element_type3A_944 = arith.truncf %slice3A_942 : vector<128x64xf32> to vector<128x64xbf16>
    %convert_element_type3A_945 = arith.truncf %slice3A_943 : vector<384x64xf32> to vector<384x64xbf16>
    %dot_general3A_946 = arith.constant dense<0.000000e+00> : vector<128x384xf32>
    %dot_general3A_947 = tpu.matmul %convert_element_type3A_944, %convert_element_type3A_945, %dot_general3A_946 {dimension_numbers = #tpu.dot_dimension_numbers<[1], [1], [0], [0], [0, 0, 1, 0], [], []>, transpose_lhs_hint = false} : vector<128x64xbf16>, vector<384x64xbf16>, vector<128x384xf32> -> vector<128x384xf32>
    %iota3A_948 = tpu.iota {dimensions = array<i32: 0>} : vector<128x384xi32>
    %add3A_949 = arith.constant 256 : i32
    %add3A_950 = vector.broadcast %add3A_949 : i32 to vector<128x384xi32>
    %add3A_951 = arith.addi %iota3A_948, %add3A_950 : vector<128x384xi32>
    %iota3A_952 = tpu.iota {dimensions = array<i32: 1>} : vector<128x384xi32>
    %ge3A_953 = arith.cmpi sge, %add3A_951, %iota3A_952 : vector<128x384xi32>
    %sub3A_954 = arith.constant 2.000000e+01 : f32
    %sub3A_955 = vector.broadcast %sub3A_954 : f32 to vector<128x384xf32>
    %sub3A_956 = arith.subf %dot_general3A_947, %sub3A_955 : vector<128x384xf32>
    %exp3A_957 = math.exp %sub3A_956 : vector<128x384xf32>
    %jit3A_958 = arith.constant 0.000000e+00 : f32
    %broadcast_in_dim3A_959 = vector.broadcast %jit3A_958 : f32 to vector<128x384xf32>
    %select_n3A_960 = arith.select %ge3A_953, %exp3A_957, %broadcast_in_dim3A_959 : vector<128x384xi1>, vector<128x384xf32>
    %convert_element_type3A_961 = arith.truncf %select_n3A_960 : vector<128x384xf32> to vector<128x384xbf16>
    %convert_element_type3A_962 = arith.extf %convert_element_type3A_961 : vector<128x384xbf16> to vector<128x384xf32>
    %reduce_sum3A_963 = arith.constant dense<0.000000e+00> : vector<128xf32>
    %reduce_sum3A_964 = vector.multi_reduction <add>, %convert_element_type3A_962, %reduce_sum3A_963 [1] : vector<128x384xf32> to vector<128xf32>
    %broadcast_in_dim3A_965 = vector.shape_cast %reduce_sum3A_964 : vector<128xf32> to vector<128x1xf32>
    %div3A_966 = arith.constant 1.000000e+00 : f32
    %div3A_967 = vector.broadcast %div3A_966 : f32 to vector<128x1xf32>
    %div3A_968 = arith.divf %div3A_967, %broadcast_in_dim3A_965 : vector<128x1xf32>
    %slice3A_969 = vector.extract_strided_slice %slice3A_877 {offsets = [0, 0], sizes = [384, 64], strides = [1, 1]} : vector<512x64xbf16> to vector<384x64xbf16>
    %dot_general3A_970 = arith.constant dense<0.000000e+00> : vector<128x64xf32>
    %dot_general3A_971 = tpu.matmul %convert_element_type3A_961, %slice3A_969, %dot_general3A_970 {dimension_numbers = #tpu.dot_dimension_numbers<[1], [0], [0], [1], [0, 0, 1, 1], [], []>, transpose_lhs_hint = false} : vector<128x384xbf16>, vector<384x64xbf16>, vector<128x64xf32> -> vector<128x64xf32>
    %mul3A_972 = vector.broadcast %div3A_968 : vector<128x1xf32> to vector<128x64xf32>
    %mul3A_973 = arith.mulf %dot_general3A_971, %mul3A_972 : vector<128x64xf32>
    %slice3A_974 = vector.extract_strided_slice %slice3A_875 {offsets = [384, 0], sizes = [128, 64], strides = [1, 1]} : vector<512x64xf32> to vector<128x64xf32>
    %convert_element_type3A_975 = arith.truncf %slice3A_974 : vector<128x64xf32> to vector<128x64xbf16>
    %convert_element_type3A_976 = arith.truncf %slice3A_876 : vector<512x64xf32> to vector<512x64xbf16>
    %dot_general3A_977 = arith.constant dense<0.000000e+00> : vector<128x512xf32>
    %dot_general3A_978 = tpu.matmul %convert_element_type3A_975, %convert_element_type3A_976, %dot_general3A_977 {dimension_numbers = #tpu.dot_dimension_numbers<[1], [1], [0], [0], [0, 0, 1, 0], [], []>, transpose_lhs_hint = false} : vector<128x64xbf16>, vector<512x64xbf16>, vector<128x512xf32> -> vector<128x512xf32>
    %iota3A_979 = tpu.iota {dimensions = array<i32: 0>} : vector<128x512xi32>
    %add3A_980 = arith.constant 384 : i32
    %add3A_981 = vector.broadcast %add3A_980 : i32 to vector<128x512xi32>
    %add3A_982 = arith.addi %iota3A_979, %add3A_981 : vector<128x512xi32>
    %iota3A_983 = tpu.iota {dimensions = array<i32: 1>} : vector<128x512xi32>
    %ge3A_984 = arith.cmpi sge, %add3A_982, %iota3A_983 : vector<128x512xi32>
    %sub3A_985 = arith.constant 2.000000e+01 : f32
    %sub3A_986 = vector.broadcast %sub3A_985 : f32 to vector<128x512xf32>
    %sub3A_987 = arith.subf %dot_general3A_978, %sub3A_986 : vector<128x512xf32>
    %exp3A_988 = math.exp %sub3A_987 : vector<128x512xf32>
    %jit3A_989 = arith.constant 0.000000e+00 : f32
    %broadcast_in_dim3A_990 = vector.broadcast %jit3A_989 : f32 to vector<128x512xf32>
    %select_n3A_991 = arith.select %ge3A_984, %exp3A_988, %broadcast_in_dim3A_990 : vector<128x512xi1>, vector<128x512xf32>
    %convert_element_type3A_992 = arith.truncf %select_n3A_991 : vector<128x512xf32> to vector<128x512xbf16>
    %convert_element_type3A_993 = arith.extf %convert_element_type3A_992 : vector<128x512xbf16> to vector<128x512xf32>
    %reduce_sum3A_994 = arith.constant dense<0.000000e+00> : vector<128xf32>
    %reduce_sum3A_995 = vector.multi_reduction <add>, %convert_element_type3A_993, %reduce_sum3A_994 [1] : vector<128x512xf32> to vector<128xf32>
    %broadcast_in_dim3A_996 = vector.shape_cast %reduce_sum3A_995 : vector<128xf32> to vector<128x1xf32>
    %div3A_997 = arith.constant 1.000000e+00 : f32
    %div3A_998 = vector.broadcast %div3A_997 : f32 to vector<128x1xf32>
    %div3A_999 = arith.divf %div3A_998, %broadcast_in_dim3A_996 : vector<128x1xf32>
    %dot_general3A_1000 = arith.constant dense<0.000000e+00> : vector<128x64xf32>
    %dot_general3A_1001 = tpu.matmul %convert_element_type3A_992, %slice3A_877, %dot_general3A_1000 {dimension_numbers = #tpu.dot_dimension_numbers<[1], [0], [0], [1], [0, 0, 1, 1], [], []>, transpose_lhs_hint = false} : vector<128x512xbf16>, vector<512x64xbf16>, vector<128x64xf32> -> vector<128x64xf32>
    %mul3A_1002 = vector.broadcast %div3A_999 : vector<128x1xf32> to vector<128x64xf32>
    %mul3A_1003 = arith.mulf %dot_general3A_1001, %mul3A_1002 : vector<128x64xf32>
    %concatenate3A_1004 = tpu.concatenate %mul3A_909, %mul3A_941, %mul3A_973, %mul3A_1003 in 0 : vector<128x64xf32>, vector<128x64xf32>, vector<128x64xf32>, vector<128x64xf32> -> vector<512x64xf32>
    %convert_element_type3A_1005 = arith.truncf %concatenate3A_1004 : vector<512x64xf32> to vector<512x64xbf16>
    %slice3A_1006 = vector.extract_strided_slice %mul3A_86 {offsets = [0, 448], sizes = [512, 64], strides = [1, 1]} : vector<512x512xf32> to vector<512x64xf32>
    %slice3A_1007 = vector.extract_strided_slice %add3A_92 {offsets = [0, 448], sizes = [512, 64], strides = [1, 1]} : vector<512x512xf32> to vector<512x64xf32>
    %slice3A_1008 = vector.extract_strided_slice %convert_element_type3A_99 {offsets = [0, 448], sizes = [512, 64], strides = [1, 1]} : vector<512x512xbf16> to vector<512x64xbf16>
    %slice3A_1009 = vector.extract_strided_slice %slice3A_1006 {offsets = [0, 0], sizes = [128, 64], strides = [1, 1]} : vector<512x64xf32> to vector<128x64xf32>
    %slice3A_1010 = vector.extract_strided_slice %slice3A_1007 {offsets = [0, 0], sizes = [128, 64], strides = [1, 1]} : vector<512x64xf32> to vector<128x64xf32>
    %convert_element_type3A_1011 = arith.truncf %slice3A_1009 : vector<128x64xf32> to vector<128x64xbf16>
    %convert_element_type3A_1012 = arith.truncf %slice3A_1010 : vector<128x64xf32> to vector<128x64xbf16>
    %dot_general3A_1013 = arith.constant dense<0.000000e+00> : vector<128x128xf32>
    %dot_general3A_1014 = tpu.matmul %convert_element_type3A_1011, %convert_element_type3A_1012, %dot_general3A_1013 {dimension_numbers = #tpu.dot_dimension_numbers<[1], [1], [0], [0], [0, 0, 1, 0], [], []>, transpose_lhs_hint = false} : vector<128x64xbf16>, vector<128x64xbf16>, vector<128x128xf32> -> vector<128x128xf32>
    %iota3A_1015 = tpu.iota {dimensions = array<i32: 0>} : vector<128x128xi32>
    %add3A_1016 = arith.constant 0 : i32
    %add3A_1017 = vector.broadcast %add3A_1016 : i32 to vector<128x128xi32>
    %add3A_1018 = arith.addi %iota3A_1015, %add3A_1017 : vector<128x128xi32>
    %iota3A_1019 = tpu.iota {dimensions = array<i32: 1>} : vector<128x128xi32>
    %ge3A_1020 = arith.cmpi sge, %add3A_1018, %iota3A_1019 : vector<128x128xi32>
    %sub3A_1021 = arith.constant 2.000000e+01 : f32
    %sub3A_1022 = vector.broadcast %sub3A_1021 : f32 to vector<128x128xf32>
    %sub3A_1023 = arith.subf %dot_general3A_1014, %sub3A_1022 : vector<128x128xf32>
    %exp3A_1024 = math.exp %sub3A_1023 : vector<128x128xf32>
    %jit3A_1025 = arith.constant 0.000000e+00 : f32
    %broadcast_in_dim3A_1026 = vector.broadcast %jit3A_1025 : f32 to vector<128x128xf32>
    %select_n3A_1027 = arith.select %ge3A_1020, %exp3A_1024, %broadcast_in_dim3A_1026 : vector<128x128xi1>, vector<128x128xf32>
    %convert_element_type3A_1028 = arith.truncf %select_n3A_1027 : vector<128x128xf32> to vector<128x128xbf16>
    %convert_element_type3A_1029 = arith.extf %convert_element_type3A_1028 : vector<128x128xbf16> to vector<128x128xf32>
    %reduce_sum3A_1030 = arith.constant dense<0.000000e+00> : vector<128xf32>
    %reduce_sum3A_1031 = vector.multi_reduction <add>, %convert_element_type3A_1029, %reduce_sum3A_1030 [1] : vector<128x128xf32> to vector<128xf32>
    %broadcast_in_dim3A_1032 = vector.shape_cast %reduce_sum3A_1031 : vector<128xf32> to vector<128x1xf32>
    %div3A_1033 = arith.constant 1.000000e+00 : f32
    %div3A_1034 = vector.broadcast %div3A_1033 : f32 to vector<128x1xf32>
    %div3A_1035 = arith.divf %div3A_1034, %broadcast_in_dim3A_1032 : vector<128x1xf32>
    %slice3A_1036 = vector.extract_strided_slice %slice3A_1008 {offsets = [0, 0], sizes = [128, 64], strides = [1, 1]} : vector<512x64xbf16> to vector<128x64xbf16>
    %dot_general3A_1037 = arith.constant dense<0.000000e+00> : vector<128x64xf32>
    %dot_general3A_1038 = tpu.matmul %convert_element_type3A_1028, %slice3A_1036, %dot_general3A_1037 {dimension_numbers = #tpu.dot_dimension_numbers<[1], [0], [0], [1], [0, 0, 1, 1], [], []>, transpose_lhs_hint = false} : vector<128x128xbf16>, vector<128x64xbf16>, vector<128x64xf32> -> vector<128x64xf32>
    %mul3A_1039 = vector.broadcast %div3A_1035 : vector<128x1xf32> to vector<128x64xf32>
    %mul3A_1040 = arith.mulf %dot_general3A_1038, %mul3A_1039 : vector<128x64xf32>
    %slice3A_1041 = vector.extract_strided_slice %slice3A_1006 {offsets = [128, 0], sizes = [128, 64], strides = [1, 1]} : vector<512x64xf32> to vector<128x64xf32>
    %slice3A_1042 = vector.extract_strided_slice %slice3A_1007 {offsets = [0, 0], sizes = [256, 64], strides = [1, 1]} : vector<512x64xf32> to vector<256x64xf32>
    %convert_element_type3A_1043 = arith.truncf %slice3A_1041 : vector<128x64xf32> to vector<128x64xbf16>
    %convert_element_type3A_1044 = arith.truncf %slice3A_1042 : vector<256x64xf32> to vector<256x64xbf16>
    %dot_general3A_1045 = arith.constant dense<0.000000e+00> : vector<128x256xf32>
    %dot_general3A_1046 = tpu.matmul %convert_element_type3A_1043, %convert_element_type3A_1044, %dot_general3A_1045 {dimension_numbers = #tpu.dot_dimension_numbers<[1], [1], [0], [0], [0, 0, 1, 0], [], []>, transpose_lhs_hint = false} : vector<128x64xbf16>, vector<256x64xbf16>, vector<128x256xf32> -> vector<128x256xf32>
    %iota3A_1047 = tpu.iota {dimensions = array<i32: 0>} : vector<128x256xi32>
    %add3A_1048 = arith.constant 128 : i32
    %add3A_1049 = vector.broadcast %add3A_1048 : i32 to vector<128x256xi32>
    %add3A_1050 = arith.addi %iota3A_1047, %add3A_1049 : vector<128x256xi32>
    %iota3A_1051 = tpu.iota {dimensions = array<i32: 1>} : vector<128x256xi32>
    %ge3A_1052 = arith.cmpi sge, %add3A_1050, %iota3A_1051 : vector<128x256xi32>
    %sub3A_1053 = arith.constant 2.000000e+01 : f32
    %sub3A_1054 = vector.broadcast %sub3A_1053 : f32 to vector<128x256xf32>
    %sub3A_1055 = arith.subf %dot_general3A_1046, %sub3A_1054 : vector<128x256xf32>
    %exp3A_1056 = math.exp %sub3A_1055 : vector<128x256xf32>
    %jit3A_1057 = arith.constant 0.000000e+00 : f32
    %broadcast_in_dim3A_1058 = vector.broadcast %jit3A_1057 : f32 to vector<128x256xf32>
    %select_n3A_1059 = arith.select %ge3A_1052, %exp3A_1056, %broadcast_in_dim3A_1058 : vector<128x256xi1>, vector<128x256xf32>
    %convert_element_type3A_1060 = arith.truncf %select_n3A_1059 : vector<128x256xf32> to vector<128x256xbf16>
    %convert_element_type3A_1061 = arith.extf %convert_element_type3A_1060 : vector<128x256xbf16> to vector<128x256xf32>
    %reduce_sum3A_1062 = arith.constant dense<0.000000e+00> : vector<128xf32>
    %reduce_sum3A_1063 = vector.multi_reduction <add>, %convert_element_type3A_1061, %reduce_sum3A_1062 [1] : vector<128x256xf32> to vector<128xf32>
    %broadcast_in_dim3A_1064 = vector.shape_cast %reduce_sum3A_1063 : vector<128xf32> to vector<128x1xf32>
    %div3A_1065 = arith.constant 1.000000e+00 : f32
    %div3A_1066 = vector.broadcast %div3A_1065 : f32 to vector<128x1xf32>
    %div3A_1067 = arith.divf %div3A_1066, %broadcast_in_dim3A_1064 : vector<128x1xf32>
    %slice3A_1068 = vector.extract_strided_slice %slice3A_1008 {offsets = [0, 0], sizes = [256, 64], strides = [1, 1]} : vector<512x64xbf16> to vector<256x64xbf16>
    %dot_general3A_1069 = arith.constant dense<0.000000e+00> : vector<128x64xf32>
    %dot_general3A_1070 = tpu.matmul %convert_element_type3A_1060, %slice3A_1068, %dot_general3A_1069 {dimension_numbers = #tpu.dot_dimension_numbers<[1], [0], [0], [1], [0, 0, 1, 1], [], []>, transpose_lhs_hint = false} : vector<128x256xbf16>, vector<256x64xbf16>, vector<128x64xf32> -> vector<128x64xf32>
    %mul3A_1071 = vector.broadcast %div3A_1067 : vector<128x1xf32> to vector<128x64xf32>
    %mul3A_1072 = arith.mulf %dot_general3A_1070, %mul3A_1071 : vector<128x64xf32>
    %slice3A_1073 = vector.extract_strided_slice %slice3A_1006 {offsets = [256, 0], sizes = [128, 64], strides = [1, 1]} : vector<512x64xf32> to vector<128x64xf32>
    %slice3A_1074 = vector.extract_strided_slice %slice3A_1007 {offsets = [0, 0], sizes = [384, 64], strides = [1, 1]} : vector<512x64xf32> to vector<384x64xf32>
    %convert_element_type3A_1075 = arith.truncf %slice3A_1073 : vector<128x64xf32> to vector<128x64xbf16>
    %convert_element_type3A_1076 = arith.truncf %slice3A_1074 : vector<384x64xf32> to vector<384x64xbf16>
    %dot_general3A_1077 = arith.constant dense<0.000000e+00> : vector<128x384xf32>
    %dot_general3A_1078 = tpu.matmul %convert_element_type3A_1075, %convert_element_type3A_1076, %dot_general3A_1077 {dimension_numbers = #tpu.dot_dimension_numbers<[1], [1], [0], [0], [0, 0, 1, 0], [], []>, transpose_lhs_hint = false} : vector<128x64xbf16>, vector<384x64xbf16>, vector<128x384xf32> -> vector<128x384xf32>
    %iota3A_1079 = tpu.iota {dimensions = array<i32: 0>} : vector<128x384xi32>
    %add3A_1080 = arith.constant 256 : i32
    %add3A_1081 = vector.broadcast %add3A_1080 : i32 to vector<128x384xi32>
    %add3A_1082 = arith.addi %iota3A_1079, %add3A_1081 : vector<128x384xi32>
    %iota3A_1083 = tpu.iota {dimensions = array<i32: 1>} : vector<128x384xi32>
    %ge3A_1084 = arith.cmpi sge, %add3A_1082, %iota3A_1083 : vector<128x384xi32>
    %sub3A_1085 = arith.constant 2.000000e+01 : f32
    %sub3A_1086 = vector.broadcast %sub3A_1085 : f32 to vector<128x384xf32>
    %sub3A_1087 = arith.subf %dot_general3A_1078, %sub3A_1086 : vector<128x384xf32>
    %exp3A_1088 = math.exp %sub3A_1087 : vector<128x384xf32>
    %jit3A_1089 = arith.constant 0.000000e+00 : f32
    %broadcast_in_dim3A_1090 = vector.broadcast %jit3A_1089 : f32 to vector<128x384xf32>
    %select_n3A_1091 = arith.select %ge3A_1084, %exp3A_1088, %broadcast_in_dim3A_1090 : vector<128x384xi1>, vector<128x384xf32>
    %convert_element_type3A_1092 = arith.truncf %select_n3A_1091 : vector<128x384xf32> to vector<128x384xbf16>
    %convert_element_type3A_1093 = arith.extf %convert_element_type3A_1092 : vector<128x384xbf16> to vector<128x384xf32>
    %reduce_sum3A_1094 = arith.constant dense<0.000000e+00> : vector<128xf32>
    %reduce_sum3A_1095 = vector.multi_reduction <add>, %convert_element_type3A_1093, %reduce_sum3A_1094 [1] : vector<128x384xf32> to vector<128xf32>
    %broadcast_in_dim3A_1096 = vector.shape_cast %reduce_sum3A_1095 : vector<128xf32> to vector<128x1xf32>
    %div3A_1097 = arith.constant 1.000000e+00 : f32
    %div3A_1098 = vector.broadcast %div3A_1097 : f32 to vector<128x1xf32>
    %div3A_1099 = arith.divf %div3A_1098, %broadcast_in_dim3A_1096 : vector<128x1xf32>
    %slice3A_1100 = vector.extract_strided_slice %slice3A_1008 {offsets = [0, 0], sizes = [384, 64], strides = [1, 1]} : vector<512x64xbf16> to vector<384x64xbf16>
    %dot_general3A_1101 = arith.constant dense<0.000000e+00> : vector<128x64xf32>
    %dot_general3A_1102 = tpu.matmul %convert_element_type3A_1092, %slice3A_1100, %dot_general3A_1101 {dimension_numbers = #tpu.dot_dimension_numbers<[1], [0], [0], [1], [0, 0, 1, 1], [], []>, transpose_lhs_hint = false} : vector<128x384xbf16>, vector<384x64xbf16>, vector<128x64xf32> -> vector<128x64xf32>
    %mul3A_1103 = vector.broadcast %div3A_1099 : vector<128x1xf32> to vector<128x64xf32>
    %mul3A_1104 = arith.mulf %dot_general3A_1102, %mul3A_1103 : vector<128x64xf32>
    %slice3A_1105 = vector.extract_strided_slice %slice3A_1006 {offsets = [384, 0], sizes = [128, 64], strides = [1, 1]} : vector<512x64xf32> to vector<128x64xf32>
    %convert_element_type3A_1106 = arith.truncf %slice3A_1105 : vector<128x64xf32> to vector<128x64xbf16>
    %convert_element_type3A_1107 = arith.truncf %slice3A_1007 : vector<512x64xf32> to vector<512x64xbf16>
    %dot_general3A_1108 = arith.constant dense<0.000000e+00> : vector<128x512xf32>
    %dot_general3A_1109 = tpu.matmul %convert_element_type3A_1106, %convert_element_type3A_1107, %dot_general3A_1108 {dimension_numbers = #tpu.dot_dimension_numbers<[1], [1], [0], [0], [0, 0, 1, 0], [], []>, transpose_lhs_hint = false} : vector<128x64xbf16>, vector<512x64xbf16>, vector<128x512xf32> -> vector<128x512xf32>
    %iota3A_1110 = tpu.iota {dimensions = array<i32: 0>} : vector<128x512xi32>
    %add3A_1111 = arith.constant 384 : i32
    %add3A_1112 = vector.broadcast %add3A_1111 : i32 to vector<128x512xi32>
    %add3A_1113 = arith.addi %iota3A_1110, %add3A_1112 : vector<128x512xi32>
    %iota3A_1114 = tpu.iota {dimensions = array<i32: 1>} : vector<128x512xi32>
    %ge3A_1115 = arith.cmpi sge, %add3A_1113, %iota3A_1114 : vector<128x512xi32>
    %sub3A_1116 = arith.constant 2.000000e+01 : f32
    %sub3A_1117 = vector.broadcast %sub3A_1116 : f32 to vector<128x512xf32>
    %sub3A_1118 = arith.subf %dot_general3A_1109, %sub3A_1117 : vector<128x512xf32>
    %exp3A_1119 = math.exp %sub3A_1118 : vector<128x512xf32>
    %jit3A_1120 = arith.constant 0.000000e+00 : f32
    %broadcast_in_dim3A_1121 = vector.broadcast %jit3A_1120 : f32 to vector<128x512xf32>
    %select_n3A_1122 = arith.select %ge3A_1115, %exp3A_1119, %broadcast_in_dim3A_1121 : vector<128x512xi1>, vector<128x512xf32>
    %convert_element_type3A_1123 = arith.truncf %select_n3A_1122 : vector<128x512xf32> to vector<128x512xbf16>
    %convert_element_type3A_1124 = arith.extf %convert_element_type3A_1123 : vector<128x512xbf16> to vector<128x512xf32>
    %reduce_sum3A_1125 = arith.constant dense<0.000000e+00> : vector<128xf32>
    %reduce_sum3A_1126 = vector.multi_reduction <add>, %convert_element_type3A_1124, %reduce_sum3A_1125 [1] : vector<128x512xf32> to vector<128xf32>
    %broadcast_in_dim3A_1127 = vector.shape_cast %reduce_sum3A_1126 : vector<128xf32> to vector<128x1xf32>
    %div3A_1128 = arith.constant 1.000000e+00 : f32
    %div3A_1129 = vector.broadcast %div3A_1128 : f32 to vector<128x1xf32>
    %div3A_1130 = arith.divf %div3A_1129, %broadcast_in_dim3A_1127 : vector<128x1xf32>
    %dot_general3A_1131 = arith.constant dense<0.000000e+00> : vector<128x64xf32>
    %dot_general3A_1132 = tpu.matmul %convert_element_type3A_1123, %slice3A_1008, %dot_general3A_1131 {dimension_numbers = #tpu.dot_dimension_numbers<[1], [0], [0], [1], [0, 0, 1, 1], [], []>, transpose_lhs_hint = false} : vector<128x512xbf16>, vector<512x64xbf16>, vector<128x64xf32> -> vector<128x64xf32>
    %mul3A_1133 = vector.broadcast %div3A_1130 : vector<128x1xf32> to vector<128x64xf32>
    %mul3A_1134 = arith.mulf %dot_general3A_1132, %mul3A_1133 : vector<128x64xf32>
    %concatenate3A_1135 = tpu.concatenate %mul3A_1040, %mul3A_1072, %mul3A_1104, %mul3A_1134 in 0 : vector<128x64xf32>, vector<128x64xf32>, vector<128x64xf32>, vector<128x64xf32> -> vector<512x64xf32>
    %convert_element_type3A_1136 = arith.truncf %concatenate3A_1135 : vector<512x64xf32> to vector<512x64xbf16>
    %concatenate3A_1137 = tpu.concatenate %convert_element_type3A_219, %convert_element_type3A_350, %convert_element_type3A_481, %convert_element_type3A_612, %convert_element_type3A_743, %convert_element_type3A_874, %convert_element_type3A_1005, %convert_element_type3A_1136 in 1 : vector<512x64xbf16>, vector<512x64xbf16>, vector<512x64xbf16>, vector<512x64xbf16>, vector<512x64xbf16>, vector<512x64xbf16>, vector<512x64xbf16>, vector<512x64xbf16> -> vector<512x512xbf16>
    %convert_element_type3A_1138 = arith.truncf %get3A_24 : vector<512x512xf32> to vector<512x512xbf16>
    %dot_general3A_1139 = arith.constant dense<0.000000e+00> : vector<512x512xf32>
    %dot_general3A_1140 = tpu.matmul %concatenate3A_1137, %convert_element_type3A_1138, %dot_general3A_1139 {dimension_numbers = #tpu.dot_dimension_numbers<[1], [0], [0], [1], [0, 0, 1, 1], [], []>, transpose_lhs_hint = false} : vector<512x512xbf16>, vector<512x512xbf16>, vector<512x512xf32> -> vector<512x512xf32>
    %add3A_1141 = vector.broadcast %get3A_27 : vector<1x512xf32> to vector<512x512xf32>
    %add3A_1142 = arith.addf %dot_general3A_1140, %add3A_1141 : vector<512x512xf32>
    %add3A_1143 = arith.addf %get3A_3, %add3A_1142 : vector<512x512xf32>
    %reduce_sum3A_1144 = arith.constant dense<0.000000e+00> : vector<512xf32>
    %reduce_sum3A_1145 = vector.multi_reduction <add>, %add3A_1143, %reduce_sum3A_1144 [1] : vector<512x512xf32> to vector<512xf32>
    %broadcast_in_dim3A_1146 = vector.shape_cast %reduce_sum3A_1145 : vector<512xf32> to vector<512x1xf32>
    %div3A_1147 = arith.constant 5.120000e+02 : f32
    %div3A_1148 = vector.broadcast %div3A_1147 : f32 to vector<512x1xf32>
    %div3A_1149 = arith.divf %broadcast_in_dim3A_1146, %div3A_1148 : vector<512x1xf32>
    %sub3A_1150 = vector.broadcast %div3A_1149 : vector<512x1xf32> to vector<512x512xf32>
    %sub3A_1151 = arith.subf %add3A_1143, %sub3A_1150 : vector<512x512xf32>
    %integer_pow3A = arith.mulf %sub3A_1151, %sub3A_1151 : vector<512x512xf32>
    %reduce_sum3A_1152 = arith.constant dense<0.000000e+00> : vector<512xf32>
    %reduce_sum3A_1153 = vector.multi_reduction <add>, %integer_pow3A, %reduce_sum3A_1152 [1] : vector<512x512xf32> to vector<512xf32>
    %broadcast_in_dim3A_1154 = vector.shape_cast %reduce_sum3A_1153 : vector<512xf32> to vector<512x1xf32>
    %div3A_1155 = arith.constant 5.120000e+02 : f32
    %div3A_1156 = vector.broadcast %div3A_1155 : f32 to vector<512x1xf32>
    %div3A_1157 = arith.divf %broadcast_in_dim3A_1154, %div3A_1156 : vector<512x1xf32>
    %sub3A_1158 = vector.broadcast %div3A_1149 : vector<512x1xf32> to vector<512x512xf32>
    %sub3A_1159 = arith.subf %add3A_1143, %sub3A_1158 : vector<512x512xf32>
    %add3A_1160 = arith.constant 9.99999974E-6 : f32
    %add3A_1161 = vector.broadcast %add3A_1160 : f32 to vector<512x1xf32>
    %add3A_1162 = arith.addf %div3A_1157, %add3A_1161 : vector<512x1xf32>
    %sqrt3A = math.sqrt %add3A_1162 : vector<512x1xf32>
    %div3A_1163 = vector.broadcast %sqrt3A : vector<512x1xf32> to vector<512x512xf32>
    %div3A_1164 = arith.divf %sub3A_1159, %div3A_1163 : vector<512x512xf32>
    %mul3A_1165 = vector.broadcast %get3A_66 : vector<1x512xf32> to vector<512x512xf32>
    %mul3A_1166 = arith.mulf %div3A_1164, %mul3A_1165 : vector<512x512xf32>
    %add3A_1167 = vector.broadcast %get3A_69 : vector<1x512xf32> to vector<512x512xf32>
    %add3A_1168 = arith.addf %mul3A_1166, %add3A_1167 : vector<512x512xf32>
    %convert_element_type3A_1169 = arith.truncf %add3A_1168 : vector<512x512xf32> to vector<512x512xbf16>
    %convert_element_type3A_1170 = arith.truncf %get3A_30 : vector<512x512xf32> to vector<512x512xbf16>
    %dot_general3A_1171 = arith.constant dense<0.000000e+00> : vector<512x512xf32>
    %dot_general3A_1172 = tpu.matmul %convert_element_type3A_1169, %convert_element_type3A_1170, %dot_general3A_1171 {dimension_numbers = #tpu.dot_dimension_numbers<[1], [0], [0], [1], [0, 0, 1, 1], [], []>, transpose_lhs_hint = false} : vector<512x512xbf16>, vector<512x512xbf16>, vector<512x512xf32> -> vector<512x512xf32>
    %add3A_1173 = vector.broadcast %get3A_33 : vector<1x512xf32> to vector<512x512xf32>
    %add3A_1174 = arith.addf %dot_general3A_1172, %add3A_1173 : vector<512x512xf32>
    %mul3A_1175 = arith.constant 1.250000e-01 : f32
    %mul3A_1176 = vector.broadcast %mul3A_1175 : f32 to vector<512x512xf32>
    %mul3A_1177 = arith.mulf %add3A_1174, %mul3A_1176 : vector<512x512xf32>
    %convert_element_type3A_1178 = arith.truncf %add3A_1168 : vector<512x512xf32> to vector<512x512xbf16>
    %convert_element_type3A_1179 = arith.truncf %get3A_36 : vector<512x512xf32> to vector<512x512xbf16>
    %dot_general3A_1180 = arith.constant dense<0.000000e+00> : vector<512x512xf32>
    %dot_general3A_1181 = tpu.matmul %convert_element_type3A_1178, %convert_element_type3A_1179, %dot_general3A_1180 {dimension_numbers = #tpu.dot_dimension_numbers<[1], [0], [0], [1], [0, 0, 1, 1], [], []>, transpose_lhs_hint = false} : vector<512x512xbf16>, vector<512x512xbf16>, vector<512x512xf32> -> vector<512x512xf32>
    %add3A_1182 = vector.broadcast %get3A_39 : vector<1x512xf32> to vector<512x512xf32>
    %add3A_1183 = arith.addf %dot_general3A_1181, %add3A_1182 : vector<512x512xf32>
    %convert_element_type3A_1184 = arith.truncf %add3A_1168 : vector<512x512xf32> to vector<512x512xbf16>
    %convert_element_type3A_1185 = arith.truncf %get3A_42 : vector<512x512xf32> to vector<512x512xbf16>
    %dot_general3A_1186 = arith.constant dense<0.000000e+00> : vector<512x512xf32>
    %dot_general3A_1187 = tpu.matmul %convert_element_type3A_1184, %convert_element_type3A_1185, %dot_general3A_1186 {dimension_numbers = #tpu.dot_dimension_numbers<[1], [0], [0], [1], [0, 0, 1, 1], [], []>, transpose_lhs_hint = false} : vector<512x512xbf16>, vector<512x512xbf16>, vector<512x512xf32> -> vector<512x512xf32>
    %add3A_1188 = vector.broadcast %get3A_45 : vector<1x512xf32> to vector<512x512xf32>
    %add3A_1189 = arith.addf %dot_general3A_1187, %add3A_1188 : vector<512x512xf32>
    %convert_element_type3A_1190 = arith.truncf %add3A_1189 : vector<512x512xf32> to vector<512x512xbf16>
    %slice3A_1191 = vector.extract_strided_slice %mul3A_1177 {offsets = [0, 0], sizes = [512, 64], strides = [1, 1]} : vector<512x512xf32> to vector<512x64xf32>
    %slice3A_1192 = vector.extract_strided_slice %add3A_1183 {offsets = [0, 0], sizes = [512, 64], strides = [1, 1]} : vector<512x512xf32> to vector<512x64xf32>
    %slice3A_1193 = vector.extract_strided_slice %convert_element_type3A_1190 {offsets = [0, 0], sizes = [512, 64], strides = [1, 1]} : vector<512x512xbf16> to vector<512x64xbf16>
    %convert_element_type3A_1194 = arith.truncf %slice3A_1191 : vector<512x64xf32> to vector<512x64xbf16>
    %convert_element_type3A_1195 = arith.truncf %slice3A_1192 : vector<512x64xf32> to vector<512x64xbf16>
    %dot_general3A_1196 = arith.constant dense<0.000000e+00> : vector<512x512xf32>
    %dot_general3A_1197 = tpu.matmul %convert_element_type3A_1194, %convert_element_type3A_1195, %dot_general3A_1196 {dimension_numbers = #tpu.dot_dimension_numbers<[1], [1], [0], [0], [0, 0, 1, 0], [], []>, transpose_lhs_hint = false} : vector<512x64xbf16>, vector<512x64xbf16>, vector<512x512xf32> -> vector<512x512xf32>
    %sub3A_1198 = arith.constant 2.000000e+01 : f32
    %sub3A_1199 = vector.broadcast %sub3A_1198 : f32 to vector<512x512xf32>
    %sub3A_1200 = arith.subf %dot_general3A_1197, %sub3A_1199 : vector<512x512xf32>
    %exp3A_1201 = math.exp %sub3A_1200 : vector<512x512xf32>
    %convert_element_type3A_1202 = arith.truncf %exp3A_1201 : vector<512x512xf32> to vector<512x512xbf16>
    %convert_element_type3A_1203 = arith.extf %convert_element_type3A_1202 : vector<512x512xbf16> to vector<512x512xf32>
    %reduce_sum3A_1204 = arith.constant dense<0.000000e+00> : vector<512xf32>
    %reduce_sum3A_1205 = vector.multi_reduction <add>, %convert_element_type3A_1203, %reduce_sum3A_1204 [1] : vector<512x512xf32> to vector<512xf32>
    %broadcast_in_dim3A_1206 = vector.shape_cast %reduce_sum3A_1205 : vector<512xf32> to vector<512x1xf32>
    %div3A_1207 = arith.constant 1.000000e+00 : f32
    %div3A_1208 = vector.broadcast %div3A_1207 : f32 to vector<512x1xf32>
    %div3A_1209 = arith.divf %div3A_1208, %broadcast_in_dim3A_1206 : vector<512x1xf32>
    %dot_general3A_1210 = arith.constant dense<0.000000e+00> : vector<512x64xf32>
    %dot_general3A_1211 = tpu.matmul %convert_element_type3A_1202, %slice3A_1193, %dot_general3A_1210 {dimension_numbers = #tpu.dot_dimension_numbers<[1], [0], [0], [1], [0, 0, 1, 1], [], []>, transpose_lhs_hint = false} : vector<512x512xbf16>, vector<512x64xbf16>, vector<512x64xf32> -> vector<512x64xf32>
    %mul3A_1212 = vector.broadcast %div3A_1209 : vector<512x1xf32> to vector<512x64xf32>
    %mul3A_1213 = arith.mulf %dot_general3A_1211, %mul3A_1212 : vector<512x64xf32>
    %convert_element_type3A_1214 = arith.truncf %mul3A_1213 : vector<512x64xf32> to vector<512x64xbf16>
    %slice3A_1215 = vector.extract_strided_slice %mul3A_1177 {offsets = [0, 64], sizes = [512, 64], strides = [1, 1]} : vector<512x512xf32> to vector<512x64xf32>
    %slice3A_1216 = vector.extract_strided_slice %add3A_1183 {offsets = [0, 64], sizes = [512, 64], strides = [1, 1]} : vector<512x512xf32> to vector<512x64xf32>
    %slice3A_1217 = vector.extract_strided_slice %convert_element_type3A_1190 {offsets = [0, 64], sizes = [512, 64], strides = [1, 1]} : vector<512x512xbf16> to vector<512x64xbf16>
    %convert_element_type3A_1218 = arith.truncf %slice3A_1215 : vector<512x64xf32> to vector<512x64xbf16>
    %convert_element_type3A_1219 = arith.truncf %slice3A_1216 : vector<512x64xf32> to vector<512x64xbf16>
    %dot_general3A_1220 = arith.constant dense<0.000000e+00> : vector<512x512xf32>
    %dot_general3A_1221 = tpu.matmul %convert_element_type3A_1218, %convert_element_type3A_1219, %dot_general3A_1220 {dimension_numbers = #tpu.dot_dimension_numbers<[1], [1], [0], [0], [0, 0, 1, 0], [], []>, transpose_lhs_hint = false} : vector<512x64xbf16>, vector<512x64xbf16>, vector<512x512xf32> -> vector<512x512xf32>
    %sub3A_1222 = arith.constant 2.000000e+01 : f32
    %sub3A_1223 = vector.broadcast %sub3A_1222 : f32 to vector<512x512xf32>
    %sub3A_1224 = arith.subf %dot_general3A_1221, %sub3A_1223 : vector<512x512xf32>
    %exp3A_1225 = math.exp %sub3A_1224 : vector<512x512xf32>
    %convert_element_type3A_1226 = arith.truncf %exp3A_1225 : vector<512x512xf32> to vector<512x512xbf16>
    %convert_element_type3A_1227 = arith.extf %convert_element_type3A_1226 : vector<512x512xbf16> to vector<512x512xf32>
    %reduce_sum3A_1228 = arith.constant dense<0.000000e+00> : vector<512xf32>
    %reduce_sum3A_1229 = vector.multi_reduction <add>, %convert_element_type3A_1227, %reduce_sum3A_1228 [1] : vector<512x512xf32> to vector<512xf32>
    %broadcast_in_dim3A_1230 = vector.shape_cast %reduce_sum3A_1229 : vector<512xf32> to vector<512x1xf32>
    %div3A_1231 = arith.constant 1.000000e+00 : f32
    %div3A_1232 = vector.broadcast %div3A_1231 : f32 to vector<512x1xf32>
    %div3A_1233 = arith.divf %div3A_1232, %broadcast_in_dim3A_1230 : vector<512x1xf32>
    %dot_general3A_1234 = arith.constant dense<0.000000e+00> : vector<512x64xf32>
    %dot_general3A_1235 = tpu.matmul %convert_element_type3A_1226, %slice3A_1217, %dot_general3A_1234 {dimension_numbers = #tpu.dot_dimension_numbers<[1], [0], [0], [1], [0, 0, 1, 1], [], []>, transpose_lhs_hint = false} : vector<512x512xbf16>, vector<512x64xbf16>, vector<512x64xf32> -> vector<512x64xf32>
    %mul3A_1236 = vector.broadcast %div3A_1233 : vector<512x1xf32> to vector<512x64xf32>
    %mul3A_1237 = arith.mulf %dot_general3A_1235, %mul3A_1236 : vector<512x64xf32>
    %convert_element_type3A_1238 = arith.truncf %mul3A_1237 : vector<512x64xf32> to vector<512x64xbf16>
    %slice3A_1239 = vector.extract_strided_slice %mul3A_1177 {offsets = [0, 128], sizes = [512, 64], strides = [1, 1]} : vector<512x512xf32> to vector<512x64xf32>
    %slice3A_1240 = vector.extract_strided_slice %add3A_1183 {offsets = [0, 128], sizes = [512, 64], strides = [1, 1]} : vector<512x512xf32> to vector<512x64xf32>
    %slice3A_1241 = vector.extract_strided_slice %convert_element_type3A_1190 {offsets = [0, 128], sizes = [512, 64], strides = [1, 1]} : vector<512x512xbf16> to vector<512x64xbf16>
    %convert_element_type3A_1242 = arith.truncf %slice3A_1239 : vector<512x64xf32> to vector<512x64xbf16>
    %convert_element_type3A_1243 = arith.truncf %slice3A_1240 : vector<512x64xf32> to vector<512x64xbf16>
    %dot_general3A_1244 = arith.constant dense<0.000000e+00> : vector<512x512xf32>
    %dot_general3A_1245 = tpu.matmul %convert_element_type3A_1242, %convert_element_type3A_1243, %dot_general3A_1244 {dimension_numbers = #tpu.dot_dimension_numbers<[1], [1], [0], [0], [0, 0, 1, 0], [], []>, transpose_lhs_hint = false} : vector<512x64xbf16>, vector<512x64xbf16>, vector<512x512xf32> -> vector<512x512xf32>
    %sub3A_1246 = arith.constant 2.000000e+01 : f32
    %sub3A_1247 = vector.broadcast %sub3A_1246 : f32 to vector<512x512xf32>
    %sub3A_1248 = arith.subf %dot_general3A_1245, %sub3A_1247 : vector<512x512xf32>
    %exp3A_1249 = math.exp %sub3A_1248 : vector<512x512xf32>
    %convert_element_type3A_1250 = arith.truncf %exp3A_1249 : vector<512x512xf32> to vector<512x512xbf16>
    %convert_element_type3A_1251 = arith.extf %convert_element_type3A_1250 : vector<512x512xbf16> to vector<512x512xf32>
    %reduce_sum3A_1252 = arith.constant dense<0.000000e+00> : vector<512xf32>
    %reduce_sum3A_1253 = vector.multi_reduction <add>, %convert_element_type3A_1251, %reduce_sum3A_1252 [1] : vector<512x512xf32> to vector<512xf32>
    %broadcast_in_dim3A_1254 = vector.shape_cast %reduce_sum3A_1253 : vector<512xf32> to vector<512x1xf32>
    %div3A_1255 = arith.constant 1.000000e+00 : f32
    %div3A_1256 = vector.broadcast %div3A_1255 : f32 to vector<512x1xf32>
    %div3A_1257 = arith.divf %div3A_1256, %broadcast_in_dim3A_1254 : vector<512x1xf32>
    %dot_general3A_1258 = arith.constant dense<0.000000e+00> : vector<512x64xf32>
    %dot_general3A_1259 = tpu.matmul %convert_element_type3A_1250, %slice3A_1241, %dot_general3A_1258 {dimension_numbers = #tpu.dot_dimension_numbers<[1], [0], [0], [1], [0, 0, 1, 1], [], []>, transpose_lhs_hint = false} : vector<512x512xbf16>, vector<512x64xbf16>, vector<512x64xf32> -> vector<512x64xf32>
    %mul3A_1260 = vector.broadcast %div3A_1257 : vector<512x1xf32> to vector<512x64xf32>
    %mul3A_1261 = arith.mulf %dot_general3A_1259, %mul3A_1260 : vector<512x64xf32>
    %convert_element_type3A_1262 = arith.truncf %mul3A_1261 : vector<512x64xf32> to vector<512x64xbf16>
    %slice3A_1263 = vector.extract_strided_slice %mul3A_1177 {offsets = [0, 192], sizes = [512, 64], strides = [1, 1]} : vector<512x512xf32> to vector<512x64xf32>
    %slice3A_1264 = vector.extract_strided_slice %add3A_1183 {offsets = [0, 192], sizes = [512, 64], strides = [1, 1]} : vector<512x512xf32> to vector<512x64xf32>
    %slice3A_1265 = vector.extract_strided_slice %convert_element_type3A_1190 {offsets = [0, 192], sizes = [512, 64], strides = [1, 1]} : vector<512x512xbf16> to vector<512x64xbf16>
    %convert_element_type3A_1266 = arith.truncf %slice3A_1263 : vector<512x64xf32> to vector<512x64xbf16>
    %convert_element_type3A_1267 = arith.truncf %slice3A_1264 : vector<512x64xf32> to vector<512x64xbf16>
    %dot_general3A_1268 = arith.constant dense<0.000000e+00> : vector<512x512xf32>
    %dot_general3A_1269 = tpu.matmul %convert_element_type3A_1266, %convert_element_type3A_1267, %dot_general3A_1268 {dimension_numbers = #tpu.dot_dimension_numbers<[1], [1], [0], [0], [0, 0, 1, 0], [], []>, transpose_lhs_hint = false} : vector<512x64xbf16>, vector<512x64xbf16>, vector<512x512xf32> -> vector<512x512xf32>
    %sub3A_1270 = arith.constant 2.000000e+01 : f32
    %sub3A_1271 = vector.broadcast %sub3A_1270 : f32 to vector<512x512xf32>
    %sub3A_1272 = arith.subf %dot_general3A_1269, %sub3A_1271 : vector<512x512xf32>
    %exp3A_1273 = math.exp %sub3A_1272 : vector<512x512xf32>
    %convert_element_type3A_1274 = arith.truncf %exp3A_1273 : vector<512x512xf32> to vector<512x512xbf16>
    %convert_element_type3A_1275 = arith.extf %convert_element_type3A_1274 : vector<512x512xbf16> to vector<512x512xf32>
    %reduce_sum3A_1276 = arith.constant dense<0.000000e+00> : vector<512xf32>
    %reduce_sum3A_1277 = vector.multi_reduction <add>, %convert_element_type3A_1275, %reduce_sum3A_1276 [1] : vector<512x512xf32> to vector<512xf32>
    %broadcast_in_dim3A_1278 = vector.shape_cast %reduce_sum3A_1277 : vector<512xf32> to vector<512x1xf32>
    %div3A_1279 = arith.constant 1.000000e+00 : f32
    %div3A_1280 = vector.broadcast %div3A_1279 : f32 to vector<512x1xf32>
    %div3A_1281 = arith.divf %div3A_1280, %broadcast_in_dim3A_1278 : vector<512x1xf32>
    %dot_general3A_1282 = arith.constant dense<0.000000e+00> : vector<512x64xf32>
    %dot_general3A_1283 = tpu.matmul %convert_element_type3A_1274, %slice3A_1265, %dot_general3A_1282 {dimension_numbers = #tpu.dot_dimension_numbers<[1], [0], [0], [1], [0, 0, 1, 1], [], []>, transpose_lhs_hint = false} : vector<512x512xbf16>, vector<512x64xbf16>, vector<512x64xf32> -> vector<512x64xf32>
    %mul3A_1284 = vector.broadcast %div3A_1281 : vector<512x1xf32> to vector<512x64xf32>
    %mul3A_1285 = arith.mulf %dot_general3A_1283, %mul3A_1284 : vector<512x64xf32>
    %convert_element_type3A_1286 = arith.truncf %mul3A_1285 : vector<512x64xf32> to vector<512x64xbf16>
    %slice3A_1287 = vector.extract_strided_slice %mul3A_1177 {offsets = [0, 256], sizes = [512, 64], strides = [1, 1]} : vector<512x512xf32> to vector<512x64xf32>
    %slice3A_1288 = vector.extract_strided_slice %add3A_1183 {offsets = [0, 256], sizes = [512, 64], strides = [1, 1]} : vector<512x512xf32> to vector<512x64xf32>
    %slice3A_1289 = vector.extract_strided_slice %convert_element_type3A_1190 {offsets = [0, 256], sizes = [512, 64], strides = [1, 1]} : vector<512x512xbf16> to vector<512x64xbf16>
    %convert_element_type3A_1290 = arith.truncf %slice3A_1287 : vector<512x64xf32> to vector<512x64xbf16>
    %convert_element_type3A_1291 = arith.truncf %slice3A_1288 : vector<512x64xf32> to vector<512x64xbf16>
    %dot_general3A_1292 = arith.constant dense<0.000000e+00> : vector<512x512xf32>
    %dot_general3A_1293 = tpu.matmul %convert_element_type3A_1290, %convert_element_type3A_1291, %dot_general3A_1292 {dimension_numbers = #tpu.dot_dimension_numbers<[1], [1], [0], [0], [0, 0, 1, 0], [], []>, transpose_lhs_hint = false} : vector<512x64xbf16>, vector<512x64xbf16>, vector<512x512xf32> -> vector<512x512xf32>
    %sub3A_1294 = arith.constant 2.000000e+01 : f32
    %sub3A_1295 = vector.broadcast %sub3A_1294 : f32 to vector<512x512xf32>
    %sub3A_1296 = arith.subf %dot_general3A_1293, %sub3A_1295 : vector<512x512xf32>
    %exp3A_1297 = math.exp %sub3A_1296 : vector<512x512xf32>
    %convert_element_type3A_1298 = arith.truncf %exp3A_1297 : vector<512x512xf32> to vector<512x512xbf16>
    %convert_element_type3A_1299 = arith.extf %convert_element_type3A_1298 : vector<512x512xbf16> to vector<512x512xf32>
    %reduce_sum3A_1300 = arith.constant dense<0.000000e+00> : vector<512xf32>
    %reduce_sum3A_1301 = vector.multi_reduction <add>, %convert_element_type3A_1299, %reduce_sum3A_1300 [1] : vector<512x512xf32> to vector<512xf32>
    %broadcast_in_dim3A_1302 = vector.shape_cast %reduce_sum3A_1301 : vector<512xf32> to vector<512x1xf32>
    %div3A_1303 = arith.constant 1.000000e+00 : f32
    %div3A_1304 = vector.broadcast %div3A_1303 : f32 to vector<512x1xf32>
    %div3A_1305 = arith.divf %div3A_1304, %broadcast_in_dim3A_1302 : vector<512x1xf32>
    %dot_general3A_1306 = arith.constant dense<0.000000e+00> : vector<512x64xf32>
    %dot_general3A_1307 = tpu.matmul %convert_element_type3A_1298, %slice3A_1289, %dot_general3A_1306 {dimension_numbers = #tpu.dot_dimension_numbers<[1], [0], [0], [1], [0, 0, 1, 1], [], []>, transpose_lhs_hint = false} : vector<512x512xbf16>, vector<512x64xbf16>, vector<512x64xf32> -> vector<512x64xf32>
    %mul3A_1308 = vector.broadcast %div3A_1305 : vector<512x1xf32> to vector<512x64xf32>
    %mul3A_1309 = arith.mulf %dot_general3A_1307, %mul3A_1308 : vector<512x64xf32>
    %convert_element_type3A_1310 = arith.truncf %mul3A_1309 : vector<512x64xf32> to vector<512x64xbf16>
    %slice3A_1311 = vector.extract_strided_slice %mul3A_1177 {offsets = [0, 320], sizes = [512, 64], strides = [1, 1]} : vector<512x512xf32> to vector<512x64xf32>
    %slice3A_1312 = vector.extract_strided_slice %add3A_1183 {offsets = [0, 320], sizes = [512, 64], strides = [1, 1]} : vector<512x512xf32> to vector<512x64xf32>
    %slice3A_1313 = vector.extract_strided_slice %convert_element_type3A_1190 {offsets = [0, 320], sizes = [512, 64], strides = [1, 1]} : vector<512x512xbf16> to vector<512x64xbf16>
    %convert_element_type3A_1314 = arith.truncf %slice3A_1311 : vector<512x64xf32> to vector<512x64xbf16>
    %convert_element_type3A_1315 = arith.truncf %slice3A_1312 : vector<512x64xf32> to vector<512x64xbf16>
    %dot_general3A_1316 = arith.constant dense<0.000000e+00> : vector<512x512xf32>
    %dot_general3A_1317 = tpu.matmul %convert_element_type3A_1314, %convert_element_type3A_1315, %dot_general3A_1316 {dimension_numbers = #tpu.dot_dimension_numbers<[1], [1], [0], [0], [0, 0, 1, 0], [], []>, transpose_lhs_hint = false} : vector<512x64xbf16>, vector<512x64xbf16>, vector<512x512xf32> -> vector<512x512xf32>
    %sub3A_1318 = arith.constant 2.000000e+01 : f32
    %sub3A_1319 = vector.broadcast %sub3A_1318 : f32 to vector<512x512xf32>
    %sub3A_1320 = arith.subf %dot_general3A_1317, %sub3A_1319 : vector<512x512xf32>
    %exp3A_1321 = math.exp %sub3A_1320 : vector<512x512xf32>
    %convert_element_type3A_1322 = arith.truncf %exp3A_1321 : vector<512x512xf32> to vector<512x512xbf16>
    %convert_element_type3A_1323 = arith.extf %convert_element_type3A_1322 : vector<512x512xbf16> to vector<512x512xf32>
    %reduce_sum3A_1324 = arith.constant dense<0.000000e+00> : vector<512xf32>
    %reduce_sum3A_1325 = vector.multi_reduction <add>, %convert_element_type3A_1323, %reduce_sum3A_1324 [1] : vector<512x512xf32> to vector<512xf32>
    %broadcast_in_dim3A_1326 = vector.shape_cast %reduce_sum3A_1325 : vector<512xf32> to vector<512x1xf32>
    %div3A_1327 = arith.constant 1.000000e+00 : f32
    %div3A_1328 = vector.broadcast %div3A_1327 : f32 to vector<512x1xf32>
    %div3A_1329 = arith.divf %div3A_1328, %broadcast_in_dim3A_1326 : vector<512x1xf32>
    %dot_general3A_1330 = arith.constant dense<0.000000e+00> : vector<512x64xf32>
    %dot_general3A_1331 = tpu.matmul %convert_element_type3A_1322, %slice3A_1313, %dot_general3A_1330 {dimension_numbers = #tpu.dot_dimension_numbers<[1], [0], [0], [1], [0, 0, 1, 1], [], []>, transpose_lhs_hint = false} : vector<512x512xbf16>, vector<512x64xbf16>, vector<512x64xf32> -> vector<512x64xf32>
    %mul3A_1332 = vector.broadcast %div3A_1329 : vector<512x1xf32> to vector<512x64xf32>
    %mul3A_1333 = arith.mulf %dot_general3A_1331, %mul3A_1332 : vector<512x64xf32>
    %convert_element_type3A_1334 = arith.truncf %mul3A_1333 : vector<512x64xf32> to vector<512x64xbf16>
    %slice3A_1335 = vector.extract_strided_slice %mul3A_1177 {offsets = [0, 384], sizes = [512, 64], strides = [1, 1]} : vector<512x512xf32> to vector<512x64xf32>
    %slice3A_1336 = vector.extract_strided_slice %add3A_1183 {offsets = [0, 384], sizes = [512, 64], strides = [1, 1]} : vector<512x512xf32> to vector<512x64xf32>
    %slice3A_1337 = vector.extract_strided_slice %convert_element_type3A_1190 {offsets = [0, 384], sizes = [512, 64], strides = [1, 1]} : vector<512x512xbf16> to vector<512x64xbf16>
    %convert_element_type3A_1338 = arith.truncf %slice3A_1335 : vector<512x64xf32> to vector<512x64xbf16>
    %convert_element_type3A_1339 = arith.truncf %slice3A_1336 : vector<512x64xf32> to vector<512x64xbf16>
    %dot_general3A_1340 = arith.constant dense<0.000000e+00> : vector<512x512xf32>
    %dot_general3A_1341 = tpu.matmul %convert_element_type3A_1338, %convert_element_type3A_1339, %dot_general3A_1340 {dimension_numbers = #tpu.dot_dimension_numbers<[1], [1], [0], [0], [0, 0, 1, 0], [], []>, transpose_lhs_hint = false} : vector<512x64xbf16>, vector<512x64xbf16>, vector<512x512xf32> -> vector<512x512xf32>
    %sub3A_1342 = arith.constant 2.000000e+01 : f32
    %sub3A_1343 = vector.broadcast %sub3A_1342 : f32 to vector<512x512xf32>
    %sub3A_1344 = arith.subf %dot_general3A_1341, %sub3A_1343 : vector<512x512xf32>
    %exp3A_1345 = math.exp %sub3A_1344 : vector<512x512xf32>
    %convert_element_type3A_1346 = arith.truncf %exp3A_1345 : vector<512x512xf32> to vector<512x512xbf16>
    %convert_element_type3A_1347 = arith.extf %convert_element_type3A_1346 : vector<512x512xbf16> to vector<512x512xf32>
    %reduce_sum3A_1348 = arith.constant dense<0.000000e+00> : vector<512xf32>
    %reduce_sum3A_1349 = vector.multi_reduction <add>, %convert_element_type3A_1347, %reduce_sum3A_1348 [1] : vector<512x512xf32> to vector<512xf32>
    %broadcast_in_dim3A_1350 = vector.shape_cast %reduce_sum3A_1349 : vector<512xf32> to vector<512x1xf32>
    %div3A_1351 = arith.constant 1.000000e+00 : f32
    %div3A_1352 = vector.broadcast %div3A_1351 : f32 to vector<512x1xf32>
    %div3A_1353 = arith.divf %div3A_1352, %broadcast_in_dim3A_1350 : vector<512x1xf32>
    %dot_general3A_1354 = arith.constant dense<0.000000e+00> : vector<512x64xf32>
    %dot_general3A_1355 = tpu.matmul %convert_element_type3A_1346, %slice3A_1337, %dot_general3A_1354 {dimension_numbers = #tpu.dot_dimension_numbers<[1], [0], [0], [1], [0, 0, 1, 1], [], []>, transpose_lhs_hint = false} : vector<512x512xbf16>, vector<512x64xbf16>, vector<512x64xf32> -> vector<512x64xf32>
    %mul3A_1356 = vector.broadcast %div3A_1353 : vector<512x1xf32> to vector<512x64xf32>
    %mul3A_1357 = arith.mulf %dot_general3A_1355, %mul3A_1356 : vector<512x64xf32>
    %convert_element_type3A_1358 = arith.truncf %mul3A_1357 : vector<512x64xf32> to vector<512x64xbf16>
    %slice3A_1359 = vector.extract_strided_slice %mul3A_1177 {offsets = [0, 448], sizes = [512, 64], strides = [1, 1]} : vector<512x512xf32> to vector<512x64xf32>
    %slice3A_1360 = vector.extract_strided_slice %add3A_1183 {offsets = [0, 448], sizes = [512, 64], strides = [1, 1]} : vector<512x512xf32> to vector<512x64xf32>
    %slice3A_1361 = vector.extract_strided_slice %convert_element_type3A_1190 {offsets = [0, 448], sizes = [512, 64], strides = [1, 1]} : vector<512x512xbf16> to vector<512x64xbf16>
    %convert_element_type3A_1362 = arith.truncf %slice3A_1359 : vector<512x64xf32> to vector<512x64xbf16>
    %convert_element_type3A_1363 = arith.truncf %slice3A_1360 : vector<512x64xf32> to vector<512x64xbf16>
    %dot_general3A_1364 = arith.constant dense<0.000000e+00> : vector<512x512xf32>
    %dot_general3A_1365 = tpu.matmul %convert_element_type3A_1362, %convert_element_type3A_1363, %dot_general3A_1364 {dimension_numbers = #tpu.dot_dimension_numbers<[1], [1], [0], [0], [0, 0, 1, 0], [], []>, transpose_lhs_hint = false} : vector<512x64xbf16>, vector<512x64xbf16>, vector<512x512xf32> -> vector<512x512xf32>
    %sub3A_1366 = arith.constant 2.000000e+01 : f32
    %sub3A_1367 = vector.broadcast %sub3A_1366 : f32 to vector<512x512xf32>
    %sub3A_1368 = arith.subf %dot_general3A_1365, %sub3A_1367 : vector<512x512xf32>
    %exp3A_1369 = math.exp %sub3A_1368 : vector<512x512xf32>
    %convert_element_type3A_1370 = arith.truncf %exp3A_1369 : vector<512x512xf32> to vector<512x512xbf16>
    %convert_element_type3A_1371 = arith.extf %convert_element_type3A_1370 : vector<512x512xbf16> to vector<512x512xf32>
    %reduce_sum3A_1372 = arith.constant dense<0.000000e+00> : vector<512xf32>
    %reduce_sum3A_1373 = vector.multi_reduction <add>, %convert_element_type3A_1371, %reduce_sum3A_1372 [1] : vector<512x512xf32> to vector<512xf32>
    %broadcast_in_dim3A_1374 = vector.shape_cast %reduce_sum3A_1373 : vector<512xf32> to vector<512x1xf32>
    %div3A_1375 = arith.constant 1.000000e+00 : f32
    %div3A_1376 = vector.broadcast %div3A_1375 : f32 to vector<512x1xf32>
    %div3A_1377 = arith.divf %div3A_1376, %broadcast_in_dim3A_1374 : vector<512x1xf32>
    %dot_general3A_1378 = arith.constant dense<0.000000e+00> : vector<512x64xf32>
    %dot_general3A_1379 = tpu.matmul %convert_element_type3A_1370, %slice3A_1361, %dot_general3A_1378 {dimension_numbers = #tpu.dot_dimension_numbers<[1], [0], [0], [1], [0, 0, 1, 1], [], []>, transpose_lhs_hint = false} : vector<512x512xbf16>, vector<512x64xbf16>, vector<512x64xf32> -> vector<512x64xf32>
    %mul3A_1380 = vector.broadcast %div3A_1377 : vector<512x1xf32> to vector<512x64xf32>
    %mul3A_1381 = arith.mulf %dot_general3A_1379, %mul3A_1380 : vector<512x64xf32>
    %convert_element_type3A_1382 = arith.truncf %mul3A_1381 : vector<512x64xf32> to vector<512x64xbf16>
    %concatenate3A_1383 = tpu.concatenate %convert_element_type3A_1214, %convert_element_type3A_1238, %convert_element_type3A_1262, %convert_element_type3A_1286, %convert_element_type3A_1310, %convert_element_type3A_1334, %convert_element_type3A_1358, %convert_element_type3A_1382 in 1 : vector<512x64xbf16>, vector<512x64xbf16>, vector<512x64xbf16>, vector<512x64xbf16>, vector<512x64xbf16>, vector<512x64xbf16>, vector<512x64xbf16>, vector<512x64xbf16> -> vector<512x512xbf16>
    %convert_element_type3A_1384 = arith.truncf %get3A_48 : vector<512x512xf32> to vector<512x512xbf16>
    %dot_general3A_1385 = arith.constant dense<0.000000e+00> : vector<512x512xf32>
    %dot_general3A_1386 = tpu.matmul %concatenate3A_1383, %convert_element_type3A_1384, %dot_general3A_1385 {dimension_numbers = #tpu.dot_dimension_numbers<[1], [0], [0], [1], [0, 0, 1, 1], [], []>, transpose_lhs_hint = false} : vector<512x512xbf16>, vector<512x512xbf16>, vector<512x512xf32> -> vector<512x512xf32>
    %add3A_1387 = vector.broadcast %get3A_51 : vector<1x512xf32> to vector<512x512xf32>
    %add3A_1388 = arith.addf %dot_general3A_1386, %add3A_1387 : vector<512x512xf32>
    %add3A_1389 = arith.addf %add3A_1168, %add3A_1388 : vector<512x512xf32>
    %reduce_sum3A_1390 = arith.constant dense<0.000000e+00> : vector<512xf32>
    %reduce_sum3A_1391 = vector.multi_reduction <add>, %add3A_1389, %reduce_sum3A_1390 [1] : vector<512x512xf32> to vector<512xf32>
    %broadcast_in_dim3A_1392 = vector.shape_cast %reduce_sum3A_1391 : vector<512xf32> to vector<512x1xf32>
    %div3A_1393 = arith.constant 5.120000e+02 : f32
    %div3A_1394 = vector.broadcast %div3A_1393 : f32 to vector<512x1xf32>
    %div3A_1395 = arith.divf %broadcast_in_dim3A_1392, %div3A_1394 : vector<512x1xf32>
    %sub3A_1396 = vector.broadcast %div3A_1395 : vector<512x1xf32> to vector<512x512xf32>
    %sub3A_1397 = arith.subf %add3A_1389, %sub3A_1396 : vector<512x512xf32>
    %integer_pow3A_1398 = arith.mulf %sub3A_1397, %sub3A_1397 : vector<512x512xf32>
    %reduce_sum3A_1399 = arith.constant dense<0.000000e+00> : vector<512xf32>
    %reduce_sum3A_1400 = vector.multi_reduction <add>, %integer_pow3A_1398, %reduce_sum3A_1399 [1] : vector<512x512xf32> to vector<512xf32>
    %broadcast_in_dim3A_1401 = vector.shape_cast %reduce_sum3A_1400 : vector<512xf32> to vector<512x1xf32>
    %div3A_1402 = arith.constant 5.120000e+02 : f32
    %div3A_1403 = vector.broadcast %div3A_1402 : f32 to vector<512x1xf32>
    %div3A_1404 = arith.divf %broadcast_in_dim3A_1401, %div3A_1403 : vector<512x1xf32>
    %sub3A_1405 = vector.broadcast %div3A_1395 : vector<512x1xf32> to vector<512x512xf32>
    %sub3A_1406 = arith.subf %add3A_1389, %sub3A_1405 : vector<512x512xf32>
    %add3A_1407 = arith.constant 9.99999974E-6 : f32
    %add3A_1408 = vector.broadcast %add3A_1407 : f32 to vector<512x1xf32>
    %add3A_1409 = arith.addf %div3A_1404, %add3A_1408 : vector<512x1xf32>
    %sqrt3A_1410 = math.sqrt %add3A_1409 : vector<512x1xf32>
    %div3A_1411 = vector.broadcast %sqrt3A_1410 : vector<512x1xf32> to vector<512x512xf32>
    %div3A_1412 = arith.divf %sub3A_1406, %div3A_1411 : vector<512x512xf32>
    %mul3A_1413 = vector.broadcast %get3A_72 : vector<1x512xf32> to vector<512x512xf32>
    %mul3A_1414 = arith.mulf %div3A_1412, %mul3A_1413 : vector<512x512xf32>
    %add3A_1415 = vector.broadcast %get3A_75 : vector<1x512xf32> to vector<512x512xf32>
    %add3A_1416 = arith.addf %mul3A_1414, %add3A_1415 : vector<512x512xf32>
    %convert_element_type3A_1417 = arith.truncf %add3A_1416 : vector<512x512xf32> to vector<512x512xbf16>
    %convert_element_type3A_1418 = arith.truncf %get3A_54 : vector<512x2048xf32> to vector<512x2048xbf16>
    %dot_general3A_1419 = arith.constant dense<0.000000e+00> : vector<512x2048xf32>
    %dot_general3A_1420 = tpu.matmul %convert_element_type3A_1417, %convert_element_type3A_1418, %dot_general3A_1419 {dimension_numbers = #tpu.dot_dimension_numbers<[1], [0], [0], [1], [0, 0, 1, 1], [], []>, transpose_lhs_hint = false} : vector<512x512xbf16>, vector<512x2048xbf16>, vector<512x2048xf32> -> vector<512x2048xf32>
    %add3A_1421 = vector.broadcast %get3A_57 : vector<1x2048xf32> to vector<512x2048xf32>
    %add3A_1422 = arith.addf %dot_general3A_1420, %add3A_1421 : vector<512x2048xf32>
    %max3A = arith.constant 0.000000e+00 : f32
    %max3A_1423 = vector.broadcast %max3A : f32 to vector<512x2048xf32>
    %max3A_1424 = arith.maximumf %add3A_1422, %max3A_1423 : vector<512x2048xf32>
    %convert_element_type3A_1425 = arith.truncf %max3A_1424 : vector<512x2048xf32> to vector<512x2048xbf16>
    %convert_element_type3A_1426 = arith.truncf %get3A_60 : vector<2048x512xf32> to vector<2048x512xbf16>
    %dot_general3A_1427 = arith.constant dense<0.000000e+00> : vector<512x512xf32>
    %dot_general3A_1428 = tpu.matmul %convert_element_type3A_1425, %convert_element_type3A_1426, %dot_general3A_1427 {dimension_numbers = #tpu.dot_dimension_numbers<[1], [0], [0], [1], [0, 0, 1, 1], [], []>, transpose_lhs_hint = false} : vector<512x2048xbf16>, vector<2048x512xbf16>, vector<512x512xf32> -> vector<512x512xf32>
    %add3A_1429 = vector.broadcast %get3A_63 : vector<1x512xf32> to vector<512x512xf32>
    %add3A_1430 = arith.addf %dot_general3A_1428, %add3A_1429 : vector<512x512xf32>
    %add3A_1431 = arith.addf %add3A_1416, %add3A_1430 : vector<512x512xf32>
    %reduce_sum3A_1432 = arith.constant dense<0.000000e+00> : vector<512xf32>
    %reduce_sum3A_1433 = vector.multi_reduction <add>, %add3A_1431, %reduce_sum3A_1432 [1] : vector<512x512xf32> to vector<512xf32>
    %broadcast_in_dim3A_1434 = vector.shape_cast %reduce_sum3A_1433 : vector<512xf32> to vector<512x1xf32>
    %div3A_1435 = arith.constant 5.120000e+02 : f32
    %div3A_1436 = vector.broadcast %div3A_1435 : f32 to vector<512x1xf32>
    %div3A_1437 = arith.divf %broadcast_in_dim3A_1434, %div3A_1436 : vector<512x1xf32>
    %sub3A_1438 = vector.broadcast %div3A_1437 : vector<512x1xf32> to vector<512x512xf32>
    %sub3A_1439 = arith.subf %add3A_1431, %sub3A_1438 : vector<512x512xf32>
    %integer_pow3A_1440 = arith.mulf %sub3A_1439, %sub3A_1439 : vector<512x512xf32>
    %reduce_sum3A_1441 = arith.constant dense<0.000000e+00> : vector<512xf32>
    %reduce_sum3A_1442 = vector.multi_reduction <add>, %integer_pow3A_1440, %reduce_sum3A_1441 [1] : vector<512x512xf32> to vector<512xf32>
    %broadcast_in_dim3A_1443 = vector.shape_cast %reduce_sum3A_1442 : vector<512xf32> to vector<512x1xf32>
    %div3A_1444 = arith.constant 5.120000e+02 : f32
    %div3A_1445 = vector.broadcast %div3A_1444 : f32 to vector<512x1xf32>
    %div3A_1446 = arith.divf %broadcast_in_dim3A_1443, %div3A_1445 : vector<512x1xf32>
    %sub3A_1447 = vector.broadcast %div3A_1437 : vector<512x1xf32> to vector<512x512xf32>
    %sub3A_1448 = arith.subf %add3A_1431, %sub3A_1447 : vector<512x512xf32>
    %add3A_1449 = arith.constant 9.99999974E-6 : f32
    %add3A_1450 = vector.broadcast %add3A_1449 : f32 to vector<512x1xf32>
    %add3A_1451 = arith.addf %div3A_1446, %add3A_1450 : vector<512x1xf32>
    %sqrt3A_1452 = math.sqrt %add3A_1451 : vector<512x1xf32>
    %div3A_1453 = vector.broadcast %sqrt3A_1452 : vector<512x1xf32> to vector<512x512xf32>
    %div3A_1454 = arith.divf %sub3A_1448, %div3A_1453 : vector<512x512xf32>
    %mul3A_1455 = vector.broadcast %get3A_78 : vector<1x512xf32> to vector<512x512xf32>
    %mul3A_1456 = arith.mulf %div3A_1454, %mul3A_1455 : vector<512x512xf32>
    %add3A_1457 = vector.broadcast %get3A_81 : vector<1x512xf32> to vector<512x512xf32>
    %add3A_1458 = arith.addf %mul3A_1456, %add3A_1457 : vector<512x512xf32>
    %swap3A = arith.constant 0 : index
    %swap3A_1459 = arith.constant 0 : index
    %swap3A_1460 = arith.constant 0 : index
    %swap3A_1461 = vector.load %arg28[%swap3A, %swap3A_1459, %swap3A_1460] : memref<1x512x512xf32, #tpu.memory_space<vmem>>, vector<1x512x512xf32>
    %swap3A_1462 = vector.shape_cast %swap3A_1461 : vector<1x512x512xf32> to vector<512x512xf32>
    %swap3A_1463 = vector.shape_cast %add3A_1458 : vector<512x512xf32> to vector<1x512x512xf32>
    tpu.vector_store %arg28[%swap3A, %swap3A_1459, %swap3A_1460], %swap3A_1463 {strides = array<i32>} : memref<1x512x512xf32, #tpu.memory_space<vmem>>, vector<1x512x512xf32>,
    return
  }
  func.func @transform_0(%arg0: i32) -> (i32, i32, i32) {
    %c0_i32 = arith.constant 0 : i32
    %c0_i32_0 = arith.constant 0 : i32
    %c0_i32_1 = arith.constant 0 : i32
    return %arg0, %c0_i32, %c0_i32_0 : i32, i32, i32
  }
  func.func @transform_1(%arg0: i32) -> (i32, i32) {
    %c0_i32 = arith.constant 0 : i32
    %c0_i32_0 = arith.constant 0 : i32
    %c0_i32_1 = arith.constant 0 : i32
    return %c0_i32, %c0_i32_0 : i32, i32
  }
  func.func @transform_2(%arg0: i32) -> (i32, i32) {
    %c0_i32 = arith.constant 0 : i32
    %c0_i32_0 = arith.constant 0 : i32
    %c0_i32_1 = arith.constant 0 : i32
    return %c0_i32, %c0_i32_0 : i32, i32
  }
  func.func @transform_3(%arg0: i32) -> (i32, i32) {
    %c0_i32 = arith.constant 0 : i32
    %c0_i32_0 = arith.constant 0 : i32
    %c0_i32_1 = arith.constant 0 : i32
    return %c0_i32, %c0_i32_0 : i32, i32
  }
  func.func @transform_4(%arg0: i32) -> (i32, i32) {
    %c0_i32 = arith.constant 0 : i32
    %c0_i32_0 = arith.constant 0 : i32
    %c0_i32_1 = arith.constant 0 : i32
    return %c0_i32, %c0_i32_0 : i32, i32
  }
  func.func @transform_5(%arg0: i32) -> (i32, i32) {
    %c0_i32 = arith.constant 0 : i32
    %c0_i32_0 = arith.constant 0 : i32
    %c0_i32_1 = arith.constant 0 : i32
    return %c0_i32, %c0_i32_0 : i32, i32
  }
  func.func @transform_6(%arg0: i32) -> (i32, i32) {
    %c0_i32 = arith.constant 0 : i32
    %c0_i32_0 = arith.constant 0 : i32
    %c0_i32_1 = arith.constant 0 : i32
    return %c0_i32, %c0_i32_0 : i32, i32
  }
  func.func @transform_7(%arg0: i32) -> (i32, i32) {
    %c0_i32 = arith.constant 0 : i32
    %c0_i32_0 = arith.constant 0 : i32
    %c0_i32_1 = arith.constant 0 : i32
    return %c0_i32, %c0_i32_0 : i32, i32
  }
  func.func @transform_8(%arg0: i32) -> (i32, i32) {
    %c0_i32 = arith.constant 0 : i32
    %c0_i32_0 = arith.constant 0 : i32
    %c0_i32_1 = arith.constant 0 : i32
    return %c0_i32, %c0_i32_0 : i32, i32
  }
  func.func @transform_9(%arg0: i32) -> (i32, i32) {
    %c0_i32 = arith.constant 0 : i32
    %c0_i32_0 = arith.constant 0 : i32
    %c0_i32_1 = arith.constant 0 : i32
    return %c0_i32, %c0_i32_0 : i32, i32
  }
  func.func @transform_10(%arg0: i32) -> (i32, i32) {
    %c0_i32 = arith.constant 0 : i32
    %c0_i32_0 = arith.constant 0 : i32
    %c0_i32_1 = arith.constant 0 : i32
    return %c0_i32, %c0_i32_0 : i32, i32
  }
  func.func @transform_11(%arg0: i32) -> (i32, i32) {
    %c0_i32 = arith.constant 0 : i32
    %c0_i32_0 = arith.constant 0 : i32
    %c0_i32_1 = arith.constant 0 : i32
    return %c0_i32, %c0_i32_0 : i32, i32
  }
  func.func @transform_12(%arg0: i32) -> (i32, i32) {
    %c0_i32 = arith.constant 0 : i32
    %c0_i32_0 = arith.constant 0 : i32
    %c0_i32_1 = arith.constant 0 : i32
    return %c0_i32, %c0_i32_0 : i32, i32
  }
  func.func @transform_13(%arg0: i32) -> (i32, i32) {
    %c0_i32 = arith.constant 0 : i32
    %c0_i32_0 = arith.constant 0 : i32
    %c0_i32_1 = arith.constant 0 : i32
    return %c0_i32, %c0_i32_0 : i32, i32
  }
  func.func @transform_14(%arg0: i32) -> (i32, i32) {
    %c0_i32 = arith.constant 0 : i32
    %c0_i32_0 = arith.constant 0 : i32
    %c0_i32_1 = arith.constant 0 : i32
    return %c0_i32, %c0_i32_0 : i32, i32
  }
  func.func @transform_15(%arg0: i32) -> (i32, i32) {
    %c0_i32 = arith.constant 0 : i32
    %c0_i32_0 = arith.constant 0 : i32
    %c0_i32_1 = arith.constant 0 : i32
    return %c0_i32, %c0_i32_0 : i32, i32
  }
  func.func @transform_16(%arg0: i32) -> (i32, i32) {
    %c0_i32 = arith.constant 0 : i32
    %c0_i32_0 = arith.constant 0 : i32
    %c0_i32_1 = arith.constant 0 : i32
    return %c0_i32, %c0_i32_0 : i32, i32
  }
  func.func @transform_17(%arg0: i32) -> (i32, i32) {
    %c0_i32 = arith.constant 0 : i32
    %c0_i32_0 = arith.constant 0 : i32
    %c0_i32_1 = arith.constant 0 : i32
    return %c0_i32, %c0_i32_0 : i32, i32
  }
  func.func @transform_18(%arg0: i32) -> (i32, i32) {
    %c0_i32 = arith.constant 0 : i32
    %c0_i32_0 = arith.constant 0 : i32
    %c0_i32_1 = arith.constant 0 : i32
    return %c0_i32, %c0_i32_0 : i32, i32
  }
  func.func @transform_19(%arg0: i32) -> (i32, i32) {
    %c0_i32 = arith.constant 0 : i32
    %c0_i32_0 = arith.constant 0 : i32
    %c0_i32_1 = arith.constant 0 : i32
    return %c0_i32, %c0_i32_0 : i32, i32
  }
  func.func @transform_20(%arg0: i32) -> (i32, i32) {
    %c0_i32 = arith.constant 0 : i32
    %c0_i32_0 = arith.constant 0 : i32
    %c0_i32_1 = arith.constant 0 : i32
    return %c0_i32, %c0_i32_0 : i32, i32
  }
  func.func @transform_21(%arg0: i32) -> (i32, i32) {
    %c0_i32 = arith.constant 0 : i32
    %c0_i32_0 = arith.constant 0 : i32
    %c0_i32_1 = arith.constant 0 : i32
    return %c0_i32, %c0_i32_0 : i32, i32
  }
  func.func @transform_22(%arg0: i32) -> (i32, i32) {
    %c0_i32 = arith.constant 0 : i32
    %c0_i32_0 = arith.constant 0 : i32
    %c0_i32_1 = arith.constant 0 : i32
    return %c0_i32, %c0_i32_0 : i32, i32
  }
  func.func @transform_23(%arg0: i32) -> (i32, i32) {
    %c0_i32 = arith.constant 0 : i32
    %c0_i32_0 = arith.constant 0 : i32
    %c0_i32_1 = arith.constant 0 : i32
    return %c0_i32, %c0_i32_0 : i32, i32
  }
  func.func @transform_24(%arg0: i32) -> (i32, i32) {
    %c0_i32 = arith.constant 0 : i32
    %c0_i32_0 = arith.constant 0 : i32
    %c0_i32_1 = arith.constant 0 : i32
    return %c0_i32, %c0_i32_0 : i32, i32
  }
  func.func @transform_25(%arg0: i32) -> (i32, i32) {
    %c0_i32 = arith.constant 0 : i32
    %c0_i32_0 = arith.constant 0 : i32
    %c0_i32_1 = arith.constant 0 : i32
    return %c0_i32, %c0_i32_0 : i32, i32
  }
  func.func @transform_26(%arg0: i32) -> (i32, i32) {
    %c0_i32 = arith.constant 0 : i32
    %c0_i32_0 = arith.constant 0 : i32
    %c0_i32_1 = arith.constant 0 : i32
    return %c0_i32, %c0_i32_0 : i32, i32
  }
  func.func @transform_27(%arg0: i32) -> (i32, i32, i32) {
    %c0_i32 = arith.constant 0 : i32
    %c0_i32_0 = arith.constant 0 : i32
    %c0_i32_1 = arith.constant 0 : i32
    return %arg0, %c0_i32, %c0_i32_0 : i32, i32, i32
  }
}

module attributes {stable_mosaic.version = 14 : i64} {
  func.func @_one_layer_kernel(%arg0: i32, %arg1: memref<1x512x512xf32, #tpu.memory_space<vmem>>, %arg2: memref<512x512xf32, #tpu.memory_space<vmem>>, %arg3: memref<1x512xf32, #tpu.memory_space<vmem>>, %arg4: memref<512x512xf32, #tpu.memory_space<vmem>>, %arg5: memref<1x512xf32, #tpu.memory_space<vmem>>, %arg6: memref<512x512xf32, #tpu.memory_space<vmem>>, %arg7: memref<1x512xf32, #tpu.memory_space<vmem>>, %arg8: memref<512x512xf32, #tpu.memory_space<vmem>>, %arg9: memref<1x512xf32, #tpu.memory_space<vmem>>, %arg10: memref<512x512xf32, #tpu.memory_space<vmem>>, %arg11: memref<1x512xf32, #tpu.memory_space<vmem>>, %arg12: memref<512x512xf32, #tpu.memory_space<vmem>>, %arg13: memref<1x512xf32, #tpu.memory_space<vmem>>, %arg14: memref<512x512xf32, #tpu.memory_space<vmem>>, %arg15: memref<1x512xf32, #tpu.memory_space<vmem>>, %arg16: memref<512x512xf32, #tpu.memory_space<vmem>>, %arg17: memref<1x512xf32, #tpu.memory_space<vmem>>, %arg18: memref<512x2048xf32, #tpu.memory_space<vmem>>, %arg19: memref<1x2048xf32, #tpu.memory_space<vmem>>, %arg20: memref<2048x512xf32, #tpu.memory_space<vmem>>, %arg21: memref<1x512xf32, #tpu.memory_space<vmem>>, %arg22: memref<1x512xf32, #tpu.memory_space<vmem>>, %arg23: memref<1x512xf32, #tpu.memory_space<vmem>>, %arg24: memref<1x512xf32, #tpu.memory_space<vmem>>, %arg25: memref<1x512xf32, #tpu.memory_space<vmem>>, %arg26: memref<1x512xf32, #tpu.memory_space<vmem>>, %arg27: memref<1x512xf32, #tpu.memory_space<vmem>>, %arg28: memref<1x512x512xbf16, #tpu.memory_space<vmem>>) attributes {dimension_semantics = [#tpu.dimension_semantics<arbitrary>], iteration_bounds = array<i64: 4>, scalar_prefetch = 0 : i64, scratch_operands = 0 : i64, tpu.core_type = #tpu.core_type<tc>, window_params = [{transform_indices = @transform_0, window_bounds = array<i64: 1, 512, 512>}, {pipeline_mode = #tpu.pipeline_mode<synchronous>, transform_indices = @transform_1, window_bounds = array<i64: 512, 512>}, {pipeline_mode = #tpu.pipeline_mode<synchronous>, transform_indices = @transform_2, window_bounds = array<i64: 1, 512>}, {pipeline_mode = #tpu.pipeline_mode<synchronous>, transform_indices = @transform_3, window_bounds = array<i64: 512, 512>}, {pipeline_mode = #tpu.pipeline_mode<synchronous>, transform_indices = @transform_4, window_bounds = array<i64: 1, 512>}, {pipeline_mode = #tpu.pipeline_mode<synchronous>, transform_indices = @transform_5, window_bounds = array<i64: 512, 512>}, {pipeline_mode = #tpu.pipeline_mode<synchronous>, transform_indices = @transform_6, window_bounds = array<i64: 1, 512>}, {pipeline_mode = #tpu.pipeline_mode<synchronous>, transform_indices = @transform_7, window_bounds = array<i64: 512, 512>}, {pipeline_mode = #tpu.pipeline_mode<synchronous>, transform_indices = @transform_8, window_bounds = array<i64: 1, 512>}, {pipeline_mode = #tpu.pipeline_mode<synchronous>, transform_indices = @transform_9, window_bounds = array<i64: 512, 512>}, {pipeline_mode = #tpu.pipeline_mode<synchronous>, transform_indices = @transform_10, window_bounds = array<i64: 1, 512>}, {pipeline_mode = #tpu.pipeline_mode<synchronous>, transform_indices = @transform_11, window_bounds = array<i64: 512, 512>}, {pipeline_mode = #tpu.pipeline_mode<synchronous>, transform_indices = @transform_12, window_bounds = array<i64: 1, 512>}, {pipeline_mode = #tpu.pipeline_mode<synchronous>, transform_indices = @transform_13, window_bounds = array<i64: 512, 512>}, {pipeline_mode = #tpu.pipeline_mode<synchronous>, transform_indices = @transform_14, window_bounds = array<i64: 1, 512>}, {pipeline_mode = #tpu.pipeline_mode<synchronous>, transform_indices = @transform_15, window_bounds = array<i64: 512, 512>}, {pipeline_mode = #tpu.pipeline_mode<synchronous>, transform_indices = @transform_16, window_bounds = array<i64: 1, 512>}, {pipeline_mode = #tpu.pipeline_mode<synchronous>, transform_indices = @transform_17, window_bounds = array<i64: 512, 2048>}, {pipeline_mode = #tpu.pipeline_mode<synchronous>, transform_indices = @transform_18, window_bounds = array<i64: 1, 2048>}, {pipeline_mode = #tpu.pipeline_mode<synchronous>, transform_indices = @transform_19, window_bounds = array<i64: 2048, 512>}, {pipeline_mode = #tpu.pipeline_mode<synchronous>, transform_indices = @transform_20, window_bounds = array<i64: 1, 512>}, {pipeline_mode = #tpu.pipeline_mode<synchronous>, transform_indices = @transform_21, window_bounds = array<i64: 1, 512>}, {pipeline_mode = #tpu.pipeline_mode<synchronous>, transform_indices = @transform_22, window_bounds = array<i64: 1, 512>}, {pipeline_mode = #tpu.pipeline_mode<synchronous>, transform_indices = @transform_23, window_bounds = array<i64: 1, 512>}, {pipeline_mode = #tpu.pipeline_mode<synchronous>, transform_indices = @transform_24, window_bounds = array<i64: 1, 512>}, {pipeline_mode = #tpu.pipeline_mode<synchronous>, transform_indices = @transform_25, window_bounds = array<i64: 1, 512>}, {pipeline_mode = #tpu.pipeline_mode<synchronous>, transform_indices = @transform_26, window_bounds = array<i64: 1, 512>}, {transform_indices = @transform_27, window_bounds = array<i64: 1, 512, 512>}]} {
    %get3A = arith.constant 0 : index
    %get3A_0 = arith.constant 0 : index
    %get3A_1 = arith.constant 0 : index
    %get3A_2 = vector.load %arg1[%get3A, %get3A_0, %get3A_1] : memref<1x512x512xf32, #tpu.memory_space<vmem>>, vector<1x512x512xf32>
    %get3A_3 = vector.shape_cast %get3A_2 : vector<1x512x512xf32> to vector<512x512xf32>
    %get3A_4 = arith.constant 0 : index
    %get3A_5 = arith.constant 0 : index
    %get3A_6 = vector.load %arg2[%get3A_4, %get3A_5] : memref<512x512xf32, #tpu.memory_space<vmem>>, vector<512x512xf32>
    %get3A_7 = arith.constant 0 : index
    %get3A_8 = arith.constant 0 : index
    %get3A_9 = vector.load %arg3[%get3A_7, %get3A_8] : memref<1x512xf32, #tpu.memory_space<vmem>>, vector<1x512xf32>
    %get3A_10 = arith.constant 0 : index
    %get3A_11 = arith.constant 0 : index
    %get3A_12 = vector.load %arg4[%get3A_10, %get3A_11] : memref<512x512xf32, #tpu.memory_space<vmem>>, vector<512x512xf32>
    %get3A_13 = arith.constant 0 : index
    %get3A_14 = arith.constant 0 : index
    %get3A_15 = vector.load %arg5[%get3A_13, %get3A_14] : memref<1x512xf32, #tpu.memory_space<vmem>>, vector<1x512xf32>
    %get3A_16 = arith.constant 0 : index
    %get3A_17 = arith.constant 0 : index
    %get3A_18 = vector.load %arg6[%get3A_16, %get3A_17] : memref<512x512xf32, #tpu.memory_space<vmem>>, vector<512x512xf32>
    %get3A_19 = arith.constant 0 : index
    %get3A_20 = arith.constant 0 : index
    %get3A_21 = vector.load %arg7[%get3A_19, %get3A_20] : memref<1x512xf32, #tpu.memory_space<vmem>>, vector<1x512xf32>
    %get3A_22 = arith.constant 0 : index
    %get3A_23 = arith.constant 0 : index
    %get3A_24 = vector.load %arg8[%get3A_22, %get3A_23] : memref<512x512xf32, #tpu.memory_space<vmem>>, vector<512x512xf32>
    %get3A_25 = arith.constant 0 : index
    %get3A_26 = arith.constant 0 : index
    %get3A_27 = vector.load %arg9[%get3A_25, %get3A_26] : memref<1x512xf32, #tpu.memory_space<vmem>>, vector<1x512xf32>
    %get3A_28 = arith.constant 0 : index
    %get3A_29 = arith.constant 0 : index
    %get3A_30 = vector.load %arg10[%get3A_28, %get3A_29] : memref<512x512xf32, #tpu.memory_space<vmem>>, vector<512x512xf32>
    %get3A_31 = arith.constant 0 : index
    %get3A_32 = arith.constant 0 : index
    %get3A_33 = vector.load %arg11[%get3A_31, %get3A_32] : memref<1x512xf32, #tpu.memory_space<vmem>>, vector<1x512xf32>
    %get3A_34 = arith.constant 0 : index
    %get3A_35 = arith.constant 0 : index
    %get3A_36 = vector.load %arg12[%get3A_34, %get3A_35] : memref<512x512xf32, #tpu.memory_space<vmem>>, vector<512x512xf32>
    %get3A_37 = arith.constant 0 : index
    %get3A_38 = arith.constant 0 : index
    %get3A_39 = vector.load %arg13[%get3A_37, %get3A_38] : memref<1x512xf32, #tpu.memory_space<vmem>>, vector<1x512xf32>
    %get3A_40 = arith.constant 0 : index
    %get3A_41 = arith.constant 0 : index
    %get3A_42 = vector.load %arg14[%get3A_40, %get3A_41] : memref<512x512xf32, #tpu.memory_space<vmem>>, vector<512x512xf32>
    %get3A_43 = arith.constant 0 : index
    %get3A_44 = arith.constant 0 : index
    %get3A_45 = vector.load %arg15[%get3A_43, %get3A_44] : memref<1x512xf32, #tpu.memory_space<vmem>>, vector<1x512xf32>
    %get3A_46 = arith.constant 0 : index
    %get3A_47 = arith.constant 0 : index
    %get3A_48 = vector.load %arg16[%get3A_46, %get3A_47] : memref<512x512xf32, #tpu.memory_space<vmem>>, vector<512x512xf32>
    %get3A_49 = arith.constant 0 : index
    %get3A_50 = arith.constant 0 : index
    %get3A_51 = vector.load %arg17[%get3A_49, %get3A_50] : memref<1x512xf32, #tpu.memory_space<vmem>>, vector<1x512xf32>
    %get3A_52 = arith.constant 0 : index
    %get3A_53 = arith.constant 0 : index
    %get3A_54 = vector.load %arg18[%get3A_52, %get3A_53] : memref<512x2048xf32, #tpu.memory_space<vmem>>, vector<512x2048xf32>
    %get3A_55 = arith.constant 0 : index
    %get3A_56 = arith.constant 0 : index
    %get3A_57 = vector.load %arg19[%get3A_55, %get3A_56] : memref<1x2048xf32, #tpu.memory_space<vmem>>, vector<1x2048xf32>
    %get3A_58 = arith.constant 0 : index
    %get3A_59 = arith.constant 0 : index
    %get3A_60 = vector.load %arg20[%get3A_58, %get3A_59] : memref<2048x512xf32, #tpu.memory_space<vmem>>, vector<2048x512xf32>
    %get3A_61 = arith.constant 0 : index
    %get3A_62 = arith.constant 0 : index
    %get3A_63 = vector.load %arg21[%get3A_61, %get3A_62] : memref<1x512xf32, #tpu.memory_space<vmem>>, vector<1x512xf32>
    %get3A_64 = arith.constant 0 : index
    %get3A_65 = arith.constant 0 : index
    %get3A_66 = vector.load %arg22[%get3A_64, %get3A_65] : memref<1x512xf32, #tpu.memory_space<vmem>>, vector<1x512xf32>
    %get3A_67 = arith.constant 0 : index
    %get3A_68 = arith.constant 0 : index
    %get3A_69 = vector.load %arg23[%get3A_67, %get3A_68] : memref<1x512xf32, #tpu.memory_space<vmem>>, vector<1x512xf32>
    %get3A_70 = arith.constant 0 : index
    %get3A_71 = arith.constant 0 : index
    %get3A_72 = vector.load %arg24[%get3A_70, %get3A_71] : memref<1x512xf32, #tpu.memory_space<vmem>>, vector<1x512xf32>
    %get3A_73 = arith.constant 0 : index
    %get3A_74 = arith.constant 0 : index
    %get3A_75 = vector.load %arg25[%get3A_73, %get3A_74] : memref<1x512xf32, #tpu.memory_space<vmem>>, vector<1x512xf32>
    %get3A_76 = arith.constant 0 : index
    %get3A_77 = arith.constant 0 : index
    %get3A_78 = vector.load %arg26[%get3A_76, %get3A_77] : memref<1x512xf32, #tpu.memory_space<vmem>>, vector<1x512xf32>
    %get3A_79 = arith.constant 0 : index
    %get3A_80 = arith.constant 0 : index
    %get3A_81 = vector.load %arg27[%get3A_79, %get3A_80] : memref<1x512xf32, #tpu.memory_space<vmem>>, vector<1x512xf32>
    %convert_element_type3A = arith.truncf %get3A_3 : vector<512x512xf32> to vector<512x512xbf16>
    %convert_element_type3A_82 = arith.truncf %get3A_6 : vector<512x512xf32> to vector<512x512xbf16>
    %dot_general3A = arith.constant dense<0.000000e+00> : vector<512x512xf32>
    %dot_general3A_83 = tpu.matmul %convert_element_type3A, %convert_element_type3A_82, %dot_general3A {dimension_numbers = #tpu.dot_dimension_numbers<[1], [0], [0], [1], [0, 0, 1, 1], [], []>, transpose_lhs_hint = false} : vector<512x512xbf16>, vector<512x512xbf16>, vector<512x512xf32> -> vector<512x512xf32>
    %add3A = vector.broadcast %get3A_9 : vector<1x512xf32> to vector<512x512xf32>
    %add3A_84 = arith.addf %dot_general3A_83, %add3A : vector<512x512xf32>
    %mul3A = arith.constant 1.250000e-01 : f32
    %mul3A_85 = vector.broadcast %mul3A : f32 to vector<512x512xf32>
    %mul3A_86 = arith.mulf %add3A_84, %mul3A_85 : vector<512x512xf32>
    %convert_element_type3A_87 = arith.truncf %get3A_3 : vector<512x512xf32> to vector<512x512xbf16>
    %convert_element_type3A_88 = arith.truncf %get3A_12 : vector<512x512xf32> to vector<512x512xbf16>
    %dot_general3A_89 = arith.constant dense<0.000000e+00> : vector<512x512xf32>
    %dot_general3A_90 = tpu.matmul %convert_element_type3A_87, %convert_element_type3A_88, %dot_general3A_89 {dimension_numbers = #tpu.dot_dimension_numbers<[1], [0], [0], [1], [0, 0, 1, 1], [], []>, transpose_lhs_hint = false} : vector<512x512xbf16>, vector<512x512xbf16>, vector<512x512xf32> -> vector<512x512xf32>
    %add3A_91 = vector.broadcast %get3A_15 : vector<1x512xf32> to vector<512x512xf32>
    %add3A_92 = arith.addf %dot_general3A_90, %add3A_91 : vector<512x512xf32>
    %convert_element_type3A_93 = arith.truncf %get3A_3 : vector<512x512xf32> to vector<512x512xbf16>
    %convert_element_type3A_94 = arith.truncf %get3A_18 : vector<512x512xf32> to vector<512x512xbf16>
    %dot_general3A_95 = arith.constant dense<0.000000e+00> : vector<512x512xf32>
    %dot_general3A_96 = tpu.matmul %convert_element_type3A_93, %convert_element_type3A_94, %dot_general3A_95 {dimension_numbers = #tpu.dot_dimension_numbers<[1], [0], [0], [1], [0, 0, 1, 1], [], []>, transpose_lhs_hint = false} : vector<512x512xbf16>, vector<512x512xbf16>, vector<512x512xf32> -> vector<512x512xf32>
    %add3A_97 = vector.broadcast %get3A_21 : vector<1x512xf32> to vector<512x512xf32>
    %add3A_98 = arith.addf %dot_general3A_96, %add3A_97 : vector<512x512xf32>
    %convert_element_type3A_99 = arith.truncf %add3A_98 : vector<512x512xf32> to vector<512x512xbf16>
    %slice3A = vector.extract_strided_slice %mul3A_86 {offsets = [0, 0], sizes = [512, 64], strides = [1, 1]} : vector<512x512xf32> to vector<512x64xf32>
    %slice3A_100 = vector.extract_strided_slice %add3A_92 {offsets = [0, 0], sizes = [512, 64], strides = [1, 1]} : vector<512x512xf32> to vector<512x64xf32>
    %slice3A_101 = vector.extract_strided_slice %convert_element_type3A_99 {offsets = [0, 0], sizes = [512, 64], strides = [1, 1]} : vector<512x512xbf16> to vector<512x64xbf16>
    %slice3A_102 = vector.extract_strided_slice %slice3A {offsets = [0, 0], sizes = [128, 64], strides = [1, 1]} : vector<512x64xf32> to vector<128x64xf32>
    %slice3A_103 = vector.extract_strided_slice %slice3A_100 {offsets = [0, 0], sizes = [128, 64], strides = [1, 1]} : vector<512x64xf32> to vector<128x64xf32>
    %convert_element_type3A_104 = arith.truncf %slice3A_102 : vector<128x64xf32> to vector<128x64xbf16>
    %convert_element_type3A_105 = arith.truncf %slice3A_103 : vector<128x64xf32> to vector<128x64xbf16>
    %dot_general3A_106 = arith.constant dense<0.000000e+00> : vector<128x128xf32>
    %dot_general3A_107 = tpu.matmul %convert_element_type3A_104, %convert_element_type3A_105, %dot_general3A_106 {dimension_numbers = #tpu.dot_dimension_numbers<[1], [1], [0], [0], [0, 0, 1, 0], [], []>, transpose_lhs_hint = false} : vector<128x64xbf16>, vector<128x64xbf16>, vector<128x128xf32> -> vector<128x128xf32>
    %iota3A = tpu.iota {dimensions = array<i32: 0>} : vector<128x128xi32>
    %add3A_108 = arith.constant 0 : i32
    %add3A_109 = vector.broadcast %add3A_108 : i32 to vector<128x128xi32>
    %add3A_110 = arith.addi %iota3A, %add3A_109 : vector<128x128xi32>
    %iota3A_111 = tpu.iota {dimensions = array<i32: 1>} : vector<128x128xi32>
    %ge3A = arith.cmpi sge, %add3A_110, %iota3A_111 : vector<128x128xi32>
    %sub3A = arith.constant 2.000000e+01 : f32
    %sub3A_112 = vector.broadcast %sub3A : f32 to vector<128x128xf32>
    %sub3A_113 = arith.subf %dot_general3A_107, %sub3A_112 : vector<128x128xf32>
    %exp3A = math.exp %sub3A_113 : vector<128x128xf32>
    %jit3A = arith.constant 0.000000e+00 : f32
    %broadcast_in_dim3A = vector.broadcast %jit3A : f32 to vector<128x128xf32>
    %select_n3A = arith.select %ge3A, %exp3A, %broadcast_in_dim3A : vector<128x128xi1>, vector<128x128xf32>
    %convert_element_type3A_114 = arith.truncf %select_n3A : vector<128x128xf32> to vector<128x128xbf16>
    %convert_element_type3A_115 = arith.extf %convert_element_type3A_114 : vector<128x128xbf16> to vector<128x128xf32>
    %reduce_sum3A = arith.constant dense<0.000000e+00> : vector<128xf32>
    %reduce_sum3A_116 = vector.multi_reduction <add>, %convert_element_type3A_115, %reduce_sum3A [1] : vector<128x128xf32> to vector<128xf32>
    %broadcast_in_dim3A_117 = vector.shape_cast %reduce_sum3A_116 : vector<128xf32> to vector<128x1xf32>
    %div3A = arith.constant 1.000000e+00 : f32
    %div3A_118 = vector.broadcast %div3A : f32 to vector<128x1xf32>
    %div3A_119 = arith.divf %div3A_118, %broadcast_in_dim3A_117 : vector<128x1xf32>
    %slice3A_120 = vector.extract_strided_slice %slice3A_101 {offsets = [0, 0], sizes = [128, 64], strides = [1, 1]} : vector<512x64xbf16> to vector<128x64xbf16>
    %dot_general3A_121 = arith.constant dense<0.000000e+00> : vector<128x64xf32>
    %dot_general3A_122 = tpu.matmul %convert_element_type3A_114, %slice3A_120, %dot_general3A_121 {dimension_numbers = #tpu.dot_dimension_numbers<[1], [0], [0], [1], [0, 0, 1, 1], [], []>, transpose_lhs_hint = false} : vector<128x128xbf16>, vector<128x64xbf16>, vector<128x64xf32> -> vector<128x64xf32>
    %mul3A_123 = vector.broadcast %div3A_119 : vector<128x1xf32> to vector<128x64xf32>
    %mul3A_124 = arith.mulf %dot_general3A_122, %mul3A_123 : vector<128x64xf32>
    %slice3A_125 = vector.extract_strided_slice %slice3A {offsets = [128, 0], sizes = [128, 64], strides = [1, 1]} : vector<512x64xf32> to vector<128x64xf32>
    %slice3A_126 = vector.extract_strided_slice %slice3A_100 {offsets = [0, 0], sizes = [256, 64], strides = [1, 1]} : vector<512x64xf32> to vector<256x64xf32>
    %convert_element_type3A_127 = arith.truncf %slice3A_125 : vector<128x64xf32> to vector<128x64xbf16>
    %convert_element_type3A_128 = arith.truncf %slice3A_126 : vector<256x64xf32> to vector<256x64xbf16>
    %dot_general3A_129 = arith.constant dense<0.000000e+00> : vector<128x256xf32>
    %dot_general3A_130 = tpu.matmul %convert_element_type3A_127, %convert_element_type3A_128, %dot_general3A_129 {dimension_numbers = #tpu.dot_dimension_numbers<[1], [1], [0], [0], [0, 0, 1, 0], [], []>, transpose_lhs_hint = false} : vector<128x64xbf16>, vector<256x64xbf16>, vector<128x256xf32> -> vector<128x256xf32>
    %iota3A_131 = tpu.iota {dimensions = array<i32: 0>} : vector<128x256xi32>
    %add3A_132 = arith.constant 128 : i32
    %add3A_133 = vector.broadcast %add3A_132 : i32 to vector<128x256xi32>
    %add3A_134 = arith.addi %iota3A_131, %add3A_133 : vector<128x256xi32>
    %iota3A_135 = tpu.iota {dimensions = array<i32: 1>} : vector<128x256xi32>
    %ge3A_136 = arith.cmpi sge, %add3A_134, %iota3A_135 : vector<128x256xi32>
    %sub3A_137 = arith.constant 2.000000e+01 : f32
    %sub3A_138 = vector.broadcast %sub3A_137 : f32 to vector<128x256xf32>
    %sub3A_139 = arith.subf %dot_general3A_130, %sub3A_138 : vector<128x256xf32>
    %exp3A_140 = math.exp %sub3A_139 : vector<128x256xf32>
    %jit3A_141 = arith.constant 0.000000e+00 : f32
    %broadcast_in_dim3A_142 = vector.broadcast %jit3A_141 : f32 to vector<128x256xf32>
    %select_n3A_143 = arith.select %ge3A_136, %exp3A_140, %broadcast_in_dim3A_142 : vector<128x256xi1>, vector<128x256xf32>
    %convert_element_type3A_144 = arith.truncf %select_n3A_143 : vector<128x256xf32> to vector<128x256xbf16>
    %convert_element_type3A_145 = arith.extf %convert_element_type3A_144 : vector<128x256xbf16> to vector<128x256xf32>
    %reduce_sum3A_146 = arith.constant dense<0.000000e+00> : vector<128xf32>
    %reduce_sum3A_147 = vector.multi_reduction <add>, %convert_element_type3A_145, %reduce_sum3A_146 [1] : vector<128x256xf32> to vector<128xf32>
    %broadcast_in_dim3A_148 = vector.shape_cast %reduce_sum3A_147 : vector<128xf32> to vector<128x1xf32>
    %div3A_149 = arith.constant 1.000000e+00 : f32
    %div3A_150 = vector.broadcast %div3A_149 : f32 to vector<128x1xf32>
    %div3A_151 = arith.divf %div3A_150, %broadcast_in_dim3A_148 : vector<128x1xf32>
    %slice3A_152 = vector.extract_strided_slice %slice3A_101 {offsets = [0, 0], sizes = [256, 64], strides = [1, 1]} : vector<512x64xbf16> to vector<256x64xbf16>
    %dot_general3A_153 = arith.constant dense<0.000000e+00> : vector<128x64xf32>
    %dot_general3A_154 = tpu.matmul %convert_element_type3A_144, %slice3A_152, %dot_general3A_153 {dimension_numbers = #tpu.dot_dimension_numbers<[1], [0], [0], [1], [0, 0, 1, 1], [], []>, transpose_lhs_hint = false} : vector<128x256xbf16>, vector<256x64xbf16>, vector<128x64xf32> -> vector<128x64xf32>
    %mul3A_155 = vector.broadcast %div3A_151 : vector<128x1xf32> to vector<128x64xf32>
    %mul3A_156 = arith.mulf %dot_general3A_154, %mul3A_155 : vector<128x64xf32>
    %slice3A_157 = vector.extract_strided_slice %slice3A {offsets = [256, 0], sizes = [128, 64], strides = [1, 1]} : vector<512x64xf32> to vector<128x64xf32>
    %slice3A_158 = vector.extract_strided_slice %slice3A_100 {offsets = [0, 0], sizes = [384, 64], strides = [1, 1]} : vector<512x64xf32> to vector<384x64xf32>
    %convert_element_type3A_159 = arith.truncf %slice3A_157 : vector<128x64xf32> to vector<128x64xbf16>
    %convert_element_type3A_160 = arith.truncf %slice3A_158 : vector<384x64xf32> to vector<384x64xbf16>
    %dot_general3A_161 = arith.constant dense<0.000000e+00> : vector<128x384xf32>
    %dot_general3A_162 = tpu.matmul %convert_element_type3A_159, %convert_element_type3A_160, %dot_general3A_161 {dimension_numbers = #tpu.dot_dimension_numbers<[1], [1], [0], [0], [0, 0, 1, 0], [], []>, transpose_lhs_hint = false} : vector<128x64xbf16>, vector<384x64xbf16>, vector<128x384xf32> -> vector<128x384xf32>
    %iota3A_163 = tpu.iota {dimensions = array<i32: 0>} : vector<128x384xi32>
    %add3A_164 = arith.constant 256 : i32
    %add3A_165 = vector.broadcast %add3A_164 : i32 to vector<128x384xi32>
    %add3A_166 = arith.addi %iota3A_163, %add3A_165 : vector<128x384xi32>
    %iota3A_167 = tpu.iota {dimensions = array<i32: 1>} : vector<128x384xi32>
    %ge3A_168 = arith.cmpi sge, %add3A_166, %iota3A_167 : vector<128x384xi32>
    %sub3A_169 = arith.constant 2.000000e+01 : f32
    %sub3A_170 = vector.broadcast %sub3A_169 : f32 to vector<128x384xf32>
    %sub3A_171 = arith.subf %dot_general3A_162, %sub3A_170 : vector<128x384xf32>
    %exp3A_172 = math.exp %sub3A_171 : vector<128x384xf32>
    %jit3A_173 = arith.constant 0.000000e+00 : f32
    %broadcast_in_dim3A_174 = vector.broadcast %jit3A_173 : f32 to vector<128x384xf32>
    %select_n3A_175 = arith.select %ge3A_168, %exp3A_172, %broadcast_in_dim3A_174 : vector<128x384xi1>, vector<128x384xf32>
    %convert_element_type3A_176 = arith.truncf %select_n3A_175 : vector<128x384xf32> to vector<128x384xbf16>
    %convert_element_type3A_177 = arith.extf %convert_element_type3A_176 : vector<128x384xbf16> to vector<128x384xf32>
    %reduce_sum3A_178 = arith.constant dense<0.000000e+00> : vector<128xf32>
    %reduce_sum3A_179 = vector.multi_reduction <add>, %convert_element_type3A_177, %reduce_sum3A_178 [1] : vector<128x384xf32> to vector<128xf32>
    %broadcast_in_dim3A_180 = vector.shape_cast %reduce_sum3A_179 : vector<128xf32> to vector<128x1xf32>
    %div3A_181 = arith.constant 1.000000e+00 : f32
    %div3A_182 = vector.broadcast %div3A_181 : f32 to vector<128x1xf32>
    %div3A_183 = arith.divf %div3A_182, %broadcast_in_dim3A_180 : vector<128x1xf32>
    %slice3A_184 = vector.extract_strided_slice %slice3A_101 {offsets = [0, 0], sizes = [384, 64], strides = [1, 1]} : vector<512x64xbf16> to vector<384x64xbf16>
    %dot_general3A_185 = arith.constant dense<0.000000e+00> : vector<128x64xf32>
    %dot_general3A_186 = tpu.matmul %convert_element_type3A_176, %slice3A_184, %dot_general3A_185 {dimension_numbers = #tpu.dot_dimension_numbers<[1], [0], [0], [1], [0, 0, 1, 1], [], []>, transpose_lhs_hint = false} : vector<128x384xbf16>, vector<384x64xbf16>, vector<128x64xf32> -> vector<128x64xf32>
    %mul3A_187 = vector.broadcast %div3A_183 : vector<128x1xf32> to vector<128x64xf32>
    %mul3A_188 = arith.mulf %dot_general3A_186, %mul3A_187 : vector<128x64xf32>
    %slice3A_189 = vector.extract_strided_slice %slice3A {offsets = [384, 0], sizes = [128, 64], strides = [1, 1]} : vector<512x64xf32> to vector<128x64xf32>
    %convert_element_type3A_190 = arith.truncf %slice3A_189 : vector<128x64xf32> to vector<128x64xbf16>
    %convert_element_type3A_191 = arith.truncf %slice3A_100 : vector<512x64xf32> to vector<512x64xbf16>
    %dot_general3A_192 = arith.constant dense<0.000000e+00> : vector<128x512xf32>
    %dot_general3A_193 = tpu.matmul %convert_element_type3A_190, %convert_element_type3A_191, %dot_general3A_192 {dimension_numbers = #tpu.dot_dimension_numbers<[1], [1], [0], [0], [0, 0, 1, 0], [], []>, transpose_lhs_hint = false} : vector<128x64xbf16>, vector<512x64xbf16>, vector<128x512xf32> -> vector<128x512xf32>
    %iota3A_194 = tpu.iota {dimensions = array<i32: 0>} : vector<128x512xi32>
    %add3A_195 = arith.constant 384 : i32
    %add3A_196 = vector.broadcast %add3A_195 : i32 to vector<128x512xi32>
    %add3A_197 = arith.addi %iota3A_194, %add3A_196 : vector<128x512xi32>
    %iota3A_198 = tpu.iota {dimensions = array<i32: 1>} : vector<128x512xi32>
    %ge3A_199 = arith.cmpi sge, %add3A_197, %iota3A_198 : vector<128x512xi32>
    %sub3A_200 = arith.constant 2.000000e+01 : f32
    %sub3A_201 = vector.broadcast %sub3A_200 : f32 to vector<128x512xf32>
    %sub3A_202 = arith.subf %dot_general3A_193, %sub3A_201 : vector<128x512xf32>
    %exp3A_203 = math.exp %sub3A_202 : vector<128x512xf32>
    %jit3A_204 = arith.constant 0.000000e+00 : f32
    %broadcast_in_dim3A_205 = vector.broadcast %jit3A_204 : f32 to vector<128x512xf32>
    %select_n3A_206 = arith.select %ge3A_199, %exp3A_203, %broadcast_in_dim3A_205 : vector<128x512xi1>, vector<128x512xf32>
    %convert_element_type3A_207 = arith.truncf %select_n3A_206 : vector<128x512xf32> to vector<128x512xbf16>
    %convert_element_type3A_208 = arith.extf %convert_element_type3A_207 : vector<128x512xbf16> to vector<128x512xf32>
    %reduce_sum3A_209 = arith.constant dense<0.000000e+00> : vector<128xf32>
    %reduce_sum3A_210 = vector.multi_reduction <add>, %convert_element_type3A_208, %reduce_sum3A_209 [1] : vector<128x512xf32> to vector<128xf32>
    %broadcast_in_dim3A_211 = vector.shape_cast %reduce_sum3A_210 : vector<128xf32> to vector<128x1xf32>
    %div3A_212 = arith.constant 1.000000e+00 : f32
    %div3A_213 = vector.broadcast %div3A_212 : f32 to vector<128x1xf32>
    %div3A_214 = arith.divf %div3A_213, %broadcast_in_dim3A_211 : vector<128x1xf32>
    %dot_general3A_215 = arith.constant dense<0.000000e+00> : vector<128x64xf32>
    %dot_general3A_216 = tpu.matmul %convert_element_type3A_207, %slice3A_101, %dot_general3A_215 {dimension_numbers = #tpu.dot_dimension_numbers<[1], [0], [0], [1], [0, 0, 1, 1], [], []>, transpose_lhs_hint = false} : vector<128x512xbf16>, vector<512x64xbf16>, vector<128x64xf32> -> vector<128x64xf32>
    %mul3A_217 = vector.broadcast %div3A_214 : vector<128x1xf32> to vector<128x64xf32>
    %mul3A_218 = arith.mulf %dot_general3A_216, %mul3A_217 : vector<128x64xf32>
    %concatenate3A = tpu.concatenate %mul3A_124, %mul3A_156, %mul3A_188, %mul3A_218 in 0 : vector<128x64xf32>, vector<128x64xf32>, vector<128x64xf32>, vector<128x64xf32> -> vector<512x64xf32>
    %convert_element_type3A_219 = arith.truncf %concatenate3A : vector<512x64xf32> to vector<512x64xbf16>
    %slice3A_220 = vector.extract_strided_slice %mul3A_86 {offsets = [0, 64], sizes = [512, 64], strides = [1, 1]} : vector<512x512xf32> to vector<512x64xf32>
    %slice3A_221 = vector.extract_strided_slice %add3A_92 {offsets = [0, 64], sizes = [512, 64], strides = [1, 1]} : vector<512x512xf32> to vector<512x64xf32>
    %slice3A_222 = vector.extract_strided_slice %convert_element_type3A_99 {offsets = [0, 64], sizes = [512, 64], strides = [1, 1]} : vector<512x512xbf16> to vector<512x64xbf16>
    %slice3A_223 = vector.extract_strided_slice %slice3A_220 {offsets = [0, 0], sizes = [128, 64], strides = [1, 1]} : vector<512x64xf32> to vector<128x64xf32>
    %slice3A_224 = vector.extract_strided_slice %slice3A_221 {offsets = [0, 0], sizes = [128, 64], strides = [1, 1]} : vector<512x64xf32> to vector<128x64xf32>
    %convert_element_type3A_225 = arith.truncf %slice3A_223 : vector<128x64xf32> to vector<128x64xbf16>
    %convert_element_type3A_226 = arith.truncf %slice3A_224 : vector<128x64xf32> to vector<128x64xbf16>
    %dot_general3A_227 = arith.constant dense<0.000000e+00> : vector<128x128xf32>
    %dot_general3A_228 = tpu.matmul %convert_element_type3A_225, %convert_element_type3A_226, %dot_general3A_227 {dimension_numbers = #tpu.dot_dimension_numbers<[1], [1], [0], [0], [0, 0, 1, 0], [], []>, transpose_lhs_hint = false} : vector<128x64xbf16>, vector<128x64xbf16>, vector<128x128xf32> -> vector<128x128xf32>
    %iota3A_229 = tpu.iota {dimensions = array<i32: 0>} : vector<128x128xi32>
    %add3A_230 = arith.constant 0 : i32
    %add3A_231 = vector.broadcast %add3A_230 : i32 to vector<128x128xi32>
    %add3A_232 = arith.addi %iota3A_229, %add3A_231 : vector<128x128xi32>
    %iota3A_233 = tpu.iota {dimensions = array<i32: 1>} : vector<128x128xi32>
    %ge3A_234 = arith.cmpi sge, %add3A_232, %iota3A_233 : vector<128x128xi32>
    %sub3A_235 = arith.constant 2.000000e+01 : f32
    %sub3A_236 = vector.broadcast %sub3A_235 : f32 to vector<128x128xf32>
    %sub3A_237 = arith.subf %dot_general3A_228, %sub3A_236 : vector<128x128xf32>
    %exp3A_238 = math.exp %sub3A_237 : vector<128x128xf32>
    %jit3A_239 = arith.constant 0.000000e+00 : f32
    %broadcast_in_dim3A_240 = vector.broadcast %jit3A_239 : f32 to vector<128x128xf32>
    %select_n3A_241 = arith.select %ge3A_234, %exp3A_238, %broadcast_in_dim3A_240 : vector<128x128xi1>, vector<128x128xf32>
    %convert_element_type3A_242 = arith.truncf %select_n3A_241 : vector<128x128xf32> to vector<128x128xbf16>
    %convert_element_type3A_243 = arith.extf %convert_element_type3A_242 : vector<128x128xbf16> to vector<128x128xf32>
    %reduce_sum3A_244 = arith.constant dense<0.000000e+00> : vector<128xf32>
    %reduce_sum3A_245 = vector.multi_reduction <add>, %convert_element_type3A_243, %reduce_sum3A_244 [1] : vector<128x128xf32> to vector<128xf32>
    %broadcast_in_dim3A_246 = vector.shape_cast %reduce_sum3A_245 : vector<128xf32> to vector<128x1xf32>
    %div3A_247 = arith.constant 1.000000e+00 : f32
    %div3A_248 = vector.broadcast %div3A_247 : f32 to vector<128x1xf32>
    %div3A_249 = arith.divf %div3A_248, %broadcast_in_dim3A_246 : vector<128x1xf32>
    %slice3A_250 = vector.extract_strided_slice %slice3A_222 {offsets = [0, 0], sizes = [128, 64], strides = [1, 1]} : vector<512x64xbf16> to vector<128x64xbf16>
    %dot_general3A_251 = arith.constant dense<0.000000e+00> : vector<128x64xf32>
    %dot_general3A_252 = tpu.matmul %convert_element_type3A_242, %slice3A_250, %dot_general3A_251 {dimension_numbers = #tpu.dot_dimension_numbers<[1], [0], [0], [1], [0, 0, 1, 1], [], []>, transpose_lhs_hint = false} : vector<128x128xbf16>, vector<128x64xbf16>, vector<128x64xf32> -> vector<128x64xf32>
    %mul3A_253 = vector.broadcast %div3A_249 : vector<128x1xf32> to vector<128x64xf32>
    %mul3A_254 = arith.mulf %dot_general3A_252, %mul3A_253 : vector<128x64xf32>
    %slice3A_255 = vector.extract_strided_slice %slice3A_220 {offsets = [128, 0], sizes = [128, 64], strides = [1, 1]} : vector<512x64xf32> to vector<128x64xf32>
    %slice3A_256 = vector.extract_strided_slice %slice3A_221 {offsets = [0, 0], sizes = [256, 64], strides = [1, 1]} : vector<512x64xf32> to vector<256x64xf32>
    %convert_element_type3A_257 = arith.truncf %slice3A_255 : vector<128x64xf32> to vector<128x64xbf16>
    %convert_element_type3A_258 = arith.truncf %slice3A_256 : vector<256x64xf32> to vector<256x64xbf16>
    %dot_general3A_259 = arith.constant dense<0.000000e+00> : vector<128x256xf32>
    %dot_general3A_260 = tpu.matmul %convert_element_type3A_257, %convert_element_type3A_258, %dot_general3A_259 {dimension_numbers = #tpu.dot_dimension_numbers<[1], [1], [0], [0], [0, 0, 1, 0], [], []>, transpose_lhs_hint = false} : vector<128x64xbf16>, vector<256x64xbf16>, vector<128x256xf32> -> vector<128x256xf32>
    %iota3A_261 = tpu.iota {dimensions = array<i32: 0>} : vector<128x256xi32>
    %add3A_262 = arith.constant 128 : i32
    %add3A_263 = vector.broadcast %add3A_262 : i32 to vector<128x256xi32>
    %add3A_264 = arith.addi %iota3A_261, %add3A_263 : vector<128x256xi32>
    %iota3A_265 = tpu.iota {dimensions = array<i32: 1>} : vector<128x256xi32>
    %ge3A_266 = arith.cmpi sge, %add3A_264, %iota3A_265 : vector<128x256xi32>
    %sub3A_267 = arith.constant 2.000000e+01 : f32
    %sub3A_268 = vector.broadcast %sub3A_267 : f32 to vector<128x256xf32>
    %sub3A_269 = arith.subf %dot_general3A_260, %sub3A_268 : vector<128x256xf32>
    %exp3A_270 = math.exp %sub3A_269 : vector<128x256xf32>
    %jit3A_271 = arith.constant 0.000000e+00 : f32
    %broadcast_in_dim3A_272 = vector.broadcast %jit3A_271 : f32 to vector<128x256xf32>
    %select_n3A_273 = arith.select %ge3A_266, %exp3A_270, %broadcast_in_dim3A_272 : vector<128x256xi1>, vector<128x256xf32>
    %convert_element_type3A_274 = arith.truncf %select_n3A_273 : vector<128x256xf32> to vector<128x256xbf16>
    %convert_element_type3A_275 = arith.extf %convert_element_type3A_274 : vector<128x256xbf16> to vector<128x256xf32>
    %reduce_sum3A_276 = arith.constant dense<0.000000e+00> : vector<128xf32>
    %reduce_sum3A_277 = vector.multi_reduction <add>, %convert_element_type3A_275, %reduce_sum3A_276 [1] : vector<128x256xf32> to vector<128xf32>
    %broadcast_in_dim3A_278 = vector.shape_cast %reduce_sum3A_277 : vector<128xf32> to vector<128x1xf32>
    %div3A_279 = arith.constant 1.000000e+00 : f32
    %div3A_280 = vector.broadcast %div3A_279 : f32 to vector<128x1xf32>
    %div3A_281 = arith.divf %div3A_280, %broadcast_in_dim3A_278 : vector<128x1xf32>
    %slice3A_282 = vector.extract_strided_slice %slice3A_222 {offsets = [0, 0], sizes = [256, 64], strides = [1, 1]} : vector<512x64xbf16> to vector<256x64xbf16>
    %dot_general3A_283 = arith.constant dense<0.000000e+00> : vector<128x64xf32>
    %dot_general3A_284 = tpu.matmul %convert_element_type3A_274, %slice3A_282, %dot_general3A_283 {dimension_numbers = #tpu.dot_dimension_numbers<[1], [0], [0], [1], [0, 0, 1, 1], [], []>, transpose_lhs_hint = false} : vector<128x256xbf16>, vector<256x64xbf16>, vector<128x64xf32> -> vector<128x64xf32>
    %mul3A_285 = vector.broadcast %div3A_281 : vector<128x1xf32> to vector<128x64xf32>
    %mul3A_286 = arith.mulf %dot_general3A_284, %mul3A_285 : vector<128x64xf32>
    %slice3A_287 = vector.extract_strided_slice %slice3A_220 {offsets = [256, 0], sizes = [128, 64], strides = [1, 1]} : vector<512x64xf32> to vector<128x64xf32>
    %slice3A_288 = vector.extract_strided_slice %slice3A_221 {offsets = [0, 0], sizes = [384, 64], strides = [1, 1]} : vector<512x64xf32> to vector<384x64xf32>
    %convert_element_type3A_289 = arith.truncf %slice3A_287 : vector<128x64xf32> to vector<128x64xbf16>
    %convert_element_type3A_290 = arith.truncf %slice3A_288 : vector<384x64xf32> to vector<384x64xbf16>
    %dot_general3A_291 = arith.constant dense<0.000000e+00> : vector<128x384xf32>
    %dot_general3A_292 = tpu.matmul %convert_element_type3A_289, %convert_element_type3A_290, %dot_general3A_291 {dimension_numbers = #tpu.dot_dimension_numbers<[1], [1], [0], [0], [0, 0, 1, 0], [], []>, transpose_lhs_hint = false} : vector<128x64xbf16>, vector<384x64xbf16>, vector<128x384xf32> -> vector<128x384xf32>
    %iota3A_293 = tpu.iota {dimensions = array<i32: 0>} : vector<128x384xi32>
    %add3A_294 = arith.constant 256 : i32
    %add3A_295 = vector.broadcast %add3A_294 : i32 to vector<128x384xi32>
    %add3A_296 = arith.addi %iota3A_293, %add3A_295 : vector<128x384xi32>
    %iota3A_297 = tpu.iota {dimensions = array<i32: 1>} : vector<128x384xi32>
    %ge3A_298 = arith.cmpi sge, %add3A_296, %iota3A_297 : vector<128x384xi32>
    %sub3A_299 = arith.constant 2.000000e+01 : f32
    %sub3A_300 = vector.broadcast %sub3A_299 : f32 to vector<128x384xf32>
    %sub3A_301 = arith.subf %dot_general3A_292, %sub3A_300 : vector<128x384xf32>
    %exp3A_302 = math.exp %sub3A_301 : vector<128x384xf32>
    %jit3A_303 = arith.constant 0.000000e+00 : f32
    %broadcast_in_dim3A_304 = vector.broadcast %jit3A_303 : f32 to vector<128x384xf32>
    %select_n3A_305 = arith.select %ge3A_298, %exp3A_302, %broadcast_in_dim3A_304 : vector<128x384xi1>, vector<128x384xf32>
    %convert_element_type3A_306 = arith.truncf %select_n3A_305 : vector<128x384xf32> to vector<128x384xbf16>
    %convert_element_type3A_307 = arith.extf %convert_element_type3A_306 : vector<128x384xbf16> to vector<128x384xf32>
    %reduce_sum3A_308 = arith.constant dense<0.000000e+00> : vector<128xf32>
    %reduce_sum3A_309 = vector.multi_reduction <add>, %convert_element_type3A_307, %reduce_sum3A_308 [1] : vector<128x384xf32> to vector<128xf32>
    %broadcast_in_dim3A_310 = vector.shape_cast %reduce_sum3A_309 : vector<128xf32> to vector<128x1xf32>
    %div3A_311 = arith.constant 1.000000e+00 : f32
    %div3A_312 = vector.broadcast %div3A_311 : f32 to vector<128x1xf32>
    %div3A_313 = arith.divf %div3A_312, %broadcast_in_dim3A_310 : vector<128x1xf32>
    %slice3A_314 = vector.extract_strided_slice %slice3A_222 {offsets = [0, 0], sizes = [384, 64], strides = [1, 1]} : vector<512x64xbf16> to vector<384x64xbf16>
    %dot_general3A_315 = arith.constant dense<0.000000e+00> : vector<128x64xf32>
    %dot_general3A_316 = tpu.matmul %convert_element_type3A_306, %slice3A_314, %dot_general3A_315 {dimension_numbers = #tpu.dot_dimension_numbers<[1], [0], [0], [1], [0, 0, 1, 1], [], []>, transpose_lhs_hint = false} : vector<128x384xbf16>, vector<384x64xbf16>, vector<128x64xf32> -> vector<128x64xf32>
    %mul3A_317 = vector.broadcast %div3A_313 : vector<128x1xf32> to vector<128x64xf32>
    %mul3A_318 = arith.mulf %dot_general3A_316, %mul3A_317 : vector<128x64xf32>
    %slice3A_319 = vector.extract_strided_slice %slice3A_220 {offsets = [384, 0], sizes = [128, 64], strides = [1, 1]} : vector<512x64xf32> to vector<128x64xf32>
    %convert_element_type3A_320 = arith.truncf %slice3A_319 : vector<128x64xf32> to vector<128x64xbf16>
    %convert_element_type3A_321 = arith.truncf %slice3A_221 : vector<512x64xf32> to vector<512x64xbf16>
    %dot_general3A_322 = arith.constant dense<0.000000e+00> : vector<128x512xf32>
    %dot_general3A_323 = tpu.matmul %convert_element_type3A_320, %convert_element_type3A_321, %dot_general3A_322 {dimension_numbers = #tpu.dot_dimension_numbers<[1], [1], [0], [0], [0, 0, 1, 0], [], []>, transpose_lhs_hint = false} : vector<128x64xbf16>, vector<512x64xbf16>, vector<128x512xf32> -> vector<128x512xf32>
    %iota3A_324 = tpu.iota {dimensions = array<i32: 0>} : vector<128x512xi32>
    %add3A_325 = arith.constant 384 : i32
    %add3A_326 = vector.broadcast %add3A_325 : i32 to vector<128x512xi32>
    %add3A_327 = arith.addi %iota3A_324, %add3A_326 : vector<128x512xi32>
    %iota3A_328 = tpu.iota {dimensions = array<i32: 1>} : vector<128x512xi32>
    %ge3A_329 = arith.cmpi sge, %add3A_327, %iota3A_328 : vector<128x512xi32>
    %sub3A_330 = arith.constant 2.000000e+01 : f32
    %sub3A_331 = vector.broadcast %sub3A_330 : f32 to vector<128x512xf32>
    %sub3A_332 = arith.subf %dot_general3A_323, %sub3A_331 : vector<128x512xf32>
    %exp3A_333 = math.exp %sub3A_332 : vector<128x512xf32>
    %jit3A_334 = arith.constant 0.000000e+00 : f32
    %broadcast_in_dim3A_335 = vector.broadcast %jit3A_334 : f32 to vector<128x512xf32>
    %select_n3A_336 = arith.select %ge3A_329, %exp3A_333, %broadcast_in_dim3A_335 : vector<128x512xi1>, vector<128x512xf32>
    %convert_element_type3A_337 = arith.truncf %select_n3A_336 : vector<128x512xf32> to vector<128x512xbf16>
    %convert_element_type3A_338 = arith.extf %convert_element_type3A_337 : vector<128x512xbf16> to vector<128x512xf32>
    %reduce_sum3A_339 = arith.constant dense<0.000000e+00> : vector<128xf32>
    %reduce_sum3A_340 = vector.multi_reduction <add>, %convert_element_type3A_338, %reduce_sum3A_339 [1] : vector<128x512xf32> to vector<128xf32>
    %broadcast_in_dim3A_341 = vector.shape_cast %reduce_sum3A_340 : vector<128xf32> to vector<128x1xf32>
    %div3A_342 = arith.constant 1.000000e+00 : f32
    %div3A_343 = vector.broadcast %div3A_342 : f32 to vector<128x1xf32>
    %div3A_344 = arith.divf %div3A_343, %broadcast_in_dim3A_341 : vector<128x1xf32>
    %dot_general3A_345 = arith.constant dense<0.000000e+00> : vector<128x64xf32>
    %dot_general3A_346 = tpu.matmul %convert_element_type3A_337, %slice3A_222, %dot_general3A_345 {dimension_numbers = #tpu.dot_dimension_numbers<[1], [0], [0], [1], [0, 0, 1, 1], [], []>, transpose_lhs_hint = false} : vector<128x512xbf16>, vector<512x64xbf16>, vector<128x64xf32> -> vector<128x64xf32>
    %mul3A_347 = vector.broadcast %div3A_344 : vector<128x1xf32> to vector<128x64xf32>
    %mul3A_348 = arith.mulf %dot_general3A_346, %mul3A_347 : vector<128x64xf32>
    %concatenate3A_349 = tpu.concatenate %mul3A_254, %mul3A_286, %mul3A_318, %mul3A_348 in 0 : vector<128x64xf32>, vector<128x64xf32>, vector<128x64xf32>, vector<128x64xf32> -> vector<512x64xf32>
    %convert_element_type3A_350 = arith.truncf %concatenate3A_349 : vector<512x64xf32> to vector<512x64xbf16>
    %slice3A_351 = vector.extract_strided_slice %mul3A_86 {offsets = [0, 128], sizes = [512, 64], strides = [1, 1]} : vector<512x512xf32> to vector<512x64xf32>
    %slice3A_352 = vector.extract_strided_slice %add3A_92 {offsets = [0, 128], sizes = [512, 64], strides = [1, 1]} : vector<512x512xf32> to vector<512x64xf32>
    %slice3A_353 = vector.extract_strided_slice %convert_element_type3A_99 {offsets = [0, 128], sizes = [512, 64], strides = [1, 1]} : vector<512x512xbf16> to vector<512x64xbf16>
    %slice3A_354 = vector.extract_strided_slice %slice3A_351 {offsets = [0, 0], sizes = [128, 64], strides = [1, 1]} : vector<512x64xf32> to vector<128x64xf32>
    %slice3A_355 = vector.extract_strided_slice %slice3A_352 {offsets = [0, 0], sizes = [128, 64], strides = [1, 1]} : vector<512x64xf32> to vector<128x64xf32>
    %convert_element_type3A_356 = arith.truncf %slice3A_354 : vector<128x64xf32> to vector<128x64xbf16>
    %convert_element_type3A_357 = arith.truncf %slice3A_355 : vector<128x64xf32> to vector<128x64xbf16>
    %dot_general3A_358 = arith.constant dense<0.000000e+00> : vector<128x128xf32>
    %dot_general3A_359 = tpu.matmul %convert_element_type3A_356, %convert_element_type3A_357, %dot_general3A_358 {dimension_numbers = #tpu.dot_dimension_numbers<[1], [1], [0], [0], [0, 0, 1, 0], [], []>, transpose_lhs_hint = false} : vector<128x64xbf16>, vector<128x64xbf16>, vector<128x128xf32> -> vector<128x128xf32>
    %iota3A_360 = tpu.iota {dimensions = array<i32: 0>} : vector<128x128xi32>
    %add3A_361 = arith.constant 0 : i32
    %add3A_362 = vector.broadcast %add3A_361 : i32 to vector<128x128xi32>
    %add3A_363 = arith.addi %iota3A_360, %add3A_362 : vector<128x128xi32>
    %iota3A_364 = tpu.iota {dimensions = array<i32: 1>} : vector<128x128xi32>
    %ge3A_365 = arith.cmpi sge, %add3A_363, %iota3A_364 : vector<128x128xi32>
    %sub3A_366 = arith.constant 2.000000e+01 : f32
    %sub3A_367 = vector.broadcast %sub3A_366 : f32 to vector<128x128xf32>
    %sub3A_368 = arith.subf %dot_general3A_359, %sub3A_367 : vector<128x128xf32>
    %exp3A_369 = math.exp %sub3A_368 : vector<128x128xf32>
    %jit3A_370 = arith.constant 0.000000e+00 : f32
    %broadcast_in_dim3A_371 = vector.broadcast %jit3A_370 : f32 to vector<128x128xf32>
    %select_n3A_372 = arith.select %ge3A_365, %exp3A_369, %broadcast_in_dim3A_371 : vector<128x128xi1>, vector<128x128xf32>
    %convert_element_type3A_373 = arith.truncf %select_n3A_372 : vector<128x128xf32> to vector<128x128xbf16>
    %convert_element_type3A_374 = arith.extf %convert_element_type3A_373 : vector<128x128xbf16> to vector<128x128xf32>
    %reduce_sum3A_375 = arith.constant dense<0.000000e+00> : vector<128xf32>
    %reduce_sum3A_376 = vector.multi_reduction <add>, %convert_element_type3A_374, %reduce_sum3A_375 [1] : vector<128x128xf32> to vector<128xf32>
    %broadcast_in_dim3A_377 = vector.shape_cast %reduce_sum3A_376 : vector<128xf32> to vector<128x1xf32>
    %div3A_378 = arith.constant 1.000000e+00 : f32
    %div3A_379 = vector.broadcast %div3A_378 : f32 to vector<128x1xf32>
    %div3A_380 = arith.divf %div3A_379, %broadcast_in_dim3A_377 : vector<128x1xf32>
    %slice3A_381 = vector.extract_strided_slice %slice3A_353 {offsets = [0, 0], sizes = [128, 64], strides = [1, 1]} : vector<512x64xbf16> to vector<128x64xbf16>
    %dot_general3A_382 = arith.constant dense<0.000000e+00> : vector<128x64xf32>
    %dot_general3A_383 = tpu.matmul %convert_element_type3A_373, %slice3A_381, %dot_general3A_382 {dimension_numbers = #tpu.dot_dimension_numbers<[1], [0], [0], [1], [0, 0, 1, 1], [], []>, transpose_lhs_hint = false} : vector<128x128xbf16>, vector<128x64xbf16>, vector<128x64xf32> -> vector<128x64xf32>
    %mul3A_384 = vector.broadcast %div3A_380 : vector<128x1xf32> to vector<128x64xf32>
    %mul3A_385 = arith.mulf %dot_general3A_383, %mul3A_384 : vector<128x64xf32>
    %slice3A_386 = vector.extract_strided_slice %slice3A_351 {offsets = [128, 0], sizes = [128, 64], strides = [1, 1]} : vector<512x64xf32> to vector<128x64xf32>
    %slice3A_387 = vector.extract_strided_slice %slice3A_352 {offsets = [0, 0], sizes = [256, 64], strides = [1, 1]} : vector<512x64xf32> to vector<256x64xf32>
    %convert_element_type3A_388 = arith.truncf %slice3A_386 : vector<128x64xf32> to vector<128x64xbf16>
    %convert_element_type3A_389 = arith.truncf %slice3A_387 : vector<256x64xf32> to vector<256x64xbf16>
    %dot_general3A_390 = arith.constant dense<0.000000e+00> : vector<128x256xf32>
    %dot_general3A_391 = tpu.matmul %convert_element_type3A_388, %convert_element_type3A_389, %dot_general3A_390 {dimension_numbers = #tpu.dot_dimension_numbers<[1], [1], [0], [0], [0, 0, 1, 0], [], []>, transpose_lhs_hint = false} : vector<128x64xbf16>, vector<256x64xbf16>, vector<128x256xf32> -> vector<128x256xf32>
    %iota3A_392 = tpu.iota {dimensions = array<i32: 0>} : vector<128x256xi32>
    %add3A_393 = arith.constant 128 : i32
    %add3A_394 = vector.broadcast %add3A_393 : i32 to vector<128x256xi32>
    %add3A_395 = arith.addi %iota3A_392, %add3A_394 : vector<128x256xi32>
    %iota3A_396 = tpu.iota {dimensions = array<i32: 1>} : vector<128x256xi32>
    %ge3A_397 = arith.cmpi sge, %add3A_395, %iota3A_396 : vector<128x256xi32>
    %sub3A_398 = arith.constant 2.000000e+01 : f32
    %sub3A_399 = vector.broadcast %sub3A_398 : f32 to vector<128x256xf32>
    %sub3A_400 = arith.subf %dot_general3A_391, %sub3A_399 : vector<128x256xf32>
    %exp3A_401 = math.exp %sub3A_400 : vector<128x256xf32>
    %jit3A_402 = arith.constant 0.000000e+00 : f32
    %broadcast_in_dim3A_403 = vector.broadcast %jit3A_402 : f32 to vector<128x256xf32>
    %select_n3A_404 = arith.select %ge3A_397, %exp3A_401, %broadcast_in_dim3A_403 : vector<128x256xi1>, vector<128x256xf32>
    %convert_element_type3A_405 = arith.truncf %select_n3A_404 : vector<128x256xf32> to vector<128x256xbf16>
    %convert_element_type3A_406 = arith.extf %convert_element_type3A_405 : vector<128x256xbf16> to vector<128x256xf32>
    %reduce_sum3A_407 = arith.constant dense<0.000000e+00> : vector<128xf32>
    %reduce_sum3A_408 = vector.multi_reduction <add>, %convert_element_type3A_406, %reduce_sum3A_407 [1] : vector<128x256xf32> to vector<128xf32>
    %broadcast_in_dim3A_409 = vector.shape_cast %reduce_sum3A_408 : vector<128xf32> to vector<128x1xf32>
    %div3A_410 = arith.constant 1.000000e+00 : f32
    %div3A_411 = vector.broadcast %div3A_410 : f32 to vector<128x1xf32>
    %div3A_412 = arith.divf %div3A_411, %broadcast_in_dim3A_409 : vector<128x1xf32>
    %slice3A_413 = vector.extract_strided_slice %slice3A_353 {offsets = [0, 0], sizes = [256, 64], strides = [1, 1]} : vector<512x64xbf16> to vector<256x64xbf16>
    %dot_general3A_414 = arith.constant dense<0.000000e+00> : vector<128x64xf32>
    %dot_general3A_415 = tpu.matmul %convert_element_type3A_405, %slice3A_413, %dot_general3A_414 {dimension_numbers = #tpu.dot_dimension_numbers<[1], [0], [0], [1], [0, 0, 1, 1], [], []>, transpose_lhs_hint = false} : vector<128x256xbf16>, vector<256x64xbf16>, vector<128x64xf32> -> vector<128x64xf32>
    %mul3A_416 = vector.broadcast %div3A_412 : vector<128x1xf32> to vector<128x64xf32>
    %mul3A_417 = arith.mulf %dot_general3A_415, %mul3A_416 : vector<128x64xf32>
    %slice3A_418 = vector.extract_strided_slice %slice3A_351 {offsets = [256, 0], sizes = [128, 64], strides = [1, 1]} : vector<512x64xf32> to vector<128x64xf32>
    %slice3A_419 = vector.extract_strided_slice %slice3A_352 {offsets = [0, 0], sizes = [384, 64], strides = [1, 1]} : vector<512x64xf32> to vector<384x64xf32>
    %convert_element_type3A_420 = arith.truncf %slice3A_418 : vector<128x64xf32> to vector<128x64xbf16>
    %convert_element_type3A_421 = arith.truncf %slice3A_419 : vector<384x64xf32> to vector<384x64xbf16>
    %dot_general3A_422 = arith.constant dense<0.000000e+00> : vector<128x384xf32>
    %dot_general3A_423 = tpu.matmul %convert_element_type3A_420, %convert_element_type3A_421, %dot_general3A_422 {dimension_numbers = #tpu.dot_dimension_numbers<[1], [1], [0], [0], [0, 0, 1, 0], [], []>, transpose_lhs_hint = false} : vector<128x64xbf16>, vector<384x64xbf16>, vector<128x384xf32> -> vector<128x384xf32>
    %iota3A_424 = tpu.iota {dimensions = array<i32: 0>} : vector<128x384xi32>
    %add3A_425 = arith.constant 256 : i32
    %add3A_426 = vector.broadcast %add3A_425 : i32 to vector<128x384xi32>
    %add3A_427 = arith.addi %iota3A_424, %add3A_426 : vector<128x384xi32>
    %iota3A_428 = tpu.iota {dimensions = array<i32: 1>} : vector<128x384xi32>
    %ge3A_429 = arith.cmpi sge, %add3A_427, %iota3A_428 : vector<128x384xi32>
    %sub3A_430 = arith.constant 2.000000e+01 : f32
    %sub3A_431 = vector.broadcast %sub3A_430 : f32 to vector<128x384xf32>
    %sub3A_432 = arith.subf %dot_general3A_423, %sub3A_431 : vector<128x384xf32>
    %exp3A_433 = math.exp %sub3A_432 : vector<128x384xf32>
    %jit3A_434 = arith.constant 0.000000e+00 : f32
    %broadcast_in_dim3A_435 = vector.broadcast %jit3A_434 : f32 to vector<128x384xf32>
    %select_n3A_436 = arith.select %ge3A_429, %exp3A_433, %broadcast_in_dim3A_435 : vector<128x384xi1>, vector<128x384xf32>
    %convert_element_type3A_437 = arith.truncf %select_n3A_436 : vector<128x384xf32> to vector<128x384xbf16>
    %convert_element_type3A_438 = arith.extf %convert_element_type3A_437 : vector<128x384xbf16> to vector<128x384xf32>
    %reduce_sum3A_439 = arith.constant dense<0.000000e+00> : vector<128xf32>
    %reduce_sum3A_440 = vector.multi_reduction <add>, %convert_element_type3A_438, %reduce_sum3A_439 [1] : vector<128x384xf32> to vector<128xf32>
    %broadcast_in_dim3A_441 = vector.shape_cast %reduce_sum3A_440 : vector<128xf32> to vector<128x1xf32>
    %div3A_442 = arith.constant 1.000000e+00 : f32
    %div3A_443 = vector.broadcast %div3A_442 : f32 to vector<128x1xf32>
    %div3A_444 = arith.divf %div3A_443, %broadcast_in_dim3A_441 : vector<128x1xf32>
    %slice3A_445 = vector.extract_strided_slice %slice3A_353 {offsets = [0, 0], sizes = [384, 64], strides = [1, 1]} : vector<512x64xbf16> to vector<384x64xbf16>
    %dot_general3A_446 = arith.constant dense<0.000000e+00> : vector<128x64xf32>
    %dot_general3A_447 = tpu.matmul %convert_element_type3A_437, %slice3A_445, %dot_general3A_446 {dimension_numbers = #tpu.dot_dimension_numbers<[1], [0], [0], [1], [0, 0, 1, 1], [], []>, transpose_lhs_hint = false} : vector<128x384xbf16>, vector<384x64xbf16>, vector<128x64xf32> -> vector<128x64xf32>
    %mul3A_448 = vector.broadcast %div3A_444 : vector<128x1xf32> to vector<128x64xf32>
    %mul3A_449 = arith.mulf %dot_general3A_447, %mul3A_448 : vector<128x64xf32>
    %slice3A_450 = vector.extract_strided_slice %slice3A_351 {offsets = [384, 0], sizes = [128, 64], strides = [1, 1]} : vector<512x64xf32> to vector<128x64xf32>
    %convert_element_type3A_451 = arith.truncf %slice3A_450 : vector<128x64xf32> to vector<128x64xbf16>
    %convert_element_type3A_452 = arith.truncf %slice3A_352 : vector<512x64xf32> to vector<512x64xbf16>
    %dot_general3A_453 = arith.constant dense<0.000000e+00> : vector<128x512xf32>
    %dot_general3A_454 = tpu.matmul %convert_element_type3A_451, %convert_element_type3A_452, %dot_general3A_453 {dimension_numbers = #tpu.dot_dimension_numbers<[1], [1], [0], [0], [0, 0, 1, 0], [], []>, transpose_lhs_hint = false} : vector<128x64xbf16>, vector<512x64xbf16>, vector<128x512xf32> -> vector<128x512xf32>
    %iota3A_455 = tpu.iota {dimensions = array<i32: 0>} : vector<128x512xi32>
    %add3A_456 = arith.constant 384 : i32
    %add3A_457 = vector.broadcast %add3A_456 : i32 to vector<128x512xi32>
    %add3A_458 = arith.addi %iota3A_455, %add3A_457 : vector<128x512xi32>
    %iota3A_459 = tpu.iota {dimensions = array<i32: 1>} : vector<128x512xi32>
    %ge3A_460 = arith.cmpi sge, %add3A_458, %iota3A_459 : vector<128x512xi32>
    %sub3A_461 = arith.constant 2.000000e+01 : f32
    %sub3A_462 = vector.broadcast %sub3A_461 : f32 to vector<128x512xf32>
    %sub3A_463 = arith.subf %dot_general3A_454, %sub3A_462 : vector<128x512xf32>
    %exp3A_464 = math.exp %sub3A_463 : vector<128x512xf32>
    %jit3A_465 = arith.constant 0.000000e+00 : f32
    %broadcast_in_dim3A_466 = vector.broadcast %jit3A_465 : f32 to vector<128x512xf32>
    %select_n3A_467 = arith.select %ge3A_460, %exp3A_464, %broadcast_in_dim3A_466 : vector<128x512xi1>, vector<128x512xf32>
    %convert_element_type3A_468 = arith.truncf %select_n3A_467 : vector<128x512xf32> to vector<128x512xbf16>
    %convert_element_type3A_469 = arith.extf %convert_element_type3A_468 : vector<128x512xbf16> to vector<128x512xf32>
    %reduce_sum3A_470 = arith.constant dense<0.000000e+00> : vector<128xf32>
    %reduce_sum3A_471 = vector.multi_reduction <add>, %convert_element_type3A_469, %reduce_sum3A_470 [1] : vector<128x512xf32> to vector<128xf32>
    %broadcast_in_dim3A_472 = vector.shape_cast %reduce_sum3A_471 : vector<128xf32> to vector<128x1xf32>
    %div3A_473 = arith.constant 1.000000e+00 : f32
    %div3A_474 = vector.broadcast %div3A_473 : f32 to vector<128x1xf32>
    %div3A_475 = arith.divf %div3A_474, %broadcast_in_dim3A_472 : vector<128x1xf32>
    %dot_general3A_476 = arith.constant dense<0.000000e+00> : vector<128x64xf32>
    %dot_general3A_477 = tpu.matmul %convert_element_type3A_468, %slice3A_353, %dot_general3A_476 {dimension_numbers = #tpu.dot_dimension_numbers<[1], [0], [0], [1], [0, 0, 1, 1], [], []>, transpose_lhs_hint = false} : vector<128x512xbf16>, vector<512x64xbf16>, vector<128x64xf32> -> vector<128x64xf32>
    %mul3A_478 = vector.broadcast %div3A_475 : vector<128x1xf32> to vector<128x64xf32>
    %mul3A_479 = arith.mulf %dot_general3A_477, %mul3A_478 : vector<128x64xf32>
    %concatenate3A_480 = tpu.concatenate %mul3A_385, %mul3A_417, %mul3A_449, %mul3A_479 in 0 : vector<128x64xf32>, vector<128x64xf32>, vector<128x64xf32>, vector<128x64xf32> -> vector<512x64xf32>
    %convert_element_type3A_481 = arith.truncf %concatenate3A_480 : vector<512x64xf32> to vector<512x64xbf16>
    %slice3A_482 = vector.extract_strided_slice %mul3A_86 {offsets = [0, 192], sizes = [512, 64], strides = [1, 1]} : vector<512x512xf32> to vector<512x64xf32>
    %slice3A_483 = vector.extract_strided_slice %add3A_92 {offsets = [0, 192], sizes = [512, 64], strides = [1, 1]} : vector<512x512xf32> to vector<512x64xf32>
    %slice3A_484 = vector.extract_strided_slice %convert_element_type3A_99 {offsets = [0, 192], sizes = [512, 64], strides = [1, 1]} : vector<512x512xbf16> to vector<512x64xbf16>
    %slice3A_485 = vector.extract_strided_slice %slice3A_482 {offsets = [0, 0], sizes = [128, 64], strides = [1, 1]} : vector<512x64xf32> to vector<128x64xf32>
    %slice3A_486 = vector.extract_strided_slice %slice3A_483 {offsets = [0, 0], sizes = [128, 64], strides = [1, 1]} : vector<512x64xf32> to vector<128x64xf32>
    %convert_element_type3A_487 = arith.truncf %slice3A_485 : vector<128x64xf32> to vector<128x64xbf16>
    %convert_element_type3A_488 = arith.truncf %slice3A_486 : vector<128x64xf32> to vector<128x64xbf16>
    %dot_general3A_489 = arith.constant dense<0.000000e+00> : vector<128x128xf32>
    %dot_general3A_490 = tpu.matmul %convert_element_type3A_487, %convert_element_type3A_488, %dot_general3A_489 {dimension_numbers = #tpu.dot_dimension_numbers<[1], [1], [0], [0], [0, 0, 1, 0], [], []>, transpose_lhs_hint = false} : vector<128x64xbf16>, vector<128x64xbf16>, vector<128x128xf32> -> vector<128x128xf32>
    %iota3A_491 = tpu.iota {dimensions = array<i32: 0>} : vector<128x128xi32>
    %add3A_492 = arith.constant 0 : i32
    %add3A_493 = vector.broadcast %add3A_492 : i32 to vector<128x128xi32>
    %add3A_494 = arith.addi %iota3A_491, %add3A_493 : vector<128x128xi32>
    %iota3A_495 = tpu.iota {dimensions = array<i32: 1>} : vector<128x128xi32>
    %ge3A_496 = arith.cmpi sge, %add3A_494, %iota3A_495 : vector<128x128xi32>
    %sub3A_497 = arith.constant 2.000000e+01 : f32
    %sub3A_498 = vector.broadcast %sub3A_497 : f32 to vector<128x128xf32>
    %sub3A_499 = arith.subf %dot_general3A_490, %sub3A_498 : vector<128x128xf32>
    %exp3A_500 = math.exp %sub3A_499 : vector<128x128xf32>
    %jit3A_501 = arith.constant 0.000000e+00 : f32
    %broadcast_in_dim3A_502 = vector.broadcast %jit3A_501 : f32 to vector<128x128xf32>
    %select_n3A_503 = arith.select %ge3A_496, %exp3A_500, %broadcast_in_dim3A_502 : vector<128x128xi1>, vector<128x128xf32>
    %convert_element_type3A_504 = arith.truncf %select_n3A_503 : vector<128x128xf32> to vector<128x128xbf16>
    %convert_element_type3A_505 = arith.extf %convert_element_type3A_504 : vector<128x128xbf16> to vector<128x128xf32>
    %reduce_sum3A_506 = arith.constant dense<0.000000e+00> : vector<128xf32>
    %reduce_sum3A_507 = vector.multi_reduction <add>, %convert_element_type3A_505, %reduce_sum3A_506 [1] : vector<128x128xf32> to vector<128xf32>
    %broadcast_in_dim3A_508 = vector.shape_cast %reduce_sum3A_507 : vector<128xf32> to vector<128x1xf32>
    %div3A_509 = arith.constant 1.000000e+00 : f32
    %div3A_510 = vector.broadcast %div3A_509 : f32 to vector<128x1xf32>
    %div3A_511 = arith.divf %div3A_510, %broadcast_in_dim3A_508 : vector<128x1xf32>
    %slice3A_512 = vector.extract_strided_slice %slice3A_484 {offsets = [0, 0], sizes = [128, 64], strides = [1, 1]} : vector<512x64xbf16> to vector<128x64xbf16>
    %dot_general3A_513 = arith.constant dense<0.000000e+00> : vector<128x64xf32>
    %dot_general3A_514 = tpu.matmul %convert_element_type3A_504, %slice3A_512, %dot_general3A_513 {dimension_numbers = #tpu.dot_dimension_numbers<[1], [0], [0], [1], [0, 0, 1, 1], [], []>, transpose_lhs_hint = false} : vector<128x128xbf16>, vector<128x64xbf16>, vector<128x64xf32> -> vector<128x64xf32>
    %mul3A_515 = vector.broadcast %div3A_511 : vector<128x1xf32> to vector<128x64xf32>
    %mul3A_516 = arith.mulf %dot_general3A_514, %mul3A_515 : vector<128x64xf32>
    %slice3A_517 = vector.extract_strided_slice %slice3A_482 {offsets = [128, 0], sizes = [128, 64], strides = [1, 1]} : vector<512x64xf32> to vector<128x64xf32>
    %slice3A_518 = vector.extract_strided_slice %slice3A_483 {offsets = [0, 0], sizes = [256, 64], strides = [1, 1]} : vector<512x64xf32> to vector<256x64xf32>
    %convert_element_type3A_519 = arith.truncf %slice3A_517 : vector<128x64xf32> to vector<128x64xbf16>
    %convert_element_type3A_520 = arith.truncf %slice3A_518 : vector<256x64xf32> to vector<256x64xbf16>
    %dot_general3A_521 = arith.constant dense<0.000000e+00> : vector<128x256xf32>
    %dot_general3A_522 = tpu.matmul %convert_element_type3A_519, %convert_element_type3A_520, %dot_general3A_521 {dimension_numbers = #tpu.dot_dimension_numbers<[1], [1], [0], [0], [0, 0, 1, 0], [], []>, transpose_lhs_hint = false} : vector<128x64xbf16>, vector<256x64xbf16>, vector<128x256xf32> -> vector<128x256xf32>
    %iota3A_523 = tpu.iota {dimensions = array<i32: 0>} : vector<128x256xi32>
    %add3A_524 = arith.constant 128 : i32
    %add3A_525 = vector.broadcast %add3A_524 : i32 to vector<128x256xi32>
    %add3A_526 = arith.addi %iota3A_523, %add3A_525 : vector<128x256xi32>
    %iota3A_527 = tpu.iota {dimensions = array<i32: 1>} : vector<128x256xi32>
    %ge3A_528 = arith.cmpi sge, %add3A_526, %iota3A_527 : vector<128x256xi32>
    %sub3A_529 = arith.constant 2.000000e+01 : f32
    %sub3A_530 = vector.broadcast %sub3A_529 : f32 to vector<128x256xf32>
    %sub3A_531 = arith.subf %dot_general3A_522, %sub3A_530 : vector<128x256xf32>
    %exp3A_532 = math.exp %sub3A_531 : vector<128x256xf32>
    %jit3A_533 = arith.constant 0.000000e+00 : f32
    %broadcast_in_dim3A_534 = vector.broadcast %jit3A_533 : f32 to vector<128x256xf32>
    %select_n3A_535 = arith.select %ge3A_528, %exp3A_532, %broadcast_in_dim3A_534 : vector<128x256xi1>, vector<128x256xf32>
    %convert_element_type3A_536 = arith.truncf %select_n3A_535 : vector<128x256xf32> to vector<128x256xbf16>
    %convert_element_type3A_537 = arith.extf %convert_element_type3A_536 : vector<128x256xbf16> to vector<128x256xf32>
    %reduce_sum3A_538 = arith.constant dense<0.000000e+00> : vector<128xf32>
    %reduce_sum3A_539 = vector.multi_reduction <add>, %convert_element_type3A_537, %reduce_sum3A_538 [1] : vector<128x256xf32> to vector<128xf32>
    %broadcast_in_dim3A_540 = vector.shape_cast %reduce_sum3A_539 : vector<128xf32> to vector<128x1xf32>
    %div3A_541 = arith.constant 1.000000e+00 : f32
    %div3A_542 = vector.broadcast %div3A_541 : f32 to vector<128x1xf32>
    %div3A_543 = arith.divf %div3A_542, %broadcast_in_dim3A_540 : vector<128x1xf32>
    %slice3A_544 = vector.extract_strided_slice %slice3A_484 {offsets = [0, 0], sizes = [256, 64], strides = [1, 1]} : vector<512x64xbf16> to vector<256x64xbf16>
    %dot_general3A_545 = arith.constant dense<0.000000e+00> : vector<128x64xf32>
    %dot_general3A_546 = tpu.matmul %convert_element_type3A_536, %slice3A_544, %dot_general3A_545 {dimension_numbers = #tpu.dot_dimension_numbers<[1], [0], [0], [1], [0, 0, 1, 1], [], []>, transpose_lhs_hint = false} : vector<128x256xbf16>, vector<256x64xbf16>, vector<128x64xf32> -> vector<128x64xf32>
    %mul3A_547 = vector.broadcast %div3A_543 : vector<128x1xf32> to vector<128x64xf32>
    %mul3A_548 = arith.mulf %dot_general3A_546, %mul3A_547 : vector<128x64xf32>
    %slice3A_549 = vector.extract_strided_slice %slice3A_482 {offsets = [256, 0], sizes = [128, 64], strides = [1, 1]} : vector<512x64xf32> to vector<128x64xf32>
    %slice3A_550 = vector.extract_strided_slice %slice3A_483 {offsets = [0, 0], sizes = [384, 64], strides = [1, 1]} : vector<512x64xf32> to vector<384x64xf32>
    %convert_element_type3A_551 = arith.truncf %slice3A_549 : vector<128x64xf32> to vector<128x64xbf16>
    %convert_element_type3A_552 = arith.truncf %slice3A_550 : vector<384x64xf32> to vector<384x64xbf16>
    %dot_general3A_553 = arith.constant dense<0.000000e+00> : vector<128x384xf32>
    %dot_general3A_554 = tpu.matmul %convert_element_type3A_551, %convert_element_type3A_552, %dot_general3A_553 {dimension_numbers = #tpu.dot_dimension_numbers<[1], [1], [0], [0], [0, 0, 1, 0], [], []>, transpose_lhs_hint = false} : vector<128x64xbf16>, vector<384x64xbf16>, vector<128x384xf32> -> vector<128x384xf32>
    %iota3A_555 = tpu.iota {dimensions = array<i32: 0>} : vector<128x384xi32>
    %add3A_556 = arith.constant 256 : i32
    %add3A_557 = vector.broadcast %add3A_556 : i32 to vector<128x384xi32>
    %add3A_558 = arith.addi %iota3A_555, %add3A_557 : vector<128x384xi32>
    %iota3A_559 = tpu.iota {dimensions = array<i32: 1>} : vector<128x384xi32>
    %ge3A_560 = arith.cmpi sge, %add3A_558, %iota3A_559 : vector<128x384xi32>
    %sub3A_561 = arith.constant 2.000000e+01 : f32
    %sub3A_562 = vector.broadcast %sub3A_561 : f32 to vector<128x384xf32>
    %sub3A_563 = arith.subf %dot_general3A_554, %sub3A_562 : vector<128x384xf32>
    %exp3A_564 = math.exp %sub3A_563 : vector<128x384xf32>
    %jit3A_565 = arith.constant 0.000000e+00 : f32
    %broadcast_in_dim3A_566 = vector.broadcast %jit3A_565 : f32 to vector<128x384xf32>
    %select_n3A_567 = arith.select %ge3A_560, %exp3A_564, %broadcast_in_dim3A_566 : vector<128x384xi1>, vector<128x384xf32>
    %convert_element_type3A_568 = arith.truncf %select_n3A_567 : vector<128x384xf32> to vector<128x384xbf16>
    %convert_element_type3A_569 = arith.extf %convert_element_type3A_568 : vector<128x384xbf16> to vector<128x384xf32>
    %reduce_sum3A_570 = arith.constant dense<0.000000e+00> : vector<128xf32>
    %reduce_sum3A_571 = vector.multi_reduction <add>, %convert_element_type3A_569, %reduce_sum3A_570 [1] : vector<128x384xf32> to vector<128xf32>
    %broadcast_in_dim3A_572 = vector.shape_cast %reduce_sum3A_571 : vector<128xf32> to vector<128x1xf32>
    %div3A_573 = arith.constant 1.000000e+00 : f32
    %div3A_574 = vector.broadcast %div3A_573 : f32 to vector<128x1xf32>
    %div3A_575 = arith.divf %div3A_574, %broadcast_in_dim3A_572 : vector<128x1xf32>
    %slice3A_576 = vector.extract_strided_slice %slice3A_484 {offsets = [0, 0], sizes = [384, 64], strides = [1, 1]} : vector<512x64xbf16> to vector<384x64xbf16>
    %dot_general3A_577 = arith.constant dense<0.000000e+00> : vector<128x64xf32>
    %dot_general3A_578 = tpu.matmul %convert_element_type3A_568, %slice3A_576, %dot_general3A_577 {dimension_numbers = #tpu.dot_dimension_numbers<[1], [0], [0], [1], [0, 0, 1, 1], [], []>, transpose_lhs_hint = false} : vector<128x384xbf16>, vector<384x64xbf16>, vector<128x64xf32> -> vector<128x64xf32>
    %mul3A_579 = vector.broadcast %div3A_575 : vector<128x1xf32> to vector<128x64xf32>
    %mul3A_580 = arith.mulf %dot_general3A_578, %mul3A_579 : vector<128x64xf32>
    %slice3A_581 = vector.extract_strided_slice %slice3A_482 {offsets = [384, 0], sizes = [128, 64], strides = [1, 1]} : vector<512x64xf32> to vector<128x64xf32>
    %convert_element_type3A_582 = arith.truncf %slice3A_581 : vector<128x64xf32> to vector<128x64xbf16>
    %convert_element_type3A_583 = arith.truncf %slice3A_483 : vector<512x64xf32> to vector<512x64xbf16>
    %dot_general3A_584 = arith.constant dense<0.000000e+00> : vector<128x512xf32>
    %dot_general3A_585 = tpu.matmul %convert_element_type3A_582, %convert_element_type3A_583, %dot_general3A_584 {dimension_numbers = #tpu.dot_dimension_numbers<[1], [1], [0], [0], [0, 0, 1, 0], [], []>, transpose_lhs_hint = false} : vector<128x64xbf16>, vector<512x64xbf16>, vector<128x512xf32> -> vector<128x512xf32>
    %iota3A_586 = tpu.iota {dimensions = array<i32: 0>} : vector<128x512xi32>
    %add3A_587 = arith.constant 384 : i32
    %add3A_588 = vector.broadcast %add3A_587 : i32 to vector<128x512xi32>
    %add3A_589 = arith.addi %iota3A_586, %add3A_588 : vector<128x512xi32>
    %iota3A_590 = tpu.iota {dimensions = array<i32: 1>} : vector<128x512xi32>
    %ge3A_591 = arith.cmpi sge, %add3A_589, %iota3A_590 : vector<128x512xi32>
    %sub3A_592 = arith.constant 2.000000e+01 : f32
    %sub3A_593 = vector.broadcast %sub3A_592 : f32 to vector<128x512xf32>
    %sub3A_594 = arith.subf %dot_general3A_585, %sub3A_593 : vector<128x512xf32>
    %exp3A_595 = math.exp %sub3A_594 : vector<128x512xf32>
    %jit3A_596 = arith.constant 0.000000e+00 : f32
    %broadcast_in_dim3A_597 = vector.broadcast %jit3A_596 : f32 to vector<128x512xf32>
    %select_n3A_598 = arith.select %ge3A_591, %exp3A_595, %broadcast_in_dim3A_597 : vector<128x512xi1>, vector<128x512xf32>
    %convert_element_type3A_599 = arith.truncf %select_n3A_598 : vector<128x512xf32> to vector<128x512xbf16>
    %convert_element_type3A_600 = arith.extf %convert_element_type3A_599 : vector<128x512xbf16> to vector<128x512xf32>
    %reduce_sum3A_601 = arith.constant dense<0.000000e+00> : vector<128xf32>
    %reduce_sum3A_602 = vector.multi_reduction <add>, %convert_element_type3A_600, %reduce_sum3A_601 [1] : vector<128x512xf32> to vector<128xf32>
    %broadcast_in_dim3A_603 = vector.shape_cast %reduce_sum3A_602 : vector<128xf32> to vector<128x1xf32>
    %div3A_604 = arith.constant 1.000000e+00 : f32
    %div3A_605 = vector.broadcast %div3A_604 : f32 to vector<128x1xf32>
    %div3A_606 = arith.divf %div3A_605, %broadcast_in_dim3A_603 : vector<128x1xf32>
    %dot_general3A_607 = arith.constant dense<0.000000e+00> : vector<128x64xf32>
    %dot_general3A_608 = tpu.matmul %convert_element_type3A_599, %slice3A_484, %dot_general3A_607 {dimension_numbers = #tpu.dot_dimension_numbers<[1], [0], [0], [1], [0, 0, 1, 1], [], []>, transpose_lhs_hint = false} : vector<128x512xbf16>, vector<512x64xbf16>, vector<128x64xf32> -> vector<128x64xf32>
    %mul3A_609 = vector.broadcast %div3A_606 : vector<128x1xf32> to vector<128x64xf32>
    %mul3A_610 = arith.mulf %dot_general3A_608, %mul3A_609 : vector<128x64xf32>
    %concatenate3A_611 = tpu.concatenate %mul3A_516, %mul3A_548, %mul3A_580, %mul3A_610 in 0 : vector<128x64xf32>, vector<128x64xf32>, vector<128x64xf32>, vector<128x64xf32> -> vector<512x64xf32>
    %convert_element_type3A_612 = arith.truncf %concatenate3A_611 : vector<512x64xf32> to vector<512x64xbf16>
    %slice3A_613 = vector.extract_strided_slice %mul3A_86 {offsets = [0, 256], sizes = [512, 64], strides = [1, 1]} : vector<512x512xf32> to vector<512x64xf32>
    %slice3A_614 = vector.extract_strided_slice %add3A_92 {offsets = [0, 256], sizes = [512, 64], strides = [1, 1]} : vector<512x512xf32> to vector<512x64xf32>
    %slice3A_615 = vector.extract_strided_slice %convert_element_type3A_99 {offsets = [0, 256], sizes = [512, 64], strides = [1, 1]} : vector<512x512xbf16> to vector<512x64xbf16>
    %slice3A_616 = vector.extract_strided_slice %slice3A_613 {offsets = [0, 0], sizes = [128, 64], strides = [1, 1]} : vector<512x64xf32> to vector<128x64xf32>
    %slice3A_617 = vector.extract_strided_slice %slice3A_614 {offsets = [0, 0], sizes = [128, 64], strides = [1, 1]} : vector<512x64xf32> to vector<128x64xf32>
    %convert_element_type3A_618 = arith.truncf %slice3A_616 : vector<128x64xf32> to vector<128x64xbf16>
    %convert_element_type3A_619 = arith.truncf %slice3A_617 : vector<128x64xf32> to vector<128x64xbf16>
    %dot_general3A_620 = arith.constant dense<0.000000e+00> : vector<128x128xf32>
    %dot_general3A_621 = tpu.matmul %convert_element_type3A_618, %convert_element_type3A_619, %dot_general3A_620 {dimension_numbers = #tpu.dot_dimension_numbers<[1], [1], [0], [0], [0, 0, 1, 0], [], []>, transpose_lhs_hint = false} : vector<128x64xbf16>, vector<128x64xbf16>, vector<128x128xf32> -> vector<128x128xf32>
    %iota3A_622 = tpu.iota {dimensions = array<i32: 0>} : vector<128x128xi32>
    %add3A_623 = arith.constant 0 : i32
    %add3A_624 = vector.broadcast %add3A_623 : i32 to vector<128x128xi32>
    %add3A_625 = arith.addi %iota3A_622, %add3A_624 : vector<128x128xi32>
    %iota3A_626 = tpu.iota {dimensions = array<i32: 1>} : vector<128x128xi32>
    %ge3A_627 = arith.cmpi sge, %add3A_625, %iota3A_626 : vector<128x128xi32>
    %sub3A_628 = arith.constant 2.000000e+01 : f32
    %sub3A_629 = vector.broadcast %sub3A_628 : f32 to vector<128x128xf32>
    %sub3A_630 = arith.subf %dot_general3A_621, %sub3A_629 : vector<128x128xf32>
    %exp3A_631 = math.exp %sub3A_630 : vector<128x128xf32>
    %jit3A_632 = arith.constant 0.000000e+00 : f32
    %broadcast_in_dim3A_633 = vector.broadcast %jit3A_632 : f32 to vector<128x128xf32>
    %select_n3A_634 = arith.select %ge3A_627, %exp3A_631, %broadcast_in_dim3A_633 : vector<128x128xi1>, vector<128x128xf32>
    %convert_element_type3A_635 = arith.truncf %select_n3A_634 : vector<128x128xf32> to vector<128x128xbf16>
    %convert_element_type3A_636 = arith.extf %convert_element_type3A_635 : vector<128x128xbf16> to vector<128x128xf32>
    %reduce_sum3A_637 = arith.constant dense<0.000000e+00> : vector<128xf32>
    %reduce_sum3A_638 = vector.multi_reduction <add>, %convert_element_type3A_636, %reduce_sum3A_637 [1] : vector<128x128xf32> to vector<128xf32>
    %broadcast_in_dim3A_639 = vector.shape_cast %reduce_sum3A_638 : vector<128xf32> to vector<128x1xf32>
    %div3A_640 = arith.constant 1.000000e+00 : f32
    %div3A_641 = vector.broadcast %div3A_640 : f32 to vector<128x1xf32>
    %div3A_642 = arith.divf %div3A_641, %broadcast_in_dim3A_639 : vector<128x1xf32>
    %slice3A_643 = vector.extract_strided_slice %slice3A_615 {offsets = [0, 0], sizes = [128, 64], strides = [1, 1]} : vector<512x64xbf16> to vector<128x64xbf16>
    %dot_general3A_644 = arith.constant dense<0.000000e+00> : vector<128x64xf32>
    %dot_general3A_645 = tpu.matmul %convert_element_type3A_635, %slice3A_643, %dot_general3A_644 {dimension_numbers = #tpu.dot_dimension_numbers<[1], [0], [0], [1], [0, 0, 1, 1], [], []>, transpose_lhs_hint = false} : vector<128x128xbf16>, vector<128x64xbf16>, vector<128x64xf32> -> vector<128x64xf32>
    %mul3A_646 = vector.broadcast %div3A_642 : vector<128x1xf32> to vector<128x64xf32>
    %mul3A_647 = arith.mulf %dot_general3A_645, %mul3A_646 : vector<128x64xf32>
    %slice3A_648 = vector.extract_strided_slice %slice3A_613 {offsets = [128, 0], sizes = [128, 64], strides = [1, 1]} : vector<512x64xf32> to vector<128x64xf32>
    %slice3A_649 = vector.extract_strided_slice %slice3A_614 {offsets = [0, 0], sizes = [256, 64], strides = [1, 1]} : vector<512x64xf32> to vector<256x64xf32>
    %convert_element_type3A_650 = arith.truncf %slice3A_648 : vector<128x64xf32> to vector<128x64xbf16>
    %convert_element_type3A_651 = arith.truncf %slice3A_649 : vector<256x64xf32> to vector<256x64xbf16>
    %dot_general3A_652 = arith.constant dense<0.000000e+00> : vector<128x256xf32>
    %dot_general3A_653 = tpu.matmul %convert_element_type3A_650, %convert_element_type3A_651, %dot_general3A_652 {dimension_numbers = #tpu.dot_dimension_numbers<[1], [1], [0], [0], [0, 0, 1, 0], [], []>, transpose_lhs_hint = false} : vector<128x64xbf16>, vector<256x64xbf16>, vector<128x256xf32> -> vector<128x256xf32>
    %iota3A_654 = tpu.iota {dimensions = array<i32: 0>} : vector<128x256xi32>
    %add3A_655 = arith.constant 128 : i32
    %add3A_656 = vector.broadcast %add3A_655 : i32 to vector<128x256xi32>
    %add3A_657 = arith.addi %iota3A_654, %add3A_656 : vector<128x256xi32>
    %iota3A_658 = tpu.iota {dimensions = array<i32: 1>} : vector<128x256xi32>
    %ge3A_659 = arith.cmpi sge, %add3A_657, %iota3A_658 : vector<128x256xi32>
    %sub3A_660 = arith.constant 2.000000e+01 : f32
    %sub3A_661 = vector.broadcast %sub3A_660 : f32 to vector<128x256xf32>
    %sub3A_662 = arith.subf %dot_general3A_653, %sub3A_661 : vector<128x256xf32>
    %exp3A_663 = math.exp %sub3A_662 : vector<128x256xf32>
    %jit3A_664 = arith.constant 0.000000e+00 : f32
    %broadcast_in_dim3A_665 = vector.broadcast %jit3A_664 : f32 to vector<128x256xf32>
    %select_n3A_666 = arith.select %ge3A_659, %exp3A_663, %broadcast_in_dim3A_665 : vector<128x256xi1>, vector<128x256xf32>
    %convert_element_type3A_667 = arith.truncf %select_n3A_666 : vector<128x256xf32> to vector<128x256xbf16>
    %convert_element_type3A_668 = arith.extf %convert_element_type3A_667 : vector<128x256xbf16> to vector<128x256xf32>
    %reduce_sum3A_669 = arith.constant dense<0.000000e+00> : vector<128xf32>
    %reduce_sum3A_670 = vector.multi_reduction <add>, %convert_element_type3A_668, %reduce_sum3A_669 [1] : vector<128x256xf32> to vector<128xf32>
    %broadcast_in_dim3A_671 = vector.shape_cast %reduce_sum3A_670 : vector<128xf32> to vector<128x1xf32>
    %div3A_672 = arith.constant 1.000000e+00 : f32
    %div3A_673 = vector.broadcast %div3A_672 : f32 to vector<128x1xf32>
    %div3A_674 = arith.divf %div3A_673, %broadcast_in_dim3A_671 : vector<128x1xf32>
    %slice3A_675 = vector.extract_strided_slice %slice3A_615 {offsets = [0, 0], sizes = [256, 64], strides = [1, 1]} : vector<512x64xbf16> to vector<256x64xbf16>
    %dot_general3A_676 = arith.constant dense<0.000000e+00> : vector<128x64xf32>
    %dot_general3A_677 = tpu.matmul %convert_element_type3A_667, %slice3A_675, %dot_general3A_676 {dimension_numbers = #tpu.dot_dimension_numbers<[1], [0], [0], [1], [0, 0, 1, 1], [], []>, transpose_lhs_hint = false} : vector<128x256xbf16>, vector<256x64xbf16>, vector<128x64xf32> -> vector<128x64xf32>
    %mul3A_678 = vector.broadcast %div3A_674 : vector<128x1xf32> to vector<128x64xf32>
    %mul3A_679 = arith.mulf %dot_general3A_677, %mul3A_678 : vector<128x64xf32>
    %slice3A_680 = vector.extract_strided_slice %slice3A_613 {offsets = [256, 0], sizes = [128, 64], strides = [1, 1]} : vector<512x64xf32> to vector<128x64xf32>
    %slice3A_681 = vector.extract_strided_slice %slice3A_614 {offsets = [0, 0], sizes = [384, 64], strides = [1, 1]} : vector<512x64xf32> to vector<384x64xf32>
    %convert_element_type3A_682 = arith.truncf %slice3A_680 : vector<128x64xf32> to vector<128x64xbf16>
    %convert_element_type3A_683 = arith.truncf %slice3A_681 : vector<384x64xf32> to vector<384x64xbf16>
    %dot_general3A_684 = arith.constant dense<0.000000e+00> : vector<128x384xf32>
    %dot_general3A_685 = tpu.matmul %convert_element_type3A_682, %convert_element_type3A_683, %dot_general3A_684 {dimension_numbers = #tpu.dot_dimension_numbers<[1], [1], [0], [0], [0, 0, 1, 0], [], []>, transpose_lhs_hint = false} : vector<128x64xbf16>, vector<384x64xbf16>, vector<128x384xf32> -> vector<128x384xf32>
    %iota3A_686 = tpu.iota {dimensions = array<i32: 0>} : vector<128x384xi32>
    %add3A_687 = arith.constant 256 : i32
    %add3A_688 = vector.broadcast %add3A_687 : i32 to vector<128x384xi32>
    %add3A_689 = arith.addi %iota3A_686, %add3A_688 : vector<128x384xi32>
    %iota3A_690 = tpu.iota {dimensions = array<i32: 1>} : vector<128x384xi32>
    %ge3A_691 = arith.cmpi sge, %add3A_689, %iota3A_690 : vector<128x384xi32>
    %sub3A_692 = arith.constant 2.000000e+01 : f32
    %sub3A_693 = vector.broadcast %sub3A_692 : f32 to vector<128x384xf32>
    %sub3A_694 = arith.subf %dot_general3A_685, %sub3A_693 : vector<128x384xf32>
    %exp3A_695 = math.exp %sub3A_694 : vector<128x384xf32>
    %jit3A_696 = arith.constant 0.000000e+00 : f32
    %broadcast_in_dim3A_697 = vector.broadcast %jit3A_696 : f32 to vector<128x384xf32>
    %select_n3A_698 = arith.select %ge3A_691, %exp3A_695, %broadcast_in_dim3A_697 : vector<128x384xi1>, vector<128x384xf32>
    %convert_element_type3A_699 = arith.truncf %select_n3A_698 : vector<128x384xf32> to vector<128x384xbf16>
    %convert_element_type3A_700 = arith.extf %convert_element_type3A_699 : vector<128x384xbf16> to vector<128x384xf32>
    %reduce_sum3A_701 = arith.constant dense<0.000000e+00> : vector<128xf32>
    %reduce_sum3A_702 = vector.multi_reduction <add>, %convert_element_type3A_700, %reduce_sum3A_701 [1] : vector<128x384xf32> to vector<128xf32>
    %broadcast_in_dim3A_703 = vector.shape_cast %reduce_sum3A_702 : vector<128xf32> to vector<128x1xf32>
    %div3A_704 = arith.constant 1.000000e+00 : f32
    %div3A_705 = vector.broadcast %div3A_704 : f32 to vector<128x1xf32>
    %div3A_706 = arith.divf %div3A_705, %broadcast_in_dim3A_703 : vector<128x1xf32>
    %slice3A_707 = vector.extract_strided_slice %slice3A_615 {offsets = [0, 0], sizes = [384, 64], strides = [1, 1]} : vector<512x64xbf16> to vector<384x64xbf16>
    %dot_general3A_708 = arith.constant dense<0.000000e+00> : vector<128x64xf32>
    %dot_general3A_709 = tpu.matmul %convert_element_type3A_699, %slice3A_707, %dot_general3A_708 {dimension_numbers = #tpu.dot_dimension_numbers<[1], [0], [0], [1], [0, 0, 1, 1], [], []>, transpose_lhs_hint = false} : vector<128x384xbf16>, vector<384x64xbf16>, vector<128x64xf32> -> vector<128x64xf32>
    %mul3A_710 = vector.broadcast %div3A_706 : vector<128x1xf32> to vector<128x64xf32>
    %mul3A_711 = arith.mulf %dot_general3A_709, %mul3A_710 : vector<128x64xf32>
    %slice3A_712 = vector.extract_strided_slice %slice3A_613 {offsets = [384, 0], sizes = [128, 64], strides = [1, 1]} : vector<512x64xf32> to vector<128x64xf32>
    %convert_element_type3A_713 = arith.truncf %slice3A_712 : vector<128x64xf32> to vector<128x64xbf16>
    %convert_element_type3A_714 = arith.truncf %slice3A_614 : vector<512x64xf32> to vector<512x64xbf16>
    %dot_general3A_715 = arith.constant dense<0.000000e+00> : vector<128x512xf32>
    %dot_general3A_716 = tpu.matmul %convert_element_type3A_713, %convert_element_type3A_714, %dot_general3A_715 {dimension_numbers = #tpu.dot_dimension_numbers<[1], [1], [0], [0], [0, 0, 1, 0], [], []>, transpose_lhs_hint = false} : vector<128x64xbf16>, vector<512x64xbf16>, vector<128x512xf32> -> vector<128x512xf32>
    %iota3A_717 = tpu.iota {dimensions = array<i32: 0>} : vector<128x512xi32>
    %add3A_718 = arith.constant 384 : i32
    %add3A_719 = vector.broadcast %add3A_718 : i32 to vector<128x512xi32>
    %add3A_720 = arith.addi %iota3A_717, %add3A_719 : vector<128x512xi32>
    %iota3A_721 = tpu.iota {dimensions = array<i32: 1>} : vector<128x512xi32>
    %ge3A_722 = arith.cmpi sge, %add3A_720, %iota3A_721 : vector<128x512xi32>
    %sub3A_723 = arith.constant 2.000000e+01 : f32
    %sub3A_724 = vector.broadcast %sub3A_723 : f32 to vector<128x512xf32>
    %sub3A_725 = arith.subf %dot_general3A_716, %sub3A_724 : vector<128x512xf32>
    %exp3A_726 = math.exp %sub3A_725 : vector<128x512xf32>
    %jit3A_727 = arith.constant 0.000000e+00 : f32
    %broadcast_in_dim3A_728 = vector.broadcast %jit3A_727 : f32 to vector<128x512xf32>
    %select_n3A_729 = arith.select %ge3A_722, %exp3A_726, %broadcast_in_dim3A_728 : vector<128x512xi1>, vector<128x512xf32>
    %convert_element_type3A_730 = arith.truncf %select_n3A_729 : vector<128x512xf32> to vector<128x512xbf16>
    %convert_element_type3A_731 = arith.extf %convert_element_type3A_730 : vector<128x512xbf16> to vector<128x512xf32>
    %reduce_sum3A_732 = arith.constant dense<0.000000e+00> : vector<128xf32>
    %reduce_sum3A_733 = vector.multi_reduction <add>, %convert_element_type3A_731, %reduce_sum3A_732 [1] : vector<128x512xf32> to vector<128xf32>
    %broadcast_in_dim3A_734 = vector.shape_cast %reduce_sum3A_733 : vector<128xf32> to vector<128x1xf32>
    %div3A_735 = arith.constant 1.000000e+00 : f32
    %div3A_736 = vector.broadcast %div3A_735 : f32 to vector<128x1xf32>
    %div3A_737 = arith.divf %div3A_736, %broadcast_in_dim3A_734 : vector<128x1xf32>
    %dot_general3A_738 = arith.constant dense<0.000000e+00> : vector<128x64xf32>
    %dot_general3A_739 = tpu.matmul %convert_element_type3A_730, %slice3A_615, %dot_general3A_738 {dimension_numbers = #tpu.dot_dimension_numbers<[1], [0], [0], [1], [0, 0, 1, 1], [], []>, transpose_lhs_hint = false} : vector<128x512xbf16>, vector<512x64xbf16>, vector<128x64xf32> -> vector<128x64xf32>
    %mul3A_740 = vector.broadcast %div3A_737 : vector<128x1xf32> to vector<128x64xf32>
    %mul3A_741 = arith.mulf %dot_general3A_739, %mul3A_740 : vector<128x64xf32>
    %concatenate3A_742 = tpu.concatenate %mul3A_647, %mul3A_679, %mul3A_711, %mul3A_741 in 0 : vector<128x64xf32>, vector<128x64xf32>, vector<128x64xf32>, vector<128x64xf32> -> vector<512x64xf32>
    %convert_element_type3A_743 = arith.truncf %concatenate3A_742 : vector<512x64xf32> to vector<512x64xbf16>
    %slice3A_744 = vector.extract_strided_slice %mul3A_86 {offsets = [0, 320], sizes = [512, 64], strides = [1, 1]} : vector<512x512xf32> to vector<512x64xf32>
    %slice3A_745 = vector.extract_strided_slice %add3A_92 {offsets = [0, 320], sizes = [512, 64], strides = [1, 1]} : vector<512x512xf32> to vector<512x64xf32>
    %slice3A_746 = vector.extract_strided_slice %convert_element_type3A_99 {offsets = [0, 320], sizes = [512, 64], strides = [1, 1]} : vector<512x512xbf16> to vector<512x64xbf16>
    %slice3A_747 = vector.extract_strided_slice %slice3A_744 {offsets = [0, 0], sizes = [128, 64], strides = [1, 1]} : vector<512x64xf32> to vector<128x64xf32>
    %slice3A_748 = vector.extract_strided_slice %slice3A_745 {offsets = [0, 0], sizes = [128, 64], strides = [1, 1]} : vector<512x64xf32> to vector<128x64xf32>
    %convert_element_type3A_749 = arith.truncf %slice3A_747 : vector<128x64xf32> to vector<128x64xbf16>
    %convert_element_type3A_750 = arith.truncf %slice3A_748 : vector<128x64xf32> to vector<128x64xbf16>
    %dot_general3A_751 = arith.constant dense<0.000000e+00> : vector<128x128xf32>
    %dot_general3A_752 = tpu.matmul %convert_element_type3A_749, %convert_element_type3A_750, %dot_general3A_751 {dimension_numbers = #tpu.dot_dimension_numbers<[1], [1], [0], [0], [0, 0, 1, 0], [], []>, transpose_lhs_hint = false} : vector<128x64xbf16>, vector<128x64xbf16>, vector<128x128xf32> -> vector<128x128xf32>
    %iota3A_753 = tpu.iota {dimensions = array<i32: 0>} : vector<128x128xi32>
    %add3A_754 = arith.constant 0 : i32
    %add3A_755 = vector.broadcast %add3A_754 : i32 to vector<128x128xi32>
    %add3A_756 = arith.addi %iota3A_753, %add3A_755 : vector<128x128xi32>
    %iota3A_757 = tpu.iota {dimensions = array<i32: 1>} : vector<128x128xi32>
    %ge3A_758 = arith.cmpi sge, %add3A_756, %iota3A_757 : vector<128x128xi32>
    %sub3A_759 = arith.constant 2.000000e+01 : f32
    %sub3A_760 = vector.broadcast %sub3A_759 : f32 to vector<128x128xf32>
    %sub3A_761 = arith.subf %dot_general3A_752, %sub3A_760 : vector<128x128xf32>
    %exp3A_762 = math.exp %sub3A_761 : vector<128x128xf32>
    %jit3A_763 = arith.constant 0.000000e+00 : f32
    %broadcast_in_dim3A_764 = vector.broadcast %jit3A_763 : f32 to vector<128x128xf32>
    %select_n3A_765 = arith.select %ge3A_758, %exp3A_762, %broadcast_in_dim3A_764 : vector<128x128xi1>, vector<128x128xf32>
    %convert_element_type3A_766 = arith.truncf %select_n3A_765 : vector<128x128xf32> to vector<128x128xbf16>
    %convert_element_type3A_767 = arith.extf %convert_element_type3A_766 : vector<128x128xbf16> to vector<128x128xf32>
    %reduce_sum3A_768 = arith.constant dense<0.000000e+00> : vector<128xf32>
    %reduce_sum3A_769 = vector.multi_reduction <add>, %convert_element_type3A_767, %reduce_sum3A_768 [1] : vector<128x128xf32> to vector<128xf32>
    %broadcast_in_dim3A_770 = vector.shape_cast %reduce_sum3A_769 : vector<128xf32> to vector<128x1xf32>
    %div3A_771 = arith.constant 1.000000e+00 : f32
    %div3A_772 = vector.broadcast %div3A_771 : f32 to vector<128x1xf32>
    %div3A_773 = arith.divf %div3A_772, %broadcast_in_dim3A_770 : vector<128x1xf32>
    %slice3A_774 = vector.extract_strided_slice %slice3A_746 {offsets = [0, 0], sizes = [128, 64], strides = [1, 1]} : vector<512x64xbf16> to vector<128x64xbf16>
    %dot_general3A_775 = arith.constant dense<0.000000e+00> : vector<128x64xf32>
    %dot_general3A_776 = tpu.matmul %convert_element_type3A_766, %slice3A_774, %dot_general3A_775 {dimension_numbers = #tpu.dot_dimension_numbers<[1], [0], [0], [1], [0, 0, 1, 1], [], []>, transpose_lhs_hint = false} : vector<128x128xbf16>, vector<128x64xbf16>, vector<128x64xf32> -> vector<128x64xf32>
    %mul3A_777 = vector.broadcast %div3A_773 : vector<128x1xf32> to vector<128x64xf32>
    %mul3A_778 = arith.mulf %dot_general3A_776, %mul3A_777 : vector<128x64xf32>
    %slice3A_779 = vector.extract_strided_slice %slice3A_744 {offsets = [128, 0], sizes = [128, 64], strides = [1, 1]} : vector<512x64xf32> to vector<128x64xf32>
    %slice3A_780 = vector.extract_strided_slice %slice3A_745 {offsets = [0, 0], sizes = [256, 64], strides = [1, 1]} : vector<512x64xf32> to vector<256x64xf32>
    %convert_element_type3A_781 = arith.truncf %slice3A_779 : vector<128x64xf32> to vector<128x64xbf16>
    %convert_element_type3A_782 = arith.truncf %slice3A_780 : vector<256x64xf32> to vector<256x64xbf16>
    %dot_general3A_783 = arith.constant dense<0.000000e+00> : vector<128x256xf32>
    %dot_general3A_784 = tpu.matmul %convert_element_type3A_781, %convert_element_type3A_782, %dot_general3A_783 {dimension_numbers = #tpu.dot_dimension_numbers<[1], [1], [0], [0], [0, 0, 1, 0], [], []>, transpose_lhs_hint = false} : vector<128x64xbf16>, vector<256x64xbf16>, vector<128x256xf32> -> vector<128x256xf32>
    %iota3A_785 = tpu.iota {dimensions = array<i32: 0>} : vector<128x256xi32>
    %add3A_786 = arith.constant 128 : i32
    %add3A_787 = vector.broadcast %add3A_786 : i32 to vector<128x256xi32>
    %add3A_788 = arith.addi %iota3A_785, %add3A_787 : vector<128x256xi32>
    %iota3A_789 = tpu.iota {dimensions = array<i32: 1>} : vector<128x256xi32>
    %ge3A_790 = arith.cmpi sge, %add3A_788, %iota3A_789 : vector<128x256xi32>
    %sub3A_791 = arith.constant 2.000000e+01 : f32
    %sub3A_792 = vector.broadcast %sub3A_791 : f32 to vector<128x256xf32>
    %sub3A_793 = arith.subf %dot_general3A_784, %sub3A_792 : vector<128x256xf32>
    %exp3A_794 = math.exp %sub3A_793 : vector<128x256xf32>
    %jit3A_795 = arith.constant 0.000000e+00 : f32
    %broadcast_in_dim3A_796 = vector.broadcast %jit3A_795 : f32 to vector<128x256xf32>
    %select_n3A_797 = arith.select %ge3A_790, %exp3A_794, %broadcast_in_dim3A_796 : vector<128x256xi1>, vector<128x256xf32>
    %convert_element_type3A_798 = arith.truncf %select_n3A_797 : vector<128x256xf32> to vector<128x256xbf16>
    %convert_element_type3A_799 = arith.extf %convert_element_type3A_798 : vector<128x256xbf16> to vector<128x256xf32>
    %reduce_sum3A_800 = arith.constant dense<0.000000e+00> : vector<128xf32>
    %reduce_sum3A_801 = vector.multi_reduction <add>, %convert_element_type3A_799, %reduce_sum3A_800 [1] : vector<128x256xf32> to vector<128xf32>
    %broadcast_in_dim3A_802 = vector.shape_cast %reduce_sum3A_801 : vector<128xf32> to vector<128x1xf32>
    %div3A_803 = arith.constant 1.000000e+00 : f32
    %div3A_804 = vector.broadcast %div3A_803 : f32 to vector<128x1xf32>
    %div3A_805 = arith.divf %div3A_804, %broadcast_in_dim3A_802 : vector<128x1xf32>
    %slice3A_806 = vector.extract_strided_slice %slice3A_746 {offsets = [0, 0], sizes = [256, 64], strides = [1, 1]} : vector<512x64xbf16> to vector<256x64xbf16>
    %dot_general3A_807 = arith.constant dense<0.000000e+00> : vector<128x64xf32>
    %dot_general3A_808 = tpu.matmul %convert_element_type3A_798, %slice3A_806, %dot_general3A_807 {dimension_numbers = #tpu.dot_dimension_numbers<[1], [0], [0], [1], [0, 0, 1, 1], [], []>, transpose_lhs_hint = false} : vector<128x256xbf16>, vector<256x64xbf16>, vector<128x64xf32> -> vector<128x64xf32>
    %mul3A_809 = vector.broadcast %div3A_805 : vector<128x1xf32> to vector<128x64xf32>
    %mul3A_810 = arith.mulf %dot_general3A_808, %mul3A_809 : vector<128x64xf32>
    %slice3A_811 = vector.extract_strided_slice %slice3A_744 {offsets = [256, 0], sizes = [128, 64], strides = [1, 1]} : vector<512x64xf32> to vector<128x64xf32>
    %slice3A_812 = vector.extract_strided_slice %slice3A_745 {offsets = [0, 0], sizes = [384, 64], strides = [1, 1]} : vector<512x64xf32> to vector<384x64xf32>
    %convert_element_type3A_813 = arith.truncf %slice3A_811 : vector<128x64xf32> to vector<128x64xbf16>
    %convert_element_type3A_814 = arith.truncf %slice3A_812 : vector<384x64xf32> to vector<384x64xbf16>
    %dot_general3A_815 = arith.constant dense<0.000000e+00> : vector<128x384xf32>
    %dot_general3A_816 = tpu.matmul %convert_element_type3A_813, %convert_element_type3A_814, %dot_general3A_815 {dimension_numbers = #tpu.dot_dimension_numbers<[1], [1], [0], [0], [0, 0, 1, 0], [], []>, transpose_lhs_hint = false} : vector<128x64xbf16>, vector<384x64xbf16>, vector<128x384xf32> -> vector<128x384xf32>
    %iota3A_817 = tpu.iota {dimensions = array<i32: 0>} : vector<128x384xi32>
    %add3A_818 = arith.constant 256 : i32
    %add3A_819 = vector.broadcast %add3A_818 : i32 to vector<128x384xi32>
    %add3A_820 = arith.addi %iota3A_817, %add3A_819 : vector<128x384xi32>
    %iota3A_821 = tpu.iota {dimensions = array<i32: 1>} : vector<128x384xi32>
    %ge3A_822 = arith.cmpi sge, %add3A_820, %iota3A_821 : vector<128x384xi32>
    %sub3A_823 = arith.constant 2.000000e+01 : f32
    %sub3A_824 = vector.broadcast %sub3A_823 : f32 to vector<128x384xf32>
    %sub3A_825 = arith.subf %dot_general3A_816, %sub3A_824 : vector<128x384xf32>
    %exp3A_826 = math.exp %sub3A_825 : vector<128x384xf32>
    %jit3A_827 = arith.constant 0.000000e+00 : f32
    %broadcast_in_dim3A_828 = vector.broadcast %jit3A_827 : f32 to vector<128x384xf32>
    %select_n3A_829 = arith.select %ge3A_822, %exp3A_826, %broadcast_in_dim3A_828 : vector<128x384xi1>, vector<128x384xf32>
    %convert_element_type3A_830 = arith.truncf %select_n3A_829 : vector<128x384xf32> to vector<128x384xbf16>
    %convert_element_type3A_831 = arith.extf %convert_element_type3A_830 : vector<128x384xbf16> to vector<128x384xf32>
    %reduce_sum3A_832 = arith.constant dense<0.000000e+00> : vector<128xf32>
    %reduce_sum3A_833 = vector.multi_reduction <add>, %convert_element_type3A_831, %reduce_sum3A_832 [1] : vector<128x384xf32> to vector<128xf32>
    %broadcast_in_dim3A_834 = vector.shape_cast %reduce_sum3A_833 : vector<128xf32> to vector<128x1xf32>
    %div3A_835 = arith.constant 1.000000e+00 : f32
    %div3A_836 = vector.broadcast %div3A_835 : f32 to vector<128x1xf32>
    %div3A_837 = arith.divf %div3A_836, %broadcast_in_dim3A_834 : vector<128x1xf32>
    %slice3A_838 = vector.extract_strided_slice %slice3A_746 {offsets = [0, 0], sizes = [384, 64], strides = [1, 1]} : vector<512x64xbf16> to vector<384x64xbf16>
    %dot_general3A_839 = arith.constant dense<0.000000e+00> : vector<128x64xf32>
    %dot_general3A_840 = tpu.matmul %convert_element_type3A_830, %slice3A_838, %dot_general3A_839 {dimension_numbers = #tpu.dot_dimension_numbers<[1], [0], [0], [1], [0, 0, 1, 1], [], []>, transpose_lhs_hint = false} : vector<128x384xbf16>, vector<384x64xbf16>, vector<128x64xf32> -> vector<128x64xf32>
    %mul3A_841 = vector.broadcast %div3A_837 : vector<128x1xf32> to vector<128x64xf32>
    %mul3A_842 = arith.mulf %dot_general3A_840, %mul3A_841 : vector<128x64xf32>
    %slice3A_843 = vector.extract_strided_slice %slice3A_744 {offsets = [384, 0], sizes = [128, 64], strides = [1, 1]} : vector<512x64xf32> to vector<128x64xf32>
    %convert_element_type3A_844 = arith.truncf %slice3A_843 : vector<128x64xf32> to vector<128x64xbf16>
    %convert_element_type3A_845 = arith.truncf %slice3A_745 : vector<512x64xf32> to vector<512x64xbf16>
    %dot_general3A_846 = arith.constant dense<0.000000e+00> : vector<128x512xf32>
    %dot_general3A_847 = tpu.matmul %convert_element_type3A_844, %convert_element_type3A_845, %dot_general3A_846 {dimension_numbers = #tpu.dot_dimension_numbers<[1], [1], [0], [0], [0, 0, 1, 0], [], []>, transpose_lhs_hint = false} : vector<128x64xbf16>, vector<512x64xbf16>, vector<128x512xf32> -> vector<128x512xf32>
    %iota3A_848 = tpu.iota {dimensions = array<i32: 0>} : vector<128x512xi32>
    %add3A_849 = arith.constant 384 : i32
    %add3A_850 = vector.broadcast %add3A_849 : i32 to vector<128x512xi32>
    %add3A_851 = arith.addi %iota3A_848, %add3A_850 : vector<128x512xi32>
    %iota3A_852 = tpu.iota {dimensions = array<i32: 1>} : vector<128x512xi32>
    %ge3A_853 = arith.cmpi sge, %add3A_851, %iota3A_852 : vector<128x512xi32>
    %sub3A_854 = arith.constant 2.000000e+01 : f32
    %sub3A_855 = vector.broadcast %sub3A_854 : f32 to vector<128x512xf32>
    %sub3A_856 = arith.subf %dot_general3A_847, %sub3A_855 : vector<128x512xf32>
    %exp3A_857 = math.exp %sub3A_856 : vector<128x512xf32>
    %jit3A_858 = arith.constant 0.000000e+00 : f32
    %broadcast_in_dim3A_859 = vector.broadcast %jit3A_858 : f32 to vector<128x512xf32>
    %select_n3A_860 = arith.select %ge3A_853, %exp3A_857, %broadcast_in_dim3A_859 : vector<128x512xi1>, vector<128x512xf32>
    %convert_element_type3A_861 = arith.truncf %select_n3A_860 : vector<128x512xf32> to vector<128x512xbf16>
    %convert_element_type3A_862 = arith.extf %convert_element_type3A_861 : vector<128x512xbf16> to vector<128x512xf32>
    %reduce_sum3A_863 = arith.constant dense<0.000000e+00> : vector<128xf32>
    %reduce_sum3A_864 = vector.multi_reduction <add>, %convert_element_type3A_862, %reduce_sum3A_863 [1] : vector<128x512xf32> to vector<128xf32>
    %broadcast_in_dim3A_865 = vector.shape_cast %reduce_sum3A_864 : vector<128xf32> to vector<128x1xf32>
    %div3A_866 = arith.constant 1.000000e+00 : f32
    %div3A_867 = vector.broadcast %div3A_866 : f32 to vector<128x1xf32>
    %div3A_868 = arith.divf %div3A_867, %broadcast_in_dim3A_865 : vector<128x1xf32>
    %dot_general3A_869 = arith.constant dense<0.000000e+00> : vector<128x64xf32>
    %dot_general3A_870 = tpu.matmul %convert_element_type3A_861, %slice3A_746, %dot_general3A_869 {dimension_numbers = #tpu.dot_dimension_numbers<[1], [0], [0], [1], [0, 0, 1, 1], [], []>, transpose_lhs_hint = false} : vector<128x512xbf16>, vector<512x64xbf16>, vector<128x64xf32> -> vector<128x64xf32>
    %mul3A_871 = vector.broadcast %div3A_868 : vector<128x1xf32> to vector<128x64xf32>
    %mul3A_872 = arith.mulf %dot_general3A_870, %mul3A_871 : vector<128x64xf32>
    %concatenate3A_873 = tpu.concatenate %mul3A_778, %mul3A_810, %mul3A_842, %mul3A_872 in 0 : vector<128x64xf32>, vector<128x64xf32>, vector<128x64xf32>, vector<128x64xf32> -> vector<512x64xf32>
    %convert_element_type3A_874 = arith.truncf %concatenate3A_873 : vector<512x64xf32> to vector<512x64xbf16>
    %slice3A_875 = vector.extract_strided_slice %mul3A_86 {offsets = [0, 384], sizes = [512, 64], strides = [1, 1]} : vector<512x512xf32> to vector<512x64xf32>
    %slice3A_876 = vector.extract_strided_slice %add3A_92 {offsets = [0, 384], sizes = [512, 64], strides = [1, 1]} : vector<512x512xf32> to vector<512x64xf32>
    %slice3A_877 = vector.extract_strided_slice %convert_element_type3A_99 {offsets = [0, 384], sizes = [512, 64], strides = [1, 1]} : vector<512x512xbf16> to vector<512x64xbf16>
    %slice3A_878 = vector.extract_strided_slice %slice3A_875 {offsets = [0, 0], sizes = [128, 64], strides = [1, 1]} : vector<512x64xf32> to vector<128x64xf32>
    %slice3A_879 = vector.extract_strided_slice %slice3A_876 {offsets = [0, 0], sizes = [128, 64], strides = [1, 1]} : vector<512x64xf32> to vector<128x64xf32>
    %convert_element_type3A_880 = arith.truncf %slice3A_878 : vector<128x64xf32> to vector<128x64xbf16>
    %convert_element_type3A_881 = arith.truncf %slice3A_879 : vector<128x64xf32> to vector<128x64xbf16>
    %dot_general3A_882 = arith.constant dense<0.000000e+00> : vector<128x128xf32>
    %dot_general3A_883 = tpu.matmul %convert_element_type3A_880, %convert_element_type3A_881, %dot_general3A_882 {dimension_numbers = #tpu.dot_dimension_numbers<[1], [1], [0], [0], [0, 0, 1, 0], [], []>, transpose_lhs_hint = false} : vector<128x64xbf16>, vector<128x64xbf16>, vector<128x128xf32> -> vector<128x128xf32>
    %iota3A_884 = tpu.iota {dimensions = array<i32: 0>} : vector<128x128xi32>
    %add3A_885 = arith.constant 0 : i32
    %add3A_886 = vector.broadcast %add3A_885 : i32 to vector<128x128xi32>
    %add3A_887 = arith.addi %iota3A_884, %add3A_886 : vector<128x128xi32>
    %iota3A_888 = tpu.iota {dimensions = array<i32: 1>} : vector<128x128xi32>
    %ge3A_889 = arith.cmpi sge, %add3A_887, %iota3A_888 : vector<128x128xi32>
    %sub3A_890 = arith.constant 2.000000e+01 : f32
    %sub3A_891 = vector.broadcast %sub3A_890 : f32 to vector<128x128xf32>
    %sub3A_892 = arith.subf %dot_general3A_883, %sub3A_891 : vector<128x128xf32>
    %exp3A_893 = math.exp %sub3A_892 : vector<128x128xf32>
    %jit3A_894 = arith.constant 0.000000e+00 : f32
    %broadcast_in_dim3A_895 = vector.broadcast %jit3A_894 : f32 to vector<128x128xf32>
    %select_n3A_896 = arith.select %ge3A_889, %exp3A_893, %broadcast_in_dim3A_895 : vector<128x128xi1>, vector<128x128xf32>
    %convert_element_type3A_897 = arith.truncf %select_n3A_896 : vector<128x128xf32> to vector<128x128xbf16>
    %convert_element_type3A_898 = arith.extf %convert_element_type3A_897 : vector<128x128xbf16> to vector<128x128xf32>
    %reduce_sum3A_899 = arith.constant dense<0.000000e+00> : vector<128xf32>
    %reduce_sum3A_900 = vector.multi_reduction <add>, %convert_element_type3A_898, %reduce_sum3A_899 [1] : vector<128x128xf32> to vector<128xf32>
    %broadcast_in_dim3A_901 = vector.shape_cast %reduce_sum3A_900 : vector<128xf32> to vector<128x1xf32>
    %div3A_902 = arith.constant 1.000000e+00 : f32
    %div3A_903 = vector.broadcast %div3A_902 : f32 to vector<128x1xf32>
    %div3A_904 = arith.divf %div3A_903, %broadcast_in_dim3A_901 : vector<128x1xf32>
    %slice3A_905 = vector.extract_strided_slice %slice3A_877 {offsets = [0, 0], sizes = [128, 64], strides = [1, 1]} : vector<512x64xbf16> to vector<128x64xbf16>
    %dot_general3A_906 = arith.constant dense<0.000000e+00> : vector<128x64xf32>
    %dot_general3A_907 = tpu.matmul %convert_element_type3A_897, %slice3A_905, %dot_general3A_906 {dimension_numbers = #tpu.dot_dimension_numbers<[1], [0], [0], [1], [0, 0, 1, 1], [], []>, transpose_lhs_hint = false} : vector<128x128xbf16>, vector<128x64xbf16>, vector<128x64xf32> -> vector<128x64xf32>
    %mul3A_908 = vector.broadcast %div3A_904 : vector<128x1xf32> to vector<128x64xf32>
    %mul3A_909 = arith.mulf %dot_general3A_907, %mul3A_908 : vector<128x64xf32>
    %slice3A_910 = vector.extract_strided_slice %slice3A_875 {offsets = [128, 0], sizes = [128, 64], strides = [1, 1]} : vector<512x64xf32> to vector<128x64xf32>
    %slice3A_911 = vector.extract_strided_slice %slice3A_876 {offsets = [0, 0], sizes = [256, 64], strides = [1, 1]} : vector<512x64xf32> to vector<256x64xf32>
    %convert_element_type3A_912 = arith.truncf %slice3A_910 : vector<128x64xf32> to vector<128x64xbf16>
    %convert_element_type3A_913 = arith.truncf %slice3A_911 : vector<256x64xf32> to vector<256x64xbf16>
    %dot_general3A_914 = arith.constant dense<0.000000e+00> : vector<128x256xf32>
    %dot_general3A_915 = tpu.matmul %convert_element_type3A_912, %convert_element_type3A_913, %dot_general3A_914 {dimension_numbers = #tpu.dot_dimension_numbers<[1], [1], [0], [0], [0, 0, 1, 0], [], []>, transpose_lhs_hint = false} : vector<128x64xbf16>, vector<256x64xbf16>, vector<128x256xf32> -> vector<128x256xf32>
    %iota3A_916 = tpu.iota {dimensions = array<i32: 0>} : vector<128x256xi32>
    %add3A_917 = arith.constant 128 : i32
    %add3A_918 = vector.broadcast %add3A_917 : i32 to vector<128x256xi32>
    %add3A_919 = arith.addi %iota3A_916, %add3A_918 : vector<128x256xi32>
    %iota3A_920 = tpu.iota {dimensions = array<i32: 1>} : vector<128x256xi32>
    %ge3A_921 = arith.cmpi sge, %add3A_919, %iota3A_920 : vector<128x256xi32>
    %sub3A_922 = arith.constant 2.000000e+01 : f32
    %sub3A_923 = vector.broadcast %sub3A_922 : f32 to vector<128x256xf32>
    %sub3A_924 = arith.subf %dot_general3A_915, %sub3A_923 : vector<128x256xf32>
    %exp3A_925 = math.exp %sub3A_924 : vector<128x256xf32>
    %jit3A_926 = arith.constant 0.000000e+00 : f32
    %broadcast_in_dim3A_927 = vector.broadcast %jit3A_926 : f32 to vector<128x256xf32>
    %select_n3A_928 = arith.select %ge3A_921, %exp3A_925, %broadcast_in_dim3A_927 : vector<128x256xi1>, vector<128x256xf32>
    %convert_element_type3A_929 = arith.truncf %select_n3A_928 : vector<128x256xf32> to vector<128x256xbf16>
    %convert_element_type3A_930 = arith.extf %convert_element_type3A_929 : vector<128x256xbf16> to vector<128x256xf32>
    %reduce_sum3A_931 = arith.constant dense<0.000000e+00> : vector<128xf32>
    %reduce_sum3A_932 = vector.multi_reduction <add>, %convert_element_type3A_930, %reduce_sum3A_931 [1] : vector<128x256xf32> to vector<128xf32>
    %broadcast_in_dim3A_933 = vector.shape_cast %reduce_sum3A_932 : vector<128xf32> to vector<128x1xf32>
    %div3A_934 = arith.constant 1.000000e+00 : f32
    %div3A_935 = vector.broadcast %div3A_934 : f32 to vector<128x1xf32>
    %div3A_936 = arith.divf %div3A_935, %broadcast_in_dim3A_933 : vector<128x1xf32>
    %slice3A_937 = vector.extract_strided_slice %slice3A_877 {offsets = [0, 0], sizes = [256, 64], strides = [1, 1]} : vector<512x64xbf16> to vector<256x64xbf16>
    %dot_general3A_938 = arith.constant dense<0.000000e+00> : vector<128x64xf32>
    %dot_general3A_939 = tpu.matmul %convert_element_type3A_929, %slice3A_937, %dot_general3A_938 {dimension_numbers = #tpu.dot_dimension_numbers<[1], [0], [0], [1], [0, 0, 1, 1], [], []>, transpose_lhs_hint = false} : vector<128x256xbf16>, vector<256x64xbf16>, vector<128x64xf32> -> vector<128x64xf32>
    %mul3A_940 = vector.broadcast %div3A_936 : vector<128x1xf32> to vector<128x64xf32>
    %mul3A_941 = arith.mulf %dot_general3A_939, %mul3A_940 : vector<128x64xf32>
    %slice3A_942 = vector.extract_strided_slice %slice3A_875 {offsets = [256, 0], sizes = [128, 64], strides = [1, 1]} : vector<512x64xf32> to vector<128x64xf32>
    %slice3A_943 = vector.extract_strided_slice %slice3A_876 {offsets = [0, 0], sizes = [384, 64], strides = [1, 1]} : vector<512x64xf32> to vector<384x64xf32>
    %convert_element_type3A_944 = arith.truncf %slice3A_942 : vector<128x64xf32> to vector<128x64xbf16>
    %convert_element_type3A_945 = arith.truncf %slice3A_943 : vector<384x64xf32> to vector<384x64xbf16>
    %dot_general3A_946 = arith.constant dense<0.000000e+00> : vector<128x384xf32>
    %dot_general3A_947 = tpu.matmul %convert_element_type3A_944, %convert_element_type3A_945, %dot_general3A_946 {dimension_numbers = #tpu.dot_dimension_numbers<[1], [1], [0], [0], [0, 0, 1, 0], [], []>, transpose_lhs_hint = false} : vector<128x64xbf16>, vector<384x64xbf16>, vector<128x384xf32> -> vector<128x384xf32>
    %iota3A_948 = tpu.iota {dimensions = array<i32: 0>} : vector<128x384xi32>
    %add3A_949 = arith.constant 256 : i32
    %add3A_950 = vector.broadcast %add3A_949 : i32 to vector<128x384xi32>
    %add3A_951 = arith.addi %iota3A_948, %add3A_950 : vector<128x384xi32>
    %iota3A_952 = tpu.iota {dimensions = array<i32: 1>} : vector<128x384xi32>
    %ge3A_953 = arith.cmpi sge, %add3A_951, %iota3A_952 : vector<128x384xi32>
    %sub3A_954 = arith.constant 2.000000e+01 : f32
    %sub3A_955 = vector.broadcast %sub3A_954 : f32 to vector<128x384xf32>
    %sub3A_956 = arith.subf %dot_general3A_947, %sub3A_955 : vector<128x384xf32>
    %exp3A_957 = math.exp %sub3A_956 : vector<128x384xf32>
    %jit3A_958 = arith.constant 0.000000e+00 : f32
    %broadcast_in_dim3A_959 = vector.broadcast %jit3A_958 : f32 to vector<128x384xf32>
    %select_n3A_960 = arith.select %ge3A_953, %exp3A_957, %broadcast_in_dim3A_959 : vector<128x384xi1>, vector<128x384xf32>
    %convert_element_type3A_961 = arith.truncf %select_n3A_960 : vector<128x384xf32> to vector<128x384xbf16>
    %convert_element_type3A_962 = arith.extf %convert_element_type3A_961 : vector<128x384xbf16> to vector<128x384xf32>
    %reduce_sum3A_963 = arith.constant dense<0.000000e+00> : vector<128xf32>
    %reduce_sum3A_964 = vector.multi_reduction <add>, %convert_element_type3A_962, %reduce_sum3A_963 [1] : vector<128x384xf32> to vector<128xf32>
    %broadcast_in_dim3A_965 = vector.shape_cast %reduce_sum3A_964 : vector<128xf32> to vector<128x1xf32>
    %div3A_966 = arith.constant 1.000000e+00 : f32
    %div3A_967 = vector.broadcast %div3A_966 : f32 to vector<128x1xf32>
    %div3A_968 = arith.divf %div3A_967, %broadcast_in_dim3A_965 : vector<128x1xf32>
    %slice3A_969 = vector.extract_strided_slice %slice3A_877 {offsets = [0, 0], sizes = [384, 64], strides = [1, 1]} : vector<512x64xbf16> to vector<384x64xbf16>
    %dot_general3A_970 = arith.constant dense<0.000000e+00> : vector<128x64xf32>
    %dot_general3A_971 = tpu.matmul %convert_element_type3A_961, %slice3A_969, %dot_general3A_970 {dimension_numbers = #tpu.dot_dimension_numbers<[1], [0], [0], [1], [0, 0, 1, 1], [], []>, transpose_lhs_hint = false} : vector<128x384xbf16>, vector<384x64xbf16>, vector<128x64xf32> -> vector<128x64xf32>
    %mul3A_972 = vector.broadcast %div3A_968 : vector<128x1xf32> to vector<128x64xf32>
    %mul3A_973 = arith.mulf %dot_general3A_971, %mul3A_972 : vector<128x64xf32>
    %slice3A_974 = vector.extract_strided_slice %slice3A_875 {offsets = [384, 0], sizes = [128, 64], strides = [1, 1]} : vector<512x64xf32> to vector<128x64xf32>
    %convert_element_type3A_975 = arith.truncf %slice3A_974 : vector<128x64xf32> to vector<128x64xbf16>
    %convert_element_type3A_976 = arith.truncf %slice3A_876 : vector<512x64xf32> to vector<512x64xbf16>
    %dot_general3A_977 = arith.constant dense<0.000000e+00> : vector<128x512xf32>
    %dot_general3A_978 = tpu.matmul %convert_element_type3A_975, %convert_element_type3A_976, %dot_general3A_977 {dimension_numbers = #tpu.dot_dimension_numbers<[1], [1], [0], [0], [0, 0, 1, 0], [], []>, transpose_lhs_hint = false} : vector<128x64xbf16>, vector<512x64xbf16>, vector<128x512xf32> -> vector<128x512xf32>
    %iota3A_979 = tpu.iota {dimensions = array<i32: 0>} : vector<128x512xi32>
    %add3A_980 = arith.constant 384 : i32
    %add3A_981 = vector.broadcast %add3A_980 : i32 to vector<128x512xi32>
    %add3A_982 = arith.addi %iota3A_979, %add3A_981 : vector<128x512xi32>
    %iota3A_983 = tpu.iota {dimensions = array<i32: 1>} : vector<128x512xi32>
    %ge3A_984 = arith.cmpi sge, %add3A_982, %iota3A_983 : vector<128x512xi32>
    %sub3A_985 = arith.constant 2.000000e+01 : f32
    %sub3A_986 = vector.broadcast %sub3A_985 : f32 to vector<128x512xf32>
    %sub3A_987 = arith.subf %dot_general3A_978, %sub3A_986 : vector<128x512xf32>
    %exp3A_988 = math.exp %sub3A_987 : vector<128x512xf32>
    %jit3A_989 = arith.constant 0.000000e+00 : f32
    %broadcast_in_dim3A_990 = vector.broadcast %jit3A_989 : f32 to vector<128x512xf32>
    %select_n3A_991 = arith.select %ge3A_984, %exp3A_988, %broadcast_in_dim3A_990 : vector<128x512xi1>, vector<128x512xf32>
    %convert_element_type3A_992 = arith.truncf %select_n3A_991 : vector<128x512xf32> to vector<128x512xbf16>
    %convert_element_type3A_993 = arith.extf %convert_element_type3A_992 : vector<128x512xbf16> to vector<128x512xf32>
    %reduce_sum3A_994 = arith.constant dense<0.000000e+00> : vector<128xf32>
    %reduce_sum3A_995 = vector.multi_reduction <add>, %convert_element_type3A_993, %reduce_sum3A_994 [1] : vector<128x512xf32> to vector<128xf32>
    %broadcast_in_dim3A_996 = vector.shape_cast %reduce_sum3A_995 : vector<128xf32> to vector<128x1xf32>
    %div3A_997 = arith.constant 1.000000e+00 : f32
    %div3A_998 = vector.broadcast %div3A_997 : f32 to vector<128x1xf32>
    %div3A_999 = arith.divf %div3A_998, %broadcast_in_dim3A_996 : vector<128x1xf32>
    %dot_general3A_1000 = arith.constant dense<0.000000e+00> : vector<128x64xf32>
    %dot_general3A_1001 = tpu.matmul %convert_element_type3A_992, %slice3A_877, %dot_general3A_1000 {dimension_numbers = #tpu.dot_dimension_numbers<[1], [0], [0], [1], [0, 0, 1, 1], [], []>, transpose_lhs_hint = false} : vector<128x512xbf16>, vector<512x64xbf16>, vector<128x64xf32> -> vector<128x64xf32>
    %mul3A_1002 = vector.broadcast %div3A_999 : vector<128x1xf32> to vector<128x64xf32>
    %mul3A_1003 = arith.mulf %dot_general3A_1001, %mul3A_1002 : vector<128x64xf32>
    %concatenate3A_1004 = tpu.concatenate %mul3A_909, %mul3A_941, %mul3A_973, %mul3A_1003 in 0 : vector<128x64xf32>, vector<128x64xf32>, vector<128x64xf32>, vector<128x64xf32> -> vector<512x64xf32>
    %convert_element_type3A_1005 = arith.truncf %concatenate3A_1004 : vector<512x64xf32> to vector<512x64xbf16>
    %slice3A_1006 = vector.extract_strided_slice %mul3A_86 {offsets = [0, 448], sizes = [512, 64], strides = [1, 1]} : vector<512x512xf32> to vector<512x64xf32>
    %slice3A_1007 = vector.extract_strided_slice %add3A_92 {offsets = [0, 448], sizes = [512, 64], strides = [1, 1]} : vector<512x512xf32> to vector<512x64xf32>
    %slice3A_1008 = vector.extract_strided_slice %convert_element_type3A_99 {offsets = [0, 448], sizes = [512, 64], strides = [1, 1]} : vector<512x512xbf16> to vector<512x64xbf16>
    %slice3A_1009 = vector.extract_strided_slice %slice3A_1006 {offsets = [0, 0], sizes = [128, 64], strides = [1, 1]} : vector<512x64xf32> to vector<128x64xf32>
    %slice3A_1010 = vector.extract_strided_slice %slice3A_1007 {offsets = [0, 0], sizes = [128, 64], strides = [1, 1]} : vector<512x64xf32> to vector<128x64xf32>
    %convert_element_type3A_1011 = arith.truncf %slice3A_1009 : vector<128x64xf32> to vector<128x64xbf16>
    %convert_element_type3A_1012 = arith.truncf %slice3A_1010 : vector<128x64xf32> to vector<128x64xbf16>
    %dot_general3A_1013 = arith.constant dense<0.000000e+00> : vector<128x128xf32>
    %dot_general3A_1014 = tpu.matmul %convert_element_type3A_1011, %convert_element_type3A_1012, %dot_general3A_1013 {dimension_numbers = #tpu.dot_dimension_numbers<[1], [1], [0], [0], [0, 0, 1, 0], [], []>, transpose_lhs_hint = false} : vector<128x64xbf16>, vector<128x64xbf16>, vector<128x128xf32> -> vector<128x128xf32>
    %iota3A_1015 = tpu.iota {dimensions = array<i32: 0>} : vector<128x128xi32>
    %add3A_1016 = arith.constant 0 : i32
    %add3A_1017 = vector.broadcast %add3A_1016 : i32 to vector<128x128xi32>
    %add3A_1018 = arith.addi %iota3A_1015, %add3A_1017 : vector<128x128xi32>
    %iota3A_1019 = tpu.iota {dimensions = array<i32: 1>} : vector<128x128xi32>
    %ge3A_1020 = arith.cmpi sge, %add3A_1018, %iota3A_1019 : vector<128x128xi32>
    %sub3A_1021 = arith.constant 2.000000e+01 : f32
    %sub3A_1022 = vector.broadcast %sub3A_1021 : f32 to vector<128x128xf32>
    %sub3A_1023 = arith.subf %dot_general3A_1014, %sub3A_1022 : vector<128x128xf32>
    %exp3A_1024 = math.exp %sub3A_1023 : vector<128x128xf32>
    %jit3A_1025 = arith.constant 0.000000e+00 : f32
    %broadcast_in_dim3A_1026 = vector.broadcast %jit3A_1025 : f32 to vector<128x128xf32>
    %select_n3A_1027 = arith.select %ge3A_1020, %exp3A_1024, %broadcast_in_dim3A_1026 : vector<128x128xi1>, vector<128x128xf32>
    %convert_element_type3A_1028 = arith.truncf %select_n3A_1027 : vector<128x128xf32> to vector<128x128xbf16>
    %convert_element_type3A_1029 = arith.extf %convert_element_type3A_1028 : vector<128x128xbf16> to vector<128x128xf32>
    %reduce_sum3A_1030 = arith.constant dense<0.000000e+00> : vector<128xf32>
    %reduce_sum3A_1031 = vector.multi_reduction <add>, %convert_element_type3A_1029, %reduce_sum3A_1030 [1] : vector<128x128xf32> to vector<128xf32>
    %broadcast_in_dim3A_1032 = vector.shape_cast %reduce_sum3A_1031 : vector<128xf32> to vector<128x1xf32>
    %div3A_1033 = arith.constant 1.000000e+00 : f32
    %div3A_1034 = vector.broadcast %div3A_1033 : f32 to vector<128x1xf32>
    %div3A_1035 = arith.divf %div3A_1034, %broadcast_in_dim3A_1032 : vector<128x1xf32>
    %slice3A_1036 = vector.extract_strided_slice %slice3A_1008 {offsets = [0, 0], sizes = [128, 64], strides = [1, 1]} : vector<512x64xbf16> to vector<128x64xbf16>
    %dot_general3A_1037 = arith.constant dense<0.000000e+00> : vector<128x64xf32>
    %dot_general3A_1038 = tpu.matmul %convert_element_type3A_1028, %slice3A_1036, %dot_general3A_1037 {dimension_numbers = #tpu.dot_dimension_numbers<[1], [0], [0], [1], [0, 0, 1, 1], [], []>, transpose_lhs_hint = false} : vector<128x128xbf16>, vector<128x64xbf16>, vector<128x64xf32> -> vector<128x64xf32>
    %mul3A_1039 = vector.broadcast %div3A_1035 : vector<128x1xf32> to vector<128x64xf32>
    %mul3A_1040 = arith.mulf %dot_general3A_1038, %mul3A_1039 : vector<128x64xf32>
    %slice3A_1041 = vector.extract_strided_slice %slice3A_1006 {offsets = [128, 0], sizes = [128, 64], strides = [1, 1]} : vector<512x64xf32> to vector<128x64xf32>
    %slice3A_1042 = vector.extract_strided_slice %slice3A_1007 {offsets = [0, 0], sizes = [256, 64], strides = [1, 1]} : vector<512x64xf32> to vector<256x64xf32>
    %convert_element_type3A_1043 = arith.truncf %slice3A_1041 : vector<128x64xf32> to vector<128x64xbf16>
    %convert_element_type3A_1044 = arith.truncf %slice3A_1042 : vector<256x64xf32> to vector<256x64xbf16>
    %dot_general3A_1045 = arith.constant dense<0.000000e+00> : vector<128x256xf32>
    %dot_general3A_1046 = tpu.matmul %convert_element_type3A_1043, %convert_element_type3A_1044, %dot_general3A_1045 {dimension_numbers = #tpu.dot_dimension_numbers<[1], [1], [0], [0], [0, 0, 1, 0], [], []>, transpose_lhs_hint = false} : vector<128x64xbf16>, vector<256x64xbf16>, vector<128x256xf32> -> vector<128x256xf32>
    %iota3A_1047 = tpu.iota {dimensions = array<i32: 0>} : vector<128x256xi32>
    %add3A_1048 = arith.constant 128 : i32
    %add3A_1049 = vector.broadcast %add3A_1048 : i32 to vector<128x256xi32>
    %add3A_1050 = arith.addi %iota3A_1047, %add3A_1049 : vector<128x256xi32>
    %iota3A_1051 = tpu.iota {dimensions = array<i32: 1>} : vector<128x256xi32>
    %ge3A_1052 = arith.cmpi sge, %add3A_1050, %iota3A_1051 : vector<128x256xi32>
    %sub3A_1053 = arith.constant 2.000000e+01 : f32
    %sub3A_1054 = vector.broadcast %sub3A_1053 : f32 to vector<128x256xf32>
    %sub3A_1055 = arith.subf %dot_general3A_1046, %sub3A_1054 : vector<128x256xf32>
    %exp3A_1056 = math.exp %sub3A_1055 : vector<128x256xf32>
    %jit3A_1057 = arith.constant 0.000000e+00 : f32
    %broadcast_in_dim3A_1058 = vector.broadcast %jit3A_1057 : f32 to vector<128x256xf32>
    %select_n3A_1059 = arith.select %ge3A_1052, %exp3A_1056, %broadcast_in_dim3A_1058 : vector<128x256xi1>, vector<128x256xf32>
    %convert_element_type3A_1060 = arith.truncf %select_n3A_1059 : vector<128x256xf32> to vector<128x256xbf16>
    %convert_element_type3A_1061 = arith.extf %convert_element_type3A_1060 : vector<128x256xbf16> to vector<128x256xf32>
    %reduce_sum3A_1062 = arith.constant dense<0.000000e+00> : vector<128xf32>
    %reduce_sum3A_1063 = vector.multi_reduction <add>, %convert_element_type3A_1061, %reduce_sum3A_1062 [1] : vector<128x256xf32> to vector<128xf32>
    %broadcast_in_dim3A_1064 = vector.shape_cast %reduce_sum3A_1063 : vector<128xf32> to vector<128x1xf32>
    %div3A_1065 = arith.constant 1.000000e+00 : f32
    %div3A_1066 = vector.broadcast %div3A_1065 : f32 to vector<128x1xf32>
    %div3A_1067 = arith.divf %div3A_1066, %broadcast_in_dim3A_1064 : vector<128x1xf32>
    %slice3A_1068 = vector.extract_strided_slice %slice3A_1008 {offsets = [0, 0], sizes = [256, 64], strides = [1, 1]} : vector<512x64xbf16> to vector<256x64xbf16>
    %dot_general3A_1069 = arith.constant dense<0.000000e+00> : vector<128x64xf32>
    %dot_general3A_1070 = tpu.matmul %convert_element_type3A_1060, %slice3A_1068, %dot_general3A_1069 {dimension_numbers = #tpu.dot_dimension_numbers<[1], [0], [0], [1], [0, 0, 1, 1], [], []>, transpose_lhs_hint = false} : vector<128x256xbf16>, vector<256x64xbf16>, vector<128x64xf32> -> vector<128x64xf32>
    %mul3A_1071 = vector.broadcast %div3A_1067 : vector<128x1xf32> to vector<128x64xf32>
    %mul3A_1072 = arith.mulf %dot_general3A_1070, %mul3A_1071 : vector<128x64xf32>
    %slice3A_1073 = vector.extract_strided_slice %slice3A_1006 {offsets = [256, 0], sizes = [128, 64], strides = [1, 1]} : vector<512x64xf32> to vector<128x64xf32>
    %slice3A_1074 = vector.extract_strided_slice %slice3A_1007 {offsets = [0, 0], sizes = [384, 64], strides = [1, 1]} : vector<512x64xf32> to vector<384x64xf32>
    %convert_element_type3A_1075 = arith.truncf %slice3A_1073 : vector<128x64xf32> to vector<128x64xbf16>
    %convert_element_type3A_1076 = arith.truncf %slice3A_1074 : vector<384x64xf32> to vector<384x64xbf16>
    %dot_general3A_1077 = arith.constant dense<0.000000e+00> : vector<128x384xf32>
    %dot_general3A_1078 = tpu.matmul %convert_element_type3A_1075, %convert_element_type3A_1076, %dot_general3A_1077 {dimension_numbers = #tpu.dot_dimension_numbers<[1], [1], [0], [0], [0, 0, 1, 0], [], []>, transpose_lhs_hint = false} : vector<128x64xbf16>, vector<384x64xbf16>, vector<128x384xf32> -> vector<128x384xf32>
    %iota3A_1079 = tpu.iota {dimensions = array<i32: 0>} : vector<128x384xi32>
    %add3A_1080 = arith.constant 256 : i32
    %add3A_1081 = vector.broadcast %add3A_1080 : i32 to vector<128x384xi32>
    %add3A_1082 = arith.addi %iota3A_1079, %add3A_1081 : vector<128x384xi32>
    %iota3A_1083 = tpu.iota {dimensions = array<i32: 1>} : vector<128x384xi32>
    %ge3A_1084 = arith.cmpi sge, %add3A_1082, %iota3A_1083 : vector<128x384xi32>
    %sub3A_1085 = arith.constant 2.000000e+01 : f32
    %sub3A_1086 = vector.broadcast %sub3A_1085 : f32 to vector<128x384xf32>
    %sub3A_1087 = arith.subf %dot_general3A_1078, %sub3A_1086 : vector<128x384xf32>
    %exp3A_1088 = math.exp %sub3A_1087 : vector<128x384xf32>
    %jit3A_1089 = arith.constant 0.000000e+00 : f32
    %broadcast_in_dim3A_1090 = vector.broadcast %jit3A_1089 : f32 to vector<128x384xf32>
    %select_n3A_1091 = arith.select %ge3A_1084, %exp3A_1088, %broadcast_in_dim3A_1090 : vector<128x384xi1>, vector<128x384xf32>
    %convert_element_type3A_1092 = arith.truncf %select_n3A_1091 : vector<128x384xf32> to vector<128x384xbf16>
    %convert_element_type3A_1093 = arith.extf %convert_element_type3A_1092 : vector<128x384xbf16> to vector<128x384xf32>
    %reduce_sum3A_1094 = arith.constant dense<0.000000e+00> : vector<128xf32>
    %reduce_sum3A_1095 = vector.multi_reduction <add>, %convert_element_type3A_1093, %reduce_sum3A_1094 [1] : vector<128x384xf32> to vector<128xf32>
    %broadcast_in_dim3A_1096 = vector.shape_cast %reduce_sum3A_1095 : vector<128xf32> to vector<128x1xf32>
    %div3A_1097 = arith.constant 1.000000e+00 : f32
    %div3A_1098 = vector.broadcast %div3A_1097 : f32 to vector<128x1xf32>
    %div3A_1099 = arith.divf %div3A_1098, %broadcast_in_dim3A_1096 : vector<128x1xf32>
    %slice3A_1100 = vector.extract_strided_slice %slice3A_1008 {offsets = [0, 0], sizes = [384, 64], strides = [1, 1]} : vector<512x64xbf16> to vector<384x64xbf16>
    %dot_general3A_1101 = arith.constant dense<0.000000e+00> : vector<128x64xf32>
    %dot_general3A_1102 = tpu.matmul %convert_element_type3A_1092, %slice3A_1100, %dot_general3A_1101 {dimension_numbers = #tpu.dot_dimension_numbers<[1], [0], [0], [1], [0, 0, 1, 1], [], []>, transpose_lhs_hint = false} : vector<128x384xbf16>, vector<384x64xbf16>, vector<128x64xf32> -> vector<128x64xf32>
    %mul3A_1103 = vector.broadcast %div3A_1099 : vector<128x1xf32> to vector<128x64xf32>
    %mul3A_1104 = arith.mulf %dot_general3A_1102, %mul3A_1103 : vector<128x64xf32>
    %slice3A_1105 = vector.extract_strided_slice %slice3A_1006 {offsets = [384, 0], sizes = [128, 64], strides = [1, 1]} : vector<512x64xf32> to vector<128x64xf32>
    %convert_element_type3A_1106 = arith.truncf %slice3A_1105 : vector<128x64xf32> to vector<128x64xbf16>
    %convert_element_type3A_1107 = arith.truncf %slice3A_1007 : vector<512x64xf32> to vector<512x64xbf16>
    %dot_general3A_1108 = arith.constant dense<0.000000e+00> : vector<128x512xf32>
    %dot_general3A_1109 = tpu.matmul %convert_element_type3A_1106, %convert_element_type3A_1107, %dot_general3A_1108 {dimension_numbers = #tpu.dot_dimension_numbers<[1], [1], [0], [0], [0, 0, 1, 0], [], []>, transpose_lhs_hint = false} : vector<128x64xbf16>, vector<512x64xbf16>, vector<128x512xf32> -> vector<128x512xf32>
    %iota3A_1110 = tpu.iota {dimensions = array<i32: 0>} : vector<128x512xi32>
    %add3A_1111 = arith.constant 384 : i32
    %add3A_1112 = vector.broadcast %add3A_1111 : i32 to vector<128x512xi32>
    %add3A_1113 = arith.addi %iota3A_1110, %add3A_1112 : vector<128x512xi32>
    %iota3A_1114 = tpu.iota {dimensions = array<i32: 1>} : vector<128x512xi32>
    %ge3A_1115 = arith.cmpi sge, %add3A_1113, %iota3A_1114 : vector<128x512xi32>
    %sub3A_1116 = arith.constant 2.000000e+01 : f32
    %sub3A_1117 = vector.broadcast %sub3A_1116 : f32 to vector<128x512xf32>
    %sub3A_1118 = arith.subf %dot_general3A_1109, %sub3A_1117 : vector<128x512xf32>
    %exp3A_1119 = math.exp %sub3A_1118 : vector<128x512xf32>
    %jit3A_1120 = arith.constant 0.000000e+00 : f32
    %broadcast_in_dim3A_1121 = vector.broadcast %jit3A_1120 : f32 to vector<128x512xf32>
    %select_n3A_1122 = arith.select %ge3A_1115, %exp3A_1119, %broadcast_in_dim3A_1121 : vector<128x512xi1>, vector<128x512xf32>
    %convert_element_type3A_1123 = arith.truncf %select_n3A_1122 : vector<128x512xf32> to vector<128x512xbf16>
    %convert_element_type3A_1124 = arith.extf %convert_element_type3A_1123 : vector<128x512xbf16> to vector<128x512xf32>
    %reduce_sum3A_1125 = arith.constant dense<0.000000e+00> : vector<128xf32>
    %reduce_sum3A_1126 = vector.multi_reduction <add>, %convert_element_type3A_1124, %reduce_sum3A_1125 [1] : vector<128x512xf32> to vector<128xf32>
    %broadcast_in_dim3A_1127 = vector.shape_cast %reduce_sum3A_1126 : vector<128xf32> to vector<128x1xf32>
    %div3A_1128 = arith.constant 1.000000e+00 : f32
    %div3A_1129 = vector.broadcast %div3A_1128 : f32 to vector<128x1xf32>
    %div3A_1130 = arith.divf %div3A_1129, %broadcast_in_dim3A_1127 : vector<128x1xf32>
    %dot_general3A_1131 = arith.constant dense<0.000000e+00> : vector<128x64xf32>
    %dot_general3A_1132 = tpu.matmul %convert_element_type3A_1123, %slice3A_1008, %dot_general3A_1131 {dimension_numbers = #tpu.dot_dimension_numbers<[1], [0], [0], [1], [0, 0, 1, 1], [], []>, transpose_lhs_hint = false} : vector<128x512xbf16>, vector<512x64xbf16>, vector<128x64xf32> -> vector<128x64xf32>
    %mul3A_1133 = vector.broadcast %div3A_1130 : vector<128x1xf32> to vector<128x64xf32>
    %mul3A_1134 = arith.mulf %dot_general3A_1132, %mul3A_1133 : vector<128x64xf32>
    %concatenate3A_1135 = tpu.concatenate %mul3A_1040, %mul3A_1072, %mul3A_1104, %mul3A_1134 in 0 : vector<128x64xf32>, vector<128x64xf32>, vector<128x64xf32>, vector<128x64xf32> -> vector<512x64xf32>
    %convert_element_type3A_1136 = arith.truncf %concatenate3A_1135 : vector<512x64xf32> to vector<512x64xbf16>
    %concatenate3A_1137 = tpu.concatenate %convert_element_type3A_219, %convert_element_type3A_350, %convert_element_type3A_481, %convert_element_type3A_612, %convert_element_type3A_743, %convert_element_type3A_874, %convert_element_type3A_1005, %convert_element_type3A_1136 in 1 : vector<512x64xbf16>, vector<512x64xbf16>, vector<512x64xbf16>, vector<512x64xbf16>, vector<512x64xbf16>, vector<512x64xbf16>, vector<512x64xbf16>, vector<512x64xbf16> -> vector<512x512xbf16>
    %convert_element_type3A_1138 = arith.truncf %get3A_24 : vector<512x512xf32> to vector<512x512xbf16>
    %dot_general3A_1139 = arith.constant dense<0.000000e+00> : vector<512x512xf32>
    %dot_general3A_1140 = tpu.matmul %concatenate3A_1137, %convert_element_type3A_1138, %dot_general3A_1139 {dimension_numbers = #tpu.dot_dimension_numbers<[1], [0], [0], [1], [0, 0, 1, 1], [], []>, transpose_lhs_hint = false} : vector<512x512xbf16>, vector<512x512xbf16>, vector<512x512xf32> -> vector<512x512xf32>
    %add3A_1141 = vector.broadcast %get3A_27 : vector<1x512xf32> to vector<512x512xf32>
    %add3A_1142 = arith.addf %dot_general3A_1140, %add3A_1141 : vector<512x512xf32>
    %add3A_1143 = arith.addf %get3A_3, %add3A_1142 : vector<512x512xf32>
    %reduce_sum3A_1144 = arith.constant dense<0.000000e+00> : vector<512xf32>
    %reduce_sum3A_1145 = vector.multi_reduction <add>, %add3A_1143, %reduce_sum3A_1144 [1] : vector<512x512xf32> to vector<512xf32>
    %broadcast_in_dim3A_1146 = vector.shape_cast %reduce_sum3A_1145 : vector<512xf32> to vector<512x1xf32>
    %div3A_1147 = arith.constant 5.120000e+02 : f32
    %div3A_1148 = vector.broadcast %div3A_1147 : f32 to vector<512x1xf32>
    %div3A_1149 = arith.divf %broadcast_in_dim3A_1146, %div3A_1148 : vector<512x1xf32>
    %sub3A_1150 = vector.broadcast %div3A_1149 : vector<512x1xf32> to vector<512x512xf32>
    %sub3A_1151 = arith.subf %add3A_1143, %sub3A_1150 : vector<512x512xf32>
    %integer_pow3A = arith.mulf %sub3A_1151, %sub3A_1151 : vector<512x512xf32>
    %reduce_sum3A_1152 = arith.constant dense<0.000000e+00> : vector<512xf32>
    %reduce_sum3A_1153 = vector.multi_reduction <add>, %integer_pow3A, %reduce_sum3A_1152 [1] : vector<512x512xf32> to vector<512xf32>
    %broadcast_in_dim3A_1154 = vector.shape_cast %reduce_sum3A_1153 : vector<512xf32> to vector<512x1xf32>
    %div3A_1155 = arith.constant 5.120000e+02 : f32
    %div3A_1156 = vector.broadcast %div3A_1155 : f32 to vector<512x1xf32>
    %div3A_1157 = arith.divf %broadcast_in_dim3A_1154, %div3A_1156 : vector<512x1xf32>
    %sub3A_1158 = vector.broadcast %div3A_1149 : vector<512x1xf32> to vector<512x512xf32>
    %sub3A_1159 = arith.subf %add3A_1143, %sub3A_1158 : vector<512x512xf32>
    %add3A_1160 = arith.constant 9.99999974E-6 : f32
    %add3A_1161 = vector.broadcast %add3A_1160 : f32 to vector<512x1xf32>
    %add3A_1162 = arith.addf %div3A_1157, %add3A_1161 : vector<512x1xf32>
    %sqrt3A = math.sqrt %add3A_1162 : vector<512x1xf32>
    %div3A_1163 = vector.broadcast %sqrt3A : vector<512x1xf32> to vector<512x512xf32>
    %div3A_1164 = arith.divf %sub3A_1159, %div3A_1163 : vector<512x512xf32>
    %mul3A_1165 = vector.broadcast %get3A_66 : vector<1x512xf32> to vector<512x512xf32>
    %mul3A_1166 = arith.mulf %div3A_1164, %mul3A_1165 : vector<512x512xf32>
    %add3A_1167 = vector.broadcast %get3A_69 : vector<1x512xf32> to vector<512x512xf32>
    %add3A_1168 = arith.addf %mul3A_1166, %add3A_1167 : vector<512x512xf32>
    %convert_element_type3A_1169 = arith.truncf %add3A_1168 : vector<512x512xf32> to vector<512x512xbf16>
    %convert_element_type3A_1170 = arith.truncf %get3A_30 : vector<512x512xf32> to vector<512x512xbf16>
    %dot_general3A_1171 = arith.constant dense<0.000000e+00> : vector<512x512xf32>
    %dot_general3A_1172 = tpu.matmul %convert_element_type3A_1169, %convert_element_type3A_1170, %dot_general3A_1171 {dimension_numbers = #tpu.dot_dimension_numbers<[1], [0], [0], [1], [0, 0, 1, 1], [], []>, transpose_lhs_hint = false} : vector<512x512xbf16>, vector<512x512xbf16>, vector<512x512xf32> -> vector<512x512xf32>
    %add3A_1173 = vector.broadcast %get3A_33 : vector<1x512xf32> to vector<512x512xf32>
    %add3A_1174 = arith.addf %dot_general3A_1172, %add3A_1173 : vector<512x512xf32>
    %mul3A_1175 = arith.constant 1.250000e-01 : f32
    %mul3A_1176 = vector.broadcast %mul3A_1175 : f32 to vector<512x512xf32>
    %mul3A_1177 = arith.mulf %add3A_1174, %mul3A_1176 : vector<512x512xf32>
    %convert_element_type3A_1178 = arith.truncf %add3A_1168 : vector<512x512xf32> to vector<512x512xbf16>
    %convert_element_type3A_1179 = arith.truncf %get3A_36 : vector<512x512xf32> to vector<512x512xbf16>
    %dot_general3A_1180 = arith.constant dense<0.000000e+00> : vector<512x512xf32>
    %dot_general3A_1181 = tpu.matmul %convert_element_type3A_1178, %convert_element_type3A_1179, %dot_general3A_1180 {dimension_numbers = #tpu.dot_dimension_numbers<[1], [0], [0], [1], [0, 0, 1, 1], [], []>, transpose_lhs_hint = false} : vector<512x512xbf16>, vector<512x512xbf16>, vector<512x512xf32> -> vector<512x512xf32>
    %add3A_1182 = vector.broadcast %get3A_39 : vector<1x512xf32> to vector<512x512xf32>
    %add3A_1183 = arith.addf %dot_general3A_1181, %add3A_1182 : vector<512x512xf32>
    %convert_element_type3A_1184 = arith.truncf %add3A_1168 : vector<512x512xf32> to vector<512x512xbf16>
    %convert_element_type3A_1185 = arith.truncf %get3A_42 : vector<512x512xf32> to vector<512x512xbf16>
    %dot_general3A_1186 = arith.constant dense<0.000000e+00> : vector<512x512xf32>
    %dot_general3A_1187 = tpu.matmul %convert_element_type3A_1184, %convert_element_type3A_1185, %dot_general3A_1186 {dimension_numbers = #tpu.dot_dimension_numbers<[1], [0], [0], [1], [0, 0, 1, 1], [], []>, transpose_lhs_hint = false} : vector<512x512xbf16>, vector<512x512xbf16>, vector<512x512xf32> -> vector<512x512xf32>
    %add3A_1188 = vector.broadcast %get3A_45 : vector<1x512xf32> to vector<512x512xf32>
    %add3A_1189 = arith.addf %dot_general3A_1187, %add3A_1188 : vector<512x512xf32>
    %convert_element_type3A_1190 = arith.truncf %add3A_1189 : vector<512x512xf32> to vector<512x512xbf16>
    %slice3A_1191 = vector.extract_strided_slice %mul3A_1177 {offsets = [0, 0], sizes = [512, 64], strides = [1, 1]} : vector<512x512xf32> to vector<512x64xf32>
    %slice3A_1192 = vector.extract_strided_slice %add3A_1183 {offsets = [0, 0], sizes = [512, 64], strides = [1, 1]} : vector<512x512xf32> to vector<512x64xf32>
    %slice3A_1193 = vector.extract_strided_slice %convert_element_type3A_1190 {offsets = [0, 0], sizes = [512, 64], strides = [1, 1]} : vector<512x512xbf16> to vector<512x64xbf16>
    %convert_element_type3A_1194 = arith.truncf %slice3A_1191 : vector<512x64xf32> to vector<512x64xbf16>
    %convert_element_type3A_1195 = arith.truncf %slice3A_1192 : vector<512x64xf32> to vector<512x64xbf16>
    %dot_general3A_1196 = arith.constant dense<0.000000e+00> : vector<512x512xf32>
    %dot_general3A_1197 = tpu.matmul %convert_element_type3A_1194, %convert_element_type3A_1195, %dot_general3A_1196 {dimension_numbers = #tpu.dot_dimension_numbers<[1], [1], [0], [0], [0, 0, 1, 0], [], []>, transpose_lhs_hint = false} : vector<512x64xbf16>, vector<512x64xbf16>, vector<512x512xf32> -> vector<512x512xf32>
    %sub3A_1198 = arith.constant 2.000000e+01 : f32
    %sub3A_1199 = vector.broadcast %sub3A_1198 : f32 to vector<512x512xf32>
    %sub3A_1200 = arith.subf %dot_general3A_1197, %sub3A_1199 : vector<512x512xf32>
    %exp3A_1201 = math.exp %sub3A_1200 : vector<512x512xf32>
    %convert_element_type3A_1202 = arith.truncf %exp3A_1201 : vector<512x512xf32> to vector<512x512xbf16>
    %convert_element_type3A_1203 = arith.extf %convert_element_type3A_1202 : vector<512x512xbf16> to vector<512x512xf32>
    %reduce_sum3A_1204 = arith.constant dense<0.000000e+00> : vector<512xf32>
    %reduce_sum3A_1205 = vector.multi_reduction <add>, %convert_element_type3A_1203, %reduce_sum3A_1204 [1] : vector<512x512xf32> to vector<512xf32>
    %broadcast_in_dim3A_1206 = vector.shape_cast %reduce_sum3A_1205 : vector<512xf32> to vector<512x1xf32>
    %div3A_1207 = arith.constant 1.000000e+00 : f32
    %div3A_1208 = vector.broadcast %div3A_1207 : f32 to vector<512x1xf32>
    %div3A_1209 = arith.divf %div3A_1208, %broadcast_in_dim3A_1206 : vector<512x1xf32>
    %dot_general3A_1210 = arith.constant dense<0.000000e+00> : vector<512x64xf32>
    %dot_general3A_1211 = tpu.matmul %convert_element_type3A_1202, %slice3A_1193, %dot_general3A_1210 {dimension_numbers = #tpu.dot_dimension_numbers<[1], [0], [0], [1], [0, 0, 1, 1], [], []>, transpose_lhs_hint = false} : vector<512x512xbf16>, vector<512x64xbf16>, vector<512x64xf32> -> vector<512x64xf32>
    %mul3A_1212 = vector.broadcast %div3A_1209 : vector<512x1xf32> to vector<512x64xf32>
    %mul3A_1213 = arith.mulf %dot_general3A_1211, %mul3A_1212 : vector<512x64xf32>
    %convert_element_type3A_1214 = arith.truncf %mul3A_1213 : vector<512x64xf32> to vector<512x64xbf16>
    %slice3A_1215 = vector.extract_strided_slice %mul3A_1177 {offsets = [0, 64], sizes = [512, 64], strides = [1, 1]} : vector<512x512xf32> to vector<512x64xf32>
    %slice3A_1216 = vector.extract_strided_slice %add3A_1183 {offsets = [0, 64], sizes = [512, 64], strides = [1, 1]} : vector<512x512xf32> to vector<512x64xf32>
    %slice3A_1217 = vector.extract_strided_slice %convert_element_type3A_1190 {offsets = [0, 64], sizes = [512, 64], strides = [1, 1]} : vector<512x512xbf16> to vector<512x64xbf16>
    %convert_element_type3A_1218 = arith.truncf %slice3A_1215 : vector<512x64xf32> to vector<512x64xbf16>
    %convert_element_type3A_1219 = arith.truncf %slice3A_1216 : vector<512x64xf32> to vector<512x64xbf16>
    %dot_general3A_1220 = arith.constant dense<0.000000e+00> : vector<512x512xf32>
    %dot_general3A_1221 = tpu.matmul %convert_element_type3A_1218, %convert_element_type3A_1219, %dot_general3A_1220 {dimension_numbers = #tpu.dot_dimension_numbers<[1], [1], [0], [0], [0, 0, 1, 0], [], []>, transpose_lhs_hint = false} : vector<512x64xbf16>, vector<512x64xbf16>, vector<512x512xf32> -> vector<512x512xf32>
    %sub3A_1222 = arith.constant 2.000000e+01 : f32
    %sub3A_1223 = vector.broadcast %sub3A_1222 : f32 to vector<512x512xf32>
    %sub3A_1224 = arith.subf %dot_general3A_1221, %sub3A_1223 : vector<512x512xf32>
    %exp3A_1225 = math.exp %sub3A_1224 : vector<512x512xf32>
    %convert_element_type3A_1226 = arith.truncf %exp3A_1225 : vector<512x512xf32> to vector<512x512xbf16>
    %convert_element_type3A_1227 = arith.extf %convert_element_type3A_1226 : vector<512x512xbf16> to vector<512x512xf32>
    %reduce_sum3A_1228 = arith.constant dense<0.000000e+00> : vector<512xf32>
    %reduce_sum3A_1229 = vector.multi_reduction <add>, %convert_element_type3A_1227, %reduce_sum3A_1228 [1] : vector<512x512xf32> to vector<512xf32>
    %broadcast_in_dim3A_1230 = vector.shape_cast %reduce_sum3A_1229 : vector<512xf32> to vector<512x1xf32>
    %div3A_1231 = arith.constant 1.000000e+00 : f32
    %div3A_1232 = vector.broadcast %div3A_1231 : f32 to vector<512x1xf32>
    %div3A_1233 = arith.divf %div3A_1232, %broadcast_in_dim3A_1230 : vector<512x1xf32>
    %dot_general3A_1234 = arith.constant dense<0.000000e+00> : vector<512x64xf32>
    %dot_general3A_1235 = tpu.matmul %convert_element_type3A_1226, %slice3A_1217, %dot_general3A_1234 {dimension_numbers = #tpu.dot_dimension_numbers<[1], [0], [0], [1], [0, 0, 1, 1], [], []>, transpose_lhs_hint = false} : vector<512x512xbf16>, vector<512x64xbf16>, vector<512x64xf32> -> vector<512x64xf32>
    %mul3A_1236 = vector.broadcast %div3A_1233 : vector<512x1xf32> to vector<512x64xf32>
    %mul3A_1237 = arith.mulf %dot_general3A_1235, %mul3A_1236 : vector<512x64xf32>
    %convert_element_type3A_1238 = arith.truncf %mul3A_1237 : vector<512x64xf32> to vector<512x64xbf16>
    %slice3A_1239 = vector.extract_strided_slice %mul3A_1177 {offsets = [0, 128], sizes = [512, 64], strides = [1, 1]} : vector<512x512xf32> to vector<512x64xf32>
    %slice3A_1240 = vector.extract_strided_slice %add3A_1183 {offsets = [0, 128], sizes = [512, 64], strides = [1, 1]} : vector<512x512xf32> to vector<512x64xf32>
    %slice3A_1241 = vector.extract_strided_slice %convert_element_type3A_1190 {offsets = [0, 128], sizes = [512, 64], strides = [1, 1]} : vector<512x512xbf16> to vector<512x64xbf16>
    %convert_element_type3A_1242 = arith.truncf %slice3A_1239 : vector<512x64xf32> to vector<512x64xbf16>
    %convert_element_type3A_1243 = arith.truncf %slice3A_1240 : vector<512x64xf32> to vector<512x64xbf16>
    %dot_general3A_1244 = arith.constant dense<0.000000e+00> : vector<512x512xf32>
    %dot_general3A_1245 = tpu.matmul %convert_element_type3A_1242, %convert_element_type3A_1243, %dot_general3A_1244 {dimension_numbers = #tpu.dot_dimension_numbers<[1], [1], [0], [0], [0, 0, 1, 0], [], []>, transpose_lhs_hint = false} : vector<512x64xbf16>, vector<512x64xbf16>, vector<512x512xf32> -> vector<512x512xf32>
    %sub3A_1246 = arith.constant 2.000000e+01 : f32
    %sub3A_1247 = vector.broadcast %sub3A_1246 : f32 to vector<512x512xf32>
    %sub3A_1248 = arith.subf %dot_general3A_1245, %sub3A_1247 : vector<512x512xf32>
    %exp3A_1249 = math.exp %sub3A_1248 : vector<512x512xf32>
    %convert_element_type3A_1250 = arith.truncf %exp3A_1249 : vector<512x512xf32> to vector<512x512xbf16>
    %convert_element_type3A_1251 = arith.extf %convert_element_type3A_1250 : vector<512x512xbf16> to vector<512x512xf32>
    %reduce_sum3A_1252 = arith.constant dense<0.000000e+00> : vector<512xf32>
    %reduce_sum3A_1253 = vector.multi_reduction <add>, %convert_element_type3A_1251, %reduce_sum3A_1252 [1] : vector<512x512xf32> to vector<512xf32>
    %broadcast_in_dim3A_1254 = vector.shape_cast %reduce_sum3A_1253 : vector<512xf32> to vector<512x1xf32>
    %div3A_1255 = arith.constant 1.000000e+00 : f32
    %div3A_1256 = vector.broadcast %div3A_1255 : f32 to vector<512x1xf32>
    %div3A_1257 = arith.divf %div3A_1256, %broadcast_in_dim3A_1254 : vector<512x1xf32>
    %dot_general3A_1258 = arith.constant dense<0.000000e+00> : vector<512x64xf32>
    %dot_general3A_1259 = tpu.matmul %convert_element_type3A_1250, %slice3A_1241, %dot_general3A_1258 {dimension_numbers = #tpu.dot_dimension_numbers<[1], [0], [0], [1], [0, 0, 1, 1], [], []>, transpose_lhs_hint = false} : vector<512x512xbf16>, vector<512x64xbf16>, vector<512x64xf32> -> vector<512x64xf32>
    %mul3A_1260 = vector.broadcast %div3A_1257 : vector<512x1xf32> to vector<512x64xf32>
    %mul3A_1261 = arith.mulf %dot_general3A_1259, %mul3A_1260 : vector<512x64xf32>
    %convert_element_type3A_1262 = arith.truncf %mul3A_1261 : vector<512x64xf32> to vector<512x64xbf16>
    %slice3A_1263 = vector.extract_strided_slice %mul3A_1177 {offsets = [0, 192], sizes = [512, 64], strides = [1, 1]} : vector<512x512xf32> to vector<512x64xf32>
    %slice3A_1264 = vector.extract_strided_slice %add3A_1183 {offsets = [0, 192], sizes = [512, 64], strides = [1, 1]} : vector<512x512xf32> to vector<512x64xf32>
    %slice3A_1265 = vector.extract_strided_slice %convert_element_type3A_1190 {offsets = [0, 192], sizes = [512, 64], strides = [1, 1]} : vector<512x512xbf16> to vector<512x64xbf16>
    %convert_element_type3A_1266 = arith.truncf %slice3A_1263 : vector<512x64xf32> to vector<512x64xbf16>
    %convert_element_type3A_1267 = arith.truncf %slice3A_1264 : vector<512x64xf32> to vector<512x64xbf16>
    %dot_general3A_1268 = arith.constant dense<0.000000e+00> : vector<512x512xf32>
    %dot_general3A_1269 = tpu.matmul %convert_element_type3A_1266, %convert_element_type3A_1267, %dot_general3A_1268 {dimension_numbers = #tpu.dot_dimension_numbers<[1], [1], [0], [0], [0, 0, 1, 0], [], []>, transpose_lhs_hint = false} : vector<512x64xbf16>, vector<512x64xbf16>, vector<512x512xf32> -> vector<512x512xf32>
    %sub3A_1270 = arith.constant 2.000000e+01 : f32
    %sub3A_1271 = vector.broadcast %sub3A_1270 : f32 to vector<512x512xf32>
    %sub3A_1272 = arith.subf %dot_general3A_1269, %sub3A_1271 : vector<512x512xf32>
    %exp3A_1273 = math.exp %sub3A_1272 : vector<512x512xf32>
    %convert_element_type3A_1274 = arith.truncf %exp3A_1273 : vector<512x512xf32> to vector<512x512xbf16>
    %convert_element_type3A_1275 = arith.extf %convert_element_type3A_1274 : vector<512x512xbf16> to vector<512x512xf32>
    %reduce_sum3A_1276 = arith.constant dense<0.000000e+00> : vector<512xf32>
    %reduce_sum3A_1277 = vector.multi_reduction <add>, %convert_element_type3A_1275, %reduce_sum3A_1276 [1] : vector<512x512xf32> to vector<512xf32>
    %broadcast_in_dim3A_1278 = vector.shape_cast %reduce_sum3A_1277 : vector<512xf32> to vector<512x1xf32>
    %div3A_1279 = arith.constant 1.000000e+00 : f32
    %div3A_1280 = vector.broadcast %div3A_1279 : f32 to vector<512x1xf32>
    %div3A_1281 = arith.divf %div3A_1280, %broadcast_in_dim3A_1278 : vector<512x1xf32>
    %dot_general3A_1282 = arith.constant dense<0.000000e+00> : vector<512x64xf32>
    %dot_general3A_1283 = tpu.matmul %convert_element_type3A_1274, %slice3A_1265, %dot_general3A_1282 {dimension_numbers = #tpu.dot_dimension_numbers<[1], [0], [0], [1], [0, 0, 1, 1], [], []>, transpose_lhs_hint = false} : vector<512x512xbf16>, vector<512x64xbf16>, vector<512x64xf32> -> vector<512x64xf32>
    %mul3A_1284 = vector.broadcast %div3A_1281 : vector<512x1xf32> to vector<512x64xf32>
    %mul3A_1285 = arith.mulf %dot_general3A_1283, %mul3A_1284 : vector<512x64xf32>
    %convert_element_type3A_1286 = arith.truncf %mul3A_1285 : vector<512x64xf32> to vector<512x64xbf16>
    %slice3A_1287 = vector.extract_strided_slice %mul3A_1177 {offsets = [0, 256], sizes = [512, 64], strides = [1, 1]} : vector<512x512xf32> to vector<512x64xf32>
    %slice3A_1288 = vector.extract_strided_slice %add3A_1183 {offsets = [0, 256], sizes = [512, 64], strides = [1, 1]} : vector<512x512xf32> to vector<512x64xf32>
    %slice3A_1289 = vector.extract_strided_slice %convert_element_type3A_1190 {offsets = [0, 256], sizes = [512, 64], strides = [1, 1]} : vector<512x512xbf16> to vector<512x64xbf16>
    %convert_element_type3A_1290 = arith.truncf %slice3A_1287 : vector<512x64xf32> to vector<512x64xbf16>
    %convert_element_type3A_1291 = arith.truncf %slice3A_1288 : vector<512x64xf32> to vector<512x64xbf16>
    %dot_general3A_1292 = arith.constant dense<0.000000e+00> : vector<512x512xf32>
    %dot_general3A_1293 = tpu.matmul %convert_element_type3A_1290, %convert_element_type3A_1291, %dot_general3A_1292 {dimension_numbers = #tpu.dot_dimension_numbers<[1], [1], [0], [0], [0, 0, 1, 0], [], []>, transpose_lhs_hint = false} : vector<512x64xbf16>, vector<512x64xbf16>, vector<512x512xf32> -> vector<512x512xf32>
    %sub3A_1294 = arith.constant 2.000000e+01 : f32
    %sub3A_1295 = vector.broadcast %sub3A_1294 : f32 to vector<512x512xf32>
    %sub3A_1296 = arith.subf %dot_general3A_1293, %sub3A_1295 : vector<512x512xf32>
    %exp3A_1297 = math.exp %sub3A_1296 : vector<512x512xf32>
    %convert_element_type3A_1298 = arith.truncf %exp3A_1297 : vector<512x512xf32> to vector<512x512xbf16>
    %convert_element_type3A_1299 = arith.extf %convert_element_type3A_1298 : vector<512x512xbf16> to vector<512x512xf32>
    %reduce_sum3A_1300 = arith.constant dense<0.000000e+00> : vector<512xf32>
    %reduce_sum3A_1301 = vector.multi_reduction <add>, %convert_element_type3A_1299, %reduce_sum3A_1300 [1] : vector<512x512xf32> to vector<512xf32>
    %broadcast_in_dim3A_1302 = vector.shape_cast %reduce_sum3A_1301 : vector<512xf32> to vector<512x1xf32>
    %div3A_1303 = arith.constant 1.000000e+00 : f32
    %div3A_1304 = vector.broadcast %div3A_1303 : f32 to vector<512x1xf32>
    %div3A_1305 = arith.divf %div3A_1304, %broadcast_in_dim3A_1302 : vector<512x1xf32>
    %dot_general3A_1306 = arith.constant dense<0.000000e+00> : vector<512x64xf32>
    %dot_general3A_1307 = tpu.matmul %convert_element_type3A_1298, %slice3A_1289, %dot_general3A_1306 {dimension_numbers = #tpu.dot_dimension_numbers<[1], [0], [0], [1], [0, 0, 1, 1], [], []>, transpose_lhs_hint = false} : vector<512x512xbf16>, vector<512x64xbf16>, vector<512x64xf32> -> vector<512x64xf32>
    %mul3A_1308 = vector.broadcast %div3A_1305 : vector<512x1xf32> to vector<512x64xf32>
    %mul3A_1309 = arith.mulf %dot_general3A_1307, %mul3A_1308 : vector<512x64xf32>
    %convert_element_type3A_1310 = arith.truncf %mul3A_1309 : vector<512x64xf32> to vector<512x64xbf16>
    %slice3A_1311 = vector.extract_strided_slice %mul3A_1177 {offsets = [0, 320], sizes = [512, 64], strides = [1, 1]} : vector<512x512xf32> to vector<512x64xf32>
    %slice3A_1312 = vector.extract_strided_slice %add3A_1183 {offsets = [0, 320], sizes = [512, 64], strides = [1, 1]} : vector<512x512xf32> to vector<512x64xf32>
    %slice3A_1313 = vector.extract_strided_slice %convert_element_type3A_1190 {offsets = [0, 320], sizes = [512, 64], strides = [1, 1]} : vector<512x512xbf16> to vector<512x64xbf16>
    %convert_element_type3A_1314 = arith.truncf %slice3A_1311 : vector<512x64xf32> to vector<512x64xbf16>
    %convert_element_type3A_1315 = arith.truncf %slice3A_1312 : vector<512x64xf32> to vector<512x64xbf16>
    %dot_general3A_1316 = arith.constant dense<0.000000e+00> : vector<512x512xf32>
    %dot_general3A_1317 = tpu.matmul %convert_element_type3A_1314, %convert_element_type3A_1315, %dot_general3A_1316 {dimension_numbers = #tpu.dot_dimension_numbers<[1], [1], [0], [0], [0, 0, 1, 0], [], []>, transpose_lhs_hint = false} : vector<512x64xbf16>, vector<512x64xbf16>, vector<512x512xf32> -> vector<512x512xf32>
    %sub3A_1318 = arith.constant 2.000000e+01 : f32
    %sub3A_1319 = vector.broadcast %sub3A_1318 : f32 to vector<512x512xf32>
    %sub3A_1320 = arith.subf %dot_general3A_1317, %sub3A_1319 : vector<512x512xf32>
    %exp3A_1321 = math.exp %sub3A_1320 : vector<512x512xf32>
    %convert_element_type3A_1322 = arith.truncf %exp3A_1321 : vector<512x512xf32> to vector<512x512xbf16>
    %convert_element_type3A_1323 = arith.extf %convert_element_type3A_1322 : vector<512x512xbf16> to vector<512x512xf32>
    %reduce_sum3A_1324 = arith.constant dense<0.000000e+00> : vector<512xf32>
    %reduce_sum3A_1325 = vector.multi_reduction <add>, %convert_element_type3A_1323, %reduce_sum3A_1324 [1] : vector<512x512xf32> to vector<512xf32>
    %broadcast_in_dim3A_1326 = vector.shape_cast %reduce_sum3A_1325 : vector<512xf32> to vector<512x1xf32>
    %div3A_1327 = arith.constant 1.000000e+00 : f32
    %div3A_1328 = vector.broadcast %div3A_1327 : f32 to vector<512x1xf32>
    %div3A_1329 = arith.divf %div3A_1328, %broadcast_in_dim3A_1326 : vector<512x1xf32>
    %dot_general3A_1330 = arith.constant dense<0.000000e+00> : vector<512x64xf32>
    %dot_general3A_1331 = tpu.matmul %convert_element_type3A_1322, %slice3A_1313, %dot_general3A_1330 {dimension_numbers = #tpu.dot_dimension_numbers<[1], [0], [0], [1], [0, 0, 1, 1], [], []>, transpose_lhs_hint = false} : vector<512x512xbf16>, vector<512x64xbf16>, vector<512x64xf32> -> vector<512x64xf32>
    %mul3A_1332 = vector.broadcast %div3A_1329 : vector<512x1xf32> to vector<512x64xf32>
    %mul3A_1333 = arith.mulf %dot_general3A_1331, %mul3A_1332 : vector<512x64xf32>
    %convert_element_type3A_1334 = arith.truncf %mul3A_1333 : vector<512x64xf32> to vector<512x64xbf16>
    %slice3A_1335 = vector.extract_strided_slice %mul3A_1177 {offsets = [0, 384], sizes = [512, 64], strides = [1, 1]} : vector<512x512xf32> to vector<512x64xf32>
    %slice3A_1336 = vector.extract_strided_slice %add3A_1183 {offsets = [0, 384], sizes = [512, 64], strides = [1, 1]} : vector<512x512xf32> to vector<512x64xf32>
    %slice3A_1337 = vector.extract_strided_slice %convert_element_type3A_1190 {offsets = [0, 384], sizes = [512, 64], strides = [1, 1]} : vector<512x512xbf16> to vector<512x64xbf16>
    %convert_element_type3A_1338 = arith.truncf %slice3A_1335 : vector<512x64xf32> to vector<512x64xbf16>
    %convert_element_type3A_1339 = arith.truncf %slice3A_1336 : vector<512x64xf32> to vector<512x64xbf16>
    %dot_general3A_1340 = arith.constant dense<0.000000e+00> : vector<512x512xf32>
    %dot_general3A_1341 = tpu.matmul %convert_element_type3A_1338, %convert_element_type3A_1339, %dot_general3A_1340 {dimension_numbers = #tpu.dot_dimension_numbers<[1], [1], [0], [0], [0, 0, 1, 0], [], []>, transpose_lhs_hint = false} : vector<512x64xbf16>, vector<512x64xbf16>, vector<512x512xf32> -> vector<512x512xf32>
    %sub3A_1342 = arith.constant 2.000000e+01 : f32
    %sub3A_1343 = vector.broadcast %sub3A_1342 : f32 to vector<512x512xf32>
    %sub3A_1344 = arith.subf %dot_general3A_1341, %sub3A_1343 : vector<512x512xf32>
    %exp3A_1345 = math.exp %sub3A_1344 : vector<512x512xf32>
    %convert_element_type3A_1346 = arith.truncf %exp3A_1345 : vector<512x512xf32> to vector<512x512xbf16>
    %convert_element_type3A_1347 = arith.extf %convert_element_type3A_1346 : vector<512x512xbf16> to vector<512x512xf32>
    %reduce_sum3A_1348 = arith.constant dense<0.000000e+00> : vector<512xf32>
    %reduce_sum3A_1349 = vector.multi_reduction <add>, %convert_element_type3A_1347, %reduce_sum3A_1348 [1] : vector<512x512xf32> to vector<512xf32>
    %broadcast_in_dim3A_1350 = vector.shape_cast %reduce_sum3A_1349 : vector<512xf32> to vector<512x1xf32>
    %div3A_1351 = arith.constant 1.000000e+00 : f32
    %div3A_1352 = vector.broadcast %div3A_1351 : f32 to vector<512x1xf32>
    %div3A_1353 = arith.divf %div3A_1352, %broadcast_in_dim3A_1350 : vector<512x1xf32>
    %dot_general3A_1354 = arith.constant dense<0.000000e+00> : vector<512x64xf32>
    %dot_general3A_1355 = tpu.matmul %convert_element_type3A_1346, %slice3A_1337, %dot_general3A_1354 {dimension_numbers = #tpu.dot_dimension_numbers<[1], [0], [0], [1], [0, 0, 1, 1], [], []>, transpose_lhs_hint = false} : vector<512x512xbf16>, vector<512x64xbf16>, vector<512x64xf32> -> vector<512x64xf32>
    %mul3A_1356 = vector.broadcast %div3A_1353 : vector<512x1xf32> to vector<512x64xf32>
    %mul3A_1357 = arith.mulf %dot_general3A_1355, %mul3A_1356 : vector<512x64xf32>
    %convert_element_type3A_1358 = arith.truncf %mul3A_1357 : vector<512x64xf32> to vector<512x64xbf16>
    %slice3A_1359 = vector.extract_strided_slice %mul3A_1177 {offsets = [0, 448], sizes = [512, 64], strides = [1, 1]} : vector<512x512xf32> to vector<512x64xf32>
    %slice3A_1360 = vector.extract_strided_slice %add3A_1183 {offsets = [0, 448], sizes = [512, 64], strides = [1, 1]} : vector<512x512xf32> to vector<512x64xf32>
    %slice3A_1361 = vector.extract_strided_slice %convert_element_type3A_1190 {offsets = [0, 448], sizes = [512, 64], strides = [1, 1]} : vector<512x512xbf16> to vector<512x64xbf16>
    %convert_element_type3A_1362 = arith.truncf %slice3A_1359 : vector<512x64xf32> to vector<512x64xbf16>
    %convert_element_type3A_1363 = arith.truncf %slice3A_1360 : vector<512x64xf32> to vector<512x64xbf16>
    %dot_general3A_1364 = arith.constant dense<0.000000e+00> : vector<512x512xf32>
    %dot_general3A_1365 = tpu.matmul %convert_element_type3A_1362, %convert_element_type3A_1363, %dot_general3A_1364 {dimension_numbers = #tpu.dot_dimension_numbers<[1], [1], [0], [0], [0, 0, 1, 0], [], []>, transpose_lhs_hint = false} : vector<512x64xbf16>, vector<512x64xbf16>, vector<512x512xf32> -> vector<512x512xf32>
    %sub3A_1366 = arith.constant 2.000000e+01 : f32
    %sub3A_1367 = vector.broadcast %sub3A_1366 : f32 to vector<512x512xf32>
    %sub3A_1368 = arith.subf %dot_general3A_1365, %sub3A_1367 : vector<512x512xf32>
    %exp3A_1369 = math.exp %sub3A_1368 : vector<512x512xf32>
    %convert_element_type3A_1370 = arith.truncf %exp3A_1369 : vector<512x512xf32> to vector<512x512xbf16>
    %convert_element_type3A_1371 = arith.extf %convert_element_type3A_1370 : vector<512x512xbf16> to vector<512x512xf32>
    %reduce_sum3A_1372 = arith.constant dense<0.000000e+00> : vector<512xf32>
    %reduce_sum3A_1373 = vector.multi_reduction <add>, %convert_element_type3A_1371, %reduce_sum3A_1372 [1] : vector<512x512xf32> to vector<512xf32>
    %broadcast_in_dim3A_1374 = vector.shape_cast %reduce_sum3A_1373 : vector<512xf32> to vector<512x1xf32>
    %div3A_1375 = arith.constant 1.000000e+00 : f32
    %div3A_1376 = vector.broadcast %div3A_1375 : f32 to vector<512x1xf32>
    %div3A_1377 = arith.divf %div3A_1376, %broadcast_in_dim3A_1374 : vector<512x1xf32>
    %dot_general3A_1378 = arith.constant dense<0.000000e+00> : vector<512x64xf32>
    %dot_general3A_1379 = tpu.matmul %convert_element_type3A_1370, %slice3A_1361, %dot_general3A_1378 {dimension_numbers = #tpu.dot_dimension_numbers<[1], [0], [0], [1], [0, 0, 1, 1], [], []>, transpose_lhs_hint = false} : vector<512x512xbf16>, vector<512x64xbf16>, vector<512x64xf32> -> vector<512x64xf32>
    %mul3A_1380 = vector.broadcast %div3A_1377 : vector<512x1xf32> to vector<512x64xf32>
    %mul3A_1381 = arith.mulf %dot_general3A_1379, %mul3A_1380 : vector<512x64xf32>
    %convert_element_type3A_1382 = arith.truncf %mul3A_1381 : vector<512x64xf32> to vector<512x64xbf16>
    %concatenate3A_1383 = tpu.concatenate %convert_element_type3A_1214, %convert_element_type3A_1238, %convert_element_type3A_1262, %convert_element_type3A_1286, %convert_element_type3A_1310, %convert_element_type3A_1334, %convert_element_type3A_1358, %convert_element_type3A_1382 in 1 : vector<512x64xbf16>, vector<512x64xbf16>, vector<512x64xbf16>, vector<512x64xbf16>, vector<512x64xbf16>, vector<512x64xbf16>, vector<512x64xbf16>, vector<512x64xbf16> -> vector<512x512xbf16>
    %convert_element_type3A_1384 = arith.truncf %get3A_48 : vector<512x512xf32> to vector<512x512xbf16>
    %dot_general3A_1385 = arith.constant dense<0.000000e+00> : vector<512x512xf32>
    %dot_general3A_1386 = tpu.matmul %concatenate3A_1383, %convert_element_type3A_1384, %dot_general3A_1385 {dimension_numbers = #tpu.dot_dimension_numbers<[1], [0], [0], [1], [0, 0, 1, 1], [], []>, transpose_lhs_hint = false} : vector<512x512xbf16>, vector<512x512xbf16>, vector<512x512xf32> -> vector<512x512xf32>
    %add3A_1387 = vector.broadcast %get3A_51 : vector<1x512xf32> to vector<512x512xf32>
    %add3A_1388 = arith.addf %dot_general3A_1386, %add3A_1387 : vector<512x512xf32>
    %add3A_1389 = arith.addf %add3A_1168, %add3A_1388 : vector<512x512xf32>
    %reduce_sum3A_1390 = arith.constant dense<0.000000e+00> : vector<512xf32>
    %reduce_sum3A_1391 = vector.multi_reduction <add>, %add3A_1389, %reduce_sum3A_1390 [1] : vector<512x512xf32> to vector<512xf32>
    %broadcast_in_dim3A_1392 = vector.shape_cast %reduce_sum3A_1391 : vector<512xf32> to vector<512x1xf32>
    %div3A_1393 = arith.constant 5.120000e+02 : f32
    %div3A_1394 = vector.broadcast %div3A_1393 : f32 to vector<512x1xf32>
    %div3A_1395 = arith.divf %broadcast_in_dim3A_1392, %div3A_1394 : vector<512x1xf32>
    %sub3A_1396 = vector.broadcast %div3A_1395 : vector<512x1xf32> to vector<512x512xf32>
    %sub3A_1397 = arith.subf %add3A_1389, %sub3A_1396 : vector<512x512xf32>
    %integer_pow3A_1398 = arith.mulf %sub3A_1397, %sub3A_1397 : vector<512x512xf32>
    %reduce_sum3A_1399 = arith.constant dense<0.000000e+00> : vector<512xf32>
    %reduce_sum3A_1400 = vector.multi_reduction <add>, %integer_pow3A_1398, %reduce_sum3A_1399 [1] : vector<512x512xf32> to vector<512xf32>
    %broadcast_in_dim3A_1401 = vector.shape_cast %reduce_sum3A_1400 : vector<512xf32> to vector<512x1xf32>
    %div3A_1402 = arith.constant 5.120000e+02 : f32
    %div3A_1403 = vector.broadcast %div3A_1402 : f32 to vector<512x1xf32>
    %div3A_1404 = arith.divf %broadcast_in_dim3A_1401, %div3A_1403 : vector<512x1xf32>
    %sub3A_1405 = vector.broadcast %div3A_1395 : vector<512x1xf32> to vector<512x512xf32>
    %sub3A_1406 = arith.subf %add3A_1389, %sub3A_1405 : vector<512x512xf32>
    %add3A_1407 = arith.constant 9.99999974E-6 : f32
    %add3A_1408 = vector.broadcast %add3A_1407 : f32 to vector<512x1xf32>
    %add3A_1409 = arith.addf %div3A_1404, %add3A_1408 : vector<512x1xf32>
    %sqrt3A_1410 = math.sqrt %add3A_1409 : vector<512x1xf32>
    %div3A_1411 = vector.broadcast %sqrt3A_1410 : vector<512x1xf32> to vector<512x512xf32>
    %div3A_1412 = arith.divf %sub3A_1406, %div3A_1411 : vector<512x512xf32>
    %mul3A_1413 = vector.broadcast %get3A_72 : vector<1x512xf32> to vector<512x512xf32>
    %mul3A_1414 = arith.mulf %div3A_1412, %mul3A_1413 : vector<512x512xf32>
    %add3A_1415 = vector.broadcast %get3A_75 : vector<1x512xf32> to vector<512x512xf32>
    %add3A_1416 = arith.addf %mul3A_1414, %add3A_1415 : vector<512x512xf32>
    %convert_element_type3A_1417 = arith.truncf %add3A_1416 : vector<512x512xf32> to vector<512x512xbf16>
    %convert_element_type3A_1418 = arith.truncf %get3A_54 : vector<512x2048xf32> to vector<512x2048xbf16>
    %dot_general3A_1419 = arith.constant dense<0.000000e+00> : vector<512x2048xf32>
    %dot_general3A_1420 = tpu.matmul %convert_element_type3A_1417, %convert_element_type3A_1418, %dot_general3A_1419 {dimension_numbers = #tpu.dot_dimension_numbers<[1], [0], [0], [1], [0, 0, 1, 1], [], []>, transpose_lhs_hint = false} : vector<512x512xbf16>, vector<512x2048xbf16>, vector<512x2048xf32> -> vector<512x2048xf32>
    %add3A_1421 = vector.broadcast %get3A_57 : vector<1x2048xf32> to vector<512x2048xf32>
    %add3A_1422 = arith.addf %dot_general3A_1420, %add3A_1421 : vector<512x2048xf32>
    %max3A = arith.constant 0.000000e+00 : f32
    %max3A_1423 = vector.broadcast %max3A : f32 to vector<512x2048xf32>
    %max3A_1424 = arith.maximumf %add3A_1422, %max3A_1423 : vector<512x2048xf32>
    %convert_element_type3A_1425 = arith.truncf %max3A_1424 : vector<512x2048xf32> to vector<512x2048xbf16>
    %convert_element_type3A_1426 = arith.truncf %get3A_60 : vector<2048x512xf32> to vector<2048x512xbf16>
    %dot_general3A_1427 = arith.constant dense<0.000000e+00> : vector<512x512xf32>
    %dot_general3A_1428 = tpu.matmul %convert_element_type3A_1425, %convert_element_type3A_1426, %dot_general3A_1427 {dimension_numbers = #tpu.dot_dimension_numbers<[1], [0], [0], [1], [0, 0, 1, 1], [], []>, transpose_lhs_hint = false} : vector<512x2048xbf16>, vector<2048x512xbf16>, vector<512x512xf32> -> vector<512x512xf32>
    %add3A_1429 = vector.broadcast %get3A_63 : vector<1x512xf32> to vector<512x512xf32>
    %add3A_1430 = arith.addf %dot_general3A_1428, %add3A_1429 : vector<512x512xf32>
    %add3A_1431 = arith.addf %add3A_1416, %add3A_1430 : vector<512x512xf32>
    %reduce_sum3A_1432 = arith.constant dense<0.000000e+00> : vector<512xf32>
    %reduce_sum3A_1433 = vector.multi_reduction <add>, %add3A_1431, %reduce_sum3A_1432 [1] : vector<512x512xf32> to vector<512xf32>
    %broadcast_in_dim3A_1434 = vector.shape_cast %reduce_sum3A_1433 : vector<512xf32> to vector<512x1xf32>
    %div3A_1435 = arith.constant 5.120000e+02 : f32
    %div3A_1436 = vector.broadcast %div3A_1435 : f32 to vector<512x1xf32>
    %div3A_1437 = arith.divf %broadcast_in_dim3A_1434, %div3A_1436 : vector<512x1xf32>
    %sub3A_1438 = vector.broadcast %div3A_1437 : vector<512x1xf32> to vector<512x512xf32>
    %sub3A_1439 = arith.subf %add3A_1431, %sub3A_1438 : vector<512x512xf32>
    %integer_pow3A_1440 = arith.mulf %sub3A_1439, %sub3A_1439 : vector<512x512xf32>
    %reduce_sum3A_1441 = arith.constant dense<0.000000e+00> : vector<512xf32>
    %reduce_sum3A_1442 = vector.multi_reduction <add>, %integer_pow3A_1440, %reduce_sum3A_1441 [1] : vector<512x512xf32> to vector<512xf32>
    %broadcast_in_dim3A_1443 = vector.shape_cast %reduce_sum3A_1442 : vector<512xf32> to vector<512x1xf32>
    %div3A_1444 = arith.constant 5.120000e+02 : f32
    %div3A_1445 = vector.broadcast %div3A_1444 : f32 to vector<512x1xf32>
    %div3A_1446 = arith.divf %broadcast_in_dim3A_1443, %div3A_1445 : vector<512x1xf32>
    %sub3A_1447 = vector.broadcast %div3A_1437 : vector<512x1xf32> to vector<512x512xf32>
    %sub3A_1448 = arith.subf %add3A_1431, %sub3A_1447 : vector<512x512xf32>
    %add3A_1449 = arith.constant 9.99999974E-6 : f32
    %add3A_1450 = vector.broadcast %add3A_1449 : f32 to vector<512x1xf32>
    %add3A_1451 = arith.addf %div3A_1446, %add3A_1450 : vector<512x1xf32>
    %sqrt3A_1452 = math.sqrt %add3A_1451 : vector<512x1xf32>
    %div3A_1453 = vector.broadcast %sqrt3A_1452 : vector<512x1xf32> to vector<512x512xf32>
    %div3A_1454 = arith.divf %sub3A_1448, %div3A_1453 : vector<512x512xf32>
    %mul3A_1455 = vector.broadcast %get3A_78 : vector<1x512xf32> to vector<512x512xf32>
    %mul3A_1456 = arith.mulf %div3A_1454, %mul3A_1455 : vector<512x512xf32>
    %add3A_1457 = vector.broadcast %get3A_81 : vector<1x512xf32> to vector<512x512xf32>
    %add3A_1458 = arith.addf %mul3A_1456, %add3A_1457 : vector<512x512xf32>
    %convert_element_type3A_1459 = arith.truncf %add3A_1458 : vector<512x512xf32> to vector<512x512xbf16>
    %swap3A = arith.constant 0 : index
    %swap3A_1460 = arith.constant 0 : index
    %swap3A_1461 = arith.constant 0 : index
    %swap3A_1462 = vector.load %arg28[%swap3A, %swap3A_1460, %swap3A_1461] : memref<1x512x512xbf16, #tpu.memory_space<vmem>>, vector<1x512x512xbf16>
    %swap3A_1463 = vector.shape_cast %swap3A_1462 : vector<1x512x512xbf16> to vector<512x512xbf16>
    %swap3A_1464 = vector.shape_cast %convert_element_type3A_1459 : vector<512x512xbf16> to vector<1x512x512xbf16>
    tpu.vector_store %arg28[%swap3A, %swap3A_1460, %swap3A_1461], %swap3A_1464 {strides = array<i32>} : memref<1x512x512xbf16, #tpu.memory_space<vmem>>, vector<1x512x512xbf16>,
    return
  }
  func.func @transform_0(%arg0: i32) -> (i32, i32, i32) {
    %c0_i32 = arith.constant 0 : i32
    %c0_i32_0 = arith.constant 0 : i32
    %c0_i32_1 = arith.constant 0 : i32
    return %arg0, %c0_i32, %c0_i32_0 : i32, i32, i32
  }
  func.func @transform_1(%arg0: i32) -> (i32, i32) {
    %c0_i32 = arith.constant 0 : i32
    %c0_i32_0 = arith.constant 0 : i32
    %c0_i32_1 = arith.constant 0 : i32
    return %c0_i32, %c0_i32_0 : i32, i32
  }
  func.func @transform_2(%arg0: i32) -> (i32, i32) {
    %c0_i32 = arith.constant 0 : i32
    %c0_i32_0 = arith.constant 0 : i32
    %c0_i32_1 = arith.constant 0 : i32
    return %c0_i32, %c0_i32_0 : i32, i32
  }
  func.func @transform_3(%arg0: i32) -> (i32, i32) {
    %c0_i32 = arith.constant 0 : i32
    %c0_i32_0 = arith.constant 0 : i32
    %c0_i32_1 = arith.constant 0 : i32
    return %c0_i32, %c0_i32_0 : i32, i32
  }
  func.func @transform_4(%arg0: i32) -> (i32, i32) {
    %c0_i32 = arith.constant 0 : i32
    %c0_i32_0 = arith.constant 0 : i32
    %c0_i32_1 = arith.constant 0 : i32
    return %c0_i32, %c0_i32_0 : i32, i32
  }
  func.func @transform_5(%arg0: i32) -> (i32, i32) {
    %c0_i32 = arith.constant 0 : i32
    %c0_i32_0 = arith.constant 0 : i32
    %c0_i32_1 = arith.constant 0 : i32
    return %c0_i32, %c0_i32_0 : i32, i32
  }
  func.func @transform_6(%arg0: i32) -> (i32, i32) {
    %c0_i32 = arith.constant 0 : i32
    %c0_i32_0 = arith.constant 0 : i32
    %c0_i32_1 = arith.constant 0 : i32
    return %c0_i32, %c0_i32_0 : i32, i32
  }
  func.func @transform_7(%arg0: i32) -> (i32, i32) {
    %c0_i32 = arith.constant 0 : i32
    %c0_i32_0 = arith.constant 0 : i32
    %c0_i32_1 = arith.constant 0 : i32
    return %c0_i32, %c0_i32_0 : i32, i32
  }
  func.func @transform_8(%arg0: i32) -> (i32, i32) {
    %c0_i32 = arith.constant 0 : i32
    %c0_i32_0 = arith.constant 0 : i32
    %c0_i32_1 = arith.constant 0 : i32
    return %c0_i32, %c0_i32_0 : i32, i32
  }
  func.func @transform_9(%arg0: i32) -> (i32, i32) {
    %c0_i32 = arith.constant 0 : i32
    %c0_i32_0 = arith.constant 0 : i32
    %c0_i32_1 = arith.constant 0 : i32
    return %c0_i32, %c0_i32_0 : i32, i32
  }
  func.func @transform_10(%arg0: i32) -> (i32, i32) {
    %c0_i32 = arith.constant 0 : i32
    %c0_i32_0 = arith.constant 0 : i32
    %c0_i32_1 = arith.constant 0 : i32
    return %c0_i32, %c0_i32_0 : i32, i32
  }
  func.func @transform_11(%arg0: i32) -> (i32, i32) {
    %c0_i32 = arith.constant 0 : i32
    %c0_i32_0 = arith.constant 0 : i32
    %c0_i32_1 = arith.constant 0 : i32
    return %c0_i32, %c0_i32_0 : i32, i32
  }
  func.func @transform_12(%arg0: i32) -> (i32, i32) {
    %c0_i32 = arith.constant 0 : i32
    %c0_i32_0 = arith.constant 0 : i32
    %c0_i32_1 = arith.constant 0 : i32
    return %c0_i32, %c0_i32_0 : i32, i32
  }
  func.func @transform_13(%arg0: i32) -> (i32, i32) {
    %c0_i32 = arith.constant 0 : i32
    %c0_i32_0 = arith.constant 0 : i32
    %c0_i32_1 = arith.constant 0 : i32
    return %c0_i32, %c0_i32_0 : i32, i32
  }
  func.func @transform_14(%arg0: i32) -> (i32, i32) {
    %c0_i32 = arith.constant 0 : i32
    %c0_i32_0 = arith.constant 0 : i32
    %c0_i32_1 = arith.constant 0 : i32
    return %c0_i32, %c0_i32_0 : i32, i32
  }
  func.func @transform_15(%arg0: i32) -> (i32, i32) {
    %c0_i32 = arith.constant 0 : i32
    %c0_i32_0 = arith.constant 0 : i32
    %c0_i32_1 = arith.constant 0 : i32
    return %c0_i32, %c0_i32_0 : i32, i32
  }
  func.func @transform_16(%arg0: i32) -> (i32, i32) {
    %c0_i32 = arith.constant 0 : i32
    %c0_i32_0 = arith.constant 0 : i32
    %c0_i32_1 = arith.constant 0 : i32
    return %c0_i32, %c0_i32_0 : i32, i32
  }
  func.func @transform_17(%arg0: i32) -> (i32, i32) {
    %c0_i32 = arith.constant 0 : i32
    %c0_i32_0 = arith.constant 0 : i32
    %c0_i32_1 = arith.constant 0 : i32
    return %c0_i32, %c0_i32_0 : i32, i32
  }
  func.func @transform_18(%arg0: i32) -> (i32, i32) {
    %c0_i32 = arith.constant 0 : i32
    %c0_i32_0 = arith.constant 0 : i32
    %c0_i32_1 = arith.constant 0 : i32
    return %c0_i32, %c0_i32_0 : i32, i32
  }
  func.func @transform_19(%arg0: i32) -> (i32, i32) {
    %c0_i32 = arith.constant 0 : i32
    %c0_i32_0 = arith.constant 0 : i32
    %c0_i32_1 = arith.constant 0 : i32
    return %c0_i32, %c0_i32_0 : i32, i32
  }
  func.func @transform_20(%arg0: i32) -> (i32, i32) {
    %c0_i32 = arith.constant 0 : i32
    %c0_i32_0 = arith.constant 0 : i32
    %c0_i32_1 = arith.constant 0 : i32
    return %c0_i32, %c0_i32_0 : i32, i32
  }
  func.func @transform_21(%arg0: i32) -> (i32, i32) {
    %c0_i32 = arith.constant 0 : i32
    %c0_i32_0 = arith.constant 0 : i32
    %c0_i32_1 = arith.constant 0 : i32
    return %c0_i32, %c0_i32_0 : i32, i32
  }
  func.func @transform_22(%arg0: i32) -> (i32, i32) {
    %c0_i32 = arith.constant 0 : i32
    %c0_i32_0 = arith.constant 0 : i32
    %c0_i32_1 = arith.constant 0 : i32
    return %c0_i32, %c0_i32_0 : i32, i32
  }
  func.func @transform_23(%arg0: i32) -> (i32, i32) {
    %c0_i32 = arith.constant 0 : i32
    %c0_i32_0 = arith.constant 0 : i32
    %c0_i32_1 = arith.constant 0 : i32
    return %c0_i32, %c0_i32_0 : i32, i32
  }
  func.func @transform_24(%arg0: i32) -> (i32, i32) {
    %c0_i32 = arith.constant 0 : i32
    %c0_i32_0 = arith.constant 0 : i32
    %c0_i32_1 = arith.constant 0 : i32
    return %c0_i32, %c0_i32_0 : i32, i32
  }
  func.func @transform_25(%arg0: i32) -> (i32, i32) {
    %c0_i32 = arith.constant 0 : i32
    %c0_i32_0 = arith.constant 0 : i32
    %c0_i32_1 = arith.constant 0 : i32
    return %c0_i32, %c0_i32_0 : i32, i32
  }
  func.func @transform_26(%arg0: i32) -> (i32, i32) {
    %c0_i32 = arith.constant 0 : i32
    %c0_i32_0 = arith.constant 0 : i32
    %c0_i32_1 = arith.constant 0 : i32
    return %c0_i32, %c0_i32_0 : i32, i32
  }
  func.func @transform_27(%arg0: i32) -> (i32, i32, i32) {
    %c0_i32 = arith.constant 0 : i32
    %c0_i32_0 = arith.constant 0 : i32
    %c0_i32_1 = arith.constant 0 : i32
    return %arg0, %c0_i32, %c0_i32_0 : i32, i32, i32
  }
}

module attributes {stable_mosaic.version = 14 : i64} {
  func.func @_lmhead_kernel(%arg0: i32, %arg1: memref<2048x512xbf16, #tpu.memory_space<vmem>>, %arg2: memref<512x1280xf32, #tpu.memory_space<vmem>>, %arg3: memref<1x1280xf32, #tpu.memory_space<vmem>>, %arg4: memref<2048x1280xf32, #tpu.memory_space<vmem>>) attributes {dimension_semantics = [#tpu.dimension_semantics<arbitrary>], iteration_bounds = array<i64: 25>, scalar_prefetch = 0 : i64, scratch_operands = 0 : i64, tpu.core_type = #tpu.core_type<tc>, window_params = [{pipeline_mode = #tpu.pipeline_mode<synchronous>, transform_indices = @transform_0, window_bounds = array<i64: 2048, 512>}, {transform_indices = @transform_1, window_bounds = array<i64: 512, 1280>}, {transform_indices = @transform_2, window_bounds = array<i64: 1, 1280>}, {transform_indices = @transform_3, window_bounds = array<i64: 2048, 1280>}]} {
    %get3A = arith.constant 0 : index
    %get3A_0 = arith.constant 0 : index
    %get3A_1 = vector.load %arg1[%get3A, %get3A_0] : memref<2048x512xbf16, #tpu.memory_space<vmem>>, vector<2048x512xbf16>
    %get3A_2 = arith.constant 0 : index
    %get3A_3 = arith.constant 0 : index
    %get3A_4 = vector.load %arg2[%get3A_2, %get3A_3] : memref<512x1280xf32, #tpu.memory_space<vmem>>, vector<512x1280xf32>
    %convert_element_type3A = arith.truncf %get3A_4 : vector<512x1280xf32> to vector<512x1280xbf16>
    %dot_general3A = arith.constant dense<0.000000e+00> : vector<2048x1280xf32>
    %dot_general3A_5 = tpu.matmul %get3A_1, %convert_element_type3A, %dot_general3A {dimension_numbers = #tpu.dot_dimension_numbers<[1], [0], [0], [1], [0, 0, 1, 1], [], []>, transpose_lhs_hint = false} : vector<2048x512xbf16>, vector<512x1280xbf16>, vector<2048x1280xf32> -> vector<2048x1280xf32>
    %get3A_6 = arith.constant 0 : index
    %get3A_7 = arith.constant 0 : index
    %get3A_8 = vector.load %arg3[%get3A_6, %get3A_7] : memref<1x1280xf32, #tpu.memory_space<vmem>>, vector<1x1280xf32>
    %add3A = vector.broadcast %get3A_8 : vector<1x1280xf32> to vector<2048x1280xf32>
    %add3A_9 = arith.addf %dot_general3A_5, %add3A : vector<2048x1280xf32>
    %swap3A = arith.constant 0 : index
    %swap3A_10 = arith.constant 0 : index
    %swap3A_11 = vector.load %arg4[%swap3A, %swap3A_10] : memref<2048x1280xf32, #tpu.memory_space<vmem>>, vector<2048x1280xf32>
    tpu.vector_store %arg4[%swap3A, %swap3A_10], %add3A_9 {strides = array<i32>} : memref<2048x1280xf32, #tpu.memory_space<vmem>>, vector<2048x1280xf32>,
    return
  }
  func.func @transform_0(%arg0: i32) -> (i32, i32) {
    %c0_i32 = arith.constant 0 : i32
    %c0_i32_0 = arith.constant 0 : i32
    %c0_i32_1 = arith.constant 0 : i32
    return %c0_i32, %c0_i32_0 : i32, i32
  }
  func.func @transform_1(%arg0: i32) -> (i32, i32) {
    %c0_i32 = arith.constant 0 : i32
    %c0_i32_0 = arith.constant 0 : i32
    return %c0_i32, %arg0 : i32, i32
  }
  func.func @transform_2(%arg0: i32) -> (i32, i32) {
    %c0_i32 = arith.constant 0 : i32
    %c0_i32_0 = arith.constant 0 : i32
    return %c0_i32, %arg0 : i32, i32
  }
  func.func @transform_3(%arg0: i32) -> (i32, i32) {
    %c0_i32 = arith.constant 0 : i32
    %c0_i32_0 = arith.constant 0 : i32
    return %c0_i32, %arg0 : i32, i32
  }
}

</mosaic_0001>

<sc_bundles>
// kernel: kernel.11.cloned.1.call-start
scs
__scs_entry_jumppad:
0x0: {  	(pc) =	sbr.rel $0x88, $3  }
0x1: {  	(tag) =	ssettag $0x0;
	lr =	simm.s32 $0x1  }
0x2: {  	[smem:$0x3EF5] =	sst lr;
	_ =	strace $0xD0000000  }
0x3: {  	_ = 	snop  }
0x4: {  	_ = 	snop  }
0x5: {  	_ = 	snop  }
0x6: {  	_ = 	snop  }
0x7: {  	_ = 	snop  }
__scs_overlays_trampoline_lowered:
0x8: {  	[smem:$0x3F04] =	sst s0  }
0x9: {  	[smem:$0x3F05] =	sst s1  }
0xa: {  	[smem:$0x3F06] =	sst s2  }
0xb: {  	[smem:$0x3F07] =	sst s3  }
0xc: {  	[smem:$0x3F08] =	sst s4  }
0xd: {  	[smem:$0x3F09] =	sst s5  }
0xe: {  	[smem:$0x3F0A] =	sst s6  }
0xf: {  	[smem:$0x3F0B] =	sst s7  }
0x10: {  	[smem:$0x3F0C] =	sst s8  }
0x11: {  	[smem:$0x3F0D] =	sst s9;
	s0 =	simm.s32 @!p0 $0x0  }
0x12: {  	s1 =	sld [smem:$0x3EF3];
	s0 =	simm.s32 @p0 $0x1  }
0x13: {  	[smem:$0x3F0E] =	sst s0;
	s0 =	simm.s32 @!p1 $0x0  }
0x14: {  	s2 =	sld [smem:$0x3EF2];
	s0 =	simm.s32 @p1 $0x1  }
0x15: {  	[smem:$0x3F0F] =	sst s0;
	s0 =	simm.s32 @!p2 $0x0  }
0x16: {  	s3 =	sld [smem:$0x3FDB];
	s0 =	simm.s32 @p2 $0x1  }
0x17: {  	s4 =	simm.s32 $0x1BF5;
	[smem:$0x3F11] =	sst s0  }
0x18: {  	s0 =	sld [smem:$0x3EF4];
	_ =	swait.ge [sflag:s4], $0x0  }
0x19: {  	s7 =	sld [smem:$0x3EF5]  }
0x1a: {  	s8 =	sadd.s32 $0xFFFFE003, lr  }
0x1b: {  	s9 =	sadd.s32 $0xFFFFFEF7, lr;
	s5 =	simm.s32 $0xFFFFFFFF;
	p2 =	slt.u32 s8, $0xFFFFF086  }
0x1c: {  	p1 =	slt.u32 s9, $0xF7A;
	s5 =	simm.s32 @!p2 $0x0  }
0x1d: {  	s5 =	simm.s32 @p1 $0x1;
	p0 =	seq.s32 s7, s2  }
0x1e: {  	s7 =	smul.u32 @!p0 $0xF7A, s2;
	p2 =	seq.s32 @!p0 s5, $0x0  }
0x1f: {  	s9 =	smul.u32 $0xF7A, s1;
	s8 =	simm.s32 @!p0 $0x1BF5;
	p2 =	por !p2, p0  }
0x20: {  	[sflag:s8] =	ssyncset.s32 @!p0 $0xFFFFF086;
	s6 =	sadd.s32 @!p0 s3, s7;
	s7 =	simm.s32 @!p0 $0x108  }
0x21: {  	s3 =	sadd.s32 s3, s9;
	s6 =	sadd.s32 @!p0 $0x88, s6;
	s7 =	simm.s32 @p2 $0x1082  }
0x22: {  	[simem:s7], [sflag:s8] =	dma.local @!p0 [hbm:s6], $0xF7A  }
0x23: {  	s9 =	sor.u32 $0xD0000000, s2;
	s6 =	simm.s32 $0x108;
	_ =	swait.ge @!p0 [sflag:s8], $0x0  }
0x24: {  	s3 =	sadd.s32 $0x88, s3;
	s6 =	simm.s32 @!p1 $0x1082;
	[sflag:s4] =	ssyncset.s32 $0xFFFFF086  }
0x25: {  	[simem:s6], [sflag:s4] =	dma.local [hbm:s3], $0xF7A  }
0x26: {  	[smem:$0x3EF5] =	sst s1;
	(tag) =	ssettag s2;
	_ =	strace s9  }
0x27: {  	s1 =	sld [smem:$0x3F05]  }
0x28: {  	s2 =	sld [smem:$0x3F06]  }
0x29: {  	s4 =	sld [smem:$0x3F08]  }
0x2a: {  	p0 =	seq.s32 s5, $0x0;
	s5 =	sld [smem:$0x3F09]  }
0x2b: {  	s6 =	sld [smem:$0x3F0A]  }
0x2c: {  	s7 =	sld [smem:$0x3F0B]  }
0x2d: {  	s3 =	simm.s32 $0x108;
	s8 =	sld [smem:$0x3F0C]  }
0x2e: {  	s3 =	simm.s32 @!p0 $0x1082;
	s9 =	sld [smem:$0x3F0D]  }
0x2f: {  	lr =	sadd.s32 s0, s3;
	s0 =	sld [smem:$0x3F04]  }
0x30: {  	s3 =	sld [smem:$0x3F07]  }
0x31: {  	[smem:$0x3F10] =	sst s10  }
0x32: {  	s10 =	sld [smem:$0x3F0E];
	_ =	sdelay $0x3  }
0x33: {  	p0 =	seq.s32 s10, $0x1;
	s10 =	sld [smem:$0x3F10];
	_ =	sdelay $0x3  }
0x34: {  	[smem:$0x3F10] =	sst s10  }
0x35: {  	s10 =	sld [smem:$0x3F0F];
	_ =	sdelay $0x3  }
0x36: {  	p1 =	seq.s32 s10, $0x1;
	s10 =	sld [smem:$0x3F10];
	_ =	sdelay $0x3  }
0x37: {  	[smem:$0x3F10] =	sst s10  }
0x38: {  	s10 =	sld [smem:$0x3F11]  }
0x39: {  	_ = 	snop;
	(pc) =	sbr.ind lr, $3  }
0x3a: {  	_ = 	snop  }
0x3b: {  	_ = 	snop  }
0x3c: {  	p2 =	seq.s32 s10, $0x1;
	s10 =	sld [smem:$0x3F10]  }
0x3d: {  	_ =	shalt  }
0x3e: {  	_ =	shalt  }
0x3f: {  	_ =	shalt  }
0x40: {  	_ =	shalt  }
0x41: {  	_ =	shalt  }
0x42: {  	_ =	shalt  }
0x43: {  	_ =	shalt  }
0x44: {  	_ =	shalt  }
0x45: {  	_ =	shalt  }
0x46: {  	_ =	shalt  }
0x47: {  	_ =	shalt  }
0x48: {  	_ =	shalt  }
0x49: {  	_ =	shalt  }
0x4a: {  	_ =	shalt  }
0x4b: {  	_ =	shalt  }
0x4c: {  	_ =	shalt  }
0x4d: {  	_ =	shalt  }
0x4e: {  	_ =	shalt  }
0x4f: {  	_ =	shalt  }
0x50: {  	_ =	shalt  }
0x51: {  	_ =	shalt  }
0x52: {  	_ =	shalt  }
0x53: {  	_ =	shalt  }
0x54: {  	_ =	shalt  }
0x55: {  	_ =	shalt  }
0x56: {  	_ =	shalt  }
0x57: {  	_ =	shalt  }
0x58: {  	_ =	shalt  }
0x59: {  	_ =	shalt  }
0x5a: {  	_ =	shalt  }
0x5b: {  	_ =	shalt  }
0x5c: {  	_ =	shalt  }
0x5d: {  	_ =	shalt  }
0x5e: {  	_ =	shalt  }
0x5f: {  	_ =	shalt  }
0x60: {  	_ =	shalt  }
0x61: {  	_ =	shalt  }
0x62: {  	_ =	shalt  }
0x63: {  	_ =	shalt  }
0x64: {  	_ =	shalt  }
0x65: {  	_ =	shalt  }
0x66: {  	_ =	shalt  }
0x67: {  	_ =	shalt  }
0x68: {  	_ =	shalt  }
0x69: {  	_ =	shalt  }
0x6a: {  	_ =	shalt  }
0x6b: {  	_ =	shalt  }
0x6c: {  	_ =	shalt  }
0x6d: {  	_ =	shalt  }
0x6e: {  	_ =	shalt  }
0x6f: {  	_ =	shalt  }
0x70: {  	_ =	shalt  }
0x71: {  	_ =	shalt  }
0x72: {  	_ =	shalt  }
0x73: {  	_ =	shalt  }
0x74: {  	_ =	shalt  }
0x75: {  	_ =	shalt  }
0x76: {  	_ =	shalt  }
0x77: {  	_ =	shalt  }
0x78: {  	_ =	shalt  }
0x79: {  	_ =	shalt  }
0x7a: {  	_ =	shalt  }
0x7b: {  	_ =	shalt  }
0x7c: {  	_ =	shalt  }
0x7d: {  	_ =	shalt  }
0x7e: {  	_ =	shalt  }
0x7f: {  	_ =	shalt  }
0x80: {  	_ =	shalt  }
0x81: {  	_ =	shalt  }
0x82: {  	_ =	shalt  }
0x83: {  	_ =	shalt  }
0x84: {  	_ =	shalt  }
0x85: {  	_ =	shalt  }
0x86: {  	_ =	shalt  }
0x87: {  	_ =	shalt  }
.Lfunc_end0:
.L_simem_size_0:
called_computation_lowered:
.L_overlay_start_0:
0x88: {  	s2 =	sld [smem:$0x3FD9]  }
0x89: {  	s3 =	sld [smem:$0x3FFE];
	_ =	sdelay $0x1  }
0x8a: {  	s1 =	srdreg.scid  }
0x8b: {  	s0 =	sand.u32 $0x1, s1  }
0x8c: {  	s14 =	sshll.u32 s0, $0xA;
	s2 =	sadd.s32 s3, s2  }
0x8d: {  	s2 =	sadd.s32 s2, s14  }
0x8e: {  	[smem:$0x3F1C] =	sst s2  }
0x8f: {  	_ = 	snop  }
0x90: {  	s2 =	sld [smem:$0x3FD0];
	_ =	sdelay $0x2  }
0x91: {  	s15 =	simm.s32 $0xA;
	s4 =	simm.s32 $0x10  }
0x92: {  	[smem:s4], [sflag:s15] =	dma.local [hbm:s2], $0x1  }
0x93: {  	_ =	swait.eq [sflag:s15], $0x1  }
0x94: {  	[sflag:s15] =	ssyncset.done $0x0  }
0x95: {  	[sflag:s15] =	ssyncadd.s32 $0xFFFFFFFF  }
0x96: {  	s16 =	sld [smem:$0x10];
	(tm) =	ssettm $0x1  }
0x97: {  	s17 =	sld [smem:$0x3FFB];
	_ =	sdelay $0x3  }
0x98: {  	_ =	strace s17  }
0x99: {  	s3 =	sld [smem:$0x3FFC];
	_ =	sdelay $0x3  }
0x9a: {  	_ =	strace s3  }
0x9b: {  	s3 =	sld [smem:$0x3FFD];
	_ =	sdelay $0x3  }
0x9c: {  	_ =	strace s3  }
0x9d: {  	_ =	strace $0x8FFFFFFF  }
0x9e: {  	s18 =	sld [smem:$0x3FDB];
	_ =	sdelay $0x1  }
0x9f: {  	s19 =	simm.s32 $_scs_section_size  }
0xa0: {  	s5 =	simm.s32 $_size__tile_overlayer_lowered;
	s6 =	simm.s32 $_tile_overlayer_lowered  }
0xa1: {  	s22 =	simm.s32 $0x1BFF;
	s21 =	sshll.u32 s6, $0x1;
	s3 =	sadd.s32 s19, s18  }
0xa2: {  	s7 =	simm.s32 $0x0;
	s20 =	sshll.u32 s5, $0x1;
	s5 =	sadd.s32 s21, s3  }
0xa3: {  	[timem:s7], [sflag:s22] =	dma.local [hbm:s5], s20  }
0xa4: {  	_ =	swait.ge [sflag:s22], s20  }
0xa5: {  	s4 =	ssub.s32 $0x0, s20;
	[sflag:s22] =	ssyncset.done $0x0  }
0xa6: {  	[sflag:s22] =	ssyncadd.s32 s4;
	_ =	sdelay $0x1  }
0xa7: {  	s23 =	simm.s32 $0x1B8B  }
0xa8: {  	_ =	swait.ge [sflag:s23], $0x1  }
0xa9: {  	[sflag:s23] =	ssyncset.done $0x0  }
0xaa: {  	s25 =	simm.s32 $0x1B8E;
	s24 =	sld [smem:$0x3FFE];
	[sflag:s23] =	ssyncadd.s32 $0xFFFFFFFF  }
0xab: {  	s26 =	simm.s32 $execute0_lowered;
	[smem:$0x3FD2] =	sst s25  }
0xac: {  	s5 =	sshll.u32 s26, $0x1;
	_ =	strace $0x80000046;
	[dreg:$0x1] =	wrdreg $0xFFFFFFFF  }
0xad: {  	s28 =	simm.s32 $_size_execute0_lowered;
	s3 =	sadd.s32 s3, s5;
	[dreg:$0x0] =	wrdreg $0x0  }
0xae: {  	s5 =	sshll.u32 s28, $0x1;
	[dreg:$0x2] =	wrdreg s3  }
0xaf: {  	[dreg:$0x3] =	wrdreg s5  }
0xb0: {  	[dreg:$0x4] =	wrdreg $0xC0  }
0xb1: {  	_ =	task [dreg:s7], $0x5FFFF  }
0xb2: {  	[dreg:$0x1] =	wrdreg $0xFFFFFFFF  }
0xb3: {  	[dreg:$0x0] =	wrdreg $0x60  }
0xb4: {  	[dreg:$0x2] =	wrdreg s16  }
0xb5: {  	[dreg:$0x3] =	wrdreg s24  }
0xb6: {  	[dreg:$0x4] =	wrdreg $0x9  }
0xb7: {  	_ =	task.clear_ibuf [dreg:s7], $0x5FFFF;
	_ =	strace $0x90000046  }
0xb8: {  	s29 =	simm.s32 $0x9;
	_ =	strace $0x8000004D  }
0xb9: {  	_ =	swait.ge [sflag:s29], $0x1  }
0xba: {  	[sflag:s29] =	ssyncadd.s32 $0xFFFFFFFF  }
0xbb: {  	_ =	strace $0x9000004D  }
0xbc: {  	_ =	sfence  }
0xbd: {  	s30 =	sld [smem:$0x0];
	_ =	sdelay $0x2  }
0xbe: {  	s31 =	sshll.u32 s1, $0xD;
	s1 =	sshrl.u32 s1, $0x2  }
0xbf: {  	s3 =	sand.u32 $0x4000, s31;
	s1 =	sadd.s32 s1, s30  }
0xc0: {  	s0 =	sor.u32 s3, s0;
	s1 =	sshll.u32 s1, $0x11  }
0xc1: {  	s0 =	sor.u32 s1, s0  }
0xc2: {  	s0 =	sadd.s32 $0x8F2B, s0  }
0xc3: {  	[sflag:s0] =	ssyncadd.remote.s32 $0x1  }
0xc4: {  	_ =	sfence.sel $0xFFFF  }
0xc5: {  	[dreg:$0x0] =	wrdreg $0xFFFFFFFF;
	(pc) =	sbr.abs _section_cstart, $3  }
0xc6: {  	[dreg:$0x1] =	wrdreg $0xFFFFFFFF  }
0xc7: {  	_ =	task.clear_ibuf [dreg:s7], $0x2FFFF;
	_ =	strace $0x9FFFFFFF  }
0xc8: {  	(tm) =	ssettm $0x7FFFFFFF  }
0xc9: {  	_ =	shalt  }
tec
execute0_lowered:
.L_overlay_start_1:
0x0: {  	(tag) =	ssettag $0x1  }
0x1: {  	s2 =	rddreg [dreg:$0x0]  }
0x2: {  	s4 =	rddreg [dreg:$0x1];
	s3 =	srdreg.scid  }
0x3: {  	s0 =	rddreg [dreg:$0x2];
	s1 =	stileid.u32  }
0x4: {  	s9 =	simm.s32 $0x900;
	s10 =	simm.s32 $0x1100;
	s11 =	simm.s32 $0x1900  }
0x5: {  	s12 =	simm.s32 $0x2100;
	s13 =	simm.s32 $0x2900;
	s14 =	simm.s32 $0x3100  }
0x6: {  	s15 =	simm.s32 $0x3900;
	s16 =	simm.s32 $0x4100;
	s17 =	simm.s32 $0x4900  }
0x7: {  	s18 =	simm.s32 $0x5100;
	s19 =	simm.s32 $0x5900;
	s20 =	simm.s32 $0x6100  }
0x8: {  	s21 =	simm.s32 $0x6900;
	s22 =	simm.s32 $0x7100;
	s23 =	simm.s32 $0x7900  }
0x9: {  	s24 =	simm.s32 $0x5;
	s25 =	simm.s32 $0x3;
	s5 =	sand.u32 $0x1, s3  }
0xa: {  	s3 =	simm.s32 $0x0;
	s7 =	sshll.u32 s1, $0x7;
	s6 =	sshll.u32 s5, $0xB  }
0xb: {  	[smem:$0x7FF] =	sst s3;
	s5 =	ssub.s32 $0x2, s5;
	s6 =	sor.u32 s7, s6  }
0xc: {  	_ =	strace $0x80000047;
	s7 =	sshrl.u32 s6, $0x3;
	s6 =	sshll.u32 s6, $0x5  }
0xd: {  	v2 =	vlaneseq.u32;
	s8 =	sshrl.u32 s5, $0x1;
	s7 =	sadd.s32 s7, s4;
	s6 =	sadd.s32 s6, s4  }
0xe: {  	vm0 =	vmmov $0xffff;
	v1 =	vshrl.u32 v2, $0x3;
	s8 =	ssub.s32 s5, s8;
	s4 =	sadd.s32 $0x14800, s7;
	s5 =	sadd.s32 $0x14A00, s6  }
0xf: {  	v0 =	vand.u32 $0x7, v2;
	v2 =	vor.u32 $0x8, v2;
	v1 =	vmul.u32 $0x8, v1;
	s6 =	smax.u32 s8, $0x1;
	s7 =	simm.s32 $0x1;
	s8 =	simm.s32 $0x100  }
.LBB2_1:
0x10: {  	_ =	strace $0x80000048  }
0x11: {  	[tilespmem:s3], [sflag:$0x1] =	stream.linear.gather [hbm4b:s4+s3], $0x80, $0x200038;
	[tilespmem:$0x10100] =	vst v63  }
0x12: {  	_ =	strace $0x90000048  }
0x13: {  	_ =	strace $0x80000049  }
0x14: {  	_ =	swait.ge [sflag:s7], $0x80  }
0x15: {  	[sflag:s7] =	ssyncset.done $0x0  }
0x16: {  	[sflag:s7] =	ssyncadd.s32 $0xFFFFFF80  }
0x17: {  	_ =	strace $0x90000049  }
0x18: {  	_ =	strace $0x8000004A  }
0x19: {  	v3 =	vld [tilespmem:$0x0];
	_ =	sdelay $0x4  }
0x1a: {  	v4 =	vshll.u32 v3, $0x1  }
0x1b: {  	v3 =	vand.u32 $0x7, v3;
	v4 =	vand.u32 $0xFFFFFFF0, v4  }
0x1c: {  	v3 =	vor.u32 v3, v4  }
0x1d: {  	v4 =	vperm.xlane v3, v0;
	_ =	sdelay $0x1  }
0x1e: {  	v3 =	vperm.xlane v3, v2;
	v4 =	vadd.s32 v1, v4;
	_ =	sdelay $0x1  }
0x1f: {  	v3 =	vadd.s32 v1, v3;
	_ =	sdelay $0x2  }
0x20: {  	[tilespmem:s8], [sflag:$0x5] =	stream.indirect_vreg.gather [hbm4b:s2+s3], $0x80, v4, vm0, $0x2000b8;
	[tilespmem:$0x10100] =	vst v63  }
0x21: {  	_ = 	snop  }
0x22: {  	[tilespmem:s9], [sflag:$0x5] =	stream.indirect_vreg.gather [hbm4b:s2+s3], $0x80, v3, vm0, $0x2000b8;
	[tilespmem:$0x10100] =	vst v63  }
0x23: {  	v3 =	vld [tilespmem:$0x10];
	_ =	sdelay $0x4  }
0x24: {  	v57 =	vshll.u32 v3, $0x1  }
0x25: {  	v3 =	vand.u32 $0x7, v3;
	v4 =	vand.u32 $0xFFFFFFF0, v57  }
0x26: {  	v3 =	vor.u32 v3, v4  }
0x27: {  	v4 =	vperm.xlane v3, v0;
	_ =	sdelay $0x1  }
0x28: {  	v3 =	vperm.xlane v3, v2;
	v4 =	vadd.s32 v1, v4;
	_ =	sdelay $0x1  }
0x29: {  	v3 =	vadd.s32 v1, v3;
	_ =	sdelay $0x2  }
0x2a: {  	[tilespmem:s10], [sflag:$0x5] =	stream.indirect_vreg.gather [hbm4b:s2+s3], $0x80, v4, vm0, $0x2000b8;
	[tilespmem:$0x10100] =	vst v63  }
0x2b: {  	_ = 	snop  }
0x2c: {  	[tilespmem:s11], [sflag:$0x5] =	stream.indirect_vreg.gather [hbm4b:s2+s3], $0x80, v3, vm0, $0x2000b8;
	[tilespmem:$0x10100] =	vst v63  }
0x2d: {  	v3 =	vld [tilespmem:$0x20];
	_ =	sdelay $0x4  }
0x2e: {  	v58 =	vshll.u32 v3, $0x1  }
0x2f: {  	v3 =	vand.u32 $0x7, v3;
	v4 =	vand.u32 $0xFFFFFFF0, v58  }
0x30: {  	v3 =	vor.u32 v3, v4  }
0x31: {  	v4 =	vperm.xlane v3, v0;
	_ =	sdelay $0x1  }
0x32: {  	v3 =	vperm.xlane v3, v2;
	v4 =	vadd.s32 v1, v4;
	_ =	sdelay $0x1  }
0x33: {  	v3 =	vadd.s32 v1, v3;
	_ =	sdelay $0x2  }
0x34: {  	[tilespmem:s12], [sflag:$0x5] =	stream.indirect_vreg.gather [hbm4b:s2+s3], $0x80, v4, vm0, $0x2000b8;
	[tilespmem:$0x10100] =	vst v63  }
0x35: {  	_ = 	snop  }
0x36: {  	[tilespmem:s13], [sflag:$0x5] =	stream.indirect_vreg.gather [hbm4b:s2+s3], $0x80, v3, vm0, $0x2000b8;
	[tilespmem:$0x10100] =	vst v63  }
0x37: {  	v3 =	vld [tilespmem:$0x30];
	_ =	sdelay $0x4  }
0x38: {  	v59 =	vshll.u32 v3, $0x1  }
0x39: {  	v3 =	vand.u32 $0x7, v3;
	v4 =	vand.u32 $0xFFFFFFF0, v59  }
0x3a: {  	v3 =	vor.u32 v3, v4  }
0x3b: {  	v4 =	vperm.xlane v3, v0;
	_ =	sdelay $0x1  }
0x3c: {  	v3 =	vperm.xlane v3, v2;
	v4 =	vadd.s32 v1, v4;
	_ =	sdelay $0x1  }
0x3d: {  	v3 =	vadd.s32 v1, v3;
	_ =	sdelay $0x2  }
0x3e: {  	[tilespmem:s14], [sflag:$0x5] =	stream.indirect_vreg.gather [hbm4b:s2+s3], $0x80, v4, vm0, $0x2000b8;
	[tilespmem:$0x10100] =	vst v63  }
0x3f: {  	_ = 	snop  }
0x40: {  	[tilespmem:s15], [sflag:$0x5] =	stream.indirect_vreg.gather [hbm4b:s2+s3], $0x80, v3, vm0, $0x2000b8;
	[tilespmem:$0x10100] =	vst v63  }
0x41: {  	v3 =	vld [tilespmem:$0x40];
	_ =	sdelay $0x4  }
0x42: {  	v60 =	vshll.u32 v3, $0x1  }
0x43: {  	v3 =	vand.u32 $0x7, v3;
	v4 =	vand.u32 $0xFFFFFFF0, v60  }
0x44: {  	v3 =	vor.u32 v3, v4  }
0x45: {  	v4 =	vperm.xlane v3, v0;
	_ =	sdelay $0x1  }
0x46: {  	v3 =	vperm.xlane v3, v2;
	v4 =	vadd.s32 v1, v4;
	_ =	sdelay $0x1  }
0x47: {  	v3 =	vadd.s32 v1, v3;
	_ =	sdelay $0x2  }
0x48: {  	[tilespmem:s16], [sflag:$0x5] =	stream.indirect_vreg.gather [hbm4b:s2+s3], $0x80, v4, vm0, $0x2000b8;
	[tilespmem:$0x10100] =	vst v63  }
0x49: {  	_ = 	snop  }
0x4a: {  	[tilespmem:s17], [sflag:$0x5] =	stream.indirect_vreg.gather [hbm4b:s2+s3], $0x80, v3, vm0, $0x2000b8;
	[tilespmem:$0x10100] =	vst v63  }
0x4b: {  	v3 =	vld [tilespmem:$0x50];
	_ =	sdelay $0x4  }
0x4c: {  	v61 =	vshll.u32 v3, $0x1  }
0x4d: {  	v3 =	vand.u32 $0x7, v3;
	v4 =	vand.u32 $0xFFFFFFF0, v61  }
0x4e: {  	v3 =	vor.u32 v3, v4  }
0x4f: {  	v4 =	vperm.xlane v3, v0;
	_ =	sdelay $0x1  }
0x50: {  	v3 =	vperm.xlane v3, v2;
	v4 =	vadd.s32 v1, v4;
	_ =	sdelay $0x1  }
0x51: {  	v3 =	vadd.s32 v1, v3;
	_ =	sdelay $0x2  }
0x52: {  	[tilespmem:s18], [sflag:$0x5] =	stream.indirect_vreg.gather [hbm4b:s2+s3], $0x80, v4, vm0, $0x2000b8;
	[tilespmem:$0x10100] =	vst v63  }
0x53: {  	_ = 	snop  }
0x54: {  	[tilespmem:s19], [sflag:$0x5] =	stream.indirect_vreg.gather [hbm4b:s2+s3], $0x80, v3, vm0, $0x2000b8;
	[tilespmem:$0x10100] =	vst v63  }
0x55: {  	v3 =	vld [tilespmem:$0x60];
	_ =	sdelay $0x4  }
0x56: {  	v62 =	vshll.u32 v3, $0x1  }
0x57: {  	v3 =	vand.u32 $0x7, v3;
	v4 =	vand.u32 $0xFFFFFFF0, v62  }
0x58: {  	v3 =	vor.u32 v3, v4  }
0x59: {  	v4 =	vperm.xlane v3, v0;
	_ =	sdelay $0x1  }
0x5a: {  	v3 =	vperm.xlane v3, v2;
	v4 =	vadd.s32 v1, v4;
	_ =	sdelay $0x1  }
0x5b: {  	v3 =	vadd.s32 v1, v3;
	_ =	sdelay $0x2  }
0x5c: {  	[tilespmem:s20], [sflag:$0x5] =	stream.indirect_vreg.gather [hbm4b:s2+s3], $0x80, v4, vm0, $0x2000b8;
	[tilespmem:$0x10100] =	vst v63  }
0x5d: {  	_ = 	snop  }
0x5e: {  	[tilespmem:s21], [sflag:$0x5] =	stream.indirect_vreg.gather [hbm4b:s2+s3], $0x80, v3, vm0, $0x2000b8;
	[tilespmem:$0x10100] =	vst v63  }
0x5f: {  	v3 =	vld [tilespmem:$0x70];
	_ =	sdelay $0x4  }
0x60: {  	v63 =	vshll.u32 v3, $0x1  }
0x61: {  	v3 =	vand.u32 $0x7, v3;
	v4 =	vand.u32 $0xFFFFFFF0, v63  }
0x62: {  	v3 =	vor.u32 v3, v4  }
0x63: {  	v4 =	vperm.xlane v3, v0;
	_ =	sdelay $0x1  }
0x64: {  	v3 =	vperm.xlane v3, v2;
	v4 =	vadd.s32 v1, v4;
	_ =	sdelay $0x1  }
0x65: {  	v3 =	vadd.s32 v1, v3;
	_ =	sdelay $0x2  }
0x66: {  	[tilespmem:s22], [sflag:$0x5] =	stream.indirect_vreg.gather [hbm4b:s2+s3], $0x80, v4, vm0, $0x2000b8;
	[tilespmem:$0x10100] =	vst v63  }
0x67: {  	_ = 	snop  }
0x68: {  	[tilespmem:s23], [sflag:$0x5] =	stream.indirect_vreg.gather [hbm4b:s2+s3], $0x80, v3, vm0, $0x2000b8;
	[tilespmem:$0x10100] =	vst v63  }
0x69: {  	_ =	swait.ge [sflag:s24], $0x8000  }
0x6a: {  	[sflag:s24] =	ssyncset.done $0x0  }
0x6b: {  	[sflag:s24] =	ssyncadd.s32 $0xFFFF8000  }
0x6c: {  	_ =	strace $0x9000004A  }
0x6d: {  	_ =	strace $0x8000004B  }
0x6e: {  	[hbm4b:s5+s3] =	stream.linear.scatter [tilespmem:s8], [sflag:$0x3], $0x8000, $0x200038;
	[tilespmem:$0x10100] =	vst v63  }
0x6f: {  	p0 =	sne.s32 s6, $0x1;
	_ =	strace $0x9000004B  }
.Ltmp0:
0x70: {  	_ =	strace $0x8000004C;
	(pc) =	sbr.rel @p0 .LBB2_1-.Ltmp0, $4  }
0x71: {  	_ =	swait.ge [sflag:s25], $0x8000  }
0x72: {  	[sflag:s25] =	ssyncset.done $0x0  }
0x73: {  	[sflag:s25] =	ssyncadd.s32 $0xFFFF8000  }
0x74: {  	s6 =	sadd.s32 $0xFFFFFFFF, s6;
	_ =	strace $0x9000004C  }
0x75: {  	_ =	sfence.sel $0x180000  }
0x76: {  	[bflag:$0x0] =	sbarrier.arrive $0xFFFF  }
0x77: {  	p0 =	sne.s32 s1, $0x0;
	_ =	strace $0x90000047  }
0x78: {  	s0 =	sadd.s32 @!p0 $0x100000, s0;
	[bflag:$0x2] =	sbarrier.arrive $0xFFFF  }
0x79: {  	[sflag:s0] =	ssyncadd.tile.s32 @!p0 $0x1;
	_ =	shalt  }
.Lfunc_end2:
_tile_overlayer_lowered:
.L_overlay_start_2:
0x7a: {  	(tag) =	ssettag $0x2  }
0x7b: {  	s0 =	rddreg [dreg:$0x0];
	s2 =	stileid.u32  }
0x7c: {  	s1 =	rddreg [dreg:$0x1];
	p0 =	sne.s32 s2, $0x0  }
0x7d: {  	s3 =	rddreg [dreg:$0x2];
	[bflag:$0x3] =	sbarrier.arrive $0xFFFF;
	s2 =	simm.s32 @!p0 $0x1C01  }
0x7e: {  	[timem:s3], [sflag:s2] =	dma.local @!p0 [hbm:s0], s1  }
0x7f: {  	s0 =	simm.s32 @!p0 $0x1  }
0x80: {  	_ =	swait.ge @!p0 [sflag:s0], s1  }
0x81: {  	s1 =	ssub.s32 @!p0 $0x0, s1;
	[sflag:s0] =	ssyncset.done @!p0 $0x0  }
0x82: {  	[sflag:s0] =	ssyncadd.s32 @!p0 s1  }
0x83: {  	[bflag:$0x3] =	sbarrier.arrive $0xFFFF  }
0x84: {  	_ =	shalt  }

</sc_bundles>
